<compile_context>
chip_gen: v7x
topology: tpu7x:2x2x1
jax: 0.10.2.dev20260603
libtpu: 0.0.44.dev20260713+nightly
codegen_flags: <defaults>
</compile_context>

<pallas_src>
import jax
import jax.numpy as jnp
from jax import lax
from jax.experimental import pallas as pl
from jax.experimental.pallas import tpu as pltpu
from jax.experimental.pallas import tpu_sc as plsc

B = 16384
D = 64
NC = 2
NS = 16
NW = NC * NS
BPW = B // NW
CHUNK = 128
NCHUNK = BPW // CHUNK
LANES = 16
NSLOT = 640
RING = 6


def _worker_base():
    wid = lax.axis_index("s") * NC + lax.axis_index("c")
    return wid, pl.multiple_of(wid * BPW, 128)


def _slab_plan(idx):
    order = jnp.argsort((idx >> 7).astype(jnp.uint16),
                        stable=False).astype(jnp.int32)
    si = jnp.take(idx, order)
    sw = si.reshape(NW, BPW)
    slab = sw >> 7
    first = jnp.concatenate(
        [jnp.ones((NW, 1), bool), slab[:, 1:] != slab[:, :-1]], axis=1)
    r_iota = lax.broadcasted_iota(jnp.int32, (NW, BPW), 1)
    pf = jnp.where(first, r_iota, BPW)
    row_start = jnp.sort(pf, axis=1)
    row_start = jnp.concatenate(
        [row_start, jnp.full((NW, NSLOT - BPW), BPW, jnp.int32)], axis=1)
    nslab = jnp.sum(first.astype(jnp.int32), axis=1).astype(jnp.int32)
    return order, si, row_start.reshape(-1), nslab


def _sread(ref, i):
    return ref[pl.ds(i, LANES)][0]


def _slab_gather_body(tabT, combo_h, si_h, dst_h, n_h, rows_out,
                      combo_v, si_v, n_v, dst_v,
                      rows_v, ring0, ring1, ring2, ring3, ring4, ring5,
                      sem0, sem1, sem2, sem3, sem4, sem5, sem_m):
    wid, base = _worker_base()
    rings = (ring0, ring1, ring2, ring3, ring4, ring5)
    sems = (sem0, sem1, sem2, sem3, sem4, sem5)

    pltpu.sync_copy(combo_h.at[pl.ds(pl.multiple_of(wid * NSLOT, 128), NSLOT)],
                    combo_v.at[pl.ds(0, NSLOT)])
    pltpu.sync_copy(si_h.at[pl.ds(base, BPW)], si_v.at[pl.ds(0, BPW)])
    pltpu.sync_copy(n_h, n_v.at[pl.ds(0, NW)])
    for j in range(NCHUNK):
        pltpu.sync_copy(dst_h.at[pl.ds(base + j * CHUNK, CHUNK)], dst_v.at[j])
    n = _sread(n_v, wid)

    def issue(s, ring_k, sem_k):
        c = lax.shift_right_logical(_sread(si_v, _sread(combo_v, s)), 7)
        cb = pl.multiple_of(c * 128, 128)
        pltpu.async_copy(tabT.at[:, pl.ds(cb, 128)], ring_k, sem_k)

    for k in range(RING):
        @pl.when(k < n)
        def _(k=k):
            issue(k, rings[k], sems[k])

    iotas = [lax.iota(jnp.int32, 16) + (16 * c4) for c4 in range(D // LANES)]

    def group(gi, carry):
        for k in range(RING):
            s = gi * RING + k
            ring_k, sem_k = rings[k], sems[k]

            @pl.when(s < n)
            def _(s=s, ring_k=ring_k, sem_k=sem_k):
                pltpu.make_async_copy(tabT.at[:, pl.ds(0, 128)],
                                      ring_k, sem_k).wait()
                rs = _sread(combo_v, s)
                re = _sread(combo_v, s + 1)

                def rowb(r, cc):
                    lv = jnp.full((16,), _sread(si_v, r) & 127, jnp.int32)
                    for c4 in range(D // LANES):
                        g = plsc.load_gather(ring_k, [iotas[c4], lv])
                        rows_v[r, pl.ds(16 * c4, 16)] = g
                    return cc

                lax.fori_loop(rs, re, rowb, 0)

                @pl.when(s + RING < n)
                def _():
                    issue(s + RING, ring_k, sem_k)
        return carry

    lax.fori_loop(0, NSLOT // RING, group, 0)

    for j in range(NCHUNK):
        pltpu.async_copy(rows_v.at[pl.ds(j * CHUNK, CHUNK)],
                         rows_out.at[dst_v.at[j]], sem_m)
    for j in range(NCHUNK):
        pltpu.make_async_copy(rows_v.at[pl.ds(j * CHUNK, CHUNK)],
                              rows_out.at[dst_v.at[0]], sem_m).wait()


def _dot_body(u_rows, p_rows, partials, u_v, p_v, pacc, sem):
    wid, base = _worker_base()
    half = BPW // 2
    acc = jnp.zeros((LANES,), jnp.float32)
    for h in range(2):
        hb = pl.multiple_of(base + h * half, 128)
        cu = pltpu.async_copy(u_rows.at[pl.ds(hb, half)], u_v, sem)
        cp = pltpu.async_copy(p_rows.at[pl.ds(hb, half)], p_v, sem)
        cu.wait()
        cp.wait()

        def dot_chunk(r, a):
            s = a
            for c in range(D // LANES):
                sl = pl.ds(c * LANES, LANES)
                s = s + u_v[r, sl] * p_v[r, sl]
            return s

        acc = lax.fori_loop(0, half, dot_chunk, acc)
    for c in range(8):
        pacc[pl.ds(c * LANES, LANES)] = acc if c == 0 else jnp.zeros(
            (LANES,), jnp.float32)
    pltpu.sync_copy(pacc, partials.at[pl.ds(pl.multiple_of(wid * 128, 128), 128)])


def _combine_body(partials, uidxb, pidxb, ubias, pbias, out,
                  pall, idx_u, idx_p, bu_v, bp_v, ob, sem):
    wid, base = _worker_base()
    pltpu.sync_copy(uidxb.at[pl.ds(wid * NCHUNK, NCHUNK)], idx_u)
    pltpu.sync_copy(pidxb.at[pl.ds(wid * NCHUNK, NCHUNK)], idx_p)
    copies = []
    for j in range(NCHUNK):
        dst = pl.ds(j * CHUNK, CHUNK)
        copies.append(pltpu.async_copy(ubias.at[idx_u.at[j]], bu_v.at[dst], sem))
        copies.append(pltpu.async_copy(pbias.at[idx_p.at[j]], bp_v.at[dst], sem))
    pltpu.sync_copy(partials, pall)
    for c in copies:
        c.wait()

    def sum_body(i, tv):
        return tv + pall[pl.ds(i * 128, LANES)]

    tv = lax.fori_loop(0, NW, sum_body, jnp.zeros((LANES,), jnp.float32))
    total = jnp.sum(tv)

    def sig_body(k, carry):
        sl = pl.ds(k * LANES, LANES)
        x = total + bu_v[sl] + bp_v[sl]
        ob[sl] = 1.0 / (1.0 + jnp.exp(-x))
        return carry

    lax.fori_loop(0, BPW // LANES, sig_body, 0)
    pltpu.sync_copy(ob, out.at[pl.ds(base, BPW)])


def kernel(inputs, user_emb, user_bias, place_emb, place_bias):
    u_idx = inputs[:, 0].astype(jnp.int32)
    p_idx = inputs[:, 1].astype(jnp.int32)
    ub = user_bias.reshape(-1)
    pb = place_bias.reshape(-1)

    def mesh():
        return plsc.VectorSubcoreMesh(core_axis_name="c", subcore_axis_name="s")

    slab_fn = pl.kernel(
        _slab_gather_body,
        mesh=mesh(),
        compiler_params=pltpu.CompilerParams(needs_layout_passes=False),
        out_type=jax.ShapeDtypeStruct((B, 128), jnp.float32),
        scratch_types=[
            pltpu.VMEM((NSLOT + LANES,), jnp.int32),
            pltpu.VMEM((BPW + LANES,), jnp.int32),
            pltpu.VMEM((NW + LANES,), jnp.int32),
            pltpu.VMEM((NCHUNK, CHUNK), jnp.int32),
            pltpu.VMEM((BPW, 128), jnp.float32),
            pltpu.VMEM((D, 128), jnp.float32),
            pltpu.VMEM((D, 128), jnp.float32),
            pltpu.VMEM((D, 128), jnp.float32),
            pltpu.VMEM((D, 128), jnp.float32),
            pltpu.VMEM((D, 128), jnp.float32),
            pltpu.VMEM((D, 128), jnp.float32),
            pltpu.SemaphoreType.DMA,
            pltpu.SemaphoreType.DMA,
            pltpu.SemaphoreType.DMA,
            pltpu.SemaphoreType.DMA,
            pltpu.SemaphoreType.DMA,
            pltpu.SemaphoreType.DMA,
            pltpu.SemaphoreType.DMA,
        ],
    )
    order_u, si_u, combo_u, n_u = _slab_plan(u_idx)
    order_p, si_p, combo_p, n_p = _slab_plan(p_idx)
    u_rows = slab_fn(user_emb.T, combo_u, si_u, order_u, n_u)
    p_rows = slab_fn(place_emb.T, combo_p, si_p, order_p, n_p)

    dot_fn = pl.kernel(
        _dot_body,
        mesh=mesh(),
        compiler_params=pltpu.CompilerParams(needs_layout_passes=False),
        out_type=jax.ShapeDtypeStruct((NW * 128,), jnp.float32),
        scratch_types=[
            pltpu.VMEM((BPW // 2, 128), jnp.float32),
            pltpu.VMEM((BPW // 2, 128), jnp.float32),
            pltpu.VMEM((128,), jnp.float32),
            pltpu.SemaphoreType.DMA,
        ],
    )
    partials = dot_fn(u_rows, p_rows)

    combine_fn = pl.kernel(
        _combine_body,
        mesh=mesh(),
        compiler_params=pltpu.CompilerParams(
            use_tc_tiling_on_sc=False, needs_layout_passes=False),
        out_type=jax.ShapeDtypeStruct((B,), jnp.float32),
        scratch_types=[
            pltpu.VMEM((NW * 128,), jnp.float32),
            pltpu.VMEM((NCHUNK, CHUNK), jnp.int32),
            pltpu.VMEM((NCHUNK, CHUNK), jnp.int32),
            pltpu.VMEM((BPW,), jnp.float32),
            pltpu.VMEM((BPW,), jnp.float32),
            pltpu.VMEM((BPW,), jnp.float32),
            pltpu.SemaphoreType.DMA,
        ],
    )
    out = combine_fn(partials, u_idx.reshape(B // CHUNK, CHUNK),
                     p_idx.reshape(B // CHUNK, CHUNK), ub, pb)
    return out.reshape(B, 1)

# --- scband reference (transcript-rebuilt; emitter-appended) ---
"""Pipeline reference for scband-recommender-net-9388798509372 (READ-ONLY COPY).

The authoritative reference and input builder live on the scoring server;
editing this copy changes nothing except your own understanding.
"""

import jax, jax.numpy as jnp
import numpy as np

NUM_USERS = 1000000
NUM_PLACES = 1000000
EMBED = 64
BATCH = 16384

def setup_inputs(seed: int = 0) -> dict:
    key = jax.random.key(seed)
    k1, k2, k3, k4, k5 = jax.random.split(key, 5)
    inputs = jax.random.randint(k1, (BATCH, 2), 0, NUM_USERS, dtype=jnp.int64) if jax.config.jax_enable_x64 else jax.random.randint(k1, (BATCH, 2), 0, NUM_USERS, dtype=jnp.int32)
    # he_normal-like init for embeddings, zeros-like small init for biases (Keras default uniform; use small normal)
    user_emb = jax.random.normal(k2, (NUM_USERS, EMBED), dtype=jnp.float32) * np.sqrt(2.0 / EMBED)
    place_emb = jax.random.normal(k3, (NUM_PLACES, EMBED), dtype=jnp.float32) * np.sqrt(2.0 / EMBED)
    user_bias = jax.random.uniform(k4, (NUM_USERS, 1), dtype=jnp.float32, minval=-0.05, maxval=0.05)
    place_bias = jax.random.uniform(k5, (NUM_PLACES, 1), dtype=jnp.float32, minval=-0.05, maxval=0.05)
    return {"inputs": inputs, "user_emb": user_emb, "user_bias": user_bias, "place_emb": place_emb, "place_bias": place_bias}

def reference(inputs, user_emb, user_bias, place_emb, place_bias):
    # Faithful translation of RecommenderNet.call (inference mode: dropout = identity)
    user_vector = jnp.take(user_emb, inputs[:, 0], axis=0)           # [B, D]
    ub = jnp.take(user_bias, inputs[:, 0], axis=0)                   # [B, 1]
    place_vector = jnp.take(place_emb, inputs[:, 1], axis=0)         # [B, D]
    pb = jnp.take(place_bias, inputs[:, 1], axis=0)                  # [B, 1]
    # tf.tensordot(a, b, 2) contracts BOTH axes -> scalar (faithful to original code)
    dot_user_place = jnp.tensordot(user_vector, place_vector, axes=2)
    x = dot_user_place + ub + pb                                     # [B, 1] via broadcast
    return jax.nn.sigmoid(x)

if __name__ == "__main__":
    import jax
    _d = setup_inputs()
    print(jax.jit(kernel)(*tuple(_d.values())))

</pallas_src>

<mosaic_0001>
#map = affine_map<(d0, d1) -> (0, 0)>
#map1 = affine_map<(d0, d1) -> (0)>
module attributes {stable_mosaic.version = 14 : i64} {
  func.func @_slab_gather_body(%arg0: i32, %arg1: i32, %arg2: memref<64x1000000xf32, #tpu.memory_space<hbm>>, %arg3: memref<20480xi32, #tpu.memory_space<hbm>>, %arg4: memref<16384xi32, #tpu.memory_space<hbm>>, %arg5: memref<16384xi32, #tpu.memory_space<hbm>>, %arg6: memref<32xi32, #tpu.memory_space<hbm>>, %arg7: memref<16384x128xf32, #tpu.memory_space<hbm>>, %arg8: memref<656xi32, #tpu.memory_space<vmem>>, %arg9: memref<528xi32, #tpu.memory_space<vmem>>, %arg10: memref<48xi32, #tpu.memory_space<vmem>>, %arg11: memref<4x128xi32, #tpu.memory_space<vmem>>, %arg12: memref<512x128xf32, #tpu.memory_space<vmem>>, %arg13: memref<64x128xf32, #tpu.memory_space<vmem>>, %arg14: memref<64x128xf32, #tpu.memory_space<vmem>>, %arg15: memref<64x128xf32, #tpu.memory_space<vmem>>, %arg16: memref<64x128xf32, #tpu.memory_space<vmem>>, %arg17: memref<64x128xf32, #tpu.memory_space<vmem>>, %arg18: memref<64x128xf32, #tpu.memory_space<vmem>>, %arg19: memref<!tpu.dma_semaphore, #tpu.memory_space<semaphore_mem>>, %arg20: memref<!tpu.dma_semaphore, #tpu.memory_space<semaphore_mem>>, %arg21: memref<!tpu.dma_semaphore, #tpu.memory_space<semaphore_mem>>, %arg22: memref<!tpu.dma_semaphore, #tpu.memory_space<semaphore_mem>>, %arg23: memref<!tpu.dma_semaphore, #tpu.memory_space<semaphore_mem>>, %arg24: memref<!tpu.dma_semaphore, #tpu.memory_space<semaphore_mem>>, %arg25: memref<!tpu.dma_semaphore, #tpu.memory_space<semaphore_mem>>) attributes {dimension_semantics = [#tpu.dimension_semantics<core_parallel>, #tpu.dimension_semantics<subcore_parallel>], iteration_bounds = array<i64: 2, 16>, scalar_prefetch = 0 : i64, scratch_operands = 18 : i64, tpu.core_type = #tpu.core_type<sc_vector_subcore>, window_params = [{transform_indices = #map}, {transform_indices = #map1}, {transform_indices = #map1}, {transform_indices = #map1}, {transform_indices = #map1}, {transform_indices = #map}]} {
    %mul3A = arith.constant 2 : i32
    %mul3A_0 = arith.muli %arg1, %mul3A : i32
    %add3A = arith.addi %mul3A_0, %arg0 : i32
    %mul3A_1 = arith.constant 512 : i32
    %mul3A_2 = arith.muli %add3A, %mul3A_1 : i32
    %multiple_of3A = tpu.assume_multiple %mul3A_2, 128 : i32
    %mul3A_3 = arith.constant 640 : i32
    %mul3A_4 = arith.muli %add3A, %mul3A_3 : i32
    %multiple_of3A_5 = tpu.assume_multiple %mul3A_4, 128 : i32
    "tpu.region"() ({
      %run_scoped3A_143 = tpu.sem_alloc : memref<!tpu.dma_semaphore, #tpu.memory_space<semaphore_mem>>
      %dma_start3A_144 = arith.constant 0 : i32
      %dma_start3A_145 = tpu.memref_slice %arg8[%dma_start3A_144] : memref<656xi32, #tpu.memory_space<vmem>> -> memref<640xi32, #tpu.memory_space<vmem>>
      %dma_start3A_146 = tpu.memref_slice %arg3[%multiple_of3A_5] : memref<20480xi32, #tpu.memory_space<hbm>> -> memref<640xi32, #tpu.memory_space<hbm>>
      %dma_start3A_147 = arith.constant 0 : i32
      %dma_start3A_148 = tpu.memref_slice %arg8[%dma_start3A_147] : memref<656xi32, #tpu.memory_space<vmem>> -> memref<640xi32, #tpu.memory_space<vmem>>
      %dma_start3A_149 = tpu.memref_slice %arg3[%multiple_of3A_5] : memref<20480xi32, #tpu.memory_space<hbm>> -> memref<640xi32, #tpu.memory_space<hbm>>
      tpu.enqueue_dma source(%dma_start3A_149 : memref<640xi32, #tpu.memory_space<hbm>>) target(%dma_start3A_148 : memref<640xi32, #tpu.memory_space<vmem>>) target_semaphore(%run_scoped3A_143 : memref<!tpu.dma_semaphore, #tpu.memory_space<semaphore_mem>>)
      %dma_wait3A_150 = arith.constant 0 : i32
      %dma_wait3A_151 = tpu.memref_slice %arg8[%dma_wait3A_150] : memref<656xi32, #tpu.memory_space<vmem>> -> memref<640xi32, #tpu.memory_space<vmem>>
      %dma_wait3A_152 = tpu.memref_slice %arg3[%multiple_of3A_5] : memref<20480xi32, #tpu.memory_space<hbm>> -> memref<640xi32, #tpu.memory_space<hbm>>
      %dma_wait3A_153 = arith.constant 0 : i32
      %dma_wait3A_154 = tpu.memref_slice %arg8[%dma_wait3A_153] : memref<656xi32, #tpu.memory_space<vmem>> -> memref<640xi32, #tpu.memory_space<vmem>>
      %dma_wait3A_155 = tpu.memref_slice %arg3[%multiple_of3A_5] : memref<20480xi32, #tpu.memory_space<hbm>> -> memref<640xi32, #tpu.memory_space<hbm>>
      tpu.wait_dma2 semaphore(%run_scoped3A_143 : memref<!tpu.dma_semaphore, #tpu.memory_space<semaphore_mem>>) src(%dma_wait3A_155 : memref<640xi32, #tpu.memory_space<hbm>>) dst(%dma_wait3A_154 : memref<640xi32, #tpu.memory_space<vmem>>)
      tpu.yield
    }) : () -> ()
    "tpu.region"() ({
      %run_scoped3A_143 = tpu.sem_alloc : memref<!tpu.dma_semaphore, #tpu.memory_space<semaphore_mem>>
      %dma_start3A_144 = arith.constant 0 : i32
      %dma_start3A_145 = tpu.memref_slice %arg9[%dma_start3A_144] : memref<528xi32, #tpu.memory_space<vmem>> -> memref<512xi32, #tpu.memory_space<vmem>>
      %dma_start3A_146 = tpu.memref_slice %arg4[%multiple_of3A] : memref<16384xi32, #tpu.memory_space<hbm>> -> memref<512xi32, #tpu.memory_space<hbm>>
      %dma_start3A_147 = arith.constant 0 : i32
      %dma_start3A_148 = tpu.memref_slice %arg9[%dma_start3A_147] : memref<528xi32, #tpu.memory_space<vmem>> -> memref<512xi32, #tpu.memory_space<vmem>>
      %dma_start3A_149 = tpu.memref_slice %arg4[%multiple_of3A] : memref<16384xi32, #tpu.memory_space<hbm>> -> memref<512xi32, #tpu.memory_space<hbm>>
      tpu.enqueue_dma source(%dma_start3A_149 : memref<512xi32, #tpu.memory_space<hbm>>) target(%dma_start3A_148 : memref<512xi32, #tpu.memory_space<vmem>>) target_semaphore(%run_scoped3A_143 : memref<!tpu.dma_semaphore, #tpu.memory_space<semaphore_mem>>)
      %dma_wait3A_150 = arith.constant 0 : i32
      %dma_wait3A_151 = tpu.memref_slice %arg9[%dma_wait3A_150] : memref<528xi32, #tpu.memory_space<vmem>> -> memref<512xi32, #tpu.memory_space<vmem>>
      %dma_wait3A_152 = tpu.memref_slice %arg4[%multiple_of3A] : memref<16384xi32, #tpu.memory_space<hbm>> -> memref<512xi32, #tpu.memory_space<hbm>>
      %dma_wait3A_153 = arith.constant 0 : i32
      %dma_wait3A_154 = tpu.memref_slice %arg9[%dma_wait3A_153] : memref<528xi32, #tpu.memory_space<vmem>> -> memref<512xi32, #tpu.memory_space<vmem>>
      %dma_wait3A_155 = tpu.memref_slice %arg4[%multiple_of3A] : memref<16384xi32, #tpu.memory_space<hbm>> -> memref<512xi32, #tpu.memory_space<hbm>>
      tpu.wait_dma2 semaphore(%run_scoped3A_143 : memref<!tpu.dma_semaphore, #tpu.memory_space<semaphore_mem>>) src(%dma_wait3A_155 : memref<512xi32, #tpu.memory_space<hbm>>) dst(%dma_wait3A_154 : memref<512xi32, #tpu.memory_space<vmem>>)
      tpu.yield
    }) : () -> ()
    "tpu.region"() ({
      %run_scoped3A_143 = tpu.sem_alloc : memref<!tpu.dma_semaphore, #tpu.memory_space<semaphore_mem>>
      %dma_start3A_144 = arith.constant 0 : i32
      %dma_start3A_145 = tpu.memref_slice %arg10[%dma_start3A_144] : memref<48xi32, #tpu.memory_space<vmem>> -> memref<32xi32, #tpu.memory_space<vmem>>
      %dma_start3A_146 = arith.constant 0 : i32
      %dma_start3A_147 = tpu.memref_slice %arg10[%dma_start3A_146] : memref<48xi32, #tpu.memory_space<vmem>> -> memref<32xi32, #tpu.memory_space<vmem>>
      tpu.enqueue_dma source(%arg6 : memref<32xi32, #tpu.memory_space<hbm>>) target(%dma_start3A_147 : memref<32xi32, #tpu.memory_space<vmem>>) target_semaphore(%run_scoped3A_143 : memref<!tpu.dma_semaphore, #tpu.memory_space<semaphore_mem>>)
      %dma_wait3A_148 = arith.constant 0 : i32
      %dma_wait3A_149 = tpu.memref_slice %arg10[%dma_wait3A_148] : memref<48xi32, #tpu.memory_space<vmem>> -> memref<32xi32, #tpu.memory_space<vmem>>
      %dma_wait3A_150 = arith.constant 0 : i32
      %dma_wait3A_151 = tpu.memref_slice %arg10[%dma_wait3A_150] : memref<48xi32, #tpu.memory_space<vmem>> -> memref<32xi32, #tpu.memory_space<vmem>>
      tpu.wait_dma2 semaphore(%run_scoped3A_143 : memref<!tpu.dma_semaphore, #tpu.memory_space<semaphore_mem>>) src(%arg6 : memref<32xi32, #tpu.memory_space<hbm>>) dst(%dma_wait3A_151 : memref<32xi32, #tpu.memory_space<vmem>>)
      tpu.yield
    }) : () -> ()
    %add3A_6 = arith.constant 0 : i32
    %add3A_7 = arith.addi %multiple_of3A, %add3A_6 : i32
    %run_scoped3A = arith.constant 0 : i32
    "tpu.region"() ({
      %run_scoped3A_143 = tpu.sem_alloc : memref<!tpu.dma_semaphore, #tpu.memory_space<semaphore_mem>>
      %dma_start3A_144 = arith.constant 0 : i32
      %dma_start3A_145 = tpu.memref_slice %arg11[%run_scoped3A, %dma_start3A_144] : memref<4x128xi32, #tpu.memory_space<vmem>> -> memref<1x128xi32, #tpu.memory_space<vmem>>
      %dma_start3A_146 = tpu.memref_squeeze %dma_start3A_145 : memref<1x128xi32, #tpu.memory_space<vmem>> -> memref<128xi32, #tpu.memory_space<vmem>>
      %dma_start3A_147 = tpu.memref_slice %arg5[%add3A_7] : memref<16384xi32, #tpu.memory_space<hbm>> -> memref<128xi32, #tpu.memory_space<hbm>>
      %dma_start3A_148 = arith.constant 0 : i32
      %dma_start3A_149 = tpu.memref_slice %arg11[%run_scoped3A, %dma_start3A_148] : memref<4x128xi32, #tpu.memory_space<vmem>> -> memref<1x128xi32, #tpu.memory_space<vmem>>
      %dma_start3A_150 = tpu.memref_squeeze %dma_start3A_149 : memref<1x128xi32, #tpu.memory_space<vmem>> -> memref<128xi32, #tpu.memory_space<vmem>>
      %dma_start3A_151 = tpu.memref_slice %arg5[%add3A_7] : memref<16384xi32, #tpu.memory_space<hbm>> -> memref<128xi32, #tpu.memory_space<hbm>>
      tpu.enqueue_dma source(%dma_start3A_151 : memref<128xi32, #tpu.memory_space<hbm>>) target(%dma_start3A_150 : memref<128xi32, #tpu.memory_space<vmem>>) target_semaphore(%run_scoped3A_143 : memref<!tpu.dma_semaphore, #tpu.memory_space<semaphore_mem>>)
      %dma_wait3A_152 = arith.constant 0 : i32
      %dma_wait3A_153 = tpu.memref_slice %arg11[%run_scoped3A, %dma_wait3A_152] : memref<4x128xi32, #tpu.memory_space<vmem>> -> memref<1x128xi32, #tpu.memory_space<vmem>>
      %dma_wait3A_154 = tpu.memref_squeeze %dma_wait3A_153 : memref<1x128xi32, #tpu.memory_space<vmem>> -> memref<128xi32, #tpu.memory_space<vmem>>
      %dma_wait3A_155 = tpu.memref_slice %arg5[%add3A_7] : memref<16384xi32, #tpu.memory_space<hbm>> -> memref<128xi32, #tpu.memory_space<hbm>>
      %dma_wait3A_156 = arith.constant 0 : i32
      %dma_wait3A_157 = tpu.memref_slice %arg11[%run_scoped3A, %dma_wait3A_156] : memref<4x128xi32, #tpu.memory_space<vmem>> -> memref<1x128xi32, #tpu.memory_space<vmem>>
      %dma_wait3A_158 = tpu.memref_squeeze %dma_wait3A_157 : memref<1x128xi32, #tpu.memory_space<vmem>> -> memref<128xi32, #tpu.memory_space<vmem>>
      %dma_wait3A_159 = tpu.memref_slice %arg5[%add3A_7] : memref<16384xi32, #tpu.memory_space<hbm>> -> memref<128xi32, #tpu.memory_space<hbm>>
      tpu.wait_dma2 semaphore(%run_scoped3A_143 : memref<!tpu.dma_semaphore, #tpu.memory_space<semaphore_mem>>) src(%dma_wait3A_159 : memref<128xi32, #tpu.memory_space<hbm>>) dst(%dma_wait3A_158 : memref<128xi32, #tpu.memory_space<vmem>>)
      tpu.yield
    }) : () -> ()
    %add3A_8 = arith.constant 128 : i32
    %add3A_9 = arith.addi %multiple_of3A, %add3A_8 : i32
    %run_scoped3A_10 = arith.constant 1 : i32
    "tpu.region"() ({
      %run_scoped3A_143 = tpu.sem_alloc : memref<!tpu.dma_semaphore, #tpu.memory_space<semaphore_mem>>
      %dma_start3A_144 = arith.constant 0 : i32
      %dma_start3A_145 = tpu.memref_slice %arg11[%run_scoped3A_10, %dma_start3A_144] : memref<4x128xi32, #tpu.memory_space<vmem>> -> memref<1x128xi32, #tpu.memory_space<vmem>>
      %dma_start3A_146 = tpu.memref_squeeze %dma_start3A_145 : memref<1x128xi32, #tpu.memory_space<vmem>> -> memref<128xi32, #tpu.memory_space<vmem>>
      %dma_start3A_147 = tpu.memref_slice %arg5[%add3A_9] : memref<16384xi32, #tpu.memory_space<hbm>> -> memref<128xi32, #tpu.memory_space<hbm>>
      %dma_start3A_148 = arith.constant 0 : i32
      %dma_start3A_149 = tpu.memref_slice %arg11[%run_scoped3A_10, %dma_start3A_148] : memref<4x128xi32, #tpu.memory_space<vmem>> -> memref<1x128xi32, #tpu.memory_space<vmem>>
      %dma_start3A_150 = tpu.memref_squeeze %dma_start3A_149 : memref<1x128xi32, #tpu.memory_space<vmem>> -> memref<128xi32, #tpu.memory_space<vmem>>
      %dma_start3A_151 = tpu.memref_slice %arg5[%add3A_9] : memref<16384xi32, #tpu.memory_space<hbm>> -> memref<128xi32, #tpu.memory_space<hbm>>
      tpu.enqueue_dma source(%dma_start3A_151 : memref<128xi32, #tpu.memory_space<hbm>>) target(%dma_start3A_150 : memref<128xi32, #tpu.memory_space<vmem>>) target_semaphore(%run_scoped3A_143 : memref<!tpu.dma_semaphore, #tpu.memory_space<semaphore_mem>>)
      %dma_wait3A_152 = arith.constant 0 : i32
      %dma_wait3A_153 = tpu.memref_slice %arg11[%run_scoped3A_10, %dma_wait3A_152] : memref<4x128xi32, #tpu.memory_space<vmem>> -> memref<1x128xi32, #tpu.memory_space<vmem>>
      %dma_wait3A_154 = tpu.memref_squeeze %dma_wait3A_153 : memref<1x128xi32, #tpu.memory_space<vmem>> -> memref<128xi32, #tpu.memory_space<vmem>>
      %dma_wait3A_155 = tpu.memref_slice %arg5[%add3A_9] : memref<16384xi32, #tpu.memory_space<hbm>> -> memref<128xi32, #tpu.memory_space<hbm>>
      %dma_wait3A_156 = arith.constant 0 : i32
      %dma_wait3A_157 = tpu.memref_slice %arg11[%run_scoped3A_10, %dma_wait3A_156] : memref<4x128xi32, #tpu.memory_space<vmem>> -> memref<1x128xi32, #tpu.memory_space<vmem>>
      %dma_wait3A_158 = tpu.memref_squeeze %dma_wait3A_157 : memref<1x128xi32, #tpu.memory_space<vmem>> -> memref<128xi32, #tpu.memory_space<vmem>>
      %dma_wait3A_159 = tpu.memref_slice %arg5[%add3A_9] : memref<16384xi32, #tpu.memory_space<hbm>> -> memref<128xi32, #tpu.memory_space<hbm>>
      tpu.wait_dma2 semaphore(%run_scoped3A_143 : memref<!tpu.dma_semaphore, #tpu.memory_space<semaphore_mem>>) src(%dma_wait3A_159 : memref<128xi32, #tpu.memory_space<hbm>>) dst(%dma_wait3A_158 : memref<128xi32, #tpu.memory_space<vmem>>)
      tpu.yield
    }) : () -> ()
    %add3A_11 = arith.constant 256 : i32
    %add3A_12 = arith.addi %multiple_of3A, %add3A_11 : i32
    %run_scoped3A_13 = arith.constant 2 : i32
    "tpu.region"() ({
      %run_scoped3A_143 = tpu.sem_alloc : memref<!tpu.dma_semaphore, #tpu.memory_space<semaphore_mem>>
      %dma_start3A_144 = arith.constant 0 : i32
      %dma_start3A_145 = tpu.memref_slice %arg11[%run_scoped3A_13, %dma_start3A_144] : memref<4x128xi32, #tpu.memory_space<vmem>> -> memref<1x128xi32, #tpu.memory_space<vmem>>
      %dma_start3A_146 = tpu.memref_squeeze %dma_start3A_145 : memref<1x128xi32, #tpu.memory_space<vmem>> -> memref<128xi32, #tpu.memory_space<vmem>>
      %dma_start3A_147 = tpu.memref_slice %arg5[%add3A_12] : memref<16384xi32, #tpu.memory_space<hbm>> -> memref<128xi32, #tpu.memory_space<hbm>>
      %dma_start3A_148 = arith.constant 0 : i32
      %dma_start3A_149 = tpu.memref_slice %arg11[%run_scoped3A_13, %dma_start3A_148] : memref<4x128xi32, #tpu.memory_space<vmem>> -> memref<1x128xi32, #tpu.memory_space<vmem>>
      %dma_start3A_150 = tpu.memref_squeeze %dma_start3A_149 : memref<1x128xi32, #tpu.memory_space<vmem>> -> memref<128xi32, #tpu.memory_space<vmem>>
      %dma_start3A_151 = tpu.memref_slice %arg5[%add3A_12] : memref<16384xi32, #tpu.memory_space<hbm>> -> memref<128xi32, #tpu.memory_space<hbm>>
      tpu.enqueue_dma source(%dma_start3A_151 : memref<128xi32, #tpu.memory_space<hbm>>) target(%dma_start3A_150 : memref<128xi32, #tpu.memory_space<vmem>>) target_semaphore(%run_scoped3A_143 : memref<!tpu.dma_semaphore, #tpu.memory_space<semaphore_mem>>)
      %dma_wait3A_152 = arith.constant 0 : i32
      %dma_wait3A_153 = tpu.memref_slice %arg11[%run_scoped3A_13, %dma_wait3A_152] : memref<4x128xi32, #tpu.memory_space<vmem>> -> memref<1x128xi32, #tpu.memory_space<vmem>>
      %dma_wait3A_154 = tpu.memref_squeeze %dma_wait3A_153 : memref<1x128xi32, #tpu.memory_space<vmem>> -> memref<128xi32, #tpu.memory_space<vmem>>
      %dma_wait3A_155 = tpu.memref_slice %arg5[%add3A_12] : memref<16384xi32, #tpu.memory_space<hbm>> -> memref<128xi32, #tpu.memory_space<hbm>>
      %dma_wait3A_156 = arith.constant 0 : i32
      %dma_wait3A_157 = tpu.memref_slice %arg11[%run_scoped3A_13, %dma_wait3A_156] : memref<4x128xi32, #tpu.memory_space<vmem>> -> memref<1x128xi32, #tpu.memory_space<vmem>>
      %dma_wait3A_158 = tpu.memref_squeeze %dma_wait3A_157 : memref<1x128xi32, #tpu.memory_space<vmem>> -> memref<128xi32, #tpu.memory_space<vmem>>
      %dma_wait3A_159 = tpu.memref_slice %arg5[%add3A_12] : memref<16384xi32, #tpu.memory_space<hbm>> -> memref<128xi32, #tpu.memory_space<hbm>>
      tpu.wait_dma2 semaphore(%run_scoped3A_143 : memref<!tpu.dma_semaphore, #tpu.memory_space<semaphore_mem>>) src(%dma_wait3A_159 : memref<128xi32, #tpu.memory_space<hbm>>) dst(%dma_wait3A_158 : memref<128xi32, #tpu.memory_space<vmem>>)
      tpu.yield
    }) : () -> ()
    %add3A_14 = arith.constant 384 : i32
    %add3A_15 = arith.addi %multiple_of3A, %add3A_14 : i32
    %run_scoped3A_16 = arith.constant 3 : i32
    "tpu.region"() ({
      %run_scoped3A_143 = tpu.sem_alloc : memref<!tpu.dma_semaphore, #tpu.memory_space<semaphore_mem>>
      %dma_start3A_144 = arith.constant 0 : i32
      %dma_start3A_145 = tpu.memref_slice %arg11[%run_scoped3A_16, %dma_start3A_144] : memref<4x128xi32, #tpu.memory_space<vmem>> -> memref<1x128xi32, #tpu.memory_space<vmem>>
      %dma_start3A_146 = tpu.memref_squeeze %dma_start3A_145 : memref<1x128xi32, #tpu.memory_space<vmem>> -> memref<128xi32, #tpu.memory_space<vmem>>
      %dma_start3A_147 = tpu.memref_slice %arg5[%add3A_15] : memref<16384xi32, #tpu.memory_space<hbm>> -> memref<128xi32, #tpu.memory_space<hbm>>
      %dma_start3A_148 = arith.constant 0 : i32
      %dma_start3A_149 = tpu.memref_slice %arg11[%run_scoped3A_16, %dma_start3A_148] : memref<4x128xi32, #tpu.memory_space<vmem>> -> memref<1x128xi32, #tpu.memory_space<vmem>>
      %dma_start3A_150 = tpu.memref_squeeze %dma_start3A_149 : memref<1x128xi32, #tpu.memory_space<vmem>> -> memref<128xi32, #tpu.memory_space<vmem>>
      %dma_start3A_151 = tpu.memref_slice %arg5[%add3A_15] : memref<16384xi32, #tpu.memory_space<hbm>> -> memref<128xi32, #tpu.memory_space<hbm>>
      tpu.enqueue_dma source(%dma_start3A_151 : memref<128xi32, #tpu.memory_space<hbm>>) target(%dma_start3A_150 : memref<128xi32, #tpu.memory_space<vmem>>) target_semaphore(%run_scoped3A_143 : memref<!tpu.dma_semaphore, #tpu.memory_space<semaphore_mem>>)
      %dma_wait3A_152 = arith.constant 0 : i32
      %dma_wait3A_153 = tpu.memref_slice %arg11[%run_scoped3A_16, %dma_wait3A_152] : memref<4x128xi32, #tpu.memory_space<vmem>> -> memref<1x128xi32, #tpu.memory_space<vmem>>
      %dma_wait3A_154 = tpu.memref_squeeze %dma_wait3A_153 : memref<1x128xi32, #tpu.memory_space<vmem>> -> memref<128xi32, #tpu.memory_space<vmem>>
      %dma_wait3A_155 = tpu.memref_slice %arg5[%add3A_15] : memref<16384xi32, #tpu.memory_space<hbm>> -> memref<128xi32, #tpu.memory_space<hbm>>
      %dma_wait3A_156 = arith.constant 0 : i32
      %dma_wait3A_157 = tpu.memref_slice %arg11[%run_scoped3A_16, %dma_wait3A_156] : memref<4x128xi32, #tpu.memory_space<vmem>> -> memref<1x128xi32, #tpu.memory_space<vmem>>
      %dma_wait3A_158 = tpu.memref_squeeze %dma_wait3A_157 : memref<1x128xi32, #tpu.memory_space<vmem>> -> memref<128xi32, #tpu.memory_space<vmem>>
      %dma_wait3A_159 = tpu.memref_slice %arg5[%add3A_15] : memref<16384xi32, #tpu.memory_space<hbm>> -> memref<128xi32, #tpu.memory_space<hbm>>
      tpu.wait_dma2 semaphore(%run_scoped3A_143 : memref<!tpu.dma_semaphore, #tpu.memory_space<semaphore_mem>>) src(%dma_wait3A_159 : memref<128xi32, #tpu.memory_space<hbm>>) dst(%dma_wait3A_158 : memref<128xi32, #tpu.memory_space<vmem>>)
      tpu.yield
    }) : () -> ()
    %get3A = arith.index_cast %add3A : i32 to index
    %get3A_17 = tpu.vector_load %arg10[%get3A] {strides = array<i32>} : memref<48xi32, #tpu.memory_space<vmem>>, vector<16xi32>,
    %slice3A = vector.extract_strided_slice %get3A_17 {offsets = [0], sizes = [1], strides = [1]} : vector<16xi32> to vector<1xi32>
    %squeeze3A = vector.extract %slice3A[0] : i32 from vector<1xi32>
    %gt3A = arith.constant 0 : i32
    %gt3A_18 = arith.cmpi sgt, %squeeze3A, %gt3A : i32
    %convert_element_type3A = arith.extui %gt3A_18 : i1 to i32
    %cond3A = arith.constant 0 : i32
    %cond3A_19 = arith.cmpi ne, %convert_element_type3A, %cond3A : i32
    scf.if %cond3A_19 {
      %get3A_143 = arith.constant 0 : index
      %get3A_144 = tpu.vector_load %arg8[%get3A_143] {strides = array<i32>} : memref<656xi32, #tpu.memory_space<vmem>>, vector<16xi32>,
      %slice3A_145 = vector.extract_strided_slice %get3A_144 {offsets = [0], sizes = [1], strides = [1]} : vector<16xi32> to vector<1xi32>
      %squeeze3A_146 = vector.extract %slice3A_145[0] : i32 from vector<1xi32>
      %get3A_147 = arith.index_cast %squeeze3A_146 : i32 to index
      %get3A_148 = tpu.vector_load %arg9[%get3A_147] {strides = array<i32>} : memref<528xi32, #tpu.memory_space<vmem>>, vector<16xi32>,
      %slice3A_149 = vector.extract_strided_slice %get3A_148 {offsets = [0], sizes = [1], strides = [1]} : vector<16xi32> to vector<1xi32>
      %squeeze3A_150 = vector.extract %slice3A_149[0] : i32 from vector<1xi32>
      %shift_right_logical3A = arith.constant 7 : i32
      %shift_right_logical3A_151 = arith.shrui %squeeze3A_150, %shift_right_logical3A : i32
      %mul3A_152 = arith.constant 128 : i32
      %mul3A_153 = arith.muli %shift_right_logical3A_151, %mul3A_152 : i32
      %multiple_of3A_154 = tpu.assume_multiple %mul3A_153, 128 : i32
      %dma_start3A_155 = arith.constant 0 : i32
      %dma_start3A_156 = tpu.memref_slice %arg2[%dma_start3A_155, %multiple_of3A_154] : memref<64x1000000xf32, #tpu.memory_space<hbm>> -> memref<64x128xf32, #tpu.memory_space<hbm>>
      %dma_start3A_157 = arith.constant 0 : i32
      %dma_start3A_158 = tpu.memref_slice %arg2[%dma_start3A_157, %multiple_of3A_154] : memref<64x1000000xf32, #tpu.memory_space<hbm>> -> memref<64x128xf32, #tpu.memory_space<hbm>>
      tpu.enqueue_dma source(%dma_start3A_158 : memref<64x128xf32, #tpu.memory_space<hbm>>) target(%arg13 : memref<64x128xf32, #tpu.memory_space<vmem>>) target_semaphore(%arg19 : memref<!tpu.dma_semaphore, #tpu.memory_space<semaphore_mem>>)
    } else {
    }
    %gt3A_20 = arith.constant 1 : i32
    %gt3A_21 = arith.cmpi sgt, %squeeze3A, %gt3A_20 : i32
    %convert_element_type3A_22 = arith.extui %gt3A_21 : i1 to i32
    %cond3A_23 = arith.constant 0 : i32
    %cond3A_24 = arith.cmpi ne, %convert_element_type3A_22, %cond3A_23 : i32
    scf.if %cond3A_24 {
      %get3A_143 = arith.constant 1 : index
      %get3A_144 = tpu.vector_load %arg8[%get3A_143] {strides = array<i32>} : memref<656xi32, #tpu.memory_space<vmem>>, vector<16xi32>,
      %slice3A_145 = vector.extract_strided_slice %get3A_144 {offsets = [0], sizes = [1], strides = [1]} : vector<16xi32> to vector<1xi32>
      %squeeze3A_146 = vector.extract %slice3A_145[0] : i32 from vector<1xi32>
      %get3A_147 = arith.index_cast %squeeze3A_146 : i32 to index
      %get3A_148 = tpu.vector_load %arg9[%get3A_147] {strides = array<i32>} : memref<528xi32, #tpu.memory_space<vmem>>, vector<16xi32>,
      %slice3A_149 = vector.extract_strided_slice %get3A_148 {offsets = [0], sizes = [1], strides = [1]} : vector<16xi32> to vector<1xi32>
      %squeeze3A_150 = vector.extract %slice3A_149[0] : i32 from vector<1xi32>
      %shift_right_logical3A = arith.constant 7 : i32
      %shift_right_logical3A_151 = arith.shrui %squeeze3A_150, %shift_right_logical3A : i32
      %mul3A_152 = arith.constant 128 : i32
      %mul3A_153 = arith.muli %shift_right_logical3A_151, %mul3A_152 : i32
      %multiple_of3A_154 = tpu.assume_multiple %mul3A_153, 128 : i32
      %dma_start3A_155 = arith.constant 0 : i32
      %dma_start3A_156 = tpu.memref_slice %arg2[%dma_start3A_155, %multiple_of3A_154] : memref<64x1000000xf32, #tpu.memory_space<hbm>> -> memref<64x128xf32, #tpu.memory_space<hbm>>
      %dma_start3A_157 = arith.constant 0 : i32
      %dma_start3A_158 = tpu.memref_slice %arg2[%dma_start3A_157, %multiple_of3A_154] : memref<64x1000000xf32, #tpu.memory_space<hbm>> -> memref<64x128xf32, #tpu.memory_space<hbm>>
      tpu.enqueue_dma source(%dma_start3A_158 : memref<64x128xf32, #tpu.memory_space<hbm>>) target(%arg14 : memref<64x128xf32, #tpu.memory_space<vmem>>) target_semaphore(%arg20 : memref<!tpu.dma_semaphore, #tpu.memory_space<semaphore_mem>>)
    } else {
    }
    %gt3A_25 = arith.constant 2 : i32
    %gt3A_26 = arith.cmpi sgt, %squeeze3A, %gt3A_25 : i32
    %convert_element_type3A_27 = arith.extui %gt3A_26 : i1 to i32
    %cond3A_28 = arith.constant 0 : i32
    %cond3A_29 = arith.cmpi ne, %convert_element_type3A_27, %cond3A_28 : i32
    scf.if %cond3A_29 {
      %get3A_143 = arith.constant 2 : index
      %get3A_144 = tpu.vector_load %arg8[%get3A_143] {strides = array<i32>} : memref<656xi32, #tpu.memory_space<vmem>>, vector<16xi32>,
      %slice3A_145 = vector.extract_strided_slice %get3A_144 {offsets = [0], sizes = [1], strides = [1]} : vector<16xi32> to vector<1xi32>
      %squeeze3A_146 = vector.extract %slice3A_145[0] : i32 from vector<1xi32>
      %get3A_147 = arith.index_cast %squeeze3A_146 : i32 to index
      %get3A_148 = tpu.vector_load %arg9[%get3A_147] {strides = array<i32>} : memref<528xi32, #tpu.memory_space<vmem>>, vector<16xi32>,
      %slice3A_149 = vector.extract_strided_slice %get3A_148 {offsets = [0], sizes = [1], strides = [1]} : vector<16xi32> to vector<1xi32>
      %squeeze3A_150 = vector.extract %slice3A_149[0] : i32 from vector<1xi32>
      %shift_right_logical3A = arith.constant 7 : i32
      %shift_right_logical3A_151 = arith.shrui %squeeze3A_150, %shift_right_logical3A : i32
      %mul3A_152 = arith.constant 128 : i32
      %mul3A_153 = arith.muli %shift_right_logical3A_151, %mul3A_152 : i32
      %multiple_of3A_154 = tpu.assume_multiple %mul3A_153, 128 : i32
      %dma_start3A_155 = arith.constant 0 : i32
      %dma_start3A_156 = tpu.memref_slice %arg2[%dma_start3A_155, %multiple_of3A_154] : memref<64x1000000xf32, #tpu.memory_space<hbm>> -> memref<64x128xf32, #tpu.memory_space<hbm>>
      %dma_start3A_157 = arith.constant 0 : i32
      %dma_start3A_158 = tpu.memref_slice %arg2[%dma_start3A_157, %multiple_of3A_154] : memref<64x1000000xf32, #tpu.memory_space<hbm>> -> memref<64x128xf32, #tpu.memory_space<hbm>>
      tpu.enqueue_dma source(%dma_start3A_158 : memref<64x128xf32, #tpu.memory_space<hbm>>) target(%arg15 : memref<64x128xf32, #tpu.memory_space<vmem>>) target_semaphore(%arg21 : memref<!tpu.dma_semaphore, #tpu.memory_space<semaphore_mem>>)
    } else {
    }
    %gt3A_30 = arith.constant 3 : i32
    %gt3A_31 = arith.cmpi sgt, %squeeze3A, %gt3A_30 : i32
    %convert_element_type3A_32 = arith.extui %gt3A_31 : i1 to i32
    %cond3A_33 = arith.constant 0 : i32
    %cond3A_34 = arith.cmpi ne, %convert_element_type3A_32, %cond3A_33 : i32
    scf.if %cond3A_34 {
      %get3A_143 = arith.constant 3 : index
      %get3A_144 = tpu.vector_load %arg8[%get3A_143] {strides = array<i32>} : memref<656xi32, #tpu.memory_space<vmem>>, vector<16xi32>,
      %slice3A_145 = vector.extract_strided_slice %get3A_144 {offsets = [0], sizes = [1], strides = [1]} : vector<16xi32> to vector<1xi32>
      %squeeze3A_146 = vector.extract %slice3A_145[0] : i32 from vector<1xi32>
      %get3A_147 = arith.index_cast %squeeze3A_146 : i32 to index
      %get3A_148 = tpu.vector_load %arg9[%get3A_147] {strides = array<i32>} : memref<528xi32, #tpu.memory_space<vmem>>, vector<16xi32>,
      %slice3A_149 = vector.extract_strided_slice %get3A_148 {offsets = [0], sizes = [1], strides = [1]} : vector<16xi32> to vector<1xi32>
      %squeeze3A_150 = vector.extract %slice3A_149[0] : i32 from vector<1xi32>
      %shift_right_logical3A = arith.constant 7 : i32
      %shift_right_logical3A_151 = arith.shrui %squeeze3A_150, %shift_right_logical3A : i32
      %mul3A_152 = arith.constant 128 : i32
      %mul3A_153 = arith.muli %shift_right_logical3A_151, %mul3A_152 : i32
      %multiple_of3A_154 = tpu.assume_multiple %mul3A_153, 128 : i32
      %dma_start3A_155 = arith.constant 0 : i32
      %dma_start3A_156 = tpu.memref_slice %arg2[%dma_start3A_155, %multiple_of3A_154] : memref<64x1000000xf32, #tpu.memory_space<hbm>> -> memref<64x128xf32, #tpu.memory_space<hbm>>
      %dma_start3A_157 = arith.constant 0 : i32
      %dma_start3A_158 = tpu.memref_slice %arg2[%dma_start3A_157, %multiple_of3A_154] : memref<64x1000000xf32, #tpu.memory_space<hbm>> -> memref<64x128xf32, #tpu.memory_space<hbm>>
      tpu.enqueue_dma source(%dma_start3A_158 : memref<64x128xf32, #tpu.memory_space<hbm>>) target(%arg16 : memref<64x128xf32, #tpu.memory_space<vmem>>) target_semaphore(%arg22 : memref<!tpu.dma_semaphore, #tpu.memory_space<semaphore_mem>>)
    } else {
    }
    %gt3A_35 = arith.constant 4 : i32
    %gt3A_36 = arith.cmpi sgt, %squeeze3A, %gt3A_35 : i32
    %convert_element_type3A_37 = arith.extui %gt3A_36 : i1 to i32
    %cond3A_38 = arith.constant 0 : i32
    %cond3A_39 = arith.cmpi ne, %convert_element_type3A_37, %cond3A_38 : i32
    scf.if %cond3A_39 {
      %get3A_143 = arith.constant 4 : index
      %get3A_144 = tpu.vector_load %arg8[%get3A_143] {strides = array<i32>} : memref<656xi32, #tpu.memory_space<vmem>>, vector<16xi32>,
      %slice3A_145 = vector.extract_strided_slice %get3A_144 {offsets = [0], sizes = [1], strides = [1]} : vector<16xi32> to vector<1xi32>
      %squeeze3A_146 = vector.extract %slice3A_145[0] : i32 from vector<1xi32>
      %get3A_147 = arith.index_cast %squeeze3A_146 : i32 to index
      %get3A_148 = tpu.vector_load %arg9[%get3A_147] {strides = array<i32>} : memref<528xi32, #tpu.memory_space<vmem>>, vector<16xi32>,
      %slice3A_149 = vector.extract_strided_slice %get3A_148 {offsets = [0], sizes = [1], strides = [1]} : vector<16xi32> to vector<1xi32>
      %squeeze3A_150 = vector.extract %slice3A_149[0] : i32 from vector<1xi32>
      %shift_right_logical3A = arith.constant 7 : i32
      %shift_right_logical3A_151 = arith.shrui %squeeze3A_150, %shift_right_logical3A : i32
      %mul3A_152 = arith.constant 128 : i32
      %mul3A_153 = arith.muli %shift_right_logical3A_151, %mul3A_152 : i32
      %multiple_of3A_154 = tpu.assume_multiple %mul3A_153, 128 : i32
      %dma_start3A_155 = arith.constant 0 : i32
      %dma_start3A_156 = tpu.memref_slice %arg2[%dma_start3A_155, %multiple_of3A_154] : memref<64x1000000xf32, #tpu.memory_space<hbm>> -> memref<64x128xf32, #tpu.memory_space<hbm>>
      %dma_start3A_157 = arith.constant 0 : i32
      %dma_start3A_158 = tpu.memref_slice %arg2[%dma_start3A_157, %multiple_of3A_154] : memref<64x1000000xf32, #tpu.memory_space<hbm>> -> memref<64x128xf32, #tpu.memory_space<hbm>>
      tpu.enqueue_dma source(%dma_start3A_158 : memref<64x128xf32, #tpu.memory_space<hbm>>) target(%arg17 : memref<64x128xf32, #tpu.memory_space<vmem>>) target_semaphore(%arg23 : memref<!tpu.dma_semaphore, #tpu.memory_space<semaphore_mem>>)
    } else {
    }
    %gt3A_40 = arith.constant 5 : i32
    %gt3A_41 = arith.cmpi sgt, %squeeze3A, %gt3A_40 : i32
    %convert_element_type3A_42 = arith.extui %gt3A_41 : i1 to i32
    %cond3A_43 = arith.constant 0 : i32
    %cond3A_44 = arith.cmpi ne, %convert_element_type3A_42, %cond3A_43 : i32
    scf.if %cond3A_44 {
      %get3A_143 = arith.constant 5 : index
      %get3A_144 = tpu.vector_load %arg8[%get3A_143] {strides = array<i32>} : memref<656xi32, #tpu.memory_space<vmem>>, vector<16xi32>,
      %slice3A_145 = vector.extract_strided_slice %get3A_144 {offsets = [0], sizes = [1], strides = [1]} : vector<16xi32> to vector<1xi32>
      %squeeze3A_146 = vector.extract %slice3A_145[0] : i32 from vector<1xi32>
      %get3A_147 = arith.index_cast %squeeze3A_146 : i32 to index
      %get3A_148 = tpu.vector_load %arg9[%get3A_147] {strides = array<i32>} : memref<528xi32, #tpu.memory_space<vmem>>, vector<16xi32>,
      %slice3A_149 = vector.extract_strided_slice %get3A_148 {offsets = [0], sizes = [1], strides = [1]} : vector<16xi32> to vector<1xi32>
      %squeeze3A_150 = vector.extract %slice3A_149[0] : i32 from vector<1xi32>
      %shift_right_logical3A = arith.constant 7 : i32
      %shift_right_logical3A_151 = arith.shrui %squeeze3A_150, %shift_right_logical3A : i32
      %mul3A_152 = arith.constant 128 : i32
      %mul3A_153 = arith.muli %shift_right_logical3A_151, %mul3A_152 : i32
      %multiple_of3A_154 = tpu.assume_multiple %mul3A_153, 128 : i32
      %dma_start3A_155 = arith.constant 0 : i32
      %dma_start3A_156 = tpu.memref_slice %arg2[%dma_start3A_155, %multiple_of3A_154] : memref<64x1000000xf32, #tpu.memory_space<hbm>> -> memref<64x128xf32, #tpu.memory_space<hbm>>
      %dma_start3A_157 = arith.constant 0 : i32
      %dma_start3A_158 = tpu.memref_slice %arg2[%dma_start3A_157, %multiple_of3A_154] : memref<64x1000000xf32, #tpu.memory_space<hbm>> -> memref<64x128xf32, #tpu.memory_space<hbm>>
      tpu.enqueue_dma source(%dma_start3A_158 : memref<64x128xf32, #tpu.memory_space<hbm>>) target(%arg18 : memref<64x128xf32, #tpu.memory_space<vmem>>) target_semaphore(%arg24 : memref<!tpu.dma_semaphore, #tpu.memory_space<semaphore_mem>>)
    } else {
    }
    %iota3A = tpu.iota {dimensions = array<i32: 0>} : vector<16xi32>
    %add3A_45 = arith.constant 0 : i32
    %add3A_46 = vector.broadcast %add3A_45 : i32 to vector<16xi32>
    %add3A_47 = arith.addi %iota3A, %add3A_46 : vector<16xi32>
    %iota3A_48 = tpu.iota {dimensions = array<i32: 0>} : vector<16xi32>
    %add3A_49 = arith.constant 16 : i32
    %add3A_50 = vector.broadcast %add3A_49 : i32 to vector<16xi32>
    %add3A_51 = arith.addi %iota3A_48, %add3A_50 : vector<16xi32>
    %iota3A_52 = tpu.iota {dimensions = array<i32: 0>} : vector<16xi32>
    %add3A_53 = arith.constant 32 : i32
    %add3A_54 = vector.broadcast %add3A_53 : i32 to vector<16xi32>
    %add3A_55 = arith.addi %iota3A_52, %add3A_54 : vector<16xi32>
    %iota3A_56 = tpu.iota {dimensions = array<i32: 0>} : vector<16xi32>
    %add3A_57 = arith.constant 48 : i32
    %add3A_58 = vector.broadcast %add3A_57 : i32 to vector<16xi32>
    %add3A_59 = arith.addi %iota3A_56, %add3A_58 : vector<16xi32>
    %scan3A = arith.constant 0 : i32
    %scan3A_60 = arith.constant 0 : i32
    %scan3A_61 = arith.constant 106 : i32
    %scan3A_62 = arith.addi %scan3A_60, %scan3A_61 : i32
    %scan3A_63 = arith.constant 1 : i32
    scf.for %scan3A_143 = %scan3A_60 to %scan3A_62 step %scan3A_63  : i32 {
      %mul3A_144 = arith.constant 6 : i32
      %mul3A_145 = arith.muli %scan3A_143, %mul3A_144 : i32
      %add3A_146 = arith.constant 0 : i32
      %add3A_147 = arith.addi %mul3A_145, %add3A_146 : i32
      %lt3A = arith.cmpi slt, %add3A_147, %squeeze3A : i32
      %convert_element_type3A_148 = arith.extui %lt3A : i1 to i32
      %cond3A_149 = arith.constant 0 : i32
      %cond3A_150 = arith.cmpi ne, %convert_element_type3A_148, %cond3A_149 : i32
      scf.if %cond3A_150 {
        %dma_wait3A_191 = arith.constant 0 : i32
        %dma_wait3A_192 = arith.constant 0 : i32
        %dma_wait3A_193 = tpu.memref_slice %arg2[%dma_wait3A_191, %dma_wait3A_192] : memref<64x1000000xf32, #tpu.memory_space<hbm>> -> memref<64x128xf32, #tpu.memory_space<hbm>>
        %dma_wait3A_194 = arith.constant 0 : i32
        %dma_wait3A_195 = arith.constant 0 : i32
        %dma_wait3A_196 = tpu.memref_slice %arg2[%dma_wait3A_194, %dma_wait3A_195] : memref<64x1000000xf32, #tpu.memory_space<hbm>> -> memref<64x128xf32, #tpu.memory_space<hbm>>
        tpu.wait_dma2 semaphore(%arg19 : memref<!tpu.dma_semaphore, #tpu.memory_space<semaphore_mem>>) src(%dma_wait3A_196 : memref<64x128xf32, #tpu.memory_space<hbm>>) dst(%arg13 : memref<64x128xf32, #tpu.memory_space<vmem>>)
        %get3A_197 = arith.index_cast %add3A_147 : i32 to index
        %get3A_198 = tpu.vector_load %arg8[%get3A_197] {strides = array<i32>} : memref<656xi32, #tpu.memory_space<vmem>>, vector<16xi32>,
        %slice3A_199 = vector.extract_strided_slice %get3A_198 {offsets = [0], sizes = [1], strides = [1]} : vector<16xi32> to vector<1xi32>
        %squeeze3A_200 = vector.extract %slice3A_199[0] : i32 from vector<1xi32>
        %add3A_201 = arith.constant 1 : i32
        %add3A_202 = arith.addi %add3A_147, %add3A_201 : i32
        %get3A_203 = arith.index_cast %add3A_202 : i32 to index
        %get3A_204 = tpu.vector_load %arg8[%get3A_203] {strides = array<i32>} : memref<656xi32, #tpu.memory_space<vmem>>, vector<16xi32>,
        %slice3A_205 = vector.extract_strided_slice %get3A_204 {offsets = [0], sizes = [1], strides = [1]} : vector<16xi32> to vector<1xi32>
        %squeeze3A_206 = vector.extract %slice3A_205[0] : i32 from vector<1xi32>
        %while3A = arith.constant 0 : i32
        %while3A_207 = arith.subi %squeeze3A_206, %squeeze3A_200 : i32
        %while3A_208 = arith.addi %squeeze3A_200, %while3A_207 : i32
        %while3A_209 = arith.constant 1 : i32
        %while3A_210 = arith.divsi %while3A_207, %while3A_209 : i32
        %while3A_211 = arith.muli %while3A_210, %while3A_209 : i32
        %while3A_212 = arith.addi %squeeze3A_200, %while3A_211 : i32
        %while3A_213 = arith.constant 1 : i32
        scf.for %while3A_221 = %squeeze3A_200 to %while3A_212 step %while3A_213  : i32 {
          %get3A_222 = arith.index_cast %while3A_221 : i32 to index
          %get3A_223 = tpu.vector_load %arg9[%get3A_222] {strides = array<i32>} : memref<528xi32, #tpu.memory_space<vmem>>, vector<16xi32>,
          %slice3A_224 = vector.extract_strided_slice %get3A_223 {offsets = [0], sizes = [1], strides = [1]} : vector<16xi32> to vector<1xi32>
          %squeeze3A_225 = vector.extract %slice3A_224[0] : i32 from vector<1xi32>
          %and3A = arith.constant 127 : i32
          %and3A_226 = arith.andi %squeeze3A_225, %and3A : i32
          %broadcast_in_dim3A = vector.broadcast %and3A_226 : i32 to vector<16xi32>
          %gather3A = tpu.vector_load_idx %arg13[%add3A_47, %broadcast_in_dim3A] : memref<64x128xf32, #tpu.memory_space<vmem>>[vector<16xi32>, vector<16xi32>], vector<16xf32>,
          %swap3A = arith.index_cast %while3A_221 : i32 to index
          %swap3A_227 = arith.constant 0 : index
          %swap3A_228 = tpu.vector_load %arg12[%swap3A, %swap3A_227] {strides = array<i32>} : memref<512x128xf32, #tpu.memory_space<vmem>>, vector<16xf32>,
          tpu.vector_store %arg12[%swap3A, %swap3A_227], %gather3A {strides = array<i32>} : memref<512x128xf32, #tpu.memory_space<vmem>>, vector<16xf32>,
          %gather3A_229 = tpu.vector_load_idx %arg13[%add3A_51, %broadcast_in_dim3A] : memref<64x128xf32, #tpu.memory_space<vmem>>[vector<16xi32>, vector<16xi32>], vector<16xf32>,
          %swap3A_230 = arith.index_cast %while3A_221 : i32 to index
          %swap3A_231 = arith.constant 16 : index
          %swap3A_232 = tpu.vector_load %arg12[%swap3A_230, %swap3A_231] {strides = array<i32>} : memref<512x128xf32, #tpu.memory_space<vmem>>, vector<16xf32>,
          tpu.vector_store %arg12[%swap3A_230, %swap3A_231], %gather3A_229 {strides = array<i32>} : memref<512x128xf32, #tpu.memory_space<vmem>>, vector<16xf32>,
          %gather3A_233 = tpu.vector_load_idx %arg13[%add3A_55, %broadcast_in_dim3A] : memref<64x128xf32, #tpu.memory_space<vmem>>[vector<16xi32>, vector<16xi32>], vector<16xf32>,
          %swap3A_234 = arith.index_cast %while3A_221 : i32 to index
          %swap3A_235 = arith.constant 32 : index
          %swap3A_236 = tpu.vector_load %arg12[%swap3A_234, %swap3A_235] {strides = array<i32>} : memref<512x128xf32, #tpu.memory_space<vmem>>, vector<16xf32>,
          tpu.vector_store %arg12[%swap3A_234, %swap3A_235], %gather3A_233 {strides = array<i32>} : memref<512x128xf32, #tpu.memory_space<vmem>>, vector<16xf32>,
          %gather3A_237 = tpu.vector_load_idx %arg13[%add3A_59, %broadcast_in_dim3A] : memref<64x128xf32, #tpu.memory_space<vmem>>[vector<16xi32>, vector<16xi32>], vector<16xf32>,
          %swap3A_238 = arith.index_cast %while3A_221 : i32 to index
          %swap3A_239 = arith.constant 48 : index
          %swap3A_240 = tpu.vector_load %arg12[%swap3A_238, %swap3A_239] {strides = array<i32>} : memref<512x128xf32, #tpu.memory_space<vmem>>, vector<16xf32>,
          tpu.vector_store %arg12[%swap3A_238, %swap3A_239], %gather3A_237 {strides = array<i32>} : memref<512x128xf32, #tpu.memory_space<vmem>>, vector<16xf32>,
        }
        %while3A_214 = arith.constant 1 : i32
        scf.for %while3A_221 = %while3A_212 to %while3A_208 step %while3A_214  : i32 {
          %get3A_222 = arith.index_cast %while3A_221 : i32 to index
          %get3A_223 = tpu.vector_load %arg9[%get3A_222] {strides = array<i32>} : memref<528xi32, #tpu.memory_space<vmem>>, vector<16xi32>,
          %slice3A_224 = vector.extract_strided_slice %get3A_223 {offsets = [0], sizes = [1], strides = [1]} : vector<16xi32> to vector<1xi32>
          %squeeze3A_225 = vector.extract %slice3A_224[0] : i32 from vector<1xi32>
          %and3A = arith.constant 127 : i32
          %and3A_226 = arith.andi %squeeze3A_225, %and3A : i32
          %broadcast_in_dim3A = vector.broadcast %and3A_226 : i32 to vector<16xi32>
          %gather3A = tpu.vector_load_idx %arg13[%add3A_47, %broadcast_in_dim3A] : memref<64x128xf32, #tpu.memory_space<vmem>>[vector<16xi32>, vector<16xi32>], vector<16xf32>,
          %swap3A = arith.index_cast %while3A_221 : i32 to index
          %swap3A_227 = arith.constant 0 : index
          %swap3A_228 = tpu.vector_load %arg12[%swap3A, %swap3A_227] {strides = array<i32>} : memref<512x128xf32, #tpu.memory_space<vmem>>, vector<16xf32>,
          tpu.vector_store %arg12[%swap3A, %swap3A_227], %gather3A {strides = array<i32>} : memref<512x128xf32, #tpu.memory_space<vmem>>, vector<16xf32>,
          %gather3A_229 = tpu.vector_load_idx %arg13[%add3A_51, %broadcast_in_dim3A] : memref<64x128xf32, #tpu.memory_space<vmem>>[vector<16xi32>, vector<16xi32>], vector<16xf32>,
          %swap3A_230 = arith.index_cast %while3A_221 : i32 to index
          %swap3A_231 = arith.constant 16 : index
          %swap3A_232 = tpu.vector_load %arg12[%swap3A_230, %swap3A_231] {strides = array<i32>} : memref<512x128xf32, #tpu.memory_space<vmem>>, vector<16xf32>,
          tpu.vector_store %arg12[%swap3A_230, %swap3A_231], %gather3A_229 {strides = array<i32>} : memref<512x128xf32, #tpu.memory_space<vmem>>, vector<16xf32>,
          %gather3A_233 = tpu.vector_load_idx %arg13[%add3A_55, %broadcast_in_dim3A] : memref<64x128xf32, #tpu.memory_space<vmem>>[vector<16xi32>, vector<16xi32>], vector<16xf32>,
          %swap3A_234 = arith.index_cast %while3A_221 : i32 to index
          %swap3A_235 = arith.constant 32 : index
          %swap3A_236 = tpu.vector_load %arg12[%swap3A_234, %swap3A_235] {strides = array<i32>} : memref<512x128xf32, #tpu.memory_space<vmem>>, vector<16xf32>,
          tpu.vector_store %arg12[%swap3A_234, %swap3A_235], %gather3A_233 {strides = array<i32>} : memref<512x128xf32, #tpu.memory_space<vmem>>, vector<16xf32>,
          %gather3A_237 = tpu.vector_load_idx %arg13[%add3A_59, %broadcast_in_dim3A] : memref<64x128xf32, #tpu.memory_space<vmem>>[vector<16xi32>, vector<16xi32>], vector<16xf32>,
          %swap3A_238 = arith.index_cast %while3A_221 : i32 to index
          %swap3A_239 = arith.constant 48 : index
          %swap3A_240 = tpu.vector_load %arg12[%swap3A_238, %swap3A_239] {strides = array<i32>} : memref<512x128xf32, #tpu.memory_space<vmem>>, vector<16xf32>,
          tpu.vector_store %arg12[%swap3A_238, %swap3A_239], %gather3A_237 {strides = array<i32>} : memref<512x128xf32, #tpu.memory_space<vmem>>, vector<16xf32>,
        }
        %add3A_215 = arith.constant 6 : i32
        %add3A_216 = arith.addi %add3A_147, %add3A_215 : i32
        %lt3A_217 = arith.cmpi slt, %add3A_216, %squeeze3A : i32
        %convert_element_type3A_218 = arith.extui %lt3A_217 : i1 to i32
        %cond3A_219 = arith.constant 0 : i32
        %cond3A_220 = arith.cmpi ne, %convert_element_type3A_218, %cond3A_219 : i32
        scf.if %cond3A_220 {
          %add3A_221 = arith.constant 6 : i32
          %add3A_222 = arith.addi %add3A_147, %add3A_221 : i32
          %get3A_223 = arith.index_cast %add3A_222 : i32 to index
          %get3A_224 = tpu.vector_load %arg8[%get3A_223] {strides = array<i32>} : memref<656xi32, #tpu.memory_space<vmem>>, vector<16xi32>,
          %slice3A_225 = vector.extract_strided_slice %get3A_224 {offsets = [0], sizes = [1], strides = [1]} : vector<16xi32> to vector<1xi32>
          %squeeze3A_226 = vector.extract %slice3A_225[0] : i32 from vector<1xi32>
          %get3A_227 = arith.index_cast %squeeze3A_226 : i32 to index
          %get3A_228 = tpu.vector_load %arg9[%get3A_227] {strides = array<i32>} : memref<528xi32, #tpu.memory_space<vmem>>, vector<16xi32>,
          %slice3A_229 = vector.extract_strided_slice %get3A_228 {offsets = [0], sizes = [1], strides = [1]} : vector<16xi32> to vector<1xi32>
          %squeeze3A_230 = vector.extract %slice3A_229[0] : i32 from vector<1xi32>
          %shift_right_logical3A = arith.constant 7 : i32
          %shift_right_logical3A_231 = arith.shrui %squeeze3A_230, %shift_right_logical3A : i32
          %mul3A_232 = arith.constant 128 : i32
          %mul3A_233 = arith.muli %shift_right_logical3A_231, %mul3A_232 : i32
          %multiple_of3A_234 = tpu.assume_multiple %mul3A_233, 128 : i32
          %dma_start3A_235 = arith.constant 0 : i32
          %dma_start3A_236 = tpu.memref_slice %arg2[%dma_start3A_235, %multiple_of3A_234] : memref<64x1000000xf32, #tpu.memory_space<hbm>> -> memref<64x128xf32, #tpu.memory_space<hbm>>
          %dma_start3A_237 = arith.constant 0 : i32
          %dma_start3A_238 = tpu.memref_slice %arg2[%dma_start3A_237, %multiple_of3A_234] : memref<64x1000000xf32, #tpu.memory_space<hbm>> -> memref<64x128xf32, #tpu.memory_space<hbm>>
          tpu.enqueue_dma source(%dma_start3A_238 : memref<64x128xf32, #tpu.memory_space<hbm>>) target(%arg13 : memref<64x128xf32, #tpu.memory_space<vmem>>) target_semaphore(%arg19 : memref<!tpu.dma_semaphore, #tpu.memory_space<semaphore_mem>>)
        } else {
        }
      } else {
      }
      %mul3A_151 = arith.constant 6 : i32
      %mul3A_152 = arith.muli %scan3A_143, %mul3A_151 : i32
      %add3A_153 = arith.constant 1 : i32
      %add3A_154 = arith.addi %mul3A_152, %add3A_153 : i32
      %lt3A_155 = arith.cmpi slt, %add3A_154, %squeeze3A : i32
      %convert_element_type3A_156 = arith.extui %lt3A_155 : i1 to i32
      %cond3A_157 = arith.constant 0 : i32
      %cond3A_158 = arith.cmpi ne, %convert_element_type3A_156, %cond3A_157 : i32
      scf.if %cond3A_158 {
        %dma_wait3A_191 = arith.constant 0 : i32
        %dma_wait3A_192 = arith.constant 0 : i32
        %dma_wait3A_193 = tpu.memref_slice %arg2[%dma_wait3A_191, %dma_wait3A_192] : memref<64x1000000xf32, #tpu.memory_space<hbm>> -> memref<64x128xf32, #tpu.memory_space<hbm>>
        %dma_wait3A_194 = arith.constant 0 : i32
        %dma_wait3A_195 = arith.constant 0 : i32
        %dma_wait3A_196 = tpu.memref_slice %arg2[%dma_wait3A_194, %dma_wait3A_195] : memref<64x1000000xf32, #tpu.memory_space<hbm>> -> memref<64x128xf32, #tpu.memory_space<hbm>>
        tpu.wait_dma2 semaphore(%arg20 : memref<!tpu.dma_semaphore, #tpu.memory_space<semaphore_mem>>) src(%dma_wait3A_196 : memref<64x128xf32, #tpu.memory_space<hbm>>) dst(%arg14 : memref<64x128xf32, #tpu.memory_space<vmem>>)
        %get3A_197 = arith.index_cast %add3A_154 : i32 to index
        %get3A_198 = tpu.vector_load %arg8[%get3A_197] {strides = array<i32>} : memref<656xi32, #tpu.memory_space<vmem>>, vector<16xi32>,
        %slice3A_199 = vector.extract_strided_slice %get3A_198 {offsets = [0], sizes = [1], strides = [1]} : vector<16xi32> to vector<1xi32>
        %squeeze3A_200 = vector.extract %slice3A_199[0] : i32 from vector<1xi32>
        %add3A_201 = arith.constant 1 : i32
        %add3A_202 = arith.addi %add3A_154, %add3A_201 : i32
        %get3A_203 = arith.index_cast %add3A_202 : i32 to index
        %get3A_204 = tpu.vector_load %arg8[%get3A_203] {strides = array<i32>} : memref<656xi32, #tpu.memory_space<vmem>>, vector<16xi32>,
        %slice3A_205 = vector.extract_strided_slice %get3A_204 {offsets = [0], sizes = [1], strides = [1]} : vector<16xi32> to vector<1xi32>
        %squeeze3A_206 = vector.extract %slice3A_205[0] : i32 from vector<1xi32>
        %while3A = arith.constant 0 : i32
        %while3A_207 = arith.subi %squeeze3A_206, %squeeze3A_200 : i32
        %while3A_208 = arith.addi %squeeze3A_200, %while3A_207 : i32
        %while3A_209 = arith.constant 1 : i32
        %while3A_210 = arith.divsi %while3A_207, %while3A_209 : i32
        %while3A_211 = arith.muli %while3A_210, %while3A_209 : i32
        %while3A_212 = arith.addi %squeeze3A_200, %while3A_211 : i32
        %while3A_213 = arith.constant 1 : i32
        scf.for %while3A_221 = %squeeze3A_200 to %while3A_212 step %while3A_213  : i32 {
          %get3A_222 = arith.index_cast %while3A_221 : i32 to index
          %get3A_223 = tpu.vector_load %arg9[%get3A_222] {strides = array<i32>} : memref<528xi32, #tpu.memory_space<vmem>>, vector<16xi32>,
          %slice3A_224 = vector.extract_strided_slice %get3A_223 {offsets = [0], sizes = [1], strides = [1]} : vector<16xi32> to vector<1xi32>
          %squeeze3A_225 = vector.extract %slice3A_224[0] : i32 from vector<1xi32>
          %and3A = arith.constant 127 : i32
          %and3A_226 = arith.andi %squeeze3A_225, %and3A : i32
          %broadcast_in_dim3A = vector.broadcast %and3A_226 : i32 to vector<16xi32>
          %gather3A = tpu.vector_load_idx %arg14[%add3A_47, %broadcast_in_dim3A] : memref<64x128xf32, #tpu.memory_space<vmem>>[vector<16xi32>, vector<16xi32>], vector<16xf32>,
          %swap3A = arith.index_cast %while3A_221 : i32 to index
          %swap3A_227 = arith.constant 0 : index
          %swap3A_228 = tpu.vector_load %arg12[%swap3A, %swap3A_227] {strides = array<i32>} : memref<512x128xf32, #tpu.memory_space<vmem>>, vector<16xf32>,
          tpu.vector_store %arg12[%swap3A, %swap3A_227], %gather3A {strides = array<i32>} : memref<512x128xf32, #tpu.memory_space<vmem>>, vector<16xf32>,
          %gather3A_229 = tpu.vector_load_idx %arg14[%add3A_51, %broadcast_in_dim3A] : memref<64x128xf32, #tpu.memory_space<vmem>>[vector<16xi32>, vector<16xi32>], vector<16xf32>,
          %swap3A_230 = arith.index_cast %while3A_221 : i32 to index
          %swap3A_231 = arith.constant 16 : index
          %swap3A_232 = tpu.vector_load %arg12[%swap3A_230, %swap3A_231] {strides = array<i32>} : memref<512x128xf32, #tpu.memory_space<vmem>>, vector<16xf32>,
          tpu.vector_store %arg12[%swap3A_230, %swap3A_231], %gather3A_229 {strides = array<i32>} : memref<512x128xf32, #tpu.memory_space<vmem>>, vector<16xf32>,
          %gather3A_233 = tpu.vector_load_idx %arg14[%add3A_55, %broadcast_in_dim3A] : memref<64x128xf32, #tpu.memory_space<vmem>>[vector<16xi32>, vector<16xi32>], vector<16xf32>,
          %swap3A_234 = arith.index_cast %while3A_221 : i32 to index
          %swap3A_235 = arith.constant 32 : index
          %swap3A_236 = tpu.vector_load %arg12[%swap3A_234, %swap3A_235] {strides = array<i32>} : memref<512x128xf32, #tpu.memory_space<vmem>>, vector<16xf32>,
          tpu.vector_store %arg12[%swap3A_234, %swap3A_235], %gather3A_233 {strides = array<i32>} : memref<512x128xf32, #tpu.memory_space<vmem>>, vector<16xf32>,
          %gather3A_237 = tpu.vector_load_idx %arg14[%add3A_59, %broadcast_in_dim3A] : memref<64x128xf32, #tpu.memory_space<vmem>>[vector<16xi32>, vector<16xi32>], vector<16xf32>,
          %swap3A_238 = arith.index_cast %while3A_221 : i32 to index
          %swap3A_239 = arith.constant 48 : index
          %swap3A_240 = tpu.vector_load %arg12[%swap3A_238, %swap3A_239] {strides = array<i32>} : memref<512x128xf32, #tpu.memory_space<vmem>>, vector<16xf32>,
          tpu.vector_store %arg12[%swap3A_238, %swap3A_239], %gather3A_237 {strides = array<i32>} : memref<512x128xf32, #tpu.memory_space<vmem>>, vector<16xf32>,
        }
        %while3A_214 = arith.constant 1 : i32
        scf.for %while3A_221 = %while3A_212 to %while3A_208 step %while3A_214  : i32 {
          %get3A_222 = arith.index_cast %while3A_221 : i32 to index
          %get3A_223 = tpu.vector_load %arg9[%get3A_222] {strides = array<i32>} : memref<528xi32, #tpu.memory_space<vmem>>, vector<16xi32>,
          %slice3A_224 = vector.extract_strided_slice %get3A_223 {offsets = [0], sizes = [1], strides = [1]} : vector<16xi32> to vector<1xi32>
          %squeeze3A_225 = vector.extract %slice3A_224[0] : i32 from vector<1xi32>
          %and3A = arith.constant 127 : i32
          %and3A_226 = arith.andi %squeeze3A_225, %and3A : i32
          %broadcast_in_dim3A = vector.broadcast %and3A_226 : i32 to vector<16xi32>
          %gather3A = tpu.vector_load_idx %arg14[%add3A_47, %broadcast_in_dim3A] : memref<64x128xf32, #tpu.memory_space<vmem>>[vector<16xi32>, vector<16xi32>], vector<16xf32>,
          %swap3A = arith.index_cast %while3A_221 : i32 to index
          %swap3A_227 = arith.constant 0 : index
          %swap3A_228 = tpu.vector_load %arg12[%swap3A, %swap3A_227] {strides = array<i32>} : memref<512x128xf32, #tpu.memory_space<vmem>>, vector<16xf32>,
          tpu.vector_store %arg12[%swap3A, %swap3A_227], %gather3A {strides = array<i32>} : memref<512x128xf32, #tpu.memory_space<vmem>>, vector<16xf32>,
          %gather3A_229 = tpu.vector_load_idx %arg14[%add3A_51, %broadcast_in_dim3A] : memref<64x128xf32, #tpu.memory_space<vmem>>[vector<16xi32>, vector<16xi32>], vector<16xf32>,
          %swap3A_230 = arith.index_cast %while3A_221 : i32 to index
          %swap3A_231 = arith.constant 16 : index
          %swap3A_232 = tpu.vector_load %arg12[%swap3A_230, %swap3A_231] {strides = array<i32>} : memref<512x128xf32, #tpu.memory_space<vmem>>, vector<16xf32>,
          tpu.vector_store %arg12[%swap3A_230, %swap3A_231], %gather3A_229 {strides = array<i32>} : memref<512x128xf32, #tpu.memory_space<vmem>>, vector<16xf32>,
          %gather3A_233 = tpu.vector_load_idx %arg14[%add3A_55, %broadcast_in_dim3A] : memref<64x128xf32, #tpu.memory_space<vmem>>[vector<16xi32>, vector<16xi32>], vector<16xf32>,
          %swap3A_234 = arith.index_cast %while3A_221 : i32 to index
          %swap3A_235 = arith.constant 32 : index
          %swap3A_236 = tpu.vector_load %arg12[%swap3A_234, %swap3A_235] {strides = array<i32>} : memref<512x128xf32, #tpu.memory_space<vmem>>, vector<16xf32>,
          tpu.vector_store %arg12[%swap3A_234, %swap3A_235], %gather3A_233 {strides = array<i32>} : memref<512x128xf32, #tpu.memory_space<vmem>>, vector<16xf32>,
          %gather3A_237 = tpu.vector_load_idx %arg14[%add3A_59, %broadcast_in_dim3A] : memref<64x128xf32, #tpu.memory_space<vmem>>[vector<16xi32>, vector<16xi32>], vector<16xf32>,
          %swap3A_238 = arith.index_cast %while3A_221 : i32 to index
          %swap3A_239 = arith.constant 48 : index
          %swap3A_240 = tpu.vector_load %arg12[%swap3A_238, %swap3A_239] {strides = array<i32>} : memref<512x128xf32, #tpu.memory_space<vmem>>, vector<16xf32>,
          tpu.vector_store %arg12[%swap3A_238, %swap3A_239], %gather3A_237 {strides = array<i32>} : memref<512x128xf32, #tpu.memory_space<vmem>>, vector<16xf32>,
        }
        %add3A_215 = arith.constant 6 : i32
        %add3A_216 = arith.addi %add3A_154, %add3A_215 : i32
        %lt3A_217 = arith.cmpi slt, %add3A_216, %squeeze3A : i32
        %convert_element_type3A_218 = arith.extui %lt3A_217 : i1 to i32
        %cond3A_219 = arith.constant 0 : i32
        %cond3A_220 = arith.cmpi ne, %convert_element_type3A_218, %cond3A_219 : i32
        scf.if %cond3A_220 {
          %add3A_221 = arith.constant 6 : i32
          %add3A_222 = arith.addi %add3A_154, %add3A_221 : i32
          %get3A_223 = arith.index_cast %add3A_222 : i32 to index
          %get3A_224 = tpu.vector_load %arg8[%get3A_223] {strides = array<i32>} : memref<656xi32, #tpu.memory_space<vmem>>, vector<16xi32>,
          %slice3A_225 = vector.extract_strided_slice %get3A_224 {offsets = [0], sizes = [1], strides = [1]} : vector<16xi32> to vector<1xi32>
          %squeeze3A_226 = vector.extract %slice3A_225[0] : i32 from vector<1xi32>
          %get3A_227 = arith.index_cast %squeeze3A_226 : i32 to index
          %get3A_228 = tpu.vector_load %arg9[%get3A_227] {strides = array<i32>} : memref<528xi32, #tpu.memory_space<vmem>>, vector<16xi32>,
          %slice3A_229 = vector.extract_strided_slice %get3A_228 {offsets = [0], sizes = [1], strides = [1]} : vector<16xi32> to vector<1xi32>
          %squeeze3A_230 = vector.extract %slice3A_229[0] : i32 from vector<1xi32>
          %shift_right_logical3A = arith.constant 7 : i32
          %shift_right_logical3A_231 = arith.shrui %squeeze3A_230, %shift_right_logical3A : i32
          %mul3A_232 = arith.constant 128 : i32
          %mul3A_233 = arith.muli %shift_right_logical3A_231, %mul3A_232 : i32
          %multiple_of3A_234 = tpu.assume_multiple %mul3A_233, 128 : i32
          %dma_start3A_235 = arith.constant 0 : i32
          %dma_start3A_236 = tpu.memref_slice %arg2[%dma_start3A_235, %multiple_of3A_234] : memref<64x1000000xf32, #tpu.memory_space<hbm>> -> memref<64x128xf32, #tpu.memory_space<hbm>>
          %dma_start3A_237 = arith.constant 0 : i32
          %dma_start3A_238 = tpu.memref_slice %arg2[%dma_start3A_237, %multiple_of3A_234] : memref<64x1000000xf32, #tpu.memory_space<hbm>> -> memref<64x128xf32, #tpu.memory_space<hbm>>
          tpu.enqueue_dma source(%dma_start3A_238 : memref<64x128xf32, #tpu.memory_space<hbm>>) target(%arg14 : memref<64x128xf32, #tpu.memory_space<vmem>>) target_semaphore(%arg20 : memref<!tpu.dma_semaphore, #tpu.memory_space<semaphore_mem>>)
        } else {
        }
      } else {
      }
      %mul3A_159 = arith.constant 6 : i32
      %mul3A_160 = arith.muli %scan3A_143, %mul3A_159 : i32
      %add3A_161 = arith.constant 2 : i32
      %add3A_162 = arith.addi %mul3A_160, %add3A_161 : i32
      %lt3A_163 = arith.cmpi slt, %add3A_162, %squeeze3A : i32
      %convert_element_type3A_164 = arith.extui %lt3A_163 : i1 to i32
      %cond3A_165 = arith.constant 0 : i32
      %cond3A_166 = arith.cmpi ne, %convert_element_type3A_164, %cond3A_165 : i32
      scf.if %cond3A_166 {
        %dma_wait3A_191 = arith.constant 0 : i32
        %dma_wait3A_192 = arith.constant 0 : i32
        %dma_wait3A_193 = tpu.memref_slice %arg2[%dma_wait3A_191, %dma_wait3A_192] : memref<64x1000000xf32, #tpu.memory_space<hbm>> -> memref<64x128xf32, #tpu.memory_space<hbm>>
        %dma_wait3A_194 = arith.constant 0 : i32
        %dma_wait3A_195 = arith.constant 0 : i32
        %dma_wait3A_196 = tpu.memref_slice %arg2[%dma_wait3A_194, %dma_wait3A_195] : memref<64x1000000xf32, #tpu.memory_space<hbm>> -> memref<64x128xf32, #tpu.memory_space<hbm>>
        tpu.wait_dma2 semaphore(%arg21 : memref<!tpu.dma_semaphore, #tpu.memory_space<semaphore_mem>>) src(%dma_wait3A_196 : memref<64x128xf32, #tpu.memory_space<hbm>>) dst(%arg15 : memref<64x128xf32, #tpu.memory_space<vmem>>)
        %get3A_197 = arith.index_cast %add3A_162 : i32 to index
        %get3A_198 = tpu.vector_load %arg8[%get3A_197] {strides = array<i32>} : memref<656xi32, #tpu.memory_space<vmem>>, vector<16xi32>,
        %slice3A_199 = vector.extract_strided_slice %get3A_198 {offsets = [0], sizes = [1], strides = [1]} : vector<16xi32> to vector<1xi32>
        %squeeze3A_200 = vector.extract %slice3A_199[0] : i32 from vector<1xi32>
        %add3A_201 = arith.constant 1 : i32
        %add3A_202 = arith.addi %add3A_162, %add3A_201 : i32
        %get3A_203 = arith.index_cast %add3A_202 : i32 to index
        %get3A_204 = tpu.vector_load %arg8[%get3A_203] {strides = array<i32>} : memref<656xi32, #tpu.memory_space<vmem>>, vector<16xi32>,
        %slice3A_205 = vector.extract_strided_slice %get3A_204 {offsets = [0], sizes = [1], strides = [1]} : vector<16xi32> to vector<1xi32>
        %squeeze3A_206 = vector.extract %slice3A_205[0] : i32 from vector<1xi32>
        %while3A = arith.constant 0 : i32
        %while3A_207 = arith.subi %squeeze3A_206, %squeeze3A_200 : i32
        %while3A_208 = arith.addi %squeeze3A_200, %while3A_207 : i32
        %while3A_209 = arith.constant 1 : i32
        %while3A_210 = arith.divsi %while3A_207, %while3A_209 : i32
        %while3A_211 = arith.muli %while3A_210, %while3A_209 : i32
        %while3A_212 = arith.addi %squeeze3A_200, %while3A_211 : i32
        %while3A_213 = arith.constant 1 : i32
        scf.for %while3A_221 = %squeeze3A_200 to %while3A_212 step %while3A_213  : i32 {
          %get3A_222 = arith.index_cast %while3A_221 : i32 to index
          %get3A_223 = tpu.vector_load %arg9[%get3A_222] {strides = array<i32>} : memref<528xi32, #tpu.memory_space<vmem>>, vector<16xi32>,
          %slice3A_224 = vector.extract_strided_slice %get3A_223 {offsets = [0], sizes = [1], strides = [1]} : vector<16xi32> to vector<1xi32>
          %squeeze3A_225 = vector.extract %slice3A_224[0] : i32 from vector<1xi32>
          %and3A = arith.constant 127 : i32
          %and3A_226 = arith.andi %squeeze3A_225, %and3A : i32
          %broadcast_in_dim3A = vector.broadcast %and3A_226 : i32 to vector<16xi32>
          %gather3A = tpu.vector_load_idx %arg15[%add3A_47, %broadcast_in_dim3A] : memref<64x128xf32, #tpu.memory_space<vmem>>[vector<16xi32>, vector<16xi32>], vector<16xf32>,
          %swap3A = arith.index_cast %while3A_221 : i32 to index
          %swap3A_227 = arith.constant 0 : index
          %swap3A_228 = tpu.vector_load %arg12[%swap3A, %swap3A_227] {strides = array<i32>} : memref<512x128xf32, #tpu.memory_space<vmem>>, vector<16xf32>,
          tpu.vector_store %arg12[%swap3A, %swap3A_227], %gather3A {strides = array<i32>} : memref<512x128xf32, #tpu.memory_space<vmem>>, vector<16xf32>,
          %gather3A_229 = tpu.vector_load_idx %arg15[%add3A_51, %broadcast_in_dim3A] : memref<64x128xf32, #tpu.memory_space<vmem>>[vector<16xi32>, vector<16xi32>], vector<16xf32>,
          %swap3A_230 = arith.index_cast %while3A_221 : i32 to index
          %swap3A_231 = arith.constant 16 : index
          %swap3A_232 = tpu.vector_load %arg12[%swap3A_230, %swap3A_231] {strides = array<i32>} : memref<512x128xf32, #tpu.memory_space<vmem>>, vector<16xf32>,
          tpu.vector_store %arg12[%swap3A_230, %swap3A_231], %gather3A_229 {strides = array<i32>} : memref<512x128xf32, #tpu.memory_space<vmem>>, vector<16xf32>,
          %gather3A_233 = tpu.vector_load_idx %arg15[%add3A_55, %broadcast_in_dim3A] : memref<64x128xf32, #tpu.memory_space<vmem>>[vector<16xi32>, vector<16xi32>], vector<16xf32>,
          %swap3A_234 = arith.index_cast %while3A_221 : i32 to index
          %swap3A_235 = arith.constant 32 : index
          %swap3A_236 = tpu.vector_load %arg12[%swap3A_234, %swap3A_235] {strides = array<i32>} : memref<512x128xf32, #tpu.memory_space<vmem>>, vector<16xf32>,
          tpu.vector_store %arg12[%swap3A_234, %swap3A_235], %gather3A_233 {strides = array<i32>} : memref<512x128xf32, #tpu.memory_space<vmem>>, vector<16xf32>,
          %gather3A_237 = tpu.vector_load_idx %arg15[%add3A_59, %broadcast_in_dim3A] : memref<64x128xf32, #tpu.memory_space<vmem>>[vector<16xi32>, vector<16xi32>], vector<16xf32>,
          %swap3A_238 = arith.index_cast %while3A_221 : i32 to index
          %swap3A_239 = arith.constant 48 : index
          %swap3A_240 = tpu.vector_load %arg12[%swap3A_238, %swap3A_239] {strides = array<i32>} : memref<512x128xf32, #tpu.memory_space<vmem>>, vector<16xf32>,
          tpu.vector_store %arg12[%swap3A_238, %swap3A_239], %gather3A_237 {strides = array<i32>} : memref<512x128xf32, #tpu.memory_space<vmem>>, vector<16xf32>,
        }
        %while3A_214 = arith.constant 1 : i32
        scf.for %while3A_221 = %while3A_212 to %while3A_208 step %while3A_214  : i32 {
          %get3A_222 = arith.index_cast %while3A_221 : i32 to index
          %get3A_223 = tpu.vector_load %arg9[%get3A_222] {strides = array<i32>} : memref<528xi32, #tpu.memory_space<vmem>>, vector<16xi32>,
          %slice3A_224 = vector.extract_strided_slice %get3A_223 {offsets = [0], sizes = [1], strides = [1]} : vector<16xi32> to vector<1xi32>
          %squeeze3A_225 = vector.extract %slice3A_224[0] : i32 from vector<1xi32>
          %and3A = arith.constant 127 : i32
          %and3A_226 = arith.andi %squeeze3A_225, %and3A : i32
          %broadcast_in_dim3A = vector.broadcast %and3A_226 : i32 to vector<16xi32>
          %gather3A = tpu.vector_load_idx %arg15[%add3A_47, %broadcast_in_dim3A] : memref<64x128xf32, #tpu.memory_space<vmem>>[vector<16xi32>, vector<16xi32>], vector<16xf32>,
          %swap3A = arith.index_cast %while3A_221 : i32 to index
          %swap3A_227 = arith.constant 0 : index
          %swap3A_228 = tpu.vector_load %arg12[%swap3A, %swap3A_227] {strides = array<i32>} : memref<512x128xf32, #tpu.memory_space<vmem>>, vector<16xf32>,
          tpu.vector_store %arg12[%swap3A, %swap3A_227], %gather3A {strides = array<i32>} : memref<512x128xf32, #tpu.memory_space<vmem>>, vector<16xf32>,
          %gather3A_229 = tpu.vector_load_idx %arg15[%add3A_51, %broadcast_in_dim3A] : memref<64x128xf32, #tpu.memory_space<vmem>>[vector<16xi32>, vector<16xi32>], vector<16xf32>,
          %swap3A_230 = arith.index_cast %while3A_221 : i32 to index
          %swap3A_231 = arith.constant 16 : index
          %swap3A_232 = tpu.vector_load %arg12[%swap3A_230, %swap3A_231] {strides = array<i32>} : memref<512x128xf32, #tpu.memory_space<vmem>>, vector<16xf32>,
          tpu.vector_store %arg12[%swap3A_230, %swap3A_231], %gather3A_229 {strides = array<i32>} : memref<512x128xf32, #tpu.memory_space<vmem>>, vector<16xf32>,
          %gather3A_233 = tpu.vector_load_idx %arg15[%add3A_55, %broadcast_in_dim3A] : memref<64x128xf32, #tpu.memory_space<vmem>>[vector<16xi32>, vector<16xi32>], vector<16xf32>,
          %swap3A_234 = arith.index_cast %while3A_221 : i32 to index
          %swap3A_235 = arith.constant 32 : index
          %swap3A_236 = tpu.vector_load %arg12[%swap3A_234, %swap3A_235] {strides = array<i32>} : memref<512x128xf32, #tpu.memory_space<vmem>>, vector<16xf32>,
          tpu.vector_store %arg12[%swap3A_234, %swap3A_235], %gather3A_233 {strides = array<i32>} : memref<512x128xf32, #tpu.memory_space<vmem>>, vector<16xf32>,
          %gather3A_237 = tpu.vector_load_idx %arg15[%add3A_59, %broadcast_in_dim3A] : memref<64x128xf32, #tpu.memory_space<vmem>>[vector<16xi32>, vector<16xi32>], vector<16xf32>,
          %swap3A_238 = arith.index_cast %while3A_221 : i32 to index
          %swap3A_239 = arith.constant 48 : index
          %swap3A_240 = tpu.vector_load %arg12[%swap3A_238, %swap3A_239] {strides = array<i32>} : memref<512x128xf32, #tpu.memory_space<vmem>>, vector<16xf32>,
          tpu.vector_store %arg12[%swap3A_238, %swap3A_239], %gather3A_237 {strides = array<i32>} : memref<512x128xf32, #tpu.memory_space<vmem>>, vector<16xf32>,
        }
        %add3A_215 = arith.constant 6 : i32
        %add3A_216 = arith.addi %add3A_162, %add3A_215 : i32
        %lt3A_217 = arith.cmpi slt, %add3A_216, %squeeze3A : i32
        %convert_element_type3A_218 = arith.extui %lt3A_217 : i1 to i32
        %cond3A_219 = arith.constant 0 : i32
        %cond3A_220 = arith.cmpi ne, %convert_element_type3A_218, %cond3A_219 : i32
        scf.if %cond3A_220 {
          %add3A_221 = arith.constant 6 : i32
          %add3A_222 = arith.addi %add3A_162, %add3A_221 : i32
          %get3A_223 = arith.index_cast %add3A_222 : i32 to index
          %get3A_224 = tpu.vector_load %arg8[%get3A_223] {strides = array<i32>} : memref<656xi32, #tpu.memory_space<vmem>>, vector<16xi32>,
          %slice3A_225 = vector.extract_strided_slice %get3A_224 {offsets = [0], sizes = [1], strides = [1]} : vector<16xi32> to vector<1xi32>
          %squeeze3A_226 = vector.extract %slice3A_225[0] : i32 from vector<1xi32>
          %get3A_227 = arith.index_cast %squeeze3A_226 : i32 to index
          %get3A_228 = tpu.vector_load %arg9[%get3A_227] {strides = array<i32>} : memref<528xi32, #tpu.memory_space<vmem>>, vector<16xi32>,
          %slice3A_229 = vector.extract_strided_slice %get3A_228 {offsets = [0], sizes = [1], strides = [1]} : vector<16xi32> to vector<1xi32>
          %squeeze3A_230 = vector.extract %slice3A_229[0] : i32 from vector<1xi32>
          %shift_right_logical3A = arith.constant 7 : i32
          %shift_right_logical3A_231 = arith.shrui %squeeze3A_230, %shift_right_logical3A : i32
          %mul3A_232 = arith.constant 128 : i32
          %mul3A_233 = arith.muli %shift_right_logical3A_231, %mul3A_232 : i32
          %multiple_of3A_234 = tpu.assume_multiple %mul3A_233, 128 : i32
          %dma_start3A_235 = arith.constant 0 : i32
          %dma_start3A_236 = tpu.memref_slice %arg2[%dma_start3A_235, %multiple_of3A_234] : memref<64x1000000xf32, #tpu.memory_space<hbm>> -> memref<64x128xf32, #tpu.memory_space<hbm>>
          %dma_start3A_237 = arith.constant 0 : i32
          %dma_start3A_238 = tpu.memref_slice %arg2[%dma_start3A_237, %multiple_of3A_234] : memref<64x1000000xf32, #tpu.memory_space<hbm>> -> memref<64x128xf32, #tpu.memory_space<hbm>>
          tpu.enqueue_dma source(%dma_start3A_238 : memref<64x128xf32, #tpu.memory_space<hbm>>) target(%arg15 : memref<64x128xf32, #tpu.memory_space<vmem>>) target_semaphore(%arg21 : memref<!tpu.dma_semaphore, #tpu.memory_space<semaphore_mem>>)
        } else {
        }
      } else {
      }
      %mul3A_167 = arith.constant 6 : i32
      %mul3A_168 = arith.muli %scan3A_143, %mul3A_167 : i32
      %add3A_169 = arith.constant 3 : i32
      %add3A_170 = arith.addi %mul3A_168, %add3A_169 : i32
      %lt3A_171 = arith.cmpi slt, %add3A_170, %squeeze3A : i32
      %convert_element_type3A_172 = arith.extui %lt3A_171 : i1 to i32
      %cond3A_173 = arith.constant 0 : i32
      %cond3A_174 = arith.cmpi ne, %convert_element_type3A_172, %cond3A_173 : i32
      scf.if %cond3A_174 {
        %dma_wait3A_191 = arith.constant 0 : i32
        %dma_wait3A_192 = arith.constant 0 : i32
        %dma_wait3A_193 = tpu.memref_slice %arg2[%dma_wait3A_191, %dma_wait3A_192] : memref<64x1000000xf32, #tpu.memory_space<hbm>> -> memref<64x128xf32, #tpu.memory_space<hbm>>
        %dma_wait3A_194 = arith.constant 0 : i32
        %dma_wait3A_195 = arith.constant 0 : i32
        %dma_wait3A_196 = tpu.memref_slice %arg2[%dma_wait3A_194, %dma_wait3A_195] : memref<64x1000000xf32, #tpu.memory_space<hbm>> -> memref<64x128xf32, #tpu.memory_space<hbm>>
        tpu.wait_dma2 semaphore(%arg22 : memref<!tpu.dma_semaphore, #tpu.memory_space<semaphore_mem>>) src(%dma_wait3A_196 : memref<64x128xf32, #tpu.memory_space<hbm>>) dst(%arg16 : memref<64x128xf32, #tpu.memory_space<vmem>>)
        %get3A_197 = arith.index_cast %add3A_170 : i32 to index
        %get3A_198 = tpu.vector_load %arg8[%get3A_197] {strides = array<i32>} : memref<656xi32, #tpu.memory_space<vmem>>, vector<16xi32>,
        %slice3A_199 = vector.extract_strided_slice %get3A_198 {offsets = [0], sizes = [1], strides = [1]} : vector<16xi32> to vector<1xi32>
        %squeeze3A_200 = vector.extract %slice3A_199[0] : i32 from vector<1xi32>
        %add3A_201 = arith.constant 1 : i32
        %add3A_202 = arith.addi %add3A_170, %add3A_201 : i32
        %get3A_203 = arith.index_cast %add3A_202 : i32 to index
        %get3A_204 = tpu.vector_load %arg8[%get3A_203] {strides = array<i32>} : memref<656xi32, #tpu.memory_space<vmem>>, vector<16xi32>,
        %slice3A_205 = vector.extract_strided_slice %get3A_204 {offsets = [0], sizes = [1], strides = [1]} : vector<16xi32> to vector<1xi32>
        %squeeze3A_206 = vector.extract %slice3A_205[0] : i32 from vector<1xi32>
        %while3A = arith.constant 0 : i32
        %while3A_207 = arith.subi %squeeze3A_206, %squeeze3A_200 : i32
        %while3A_208 = arith.addi %squeeze3A_200, %while3A_207 : i32
        %while3A_209 = arith.constant 1 : i32
        %while3A_210 = arith.divsi %while3A_207, %while3A_209 : i32
        %while3A_211 = arith.muli %while3A_210, %while3A_209 : i32
        %while3A_212 = arith.addi %squeeze3A_200, %while3A_211 : i32
        %while3A_213 = arith.constant 1 : i32
        scf.for %while3A_221 = %squeeze3A_200 to %while3A_212 step %while3A_213  : i32 {
          %get3A_222 = arith.index_cast %while3A_221 : i32 to index
          %get3A_223 = tpu.vector_load %arg9[%get3A_222] {strides = array<i32>} : memref<528xi32, #tpu.memory_space<vmem>>, vector<16xi32>,
          %slice3A_224 = vector.extract_strided_slice %get3A_223 {offsets = [0], sizes = [1], strides = [1]} : vector<16xi32> to vector<1xi32>
          %squeeze3A_225 = vector.extract %slice3A_224[0] : i32 from vector<1xi32>
          %and3A = arith.constant 127 : i32
          %and3A_226 = arith.andi %squeeze3A_225, %and3A : i32
          %broadcast_in_dim3A = vector.broadcast %and3A_226 : i32 to vector<16xi32>
          %gather3A = tpu.vector_load_idx %arg16[%add3A_47, %broadcast_in_dim3A] : memref<64x128xf32, #tpu.memory_space<vmem>>[vector<16xi32>, vector<16xi32>], vector<16xf32>,
          %swap3A = arith.index_cast %while3A_221 : i32 to index
          %swap3A_227 = arith.constant 0 : index
          %swap3A_228 = tpu.vector_load %arg12[%swap3A, %swap3A_227] {strides = array<i32>} : memref<512x128xf32, #tpu.memory_space<vmem>>, vector<16xf32>,
          tpu.vector_store %arg12[%swap3A, %swap3A_227], %gather3A {strides = array<i32>} : memref<512x128xf32, #tpu.memory_space<vmem>>, vector<16xf32>,
          %gather3A_229 = tpu.vector_load_idx %arg16[%add3A_51, %broadcast_in_dim3A] : memref<64x128xf32, #tpu.memory_space<vmem>>[vector<16xi32>, vector<16xi32>], vector<16xf32>,
          %swap3A_230 = arith.index_cast %while3A_221 : i32 to index
          %swap3A_231 = arith.constant 16 : index
          %swap3A_232 = tpu.vector_load %arg12[%swap3A_230, %swap3A_231] {strides = array<i32>} : memref<512x128xf32, #tpu.memory_space<vmem>>, vector<16xf32>,
          tpu.vector_store %arg12[%swap3A_230, %swap3A_231], %gather3A_229 {strides = array<i32>} : memref<512x128xf32, #tpu.memory_space<vmem>>, vector<16xf32>,
          %gather3A_233 = tpu.vector_load_idx %arg16[%add3A_55, %broadcast_in_dim3A] : memref<64x128xf32, #tpu.memory_space<vmem>>[vector<16xi32>, vector<16xi32>], vector<16xf32>,
          %swap3A_234 = arith.index_cast %while3A_221 : i32 to index
          %swap3A_235 = arith.constant 32 : index
          %swap3A_236 = tpu.vector_load %arg12[%swap3A_234, %swap3A_235] {strides = array<i32>} : memref<512x128xf32, #tpu.memory_space<vmem>>, vector<16xf32>,
          tpu.vector_store %arg12[%swap3A_234, %swap3A_235], %gather3A_233 {strides = array<i32>} : memref<512x128xf32, #tpu.memory_space<vmem>>, vector<16xf32>,
          %gather3A_237 = tpu.vector_load_idx %arg16[%add3A_59, %broadcast_in_dim3A] : memref<64x128xf32, #tpu.memory_space<vmem>>[vector<16xi32>, vector<16xi32>], vector<16xf32>,
          %swap3A_238 = arith.index_cast %while3A_221 : i32 to index
          %swap3A_239 = arith.constant 48 : index
          %swap3A_240 = tpu.vector_load %arg12[%swap3A_238, %swap3A_239] {strides = array<i32>} : memref<512x128xf32, #tpu.memory_space<vmem>>, vector<16xf32>,
          tpu.vector_store %arg12[%swap3A_238, %swap3A_239], %gather3A_237 {strides = array<i32>} : memref<512x128xf32, #tpu.memory_space<vmem>>, vector<16xf32>,
        }
        %while3A_214 = arith.constant 1 : i32
        scf.for %while3A_221 = %while3A_212 to %while3A_208 step %while3A_214  : i32 {
          %get3A_222 = arith.index_cast %while3A_221 : i32 to index
          %get3A_223 = tpu.vector_load %arg9[%get3A_222] {strides = array<i32>} : memref<528xi32, #tpu.memory_space<vmem>>, vector<16xi32>,
          %slice3A_224 = vector.extract_strided_slice %get3A_223 {offsets = [0], sizes = [1], strides = [1]} : vector<16xi32> to vector<1xi32>
          %squeeze3A_225 = vector.extract %slice3A_224[0] : i32 from vector<1xi32>
          %and3A = arith.constant 127 : i32
          %and3A_226 = arith.andi %squeeze3A_225, %and3A : i32
          %broadcast_in_dim3A = vector.broadcast %and3A_226 : i32 to vector<16xi32>
          %gather3A = tpu.vector_load_idx %arg16[%add3A_47, %broadcast_in_dim3A] : memref<64x128xf32, #tpu.memory_space<vmem>>[vector<16xi32>, vector<16xi32>], vector<16xf32>,
          %swap3A = arith.index_cast %while3A_221 : i32 to index
          %swap3A_227 = arith.constant 0 : index
          %swap3A_228 = tpu.vector_load %arg12[%swap3A, %swap3A_227] {strides = array<i32>} : memref<512x128xf32, #tpu.memory_space<vmem>>, vector<16xf32>,
          tpu.vector_store %arg12[%swap3A, %swap3A_227], %gather3A {strides = array<i32>} : memref<512x128xf32, #tpu.memory_space<vmem>>, vector<16xf32>,
          %gather3A_229 = tpu.vector_load_idx %arg16[%add3A_51, %broadcast_in_dim3A] : memref<64x128xf32, #tpu.memory_space<vmem>>[vector<16xi32>, vector<16xi32>], vector<16xf32>,
          %swap3A_230 = arith.index_cast %while3A_221 : i32 to index
          %swap3A_231 = arith.constant 16 : index
          %swap3A_232 = tpu.vector_load %arg12[%swap3A_230, %swap3A_231] {strides = array<i32>} : memref<512x128xf32, #tpu.memory_space<vmem>>, vector<16xf32>,
          tpu.vector_store %arg12[%swap3A_230, %swap3A_231], %gather3A_229 {strides = array<i32>} : memref<512x128xf32, #tpu.memory_space<vmem>>, vector<16xf32>,
          %gather3A_233 = tpu.vector_load_idx %arg16[%add3A_55, %broadcast_in_dim3A] : memref<64x128xf32, #tpu.memory_space<vmem>>[vector<16xi32>, vector<16xi32>], vector<16xf32>,
          %swap3A_234 = arith.index_cast %while3A_221 : i32 to index
          %swap3A_235 = arith.constant 32 : index
          %swap3A_236 = tpu.vector_load %arg12[%swap3A_234, %swap3A_235] {strides = array<i32>} : memref<512x128xf32, #tpu.memory_space<vmem>>, vector<16xf32>,
          tpu.vector_store %arg12[%swap3A_234, %swap3A_235], %gather3A_233 {strides = array<i32>} : memref<512x128xf32, #tpu.memory_space<vmem>>, vector<16xf32>,
          %gather3A_237 = tpu.vector_load_idx %arg16[%add3A_59, %broadcast_in_dim3A] : memref<64x128xf32, #tpu.memory_space<vmem>>[vector<16xi32>, vector<16xi32>], vector<16xf32>,
          %swap3A_238 = arith.index_cast %while3A_221 : i32 to index
          %swap3A_239 = arith.constant 48 : index
          %swap3A_240 = tpu.vector_load %arg12[%swap3A_238, %swap3A_239] {strides = array<i32>} : memref<512x128xf32, #tpu.memory_space<vmem>>, vector<16xf32>,
          tpu.vector_store %arg12[%swap3A_238, %swap3A_239], %gather3A_237 {strides = array<i32>} : memref<512x128xf32, #tpu.memory_space<vmem>>, vector<16xf32>,
        }
        %add3A_215 = arith.constant 6 : i32
        %add3A_216 = arith.addi %add3A_170, %add3A_215 : i32
        %lt3A_217 = arith.cmpi slt, %add3A_216, %squeeze3A : i32
        %convert_element_type3A_218 = arith.extui %lt3A_217 : i1 to i32
        %cond3A_219 = arith.constant 0 : i32
        %cond3A_220 = arith.cmpi ne, %convert_element_type3A_218, %cond3A_219 : i32
        scf.if %cond3A_220 {
          %add3A_221 = arith.constant 6 : i32
          %add3A_222 = arith.addi %add3A_170, %add3A_221 : i32
          %get3A_223 = arith.index_cast %add3A_222 : i32 to index
          %get3A_224 = tpu.vector_load %arg8[%get3A_223] {strides = array<i32>} : memref<656xi32, #tpu.memory_space<vmem>>, vector<16xi32>,
          %slice3A_225 = vector.extract_strided_slice %get3A_224 {offsets = [0], sizes = [1], strides = [1]} : vector<16xi32> to vector<1xi32>
          %squeeze3A_226 = vector.extract %slice3A_225[0] : i32 from vector<1xi32>
          %get3A_227 = arith.index_cast %squeeze3A_226 : i32 to index
          %get3A_228 = tpu.vector_load %arg9[%get3A_227] {strides = array<i32>} : memref<528xi32, #tpu.memory_space<vmem>>, vector<16xi32>,
          %slice3A_229 = vector.extract_strided_slice %get3A_228 {offsets = [0], sizes = [1], strides = [1]} : vector<16xi32> to vector<1xi32>
          %squeeze3A_230 = vector.extract %slice3A_229[0] : i32 from vector<1xi32>
          %shift_right_logical3A = arith.constant 7 : i32
          %shift_right_logical3A_231 = arith.shrui %squeeze3A_230, %shift_right_logical3A : i32
          %mul3A_232 = arith.constant 128 : i32
          %mul3A_233 = arith.muli %shift_right_logical3A_231, %mul3A_232 : i32
          %multiple_of3A_234 = tpu.assume_multiple %mul3A_233, 128 : i32
          %dma_start3A_235 = arith.constant 0 : i32
          %dma_start3A_236 = tpu.memref_slice %arg2[%dma_start3A_235, %multiple_of3A_234] : memref<64x1000000xf32, #tpu.memory_space<hbm>> -> memref<64x128xf32, #tpu.memory_space<hbm>>
          %dma_start3A_237 = arith.constant 0 : i32
          %dma_start3A_238 = tpu.memref_slice %arg2[%dma_start3A_237, %multiple_of3A_234] : memref<64x1000000xf32, #tpu.memory_space<hbm>> -> memref<64x128xf32, #tpu.memory_space<hbm>>
          tpu.enqueue_dma source(%dma_start3A_238 : memref<64x128xf32, #tpu.memory_space<hbm>>) target(%arg16 : memref<64x128xf32, #tpu.memory_space<vmem>>) target_semaphore(%arg22 : memref<!tpu.dma_semaphore, #tpu.memory_space<semaphore_mem>>)
        } else {
        }
      } else {
      }
      %mul3A_175 = arith.constant 6 : i32
      %mul3A_176 = arith.muli %scan3A_143, %mul3A_175 : i32
      %add3A_177 = arith.constant 4 : i32
      %add3A_178 = arith.addi %mul3A_176, %add3A_177 : i32
      %lt3A_179 = arith.cmpi slt, %add3A_178, %squeeze3A : i32
      %convert_element_type3A_180 = arith.extui %lt3A_179 : i1 to i32
      %cond3A_181 = arith.constant 0 : i32
      %cond3A_182 = arith.cmpi ne, %convert_element_type3A_180, %cond3A_181 : i32
      scf.if %cond3A_182 {
        %dma_wait3A_191 = arith.constant 0 : i32
        %dma_wait3A_192 = arith.constant 0 : i32
        %dma_wait3A_193 = tpu.memref_slice %arg2[%dma_wait3A_191, %dma_wait3A_192] : memref<64x1000000xf32, #tpu.memory_space<hbm>> -> memref<64x128xf32, #tpu.memory_space<hbm>>
        %dma_wait3A_194 = arith.constant 0 : i32
        %dma_wait3A_195 = arith.constant 0 : i32
        %dma_wait3A_196 = tpu.memref_slice %arg2[%dma_wait3A_194, %dma_wait3A_195] : memref<64x1000000xf32, #tpu.memory_space<hbm>> -> memref<64x128xf32, #tpu.memory_space<hbm>>
        tpu.wait_dma2 semaphore(%arg23 : memref<!tpu.dma_semaphore, #tpu.memory_space<semaphore_mem>>) src(%dma_wait3A_196 : memref<64x128xf32, #tpu.memory_space<hbm>>) dst(%arg17 : memref<64x128xf32, #tpu.memory_space<vmem>>)
        %get3A_197 = arith.index_cast %add3A_178 : i32 to index
        %get3A_198 = tpu.vector_load %arg8[%get3A_197] {strides = array<i32>} : memref<656xi32, #tpu.memory_space<vmem>>, vector<16xi32>,
        %slice3A_199 = vector.extract_strided_slice %get3A_198 {offsets = [0], sizes = [1], strides = [1]} : vector<16xi32> to vector<1xi32>
        %squeeze3A_200 = vector.extract %slice3A_199[0] : i32 from vector<1xi32>
        %add3A_201 = arith.constant 1 : i32
        %add3A_202 = arith.addi %add3A_178, %add3A_201 : i32
        %get3A_203 = arith.index_cast %add3A_202 : i32 to index
        %get3A_204 = tpu.vector_load %arg8[%get3A_203] {strides = array<i32>} : memref<656xi32, #tpu.memory_space<vmem>>, vector<16xi32>,
        %slice3A_205 = vector.extract_strided_slice %get3A_204 {offsets = [0], sizes = [1], strides = [1]} : vector<16xi32> to vector<1xi32>
        %squeeze3A_206 = vector.extract %slice3A_205[0] : i32 from vector<1xi32>
        %while3A = arith.constant 0 : i32
        %while3A_207 = arith.subi %squeeze3A_206, %squeeze3A_200 : i32
        %while3A_208 = arith.addi %squeeze3A_200, %while3A_207 : i32
        %while3A_209 = arith.constant 1 : i32
        %while3A_210 = arith.divsi %while3A_207, %while3A_209 : i32
        %while3A_211 = arith.muli %while3A_210, %while3A_209 : i32
        %while3A_212 = arith.addi %squeeze3A_200, %while3A_211 : i32
        %while3A_213 = arith.constant 1 : i32
        scf.for %while3A_221 = %squeeze3A_200 to %while3A_212 step %while3A_213  : i32 {
          %get3A_222 = arith.index_cast %while3A_221 : i32 to index
          %get3A_223 = tpu.vector_load %arg9[%get3A_222] {strides = array<i32>} : memref<528xi32, #tpu.memory_space<vmem>>, vector<16xi32>,
          %slice3A_224 = vector.extract_strided_slice %get3A_223 {offsets = [0], sizes = [1], strides = [1]} : vector<16xi32> to vector<1xi32>
          %squeeze3A_225 = vector.extract %slice3A_224[0] : i32 from vector<1xi32>
          %and3A = arith.constant 127 : i32
          %and3A_226 = arith.andi %squeeze3A_225, %and3A : i32
          %broadcast_in_dim3A = vector.broadcast %and3A_226 : i32 to vector<16xi32>
          %gather3A = tpu.vector_load_idx %arg17[%add3A_47, %broadcast_in_dim3A] : memref<64x128xf32, #tpu.memory_space<vmem>>[vector<16xi32>, vector<16xi32>], vector<16xf32>,
          %swap3A = arith.index_cast %while3A_221 : i32 to index
          %swap3A_227 = arith.constant 0 : index
          %swap3A_228 = tpu.vector_load %arg12[%swap3A, %swap3A_227] {strides = array<i32>} : memref<512x128xf32, #tpu.memory_space<vmem>>, vector<16xf32>,
          tpu.vector_store %arg12[%swap3A, %swap3A_227], %gather3A {strides = array<i32>} : memref<512x128xf32, #tpu.memory_space<vmem>>, vector<16xf32>,
          %gather3A_229 = tpu.vector_load_idx %arg17[%add3A_51, %broadcast_in_dim3A] : memref<64x128xf32, #tpu.memory_space<vmem>>[vector<16xi32>, vector<16xi32>], vector<16xf32>,
          %swap3A_230 = arith.index_cast %while3A_221 : i32 to index
          %swap3A_231 = arith.constant 16 : index
          %swap3A_232 = tpu.vector_load %arg12[%swap3A_230, %swap3A_231] {strides = array<i32>} : memref<512x128xf32, #tpu.memory_space<vmem>>, vector<16xf32>,
          tpu.vector_store %arg12[%swap3A_230, %swap3A_231], %gather3A_229 {strides = array<i32>} : memref<512x128xf32, #tpu.memory_space<vmem>>, vector<16xf32>,
          %gather3A_233 = tpu.vector_load_idx %arg17[%add3A_55, %broadcast_in_dim3A] : memref<64x128xf32, #tpu.memory_space<vmem>>[vector<16xi32>, vector<16xi32>], vector<16xf32>,
          %swap3A_234 = arith.index_cast %while3A_221 : i32 to index
          %swap3A_235 = arith.constant 32 : index
          %swap3A_236 = tpu.vector_load %arg12[%swap3A_234, %swap3A_235] {strides = array<i32>} : memref<512x128xf32, #tpu.memory_space<vmem>>, vector<16xf32>,
          tpu.vector_store %arg12[%swap3A_234, %swap3A_235], %gather3A_233 {strides = array<i32>} : memref<512x128xf32, #tpu.memory_space<vmem>>, vector<16xf32>,
          %gather3A_237 = tpu.vector_load_idx %arg17[%add3A_59, %broadcast_in_dim3A] : memref<64x128xf32, #tpu.memory_space<vmem>>[vector<16xi32>, vector<16xi32>], vector<16xf32>,
          %swap3A_238 = arith.index_cast %while3A_221 : i32 to index
          %swap3A_239 = arith.constant 48 : index
          %swap3A_240 = tpu.vector_load %arg12[%swap3A_238, %swap3A_239] {strides = array<i32>} : memref<512x128xf32, #tpu.memory_space<vmem>>, vector<16xf32>,
          tpu.vector_store %arg12[%swap3A_238, %swap3A_239], %gather3A_237 {strides = array<i32>} : memref<512x128xf32, #tpu.memory_space<vmem>>, vector<16xf32>,
        }
        %while3A_214 = arith.constant 1 : i32
        scf.for %while3A_221 = %while3A_212 to %while3A_208 step %while3A_214  : i32 {
          %get3A_222 = arith.index_cast %while3A_221 : i32 to index
          %get3A_223 = tpu.vector_load %arg9[%get3A_222] {strides = array<i32>} : memref<528xi32, #tpu.memory_space<vmem>>, vector<16xi32>,
          %slice3A_224 = vector.extract_strided_slice %get3A_223 {offsets = [0], sizes = [1], strides = [1]} : vector<16xi32> to vector<1xi32>
          %squeeze3A_225 = vector.extract %slice3A_224[0] : i32 from vector<1xi32>
          %and3A = arith.constant 127 : i32
          %and3A_226 = arith.andi %squeeze3A_225, %and3A : i32
          %broadcast_in_dim3A = vector.broadcast %and3A_226 : i32 to vector<16xi32>
          %gather3A = tpu.vector_load_idx %arg17[%add3A_47, %broadcast_in_dim3A] : memref<64x128xf32, #tpu.memory_space<vmem>>[vector<16xi32>, vector<16xi32>], vector<16xf32>,
          %swap3A = arith.index_cast %while3A_221 : i32 to index
          %swap3A_227 = arith.constant 0 : index
          %swap3A_228 = tpu.vector_load %arg12[%swap3A, %swap3A_227] {strides = array<i32>} : memref<512x128xf32, #tpu.memory_space<vmem>>, vector<16xf32>,
          tpu.vector_store %arg12[%swap3A, %swap3A_227], %gather3A {strides = array<i32>} : memref<512x128xf32, #tpu.memory_space<vmem>>, vector<16xf32>,
          %gather3A_229 = tpu.vector_load_idx %arg17[%add3A_51, %broadcast_in_dim3A] : memref<64x128xf32, #tpu.memory_space<vmem>>[vector<16xi32>, vector<16xi32>], vector<16xf32>,
          %swap3A_230 = arith.index_cast %while3A_221 : i32 to index
          %swap3A_231 = arith.constant 16 : index
          %swap3A_232 = tpu.vector_load %arg12[%swap3A_230, %swap3A_231] {strides = array<i32>} : memref<512x128xf32, #tpu.memory_space<vmem>>, vector<16xf32>,
          tpu.vector_store %arg12[%swap3A_230, %swap3A_231], %gather3A_229 {strides = array<i32>} : memref<512x128xf32, #tpu.memory_space<vmem>>, vector<16xf32>,
          %gather3A_233 = tpu.vector_load_idx %arg17[%add3A_55, %broadcast_in_dim3A] : memref<64x128xf32, #tpu.memory_space<vmem>>[vector<16xi32>, vector<16xi32>], vector<16xf32>,
          %swap3A_234 = arith.index_cast %while3A_221 : i32 to index
          %swap3A_235 = arith.constant 32 : index
          %swap3A_236 = tpu.vector_load %arg12[%swap3A_234, %swap3A_235] {strides = array<i32>} : memref<512x128xf32, #tpu.memory_space<vmem>>, vector<16xf32>,
          tpu.vector_store %arg12[%swap3A_234, %swap3A_235], %gather3A_233 {strides = array<i32>} : memref<512x128xf32, #tpu.memory_space<vmem>>, vector<16xf32>,
          %gather3A_237 = tpu.vector_load_idx %arg17[%add3A_59, %broadcast_in_dim3A] : memref<64x128xf32, #tpu.memory_space<vmem>>[vector<16xi32>, vector<16xi32>], vector<16xf32>,
          %swap3A_238 = arith.index_cast %while3A_221 : i32 to index
          %swap3A_239 = arith.constant 48 : index
          %swap3A_240 = tpu.vector_load %arg12[%swap3A_238, %swap3A_239] {strides = array<i32>} : memref<512x128xf32, #tpu.memory_space<vmem>>, vector<16xf32>,
          tpu.vector_store %arg12[%swap3A_238, %swap3A_239], %gather3A_237 {strides = array<i32>} : memref<512x128xf32, #tpu.memory_space<vmem>>, vector<16xf32>,
        }
        %add3A_215 = arith.constant 6 : i32
        %add3A_216 = arith.addi %add3A_178, %add3A_215 : i32
        %lt3A_217 = arith.cmpi slt, %add3A_216, %squeeze3A : i32
        %convert_element_type3A_218 = arith.extui %lt3A_217 : i1 to i32
        %cond3A_219 = arith.constant 0 : i32
        %cond3A_220 = arith.cmpi ne, %convert_element_type3A_218, %cond3A_219 : i32
        scf.if %cond3A_220 {
          %add3A_221 = arith.constant 6 : i32
          %add3A_222 = arith.addi %add3A_178, %add3A_221 : i32
          %get3A_223 = arith.index_cast %add3A_222 : i32 to index
          %get3A_224 = tpu.vector_load %arg8[%get3A_223] {strides = array<i32>} : memref<656xi32, #tpu.memory_space<vmem>>, vector<16xi32>,
          %slice3A_225 = vector.extract_strided_slice %get3A_224 {offsets = [0], sizes = [1], strides = [1]} : vector<16xi32> to vector<1xi32>
          %squeeze3A_226 = vector.extract %slice3A_225[0] : i32 from vector<1xi32>
          %get3A_227 = arith.index_cast %squeeze3A_226 : i32 to index
          %get3A_228 = tpu.vector_load %arg9[%get3A_227] {strides = array<i32>} : memref<528xi32, #tpu.memory_space<vmem>>, vector<16xi32>,
          %slice3A_229 = vector.extract_strided_slice %get3A_228 {offsets = [0], sizes = [1], strides = [1]} : vector<16xi32> to vector<1xi32>
          %squeeze3A_230 = vector.extract %slice3A_229[0] : i32 from vector<1xi32>
          %shift_right_logical3A = arith.constant 7 : i32
          %shift_right_logical3A_231 = arith.shrui %squeeze3A_230, %shift_right_logical3A : i32
          %mul3A_232 = arith.constant 128 : i32
          %mul3A_233 = arith.muli %shift_right_logical3A_231, %mul3A_232 : i32
          %multiple_of3A_234 = tpu.assume_multiple %mul3A_233, 128 : i32
          %dma_start3A_235 = arith.constant 0 : i32
          %dma_start3A_236 = tpu.memref_slice %arg2[%dma_start3A_235, %multiple_of3A_234] : memref<64x1000000xf32, #tpu.memory_space<hbm>> -> memref<64x128xf32, #tpu.memory_space<hbm>>
          %dma_start3A_237 = arith.constant 0 : i32
          %dma_start3A_238 = tpu.memref_slice %arg2[%dma_start3A_237, %multiple_of3A_234] : memref<64x1000000xf32, #tpu.memory_space<hbm>> -> memref<64x128xf32, #tpu.memory_space<hbm>>
          tpu.enqueue_dma source(%dma_start3A_238 : memref<64x128xf32, #tpu.memory_space<hbm>>) target(%arg17 : memref<64x128xf32, #tpu.memory_space<vmem>>) target_semaphore(%arg23 : memref<!tpu.dma_semaphore, #tpu.memory_space<semaphore_mem>>)
        } else {
        }
      } else {
      }
      %mul3A_183 = arith.constant 6 : i32
      %mul3A_184 = arith.muli %scan3A_143, %mul3A_183 : i32
      %add3A_185 = arith.constant 5 : i32
      %add3A_186 = arith.addi %mul3A_184, %add3A_185 : i32
      %lt3A_187 = arith.cmpi slt, %add3A_186, %squeeze3A : i32
      %convert_element_type3A_188 = arith.extui %lt3A_187 : i1 to i32
      %cond3A_189 = arith.constant 0 : i32
      %cond3A_190 = arith.cmpi ne, %convert_element_type3A_188, %cond3A_189 : i32
      scf.if %cond3A_190 {
        %dma_wait3A_191 = arith.constant 0 : i32
        %dma_wait3A_192 = arith.constant 0 : i32
        %dma_wait3A_193 = tpu.memref_slice %arg2[%dma_wait3A_191, %dma_wait3A_192] : memref<64x1000000xf32, #tpu.memory_space<hbm>> -> memref<64x128xf32, #tpu.memory_space<hbm>>
        %dma_wait3A_194 = arith.constant 0 : i32
        %dma_wait3A_195 = arith.constant 0 : i32
        %dma_wait3A_196 = tpu.memref_slice %arg2[%dma_wait3A_194, %dma_wait3A_195] : memref<64x1000000xf32, #tpu.memory_space<hbm>> -> memref<64x128xf32, #tpu.memory_space<hbm>>
        tpu.wait_dma2 semaphore(%arg24 : memref<!tpu.dma_semaphore, #tpu.memory_space<semaphore_mem>>) src(%dma_wait3A_196 : memref<64x128xf32, #tpu.memory_space<hbm>>) dst(%arg18 : memref<64x128xf32, #tpu.memory_space<vmem>>)
        %get3A_197 = arith.index_cast %add3A_186 : i32 to index
        %get3A_198 = tpu.vector_load %arg8[%get3A_197] {strides = array<i32>} : memref<656xi32, #tpu.memory_space<vmem>>, vector<16xi32>,
        %slice3A_199 = vector.extract_strided_slice %get3A_198 {offsets = [0], sizes = [1], strides = [1]} : vector<16xi32> to vector<1xi32>
        %squeeze3A_200 = vector.extract %slice3A_199[0] : i32 from vector<1xi32>
        %add3A_201 = arith.constant 1 : i32
        %add3A_202 = arith.addi %add3A_186, %add3A_201 : i32
        %get3A_203 = arith.index_cast %add3A_202 : i32 to index
        %get3A_204 = tpu.vector_load %arg8[%get3A_203] {strides = array<i32>} : memref<656xi32, #tpu.memory_space<vmem>>, vector<16xi32>,
        %slice3A_205 = vector.extract_strided_slice %get3A_204 {offsets = [0], sizes = [1], strides = [1]} : vector<16xi32> to vector<1xi32>
        %squeeze3A_206 = vector.extract %slice3A_205[0] : i32 from vector<1xi32>
        %while3A = arith.constant 0 : i32
        %while3A_207 = arith.subi %squeeze3A_206, %squeeze3A_200 : i32
        %while3A_208 = arith.addi %squeeze3A_200, %while3A_207 : i32
        %while3A_209 = arith.constant 1 : i32
        %while3A_210 = arith.divsi %while3A_207, %while3A_209 : i32
        %while3A_211 = arith.muli %while3A_210, %while3A_209 : i32
        %while3A_212 = arith.addi %squeeze3A_200, %while3A_211 : i32
        %while3A_213 = arith.constant 1 : i32
        scf.for %while3A_221 = %squeeze3A_200 to %while3A_212 step %while3A_213  : i32 {
          %get3A_222 = arith.index_cast %while3A_221 : i32 to index
          %get3A_223 = tpu.vector_load %arg9[%get3A_222] {strides = array<i32>} : memref<528xi32, #tpu.memory_space<vmem>>, vector<16xi32>,
          %slice3A_224 = vector.extract_strided_slice %get3A_223 {offsets = [0], sizes = [1], strides = [1]} : vector<16xi32> to vector<1xi32>
          %squeeze3A_225 = vector.extract %slice3A_224[0] : i32 from vector<1xi32>
          %and3A = arith.constant 127 : i32
          %and3A_226 = arith.andi %squeeze3A_225, %and3A : i32
          %broadcast_in_dim3A = vector.broadcast %and3A_226 : i32 to vector<16xi32>
          %gather3A = tpu.vector_load_idx %arg18[%add3A_47, %broadcast_in_dim3A] : memref<64x128xf32, #tpu.memory_space<vmem>>[vector<16xi32>, vector<16xi32>], vector<16xf32>,
          %swap3A = arith.index_cast %while3A_221 : i32 to index
          %swap3A_227 = arith.constant 0 : index
          %swap3A_228 = tpu.vector_load %arg12[%swap3A, %swap3A_227] {strides = array<i32>} : memref<512x128xf32, #tpu.memory_space<vmem>>, vector<16xf32>,
          tpu.vector_store %arg12[%swap3A, %swap3A_227], %gather3A {strides = array<i32>} : memref<512x128xf32, #tpu.memory_space<vmem>>, vector<16xf32>,
          %gather3A_229 = tpu.vector_load_idx %arg18[%add3A_51, %broadcast_in_dim3A] : memref<64x128xf32, #tpu.memory_space<vmem>>[vector<16xi32>, vector<16xi32>], vector<16xf32>,
          %swap3A_230 = arith.index_cast %while3A_221 : i32 to index
          %swap3A_231 = arith.constant 16 : index
          %swap3A_232 = tpu.vector_load %arg12[%swap3A_230, %swap3A_231] {strides = array<i32>} : memref<512x128xf32, #tpu.memory_space<vmem>>, vector<16xf32>,
          tpu.vector_store %arg12[%swap3A_230, %swap3A_231], %gather3A_229 {strides = array<i32>} : memref<512x128xf32, #tpu.memory_space<vmem>>, vector<16xf32>,
          %gather3A_233 = tpu.vector_load_idx %arg18[%add3A_55, %broadcast_in_dim3A] : memref<64x128xf32, #tpu.memory_space<vmem>>[vector<16xi32>, vector<16xi32>], vector<16xf32>,
          %swap3A_234 = arith.index_cast %while3A_221 : i32 to index
          %swap3A_235 = arith.constant 32 : index
          %swap3A_236 = tpu.vector_load %arg12[%swap3A_234, %swap3A_235] {strides = array<i32>} : memref<512x128xf32, #tpu.memory_space<vmem>>, vector<16xf32>,
          tpu.vector_store %arg12[%swap3A_234, %swap3A_235], %gather3A_233 {strides = array<i32>} : memref<512x128xf32, #tpu.memory_space<vmem>>, vector<16xf32>,
          %gather3A_237 = tpu.vector_load_idx %arg18[%add3A_59, %broadcast_in_dim3A] : memref<64x128xf32, #tpu.memory_space<vmem>>[vector<16xi32>, vector<16xi32>], vector<16xf32>,
          %swap3A_238 = arith.index_cast %while3A_221 : i32 to index
          %swap3A_239 = arith.constant 48 : index
          %swap3A_240 = tpu.vector_load %arg12[%swap3A_238, %swap3A_239] {strides = array<i32>} : memref<512x128xf32, #tpu.memory_space<vmem>>, vector<16xf32>,
          tpu.vector_store %arg12[%swap3A_238, %swap3A_239], %gather3A_237 {strides = array<i32>} : memref<512x128xf32, #tpu.memory_space<vmem>>, vector<16xf32>,
        }
        %while3A_214 = arith.constant 1 : i32
        scf.for %while3A_221 = %while3A_212 to %while3A_208 step %while3A_214  : i32 {
          %get3A_222 = arith.index_cast %while3A_221 : i32 to index
          %get3A_223 = tpu.vector_load %arg9[%get3A_222] {strides = array<i32>} : memref<528xi32, #tpu.memory_space<vmem>>, vector<16xi32>,
          %slice3A_224 = vector.extract_strided_slice %get3A_223 {offsets = [0], sizes = [1], strides = [1]} : vector<16xi32> to vector<1xi32>
          %squeeze3A_225 = vector.extract %slice3A_224[0] : i32 from vector<1xi32>
          %and3A = arith.constant 127 : i32
          %and3A_226 = arith.andi %squeeze3A_225, %and3A : i32
          %broadcast_in_dim3A = vector.broadcast %and3A_226 : i32 to vector<16xi32>
          %gather3A = tpu.vector_load_idx %arg18[%add3A_47, %broadcast_in_dim3A] : memref<64x128xf32, #tpu.memory_space<vmem>>[vector<16xi32>, vector<16xi32>], vector<16xf32>,
          %swap3A = arith.index_cast %while3A_221 : i32 to index
          %swap3A_227 = arith.constant 0 : index
          %swap3A_228 = tpu.vector_load %arg12[%swap3A, %swap3A_227] {strides = array<i32>} : memref<512x128xf32, #tpu.memory_space<vmem>>, vector<16xf32>,
          tpu.vector_store %arg12[%swap3A, %swap3A_227], %gather3A {strides = array<i32>} : memref<512x128xf32, #tpu.memory_space<vmem>>, vector<16xf32>,
          %gather3A_229 = tpu.vector_load_idx %arg18[%add3A_51, %broadcast_in_dim3A] : memref<64x128xf32, #tpu.memory_space<vmem>>[vector<16xi32>, vector<16xi32>], vector<16xf32>,
          %swap3A_230 = arith.index_cast %while3A_221 : i32 to index
          %swap3A_231 = arith.constant 16 : index
          %swap3A_232 = tpu.vector_load %arg12[%swap3A_230, %swap3A_231] {strides = array<i32>} : memref<512x128xf32, #tpu.memory_space<vmem>>, vector<16xf32>,
          tpu.vector_store %arg12[%swap3A_230, %swap3A_231], %gather3A_229 {strides = array<i32>} : memref<512x128xf32, #tpu.memory_space<vmem>>, vector<16xf32>,
          %gather3A_233 = tpu.vector_load_idx %arg18[%add3A_55, %broadcast_in_dim3A] : memref<64x128xf32, #tpu.memory_space<vmem>>[vector<16xi32>, vector<16xi32>], vector<16xf32>,
          %swap3A_234 = arith.index_cast %while3A_221 : i32 to index
          %swap3A_235 = arith.constant 32 : index
          %swap3A_236 = tpu.vector_load %arg12[%swap3A_234, %swap3A_235] {strides = array<i32>} : memref<512x128xf32, #tpu.memory_space<vmem>>, vector<16xf32>,
          tpu.vector_store %arg12[%swap3A_234, %swap3A_235], %gather3A_233 {strides = array<i32>} : memref<512x128xf32, #tpu.memory_space<vmem>>, vector<16xf32>,
          %gather3A_237 = tpu.vector_load_idx %arg18[%add3A_59, %broadcast_in_dim3A] : memref<64x128xf32, #tpu.memory_space<vmem>>[vector<16xi32>, vector<16xi32>], vector<16xf32>,
          %swap3A_238 = arith.index_cast %while3A_221 : i32 to index
          %swap3A_239 = arith.constant 48 : index
          %swap3A_240 = tpu.vector_load %arg12[%swap3A_238, %swap3A_239] {strides = array<i32>} : memref<512x128xf32, #tpu.memory_space<vmem>>, vector<16xf32>,
          tpu.vector_store %arg12[%swap3A_238, %swap3A_239], %gather3A_237 {strides = array<i32>} : memref<512x128xf32, #tpu.memory_space<vmem>>, vector<16xf32>,
        }
        %add3A_215 = arith.constant 6 : i32
        %add3A_216 = arith.addi %add3A_186, %add3A_215 : i32
        %lt3A_217 = arith.cmpi slt, %add3A_216, %squeeze3A : i32
        %convert_element_type3A_218 = arith.extui %lt3A_217 : i1 to i32
        %cond3A_219 = arith.constant 0 : i32
        %cond3A_220 = arith.cmpi ne, %convert_element_type3A_218, %cond3A_219 : i32
        scf.if %cond3A_220 {
          %add3A_221 = arith.constant 6 : i32
          %add3A_222 = arith.addi %add3A_186, %add3A_221 : i32
          %get3A_223 = arith.index_cast %add3A_222 : i32 to index
          %get3A_224 = tpu.vector_load %arg8[%get3A_223] {strides = array<i32>} : memref<656xi32, #tpu.memory_space<vmem>>, vector<16xi32>,
          %slice3A_225 = vector.extract_strided_slice %get3A_224 {offsets = [0], sizes = [1], strides = [1]} : vector<16xi32> to vector<1xi32>
          %squeeze3A_226 = vector.extract %slice3A_225[0] : i32 from vector<1xi32>
          %get3A_227 = arith.index_cast %squeeze3A_226 : i32 to index
          %get3A_228 = tpu.vector_load %arg9[%get3A_227] {strides = array<i32>} : memref<528xi32, #tpu.memory_space<vmem>>, vector<16xi32>,
          %slice3A_229 = vector.extract_strided_slice %get3A_228 {offsets = [0], sizes = [1], strides = [1]} : vector<16xi32> to vector<1xi32>
          %squeeze3A_230 = vector.extract %slice3A_229[0] : i32 from vector<1xi32>
          %shift_right_logical3A = arith.constant 7 : i32
          %shift_right_logical3A_231 = arith.shrui %squeeze3A_230, %shift_right_logical3A : i32
          %mul3A_232 = arith.constant 128 : i32
          %mul3A_233 = arith.muli %shift_right_logical3A_231, %mul3A_232 : i32
          %multiple_of3A_234 = tpu.assume_multiple %mul3A_233, 128 : i32
          %dma_start3A_235 = arith.constant 0 : i32
          %dma_start3A_236 = tpu.memref_slice %arg2[%dma_start3A_235, %multiple_of3A_234] : memref<64x1000000xf32, #tpu.memory_space<hbm>> -> memref<64x128xf32, #tpu.memory_space<hbm>>
          %dma_start3A_237 = arith.constant 0 : i32
          %dma_start3A_238 = tpu.memref_slice %arg2[%dma_start3A_237, %multiple_of3A_234] : memref<64x1000000xf32, #tpu.memory_space<hbm>> -> memref<64x128xf32, #tpu.memory_space<hbm>>
          tpu.enqueue_dma source(%dma_start3A_238 : memref<64x128xf32, #tpu.memory_space<hbm>>) target(%arg18 : memref<64x128xf32, #tpu.memory_space<vmem>>) target_semaphore(%arg24 : memref<!tpu.dma_semaphore, #tpu.memory_space<semaphore_mem>>)
        } else {
        }
      } else {
      }
    }
    %scan3A_64 = arith.constant 106 : i32
    %dma_start3A = arith.constant 0 : i32
    %dma_start3A_65 = arith.constant 0 : i32
    %dma_start3A_66 = arith.constant 0 : i32
    %dma_start3A_67 = tpu.memref_slice %arg12[%dma_start3A_65, %dma_start3A_66] : memref<512x128xf32, #tpu.memory_space<vmem>> -> memref<128x128xf32, #tpu.memory_space<vmem>>
    %dma_start3A_68 = arith.constant 0 : i32
    %dma_start3A_69 = tpu.memref_slice %arg11[%dma_start3A, %dma_start3A_68] : memref<4x128xi32, #tpu.memory_space<vmem>> -> memref<1x128xi32, #tpu.memory_space<vmem>>
    %dma_start3A_70 = tpu.memref_squeeze %dma_start3A_69 : memref<1x128xi32, #tpu.memory_space<vmem>> -> memref<128xi32, #tpu.memory_space<vmem>>
    %dma_start3A_71 = arith.constant 0 : i32
    %dma_start3A_72 = arith.constant 0 : i32
    %dma_start3A_73 = tpu.memref_slice %arg7[%dma_start3A_71, %dma_start3A_72] : memref<16384x128xf32, #tpu.memory_space<hbm>> -> memref<16384x128xf32, #tpu.memory_space<hbm>>
    tpu.enqueue_indirect_dma source(%dma_start3A_67 : memref<128x128xf32, #tpu.memory_space<vmem>>) target(%dma_start3A_73 : memref<16384x128xf32, #tpu.memory_space<hbm>>) offsets(%dma_start3A_70 : memref<128xi32, #tpu.memory_space<vmem>>) semaphore(%arg25 : memref<!tpu.dma_semaphore, #tpu.memory_space<semaphore_mem>>)
    %dma_start3A_74 = arith.constant 1 : i32
    %dma_start3A_75 = arith.constant 128 : i32
    %dma_start3A_76 = arith.constant 0 : i32
    %dma_start3A_77 = tpu.memref_slice %arg12[%dma_start3A_75, %dma_start3A_76] : memref<512x128xf32, #tpu.memory_space<vmem>> -> memref<128x128xf32, #tpu.memory_space<vmem>>
    %dma_start3A_78 = arith.constant 0 : i32
    %dma_start3A_79 = tpu.memref_slice %arg11[%dma_start3A_74, %dma_start3A_78] : memref<4x128xi32, #tpu.memory_space<vmem>> -> memref<1x128xi32, #tpu.memory_space<vmem>>
    %dma_start3A_80 = tpu.memref_squeeze %dma_start3A_79 : memref<1x128xi32, #tpu.memory_space<vmem>> -> memref<128xi32, #tpu.memory_space<vmem>>
    %dma_start3A_81 = arith.constant 0 : i32
    %dma_start3A_82 = arith.constant 0 : i32
    %dma_start3A_83 = tpu.memref_slice %arg7[%dma_start3A_81, %dma_start3A_82] : memref<16384x128xf32, #tpu.memory_space<hbm>> -> memref<16384x128xf32, #tpu.memory_space<hbm>>
    tpu.enqueue_indirect_dma source(%dma_start3A_77 : memref<128x128xf32, #tpu.memory_space<vmem>>) target(%dma_start3A_83 : memref<16384x128xf32, #tpu.memory_space<hbm>>) offsets(%dma_start3A_80 : memref<128xi32, #tpu.memory_space<vmem>>) semaphore(%arg25 : memref<!tpu.dma_semaphore, #tpu.memory_space<semaphore_mem>>)
    %dma_start3A_84 = arith.constant 2 : i32
    %dma_start3A_85 = arith.constant 256 : i32
    %dma_start3A_86 = arith.constant 0 : i32
    %dma_start3A_87 = tpu.memref_slice %arg12[%dma_start3A_85, %dma_start3A_86] : memref<512x128xf32, #tpu.memory_space<vmem>> -> memref<128x128xf32, #tpu.memory_space<vmem>>
    %dma_start3A_88 = arith.constant 0 : i32
    %dma_start3A_89 = tpu.memref_slice %arg11[%dma_start3A_84, %dma_start3A_88] : memref<4x128xi32, #tpu.memory_space<vmem>> -> memref<1x128xi32, #tpu.memory_space<vmem>>
    %dma_start3A_90 = tpu.memref_squeeze %dma_start3A_89 : memref<1x128xi32, #tpu.memory_space<vmem>> -> memref<128xi32, #tpu.memory_space<vmem>>
    %dma_start3A_91 = arith.constant 0 : i32
    %dma_start3A_92 = arith.constant 0 : i32
    %dma_start3A_93 = tpu.memref_slice %arg7[%dma_start3A_91, %dma_start3A_92] : memref<16384x128xf32, #tpu.memory_space<hbm>> -> memref<16384x128xf32, #tpu.memory_space<hbm>>
    tpu.enqueue_indirect_dma source(%dma_start3A_87 : memref<128x128xf32, #tpu.memory_space<vmem>>) target(%dma_start3A_93 : memref<16384x128xf32, #tpu.memory_space<hbm>>) offsets(%dma_start3A_90 : memref<128xi32, #tpu.memory_space<vmem>>) semaphore(%arg25 : memref<!tpu.dma_semaphore, #tpu.memory_space<semaphore_mem>>)
    %dma_start3A_94 = arith.constant 3 : i32
    %dma_start3A_95 = arith.constant 384 : i32
    %dma_start3A_96 = arith.constant 0 : i32
    %dma_start3A_97 = tpu.memref_slice %arg12[%dma_start3A_95, %dma_start3A_96] : memref<512x128xf32, #tpu.memory_space<vmem>> -> memref<128x128xf32, #tpu.memory_space<vmem>>
    %dma_start3A_98 = arith.constant 0 : i32
    %dma_start3A_99 = tpu.memref_slice %arg11[%dma_start3A_94, %dma_start3A_98] : memref<4x128xi32, #tpu.memory_space<vmem>> -> memref<1x128xi32, #tpu.memory_space<vmem>>
    %dma_start3A_100 = tpu.memref_squeeze %dma_start3A_99 : memref<1x128xi32, #tpu.memory_space<vmem>> -> memref<128xi32, #tpu.memory_space<vmem>>
    %dma_start3A_101 = arith.constant 0 : i32
    %dma_start3A_102 = arith.constant 0 : i32
    %dma_start3A_103 = tpu.memref_slice %arg7[%dma_start3A_101, %dma_start3A_102] : memref<16384x128xf32, #tpu.memory_space<hbm>> -> memref<16384x128xf32, #tpu.memory_space<hbm>>
    tpu.enqueue_indirect_dma source(%dma_start3A_97 : memref<128x128xf32, #tpu.memory_space<vmem>>) target(%dma_start3A_103 : memref<16384x128xf32, #tpu.memory_space<hbm>>) offsets(%dma_start3A_100 : memref<128xi32, #tpu.memory_space<vmem>>) semaphore(%arg25 : memref<!tpu.dma_semaphore, #tpu.memory_space<semaphore_mem>>)
    %dma_wait3A = arith.constant 0 : i32
    %dma_wait3A_104 = arith.constant 0 : i32
    %dma_wait3A_105 = arith.constant 0 : i32
    %dma_wait3A_106 = tpu.memref_slice %arg12[%dma_wait3A_104, %dma_wait3A_105] : memref<512x128xf32, #tpu.memory_space<vmem>> -> memref<128x128xf32, #tpu.memory_space<vmem>>
    %dma_wait3A_107 = arith.constant 0 : i32
    %dma_wait3A_108 = tpu.memref_slice %arg11[%dma_wait3A, %dma_wait3A_107] : memref<4x128xi32, #tpu.memory_space<vmem>> -> memref<1x128xi32, #tpu.memory_space<vmem>>
    %dma_wait3A_109 = tpu.memref_squeeze %dma_wait3A_108 : memref<1x128xi32, #tpu.memory_space<vmem>> -> memref<128xi32, #tpu.memory_space<vmem>>
    %dma_wait3A_110 = arith.constant 0 : i32
    %dma_wait3A_111 = arith.constant 0 : i32
    %dma_wait3A_112 = tpu.memref_slice %arg7[%dma_wait3A_110, %dma_wait3A_111] : memref<16384x128xf32, #tpu.memory_space<hbm>> -> memref<16384x128xf32, #tpu.memory_space<hbm>>
    tpu.wait_indirect_dma semaphore(%arg25 : memref<!tpu.dma_semaphore, #tpu.memory_space<semaphore_mem>>) src(%dma_wait3A_106 : memref<128x128xf32, #tpu.memory_space<vmem>>) dst(%dma_wait3A_112 : memref<16384x128xf32, #tpu.memory_space<hbm>>)
    %dma_wait3A_113 = arith.constant 0 : i32
    %dma_wait3A_114 = arith.constant 128 : i32
    %dma_wait3A_115 = arith.constant 0 : i32
    %dma_wait3A_116 = tpu.memref_slice %arg12[%dma_wait3A_114, %dma_wait3A_115] : memref<512x128xf32, #tpu.memory_space<vmem>> -> memref<128x128xf32, #tpu.memory_space<vmem>>
    %dma_wait3A_117 = arith.constant 0 : i32
    %dma_wait3A_118 = tpu.memref_slice %arg11[%dma_wait3A_113, %dma_wait3A_117] : memref<4x128xi32, #tpu.memory_space<vmem>> -> memref<1x128xi32, #tpu.memory_space<vmem>>
    %dma_wait3A_119 = tpu.memref_squeeze %dma_wait3A_118 : memref<1x128xi32, #tpu.memory_space<vmem>> -> memref<128xi32, #tpu.memory_space<vmem>>
    %dma_wait3A_120 = arith.constant 0 : i32
    %dma_wait3A_121 = arith.constant 0 : i32
    %dma_wait3A_122 = tpu.memref_slice %arg7[%dma_wait3A_120, %dma_wait3A_121] : memref<16384x128xf32, #tpu.memory_space<hbm>> -> memref<16384x128xf32, #tpu.memory_space<hbm>>
    tpu.wait_indirect_dma semaphore(%arg25 : memref<!tpu.dma_semaphore, #tpu.memory_space<semaphore_mem>>) src(%dma_wait3A_116 : memref<128x128xf32, #tpu.memory_space<vmem>>) dst(%dma_wait3A_122 : memref<16384x128xf32, #tpu.memory_space<hbm>>)
    %dma_wait3A_123 = arith.constant 0 : i32
    %dma_wait3A_124 = arith.constant 256 : i32
    %dma_wait3A_125 = arith.constant 0 : i32
    %dma_wait3A_126 = tpu.memref_slice %arg12[%dma_wait3A_124, %dma_wait3A_125] : memref<512x128xf32, #tpu.memory_space<vmem>> -> memref<128x128xf32, #tpu.memory_space<vmem>>
    %dma_wait3A_127 = arith.constant 0 : i32
    %dma_wait3A_128 = tpu.memref_slice %arg11[%dma_wait3A_123, %dma_wait3A_127] : memref<4x128xi32, #tpu.memory_space<vmem>> -> memref<1x128xi32, #tpu.memory_space<vmem>>
    %dma_wait3A_129 = tpu.memref_squeeze %dma_wait3A_128 : memref<1x128xi32, #tpu.memory_space<vmem>> -> memref<128xi32, #tpu.memory_space<vmem>>
    %dma_wait3A_130 = arith.constant 0 : i32
    %dma_wait3A_131 = arith.constant 0 : i32
    %dma_wait3A_132 = tpu.memref_slice %arg7[%dma_wait3A_130, %dma_wait3A_131] : memref<16384x128xf32, #tpu.memory_space<hbm>> -> memref<16384x128xf32, #tpu.memory_space<hbm>>
    tpu.wait_indirect_dma semaphore(%arg25 : memref<!tpu.dma_semaphore, #tpu.memory_space<semaphore_mem>>) src(%dma_wait3A_126 : memref<128x128xf32, #tpu.memory_space<vmem>>) dst(%dma_wait3A_132 : memref<16384x128xf32, #tpu.memory_space<hbm>>)
    %dma_wait3A_133 = arith.constant 0 : i32
    %dma_wait3A_134 = arith.constant 384 : i32
    %dma_wait3A_135 = arith.constant 0 : i32
    %dma_wait3A_136 = tpu.memref_slice %arg12[%dma_wait3A_134, %dma_wait3A_135] : memref<512x128xf32, #tpu.memory_space<vmem>> -> memref<128x128xf32, #tpu.memory_space<vmem>>
    %dma_wait3A_137 = arith.constant 0 : i32
    %dma_wait3A_138 = tpu.memref_slice %arg11[%dma_wait3A_133, %dma_wait3A_137] : memref<4x128xi32, #tpu.memory_space<vmem>> -> memref<1x128xi32, #tpu.memory_space<vmem>>
    %dma_wait3A_139 = tpu.memref_squeeze %dma_wait3A_138 : memref<1x128xi32, #tpu.memory_space<vmem>> -> memref<128xi32, #tpu.memory_space<vmem>>
    %dma_wait3A_140 = arith.constant 0 : i32
    %dma_wait3A_141 = arith.constant 0 : i32
    %dma_wait3A_142 = tpu.memref_slice %arg7[%dma_wait3A_140, %dma_wait3A_141] : memref<16384x128xf32, #tpu.memory_space<hbm>> -> memref<16384x128xf32, #tpu.memory_space<hbm>>
    tpu.wait_indirect_dma semaphore(%arg25 : memref<!tpu.dma_semaphore, #tpu.memory_space<semaphore_mem>>) src(%dma_wait3A_136 : memref<128x128xf32, #tpu.memory_space<vmem>>) dst(%dma_wait3A_142 : memref<16384x128xf32, #tpu.memory_space<hbm>>)
    return
  }
}

#map = affine_map<(d0, d1) -> (0, 0)>
#map1 = affine_map<(d0, d1) -> (0)>
module attributes {stable_mosaic.version = 14 : i64} {
  func.func @_slab_gather_body(%arg0: i32, %arg1: i32, %arg2: memref<64x1000000xf32, #tpu.memory_space<hbm>>, %arg3: memref<20480xi32, #tpu.memory_space<hbm>>, %arg4: memref<16384xi32, #tpu.memory_space<hbm>>, %arg5: memref<16384xi32, #tpu.memory_space<hbm>>, %arg6: memref<32xi32, #tpu.memory_space<hbm>>, %arg7: memref<16384x128xf32, #tpu.memory_space<hbm>>, %arg8: memref<656xi32, #tpu.memory_space<vmem>>, %arg9: memref<528xi32, #tpu.memory_space<vmem>>, %arg10: memref<48xi32, #tpu.memory_space<vmem>>, %arg11: memref<4x128xi32, #tpu.memory_space<vmem>>, %arg12: memref<512x128xf32, #tpu.memory_space<vmem>>, %arg13: memref<64x128xf32, #tpu.memory_space<vmem>>, %arg14: memref<64x128xf32, #tpu.memory_space<vmem>>, %arg15: memref<64x128xf32, #tpu.memory_space<vmem>>, %arg16: memref<64x128xf32, #tpu.memory_space<vmem>>, %arg17: memref<64x128xf32, #tpu.memory_space<vmem>>, %arg18: memref<64x128xf32, #tpu.memory_space<vmem>>, %arg19: memref<!tpu.dma_semaphore, #tpu.memory_space<semaphore_mem>>, %arg20: memref<!tpu.dma_semaphore, #tpu.memory_space<semaphore_mem>>, %arg21: memref<!tpu.dma_semaphore, #tpu.memory_space<semaphore_mem>>, %arg22: memref<!tpu.dma_semaphore, #tpu.memory_space<semaphore_mem>>, %arg23: memref<!tpu.dma_semaphore, #tpu.memory_space<semaphore_mem>>, %arg24: memref<!tpu.dma_semaphore, #tpu.memory_space<semaphore_mem>>, %arg25: memref<!tpu.dma_semaphore, #tpu.memory_space<semaphore_mem>>) attributes {dimension_semantics = [#tpu.dimension_semantics<core_parallel>, #tpu.dimension_semantics<subcore_parallel>], iteration_bounds = array<i64: 2, 16>, scalar_prefetch = 0 : i64, scratch_operands = 18 : i64, tpu.core_type = #tpu.core_type<sc_vector_subcore>, window_params = [{transform_indices = #map}, {transform_indices = #map1}, {transform_indices = #map1}, {transform_indices = #map1}, {transform_indices = #map1}, {transform_indices = #map}]} {
    %mul3A = arith.constant 2 : i32
    %mul3A_0 = arith.muli %arg1, %mul3A : i32
    %add3A = arith.addi %mul3A_0, %arg0 : i32
    %mul3A_1 = arith.constant 512 : i32
    %mul3A_2 = arith.muli %add3A, %mul3A_1 : i32
    %multiple_of3A = tpu.assume_multiple %mul3A_2, 128 : i32
    %mul3A_3 = arith.constant 640 : i32
    %mul3A_4 = arith.muli %add3A, %mul3A_3 : i32
    %multiple_of3A_5 = tpu.assume_multiple %mul3A_4, 128 : i32
    "tpu.region"() ({
      %run_scoped3A_143 = tpu.sem_alloc : memref<!tpu.dma_semaphore, #tpu.memory_space<semaphore_mem>>
      %dma_start3A_144 = arith.constant 0 : i32
      %dma_start3A_145 = tpu.memref_slice %arg8[%dma_start3A_144] : memref<656xi32, #tpu.memory_space<vmem>> -> memref<640xi32, #tpu.memory_space<vmem>>
      %dma_start3A_146 = tpu.memref_slice %arg3[%multiple_of3A_5] : memref<20480xi32, #tpu.memory_space<hbm>> -> memref<640xi32, #tpu.memory_space<hbm>>
      %dma_start3A_147 = arith.constant 0 : i32
      %dma_start3A_148 = tpu.memref_slice %arg8[%dma_start3A_147] : memref<656xi32, #tpu.memory_space<vmem>> -> memref<640xi32, #tpu.memory_space<vmem>>
      %dma_start3A_149 = tpu.memref_slice %arg3[%multiple_of3A_5] : memref<20480xi32, #tpu.memory_space<hbm>> -> memref<640xi32, #tpu.memory_space<hbm>>
      tpu.enqueue_dma source(%dma_start3A_149 : memref<640xi32, #tpu.memory_space<hbm>>) target(%dma_start3A_148 : memref<640xi32, #tpu.memory_space<vmem>>) target_semaphore(%run_scoped3A_143 : memref<!tpu.dma_semaphore, #tpu.memory_space<semaphore_mem>>)
      %dma_wait3A_150 = arith.constant 0 : i32
      %dma_wait3A_151 = tpu.memref_slice %arg8[%dma_wait3A_150] : memref<656xi32, #tpu.memory_space<vmem>> -> memref<640xi32, #tpu.memory_space<vmem>>
      %dma_wait3A_152 = tpu.memref_slice %arg3[%multiple_of3A_5] : memref<20480xi32, #tpu.memory_space<hbm>> -> memref<640xi32, #tpu.memory_space<hbm>>
      %dma_wait3A_153 = arith.constant 0 : i32
      %dma_wait3A_154 = tpu.memref_slice %arg8[%dma_wait3A_153] : memref<656xi32, #tpu.memory_space<vmem>> -> memref<640xi32, #tpu.memory_space<vmem>>
      %dma_wait3A_155 = tpu.memref_slice %arg3[%multiple_of3A_5] : memref<20480xi32, #tpu.memory_space<hbm>> -> memref<640xi32, #tpu.memory_space<hbm>>
      tpu.wait_dma2 semaphore(%run_scoped3A_143 : memref<!tpu.dma_semaphore, #tpu.memory_space<semaphore_mem>>) src(%dma_wait3A_155 : memref<640xi32, #tpu.memory_space<hbm>>) dst(%dma_wait3A_154 : memref<640xi32, #tpu.memory_space<vmem>>)
      tpu.yield
    }) : () -> ()
    "tpu.region"() ({
      %run_scoped3A_143 = tpu.sem_alloc : memref<!tpu.dma_semaphore, #tpu.memory_space<semaphore_mem>>
      %dma_start3A_144 = arith.constant 0 : i32
      %dma_start3A_145 = tpu.memref_slice %arg9[%dma_start3A_144] : memref<528xi32, #tpu.memory_space<vmem>> -> memref<512xi32, #tpu.memory_space<vmem>>
      %dma_start3A_146 = tpu.memref_slice %arg4[%multiple_of3A] : memref<16384xi32, #tpu.memory_space<hbm>> -> memref<512xi32, #tpu.memory_space<hbm>>
      %dma_start3A_147 = arith.constant 0 : i32
      %dma_start3A_148 = tpu.memref_slice %arg9[%dma_start3A_147] : memref<528xi32, #tpu.memory_space<vmem>> -> memref<512xi32, #tpu.memory_space<vmem>>
      %dma_start3A_149 = tpu.memref_slice %arg4[%multiple_of3A] : memref<16384xi32, #tpu.memory_space<hbm>> -> memref<512xi32, #tpu.memory_space<hbm>>
      tpu.enqueue_dma source(%dma_start3A_149 : memref<512xi32, #tpu.memory_space<hbm>>) target(%dma_start3A_148 : memref<512xi32, #tpu.memory_space<vmem>>) target_semaphore(%run_scoped3A_143 : memref<!tpu.dma_semaphore, #tpu.memory_space<semaphore_mem>>)
      %dma_wait3A_150 = arith.constant 0 : i32
      %dma_wait3A_151 = tpu.memref_slice %arg9[%dma_wait3A_150] : memref<528xi32, #tpu.memory_space<vmem>> -> memref<512xi32, #tpu.memory_space<vmem>>
      %dma_wait3A_152 = tpu.memref_slice %arg4[%multiple_of3A] : memref<16384xi32, #tpu.memory_space<hbm>> -> memref<512xi32, #tpu.memory_space<hbm>>
      %dma_wait3A_153 = arith.constant 0 : i32
      %dma_wait3A_154 = tpu.memref_slice %arg9[%dma_wait3A_153] : memref<528xi32, #tpu.memory_space<vmem>> -> memref<512xi32, #tpu.memory_space<vmem>>
      %dma_wait3A_155 = tpu.memref_slice %arg4[%multiple_of3A] : memref<16384xi32, #tpu.memory_space<hbm>> -> memref<512xi32, #tpu.memory_space<hbm>>
      tpu.wait_dma2 semaphore(%run_scoped3A_143 : memref<!tpu.dma_semaphore, #tpu.memory_space<semaphore_mem>>) src(%dma_wait3A_155 : memref<512xi32, #tpu.memory_space<hbm>>) dst(%dma_wait3A_154 : memref<512xi32, #tpu.memory_space<vmem>>)
      tpu.yield
    }) : () -> ()
    "tpu.region"() ({
      %run_scoped3A_143 = tpu.sem_alloc : memref<!tpu.dma_semaphore, #tpu.memory_space<semaphore_mem>>
      %dma_start3A_144 = arith.constant 0 : i32
      %dma_start3A_145 = tpu.memref_slice %arg10[%dma_start3A_144] : memref<48xi32, #tpu.memory_space<vmem>> -> memref<32xi32, #tpu.memory_space<vmem>>
      %dma_start3A_146 = arith.constant 0 : i32
      %dma_start3A_147 = tpu.memref_slice %arg10[%dma_start3A_146] : memref<48xi32, #tpu.memory_space<vmem>> -> memref<32xi32, #tpu.memory_space<vmem>>
      tpu.enqueue_dma source(%arg6 : memref<32xi32, #tpu.memory_space<hbm>>) target(%dma_start3A_147 : memref<32xi32, #tpu.memory_space<vmem>>) target_semaphore(%run_scoped3A_143 : memref<!tpu.dma_semaphore, #tpu.memory_space<semaphore_mem>>)
      %dma_wait3A_148 = arith.constant 0 : i32
      %dma_wait3A_149 = tpu.memref_slice %arg10[%dma_wait3A_148] : memref<48xi32, #tpu.memory_space<vmem>> -> memref<32xi32, #tpu.memory_space<vmem>>
      %dma_wait3A_150 = arith.constant 0 : i32
      %dma_wait3A_151 = tpu.memref_slice %arg10[%dma_wait3A_150] : memref<48xi32, #tpu.memory_space<vmem>> -> memref<32xi32, #tpu.memory_space<vmem>>
      tpu.wait_dma2 semaphore(%run_scoped3A_143 : memref<!tpu.dma_semaphore, #tpu.memory_space<semaphore_mem>>) src(%arg6 : memref<32xi32, #tpu.memory_space<hbm>>) dst(%dma_wait3A_151 : memref<32xi32, #tpu.memory_space<vmem>>)
      tpu.yield
    }) : () -> ()
    %add3A_6 = arith.constant 0 : i32
    %add3A_7 = arith.addi %multiple_of3A, %add3A_6 : i32
    %run_scoped3A = arith.constant 0 : i32
    "tpu.region"() ({
      %run_scoped3A_143 = tpu.sem_alloc : memref<!tpu.dma_semaphore, #tpu.memory_space<semaphore_mem>>
      %dma_start3A_144 = arith.constant 0 : i32
      %dma_start3A_145 = tpu.memref_slice %arg11[%run_scoped3A, %dma_start3A_144] : memref<4x128xi32, #tpu.memory_space<vmem>> -> memref<1x128xi32, #tpu.memory_space<vmem>>
      %dma_start3A_146 = tpu.memref_squeeze %dma_start3A_145 : memref<1x128xi32, #tpu.memory_space<vmem>> -> memref<128xi32, #tpu.memory_space<vmem>>
      %dma_start3A_147 = tpu.memref_slice %arg5[%add3A_7] : memref<16384xi32, #tpu.memory_space<hbm>> -> memref<128xi32, #tpu.memory_space<hbm>>
      %dma_start3A_148 = arith.constant 0 : i32
      %dma_start3A_149 = tpu.memref_slice %arg11[%run_scoped3A, %dma_start3A_148] : memref<4x128xi32, #tpu.memory_space<vmem>> -> memref<1x128xi32, #tpu.memory_space<vmem>>
      %dma_start3A_150 = tpu.memref_squeeze %dma_start3A_149 : memref<1x128xi32, #tpu.memory_space<vmem>> -> memref<128xi32, #tpu.memory_space<vmem>>
      %dma_start3A_151 = tpu.memref_slice %arg5[%add3A_7] : memref<16384xi32, #tpu.memory_space<hbm>> -> memref<128xi32, #tpu.memory_space<hbm>>
      tpu.enqueue_dma source(%dma_start3A_151 : memref<128xi32, #tpu.memory_space<hbm>>) target(%dma_start3A_150 : memref<128xi32, #tpu.memory_space<vmem>>) target_semaphore(%run_scoped3A_143 : memref<!tpu.dma_semaphore, #tpu.memory_space<semaphore_mem>>)
      %dma_wait3A_152 = arith.constant 0 : i32
      %dma_wait3A_153 = tpu.memref_slice %arg11[%run_scoped3A, %dma_wait3A_152] : memref<4x128xi32, #tpu.memory_space<vmem>> -> memref<1x128xi32, #tpu.memory_space<vmem>>
      %dma_wait3A_154 = tpu.memref_squeeze %dma_wait3A_153 : memref<1x128xi32, #tpu.memory_space<vmem>> -> memref<128xi32, #tpu.memory_space<vmem>>
      %dma_wait3A_155 = tpu.memref_slice %arg5[%add3A_7] : memref<16384xi32, #tpu.memory_space<hbm>> -> memref<128xi32, #tpu.memory_space<hbm>>
      %dma_wait3A_156 = arith.constant 0 : i32
      %dma_wait3A_157 = tpu.memref_slice %arg11[%run_scoped3A, %dma_wait3A_156] : memref<4x128xi32, #tpu.memory_space<vmem>> -> memref<1x128xi32, #tpu.memory_space<vmem>>
      %dma_wait3A_158 = tpu.memref_squeeze %dma_wait3A_157 : memref<1x128xi32, #tpu.memory_space<vmem>> -> memref<128xi32, #tpu.memory_space<vmem>>
      %dma_wait3A_159 = tpu.memref_slice %arg5[%add3A_7] : memref<16384xi32, #tpu.memory_space<hbm>> -> memref<128xi32, #tpu.memory_space<hbm>>
      tpu.wait_dma2 semaphore(%run_scoped3A_143 : memref<!tpu.dma_semaphore, #tpu.memory_space<semaphore_mem>>) src(%dma_wait3A_159 : memref<128xi32, #tpu.memory_space<hbm>>) dst(%dma_wait3A_158 : memref<128xi32, #tpu.memory_space<vmem>>)
      tpu.yield
    }) : () -> ()
    %add3A_8 = arith.constant 128 : i32
    %add3A_9 = arith.addi %multiple_of3A, %add3A_8 : i32
    %run_scoped3A_10 = arith.constant 1 : i32
    "tpu.region"() ({
      %run_scoped3A_143 = tpu.sem_alloc : memref<!tpu.dma_semaphore, #tpu.memory_space<semaphore_mem>>
      %dma_start3A_144 = arith.constant 0 : i32
      %dma_start3A_145 = tpu.memref_slice %arg11[%run_scoped3A_10, %dma_start3A_144] : memref<4x128xi32, #tpu.memory_space<vmem>> -> memref<1x128xi32, #tpu.memory_space<vmem>>
      %dma_start3A_146 = tpu.memref_squeeze %dma_start3A_145 : memref<1x128xi32, #tpu.memory_space<vmem>> -> memref<128xi32, #tpu.memory_space<vmem>>
      %dma_start3A_147 = tpu.memref_slice %arg5[%add3A_9] : memref<16384xi32, #tpu.memory_space<hbm>> -> memref<128xi32, #tpu.memory_space<hbm>>
      %dma_start3A_148 = arith.constant 0 : i32
      %dma_start3A_149 = tpu.memref_slice %arg11[%run_scoped3A_10, %dma_start3A_148] : memref<4x128xi32, #tpu.memory_space<vmem>> -> memref<1x128xi32, #tpu.memory_space<vmem>>
      %dma_start3A_150 = tpu.memref_squeeze %dma_start3A_149 : memref<1x128xi32, #tpu.memory_space<vmem>> -> memref<128xi32, #tpu.memory_space<vmem>>
      %dma_start3A_151 = tpu.memref_slice %arg5[%add3A_9] : memref<16384xi32, #tpu.memory_space<hbm>> -> memref<128xi32, #tpu.memory_space<hbm>>
      tpu.enqueue_dma source(%dma_start3A_151 : memref<128xi32, #tpu.memory_space<hbm>>) target(%dma_start3A_150 : memref<128xi32, #tpu.memory_space<vmem>>) target_semaphore(%run_scoped3A_143 : memref<!tpu.dma_semaphore, #tpu.memory_space<semaphore_mem>>)
      %dma_wait3A_152 = arith.constant 0 : i32
      %dma_wait3A_153 = tpu.memref_slice %arg11[%run_scoped3A_10, %dma_wait3A_152] : memref<4x128xi32, #tpu.memory_space<vmem>> -> memref<1x128xi32, #tpu.memory_space<vmem>>
      %dma_wait3A_154 = tpu.memref_squeeze %dma_wait3A_153 : memref<1x128xi32, #tpu.memory_space<vmem>> -> memref<128xi32, #tpu.memory_space<vmem>>
      %dma_wait3A_155 = tpu.memref_slice %arg5[%add3A_9] : memref<16384xi32, #tpu.memory_space<hbm>> -> memref<128xi32, #tpu.memory_space<hbm>>
      %dma_wait3A_156 = arith.constant 0 : i32
      %dma_wait3A_157 = tpu.memref_slice %arg11[%run_scoped3A_10, %dma_wait3A_156] : memref<4x128xi32, #tpu.memory_space<vmem>> -> memref<1x128xi32, #tpu.memory_space<vmem>>
      %dma_wait3A_158 = tpu.memref_squeeze %dma_wait3A_157 : memref<1x128xi32, #tpu.memory_space<vmem>> -> memref<128xi32, #tpu.memory_space<vmem>>
      %dma_wait3A_159 = tpu.memref_slice %arg5[%add3A_9] : memref<16384xi32, #tpu.memory_space<hbm>> -> memref<128xi32, #tpu.memory_space<hbm>>
      tpu.wait_dma2 semaphore(%run_scoped3A_143 : memref<!tpu.dma_semaphore, #tpu.memory_space<semaphore_mem>>) src(%dma_wait3A_159 : memref<128xi32, #tpu.memory_space<hbm>>) dst(%dma_wait3A_158 : memref<128xi32, #tpu.memory_space<vmem>>)
      tpu.yield
    }) : () -> ()
    %add3A_11 = arith.constant 256 : i32
    %add3A_12 = arith.addi %multiple_of3A, %add3A_11 : i32
    %run_scoped3A_13 = arith.constant 2 : i32
    "tpu.region"() ({
      %run_scoped3A_143 = tpu.sem_alloc : memref<!tpu.dma_semaphore, #tpu.memory_space<semaphore_mem>>
      %dma_start3A_144 = arith.constant 0 : i32
      %dma_start3A_145 = tpu.memref_slice %arg11[%run_scoped3A_13, %dma_start3A_144] : memref<4x128xi32, #tpu.memory_space<vmem>> -> memref<1x128xi32, #tpu.memory_space<vmem>>
      %dma_start3A_146 = tpu.memref_squeeze %dma_start3A_145 : memref<1x128xi32, #tpu.memory_space<vmem>> -> memref<128xi32, #tpu.memory_space<vmem>>
      %dma_start3A_147 = tpu.memref_slice %arg5[%add3A_12] : memref<16384xi32, #tpu.memory_space<hbm>> -> memref<128xi32, #tpu.memory_space<hbm>>
      %dma_start3A_148 = arith.constant 0 : i32
      %dma_start3A_149 = tpu.memref_slice %arg11[%run_scoped3A_13, %dma_start3A_148] : memref<4x128xi32, #tpu.memory_space<vmem>> -> memref<1x128xi32, #tpu.memory_space<vmem>>
      %dma_start3A_150 = tpu.memref_squeeze %dma_start3A_149 : memref<1x128xi32, #tpu.memory_space<vmem>> -> memref<128xi32, #tpu.memory_space<vmem>>
      %dma_start3A_151 = tpu.memref_slice %arg5[%add3A_12] : memref<16384xi32, #tpu.memory_space<hbm>> -> memref<128xi32, #tpu.memory_space<hbm>>
      tpu.enqueue_dma source(%dma_start3A_151 : memref<128xi32, #tpu.memory_space<hbm>>) target(%dma_start3A_150 : memref<128xi32, #tpu.memory_space<vmem>>) target_semaphore(%run_scoped3A_143 : memref<!tpu.dma_semaphore, #tpu.memory_space<semaphore_mem>>)
      %dma_wait3A_152 = arith.constant 0 : i32
      %dma_wait3A_153 = tpu.memref_slice %arg11[%run_scoped3A_13, %dma_wait3A_152] : memref<4x128xi32, #tpu.memory_space<vmem>> -> memref<1x128xi32, #tpu.memory_space<vmem>>
      %dma_wait3A_154 = tpu.memref_squeeze %dma_wait3A_153 : memref<1x128xi32, #tpu.memory_space<vmem>> -> memref<128xi32, #tpu.memory_space<vmem>>
      %dma_wait3A_155 = tpu.memref_slice %arg5[%add3A_12] : memref<16384xi32, #tpu.memory_space<hbm>> -> memref<128xi32, #tpu.memory_space<hbm>>
      %dma_wait3A_156 = arith.constant 0 : i32
      %dma_wait3A_157 = tpu.memref_slice %arg11[%run_scoped3A_13, %dma_wait3A_156] : memref<4x128xi32, #tpu.memory_space<vmem>> -> memref<1x128xi32, #tpu.memory_space<vmem>>
      %dma_wait3A_158 = tpu.memref_squeeze %dma_wait3A_157 : memref<1x128xi32, #tpu.memory_space<vmem>> -> memref<128xi32, #tpu.memory_space<vmem>>
      %dma_wait3A_159 = tpu.memref_slice %arg5[%add3A_12] : memref<16384xi32, #tpu.memory_space<hbm>> -> memref<128xi32, #tpu.memory_space<hbm>>
      tpu.wait_dma2 semaphore(%run_scoped3A_143 : memref<!tpu.dma_semaphore, #tpu.memory_space<semaphore_mem>>) src(%dma_wait3A_159 : memref<128xi32, #tpu.memory_space<hbm>>) dst(%dma_wait3A_158 : memref<128xi32, #tpu.memory_space<vmem>>)
      tpu.yield
    }) : () -> ()
    %add3A_14 = arith.constant 384 : i32
    %add3A_15 = arith.addi %multiple_of3A, %add3A_14 : i32
    %run_scoped3A_16 = arith.constant 3 : i32
    "tpu.region"() ({
      %run_scoped3A_143 = tpu.sem_alloc : memref<!tpu.dma_semaphore, #tpu.memory_space<semaphore_mem>>
      %dma_start3A_144 = arith.constant 0 : i32
      %dma_start3A_145 = tpu.memref_slice %arg11[%run_scoped3A_16, %dma_start3A_144] : memref<4x128xi32, #tpu.memory_space<vmem>> -> memref<1x128xi32, #tpu.memory_space<vmem>>
      %dma_start3A_146 = tpu.memref_squeeze %dma_start3A_145 : memref<1x128xi32, #tpu.memory_space<vmem>> -> memref<128xi32, #tpu.memory_space<vmem>>
      %dma_start3A_147 = tpu.memref_slice %arg5[%add3A_15] : memref<16384xi32, #tpu.memory_space<hbm>> -> memref<128xi32, #tpu.memory_space<hbm>>
      %dma_start3A_148 = arith.constant 0 : i32
      %dma_start3A_149 = tpu.memref_slice %arg11[%run_scoped3A_16, %dma_start3A_148] : memref<4x128xi32, #tpu.memory_space<vmem>> -> memref<1x128xi32, #tpu.memory_space<vmem>>
      %dma_start3A_150 = tpu.memref_squeeze %dma_start3A_149 : memref<1x128xi32, #tpu.memory_space<vmem>> -> memref<128xi32, #tpu.memory_space<vmem>>
      %dma_start3A_151 = tpu.memref_slice %arg5[%add3A_15] : memref<16384xi32, #tpu.memory_space<hbm>> -> memref<128xi32, #tpu.memory_space<hbm>>
      tpu.enqueue_dma source(%dma_start3A_151 : memref<128xi32, #tpu.memory_space<hbm>>) target(%dma_start3A_150 : memref<128xi32, #tpu.memory_space<vmem>>) target_semaphore(%run_scoped3A_143 : memref<!tpu.dma_semaphore, #tpu.memory_space<semaphore_mem>>)
      %dma_wait3A_152 = arith.constant 0 : i32
      %dma_wait3A_153 = tpu.memref_slice %arg11[%run_scoped3A_16, %dma_wait3A_152] : memref<4x128xi32, #tpu.memory_space<vmem>> -> memref<1x128xi32, #tpu.memory_space<vmem>>
      %dma_wait3A_154 = tpu.memref_squeeze %dma_wait3A_153 : memref<1x128xi32, #tpu.memory_space<vmem>> -> memref<128xi32, #tpu.memory_space<vmem>>
      %dma_wait3A_155 = tpu.memref_slice %arg5[%add3A_15] : memref<16384xi32, #tpu.memory_space<hbm>> -> memref<128xi32, #tpu.memory_space<hbm>>
      %dma_wait3A_156 = arith.constant 0 : i32
      %dma_wait3A_157 = tpu.memref_slice %arg11[%run_scoped3A_16, %dma_wait3A_156] : memref<4x128xi32, #tpu.memory_space<vmem>> -> memref<1x128xi32, #tpu.memory_space<vmem>>
      %dma_wait3A_158 = tpu.memref_squeeze %dma_wait3A_157 : memref<1x128xi32, #tpu.memory_space<vmem>> -> memref<128xi32, #tpu.memory_space<vmem>>
      %dma_wait3A_159 = tpu.memref_slice %arg5[%add3A_15] : memref<16384xi32, #tpu.memory_space<hbm>> -> memref<128xi32, #tpu.memory_space<hbm>>
      tpu.wait_dma2 semaphore(%run_scoped3A_143 : memref<!tpu.dma_semaphore, #tpu.memory_space<semaphore_mem>>) src(%dma_wait3A_159 : memref<128xi32, #tpu.memory_space<hbm>>) dst(%dma_wait3A_158 : memref<128xi32, #tpu.memory_space<vmem>>)
      tpu.yield
    }) : () -> ()
    %get3A = arith.index_cast %add3A : i32 to index
    %get3A_17 = tpu.vector_load %arg10[%get3A] {strides = array<i32>} : memref<48xi32, #tpu.memory_space<vmem>>, vector<16xi32>,
    %slice3A = vector.extract_strided_slice %get3A_17 {offsets = [0], sizes = [1], strides = [1]} : vector<16xi32> to vector<1xi32>
    %squeeze3A = vector.extract %slice3A[0] : i32 from vector<1xi32>
    %gt3A = arith.constant 0 : i32
    %gt3A_18 = arith.cmpi sgt, %squeeze3A, %gt3A : i32
    %convert_element_type3A = arith.extui %gt3A_18 : i1 to i32
    %cond3A = arith.constant 0 : i32
    %cond3A_19 = arith.cmpi ne, %convert_element_type3A, %cond3A : i32
    scf.if %cond3A_19 {
      %get3A_143 = arith.constant 0 : index
      %get3A_144 = tpu.vector_load %arg8[%get3A_143] {strides = array<i32>} : memref<656xi32, #tpu.memory_space<vmem>>, vector<16xi32>,
      %slice3A_145 = vector.extract_strided_slice %get3A_144 {offsets = [0], sizes = [1], strides = [1]} : vector<16xi32> to vector<1xi32>
      %squeeze3A_146 = vector.extract %slice3A_145[0] : i32 from vector<1xi32>
      %get3A_147 = arith.index_cast %squeeze3A_146 : i32 to index
      %get3A_148 = tpu.vector_load %arg9[%get3A_147] {strides = array<i32>} : memref<528xi32, #tpu.memory_space<vmem>>, vector<16xi32>,
      %slice3A_149 = vector.extract_strided_slice %get3A_148 {offsets = [0], sizes = [1], strides = [1]} : vector<16xi32> to vector<1xi32>
      %squeeze3A_150 = vector.extract %slice3A_149[0] : i32 from vector<1xi32>
      %shift_right_logical3A = arith.constant 7 : i32
      %shift_right_logical3A_151 = arith.shrui %squeeze3A_150, %shift_right_logical3A : i32
      %mul3A_152 = arith.constant 128 : i32
      %mul3A_153 = arith.muli %shift_right_logical3A_151, %mul3A_152 : i32
      %multiple_of3A_154 = tpu.assume_multiple %mul3A_153, 128 : i32
      %dma_start3A_155 = arith.constant 0 : i32
      %dma_start3A_156 = tpu.memref_slice %arg2[%dma_start3A_155, %multiple_of3A_154] : memref<64x1000000xf32, #tpu.memory_space<hbm>> -> memref<64x128xf32, #tpu.memory_space<hbm>>
      %dma_start3A_157 = arith.constant 0 : i32
      %dma_start3A_158 = tpu.memref_slice %arg2[%dma_start3A_157, %multiple_of3A_154] : memref<64x1000000xf32, #tpu.memory_space<hbm>> -> memref<64x128xf32, #tpu.memory_space<hbm>>
      tpu.enqueue_dma source(%dma_start3A_158 : memref<64x128xf32, #tpu.memory_space<hbm>>) target(%arg13 : memref<64x128xf32, #tpu.memory_space<vmem>>) target_semaphore(%arg19 : memref<!tpu.dma_semaphore, #tpu.memory_space<semaphore_mem>>)
    } else {
    }
    %gt3A_20 = arith.constant 1 : i32
    %gt3A_21 = arith.cmpi sgt, %squeeze3A, %gt3A_20 : i32
    %convert_element_type3A_22 = arith.extui %gt3A_21 : i1 to i32
    %cond3A_23 = arith.constant 0 : i32
    %cond3A_24 = arith.cmpi ne, %convert_element_type3A_22, %cond3A_23 : i32
    scf.if %cond3A_24 {
      %get3A_143 = arith.constant 1 : index
      %get3A_144 = tpu.vector_load %arg8[%get3A_143] {strides = array<i32>} : memref<656xi32, #tpu.memory_space<vmem>>, vector<16xi32>,
      %slice3A_145 = vector.extract_strided_slice %get3A_144 {offsets = [0], sizes = [1], strides = [1]} : vector<16xi32> to vector<1xi32>
      %squeeze3A_146 = vector.extract %slice3A_145[0] : i32 from vector<1xi32>
      %get3A_147 = arith.index_cast %squeeze3A_146 : i32 to index
      %get3A_148 = tpu.vector_load %arg9[%get3A_147] {strides = array<i32>} : memref<528xi32, #tpu.memory_space<vmem>>, vector<16xi32>,
      %slice3A_149 = vector.extract_strided_slice %get3A_148 {offsets = [0], sizes = [1], strides = [1]} : vector<16xi32> to vector<1xi32>
      %squeeze3A_150 = vector.extract %slice3A_149[0] : i32 from vector<1xi32>
      %shift_right_logical3A = arith.constant 7 : i32
      %shift_right_logical3A_151 = arith.shrui %squeeze3A_150, %shift_right_logical3A : i32
      %mul3A_152 = arith.constant 128 : i32
      %mul3A_153 = arith.muli %shift_right_logical3A_151, %mul3A_152 : i32
      %multiple_of3A_154 = tpu.assume_multiple %mul3A_153, 128 : i32
      %dma_start3A_155 = arith.constant 0 : i32
      %dma_start3A_156 = tpu.memref_slice %arg2[%dma_start3A_155, %multiple_of3A_154] : memref<64x1000000xf32, #tpu.memory_space<hbm>> -> memref<64x128xf32, #tpu.memory_space<hbm>>
      %dma_start3A_157 = arith.constant 0 : i32
      %dma_start3A_158 = tpu.memref_slice %arg2[%dma_start3A_157, %multiple_of3A_154] : memref<64x1000000xf32, #tpu.memory_space<hbm>> -> memref<64x128xf32, #tpu.memory_space<hbm>>
      tpu.enqueue_dma source(%dma_start3A_158 : memref<64x128xf32, #tpu.memory_space<hbm>>) target(%arg14 : memref<64x128xf32, #tpu.memory_space<vmem>>) target_semaphore(%arg20 : memref<!tpu.dma_semaphore, #tpu.memory_space<semaphore_mem>>)
    } else {
    }
    %gt3A_25 = arith.constant 2 : i32
    %gt3A_26 = arith.cmpi sgt, %squeeze3A, %gt3A_25 : i32
    %convert_element_type3A_27 = arith.extui %gt3A_26 : i1 to i32
    %cond3A_28 = arith.constant 0 : i32
    %cond3A_29 = arith.cmpi ne, %convert_element_type3A_27, %cond3A_28 : i32
    scf.if %cond3A_29 {
      %get3A_143 = arith.constant 2 : index
      %get3A_144 = tpu.vector_load %arg8[%get3A_143] {strides = array<i32>} : memref<656xi32, #tpu.memory_space<vmem>>, vector<16xi32>,
      %slice3A_145 = vector.extract_strided_slice %get3A_144 {offsets = [0], sizes = [1], strides = [1]} : vector<16xi32> to vector<1xi32>
      %squeeze3A_146 = vector.extract %slice3A_145[0] : i32 from vector<1xi32>
      %get3A_147 = arith.index_cast %squeeze3A_146 : i32 to index
      %get3A_148 = tpu.vector_load %arg9[%get3A_147] {strides = array<i32>} : memref<528xi32, #tpu.memory_space<vmem>>, vector<16xi32>,
      %slice3A_149 = vector.extract_strided_slice %get3A_148 {offsets = [0], sizes = [1], strides = [1]} : vector<16xi32> to vector<1xi32>
      %squeeze3A_150 = vector.extract %slice3A_149[0] : i32 from vector<1xi32>
      %shift_right_logical3A = arith.constant 7 : i32
      %shift_right_logical3A_151 = arith.shrui %squeeze3A_150, %shift_right_logical3A : i32
      %mul3A_152 = arith.constant 128 : i32
      %mul3A_153 = arith.muli %shift_right_logical3A_151, %mul3A_152 : i32
      %multiple_of3A_154 = tpu.assume_multiple %mul3A_153, 128 : i32
      %dma_start3A_155 = arith.constant 0 : i32
      %dma_start3A_156 = tpu.memref_slice %arg2[%dma_start3A_155, %multiple_of3A_154] : memref<64x1000000xf32, #tpu.memory_space<hbm>> -> memref<64x128xf32, #tpu.memory_space<hbm>>
      %dma_start3A_157 = arith.constant 0 : i32
      %dma_start3A_158 = tpu.memref_slice %arg2[%dma_start3A_157, %multiple_of3A_154] : memref<64x1000000xf32, #tpu.memory_space<hbm>> -> memref<64x128xf32, #tpu.memory_space<hbm>>
      tpu.enqueue_dma source(%dma_start3A_158 : memref<64x128xf32, #tpu.memory_space<hbm>>) target(%arg15 : memref<64x128xf32, #tpu.memory_space<vmem>>) target_semaphore(%arg21 : memref<!tpu.dma_semaphore, #tpu.memory_space<semaphore_mem>>)
    } else {
    }
    %gt3A_30 = arith.constant 3 : i32
    %gt3A_31 = arith.cmpi sgt, %squeeze3A, %gt3A_30 : i32
    %convert_element_type3A_32 = arith.extui %gt3A_31 : i1 to i32
    %cond3A_33 = arith.constant 0 : i32
    %cond3A_34 = arith.cmpi ne, %convert_element_type3A_32, %cond3A_33 : i32
    scf.if %cond3A_34 {
      %get3A_143 = arith.constant 3 : index
      %get3A_144 = tpu.vector_load %arg8[%get3A_143] {strides = array<i32>} : memref<656xi32, #tpu.memory_space<vmem>>, vector<16xi32>,
      %slice3A_145 = vector.extract_strided_slice %get3A_144 {offsets = [0], sizes = [1], strides = [1]} : vector<16xi32> to vector<1xi32>
      %squeeze3A_146 = vector.extract %slice3A_145[0] : i32 from vector<1xi32>
      %get3A_147 = arith.index_cast %squeeze3A_146 : i32 to index
      %get3A_148 = tpu.vector_load %arg9[%get3A_147] {strides = array<i32>} : memref<528xi32, #tpu.memory_space<vmem>>, vector<16xi32>,
      %slice3A_149 = vector.extract_strided_slice %get3A_148 {offsets = [0], sizes = [1], strides = [1]} : vector<16xi32> to vector<1xi32>
      %squeeze3A_150 = vector.extract %slice3A_149[0] : i32 from vector<1xi32>
      %shift_right_logical3A = arith.constant 7 : i32
      %shift_right_logical3A_151 = arith.shrui %squeeze3A_150, %shift_right_logical3A : i32
      %mul3A_152 = arith.constant 128 : i32
      %mul3A_153 = arith.muli %shift_right_logical3A_151, %mul3A_152 : i32
      %multiple_of3A_154 = tpu.assume_multiple %mul3A_153, 128 : i32
      %dma_start3A_155 = arith.constant 0 : i32
      %dma_start3A_156 = tpu.memref_slice %arg2[%dma_start3A_155, %multiple_of3A_154] : memref<64x1000000xf32, #tpu.memory_space<hbm>> -> memref<64x128xf32, #tpu.memory_space<hbm>>
      %dma_start3A_157 = arith.constant 0 : i32
      %dma_start3A_158 = tpu.memref_slice %arg2[%dma_start3A_157, %multiple_of3A_154] : memref<64x1000000xf32, #tpu.memory_space<hbm>> -> memref<64x128xf32, #tpu.memory_space<hbm>>
      tpu.enqueue_dma source(%dma_start3A_158 : memref<64x128xf32, #tpu.memory_space<hbm>>) target(%arg16 : memref<64x128xf32, #tpu.memory_space<vmem>>) target_semaphore(%arg22 : memref<!tpu.dma_semaphore, #tpu.memory_space<semaphore_mem>>)
    } else {
    }
    %gt3A_35 = arith.constant 4 : i32
    %gt3A_36 = arith.cmpi sgt, %squeeze3A, %gt3A_35 : i32
    %convert_element_type3A_37 = arith.extui %gt3A_36 : i1 to i32
    %cond3A_38 = arith.constant 0 : i32
    %cond3A_39 = arith.cmpi ne, %convert_element_type3A_37, %cond3A_38 : i32
    scf.if %cond3A_39 {
      %get3A_143 = arith.constant 4 : index
      %get3A_144 = tpu.vector_load %arg8[%get3A_143] {strides = array<i32>} : memref<656xi32, #tpu.memory_space<vmem>>, vector<16xi32>,
      %slice3A_145 = vector.extract_strided_slice %get3A_144 {offsets = [0], sizes = [1], strides = [1]} : vector<16xi32> to vector<1xi32>
      %squeeze3A_146 = vector.extract %slice3A_145[0] : i32 from vector<1xi32>
      %get3A_147 = arith.index_cast %squeeze3A_146 : i32 to index
      %get3A_148 = tpu.vector_load %arg9[%get3A_147] {strides = array<i32>} : memref<528xi32, #tpu.memory_space<vmem>>, vector<16xi32>,
      %slice3A_149 = vector.extract_strided_slice %get3A_148 {offsets = [0], sizes = [1], strides = [1]} : vector<16xi32> to vector<1xi32>
      %squeeze3A_150 = vector.extract %slice3A_149[0] : i32 from vector<1xi32>
      %shift_right_logical3A = arith.constant 7 : i32
      %shift_right_logical3A_151 = arith.shrui %squeeze3A_150, %shift_right_logical3A : i32
      %mul3A_152 = arith.constant 128 : i32
      %mul3A_153 = arith.muli %shift_right_logical3A_151, %mul3A_152 : i32
      %multiple_of3A_154 = tpu.assume_multiple %mul3A_153, 128 : i32
      %dma_start3A_155 = arith.constant 0 : i32
      %dma_start3A_156 = tpu.memref_slice %arg2[%dma_start3A_155, %multiple_of3A_154] : memref<64x1000000xf32, #tpu.memory_space<hbm>> -> memref<64x128xf32, #tpu.memory_space<hbm>>
      %dma_start3A_157 = arith.constant 0 : i32
      %dma_start3A_158 = tpu.memref_slice %arg2[%dma_start3A_157, %multiple_of3A_154] : memref<64x1000000xf32, #tpu.memory_space<hbm>> -> memref<64x128xf32, #tpu.memory_space<hbm>>
      tpu.enqueue_dma source(%dma_start3A_158 : memref<64x128xf32, #tpu.memory_space<hbm>>) target(%arg17 : memref<64x128xf32, #tpu.memory_space<vmem>>) target_semaphore(%arg23 : memref<!tpu.dma_semaphore, #tpu.memory_space<semaphore_mem>>)
    } else {
    }
    %gt3A_40 = arith.constant 5 : i32
    %gt3A_41 = arith.cmpi sgt, %squeeze3A, %gt3A_40 : i32
    %convert_element_type3A_42 = arith.extui %gt3A_41 : i1 to i32
    %cond3A_43 = arith.constant 0 : i32
    %cond3A_44 = arith.cmpi ne, %convert_element_type3A_42, %cond3A_43 : i32
    scf.if %cond3A_44 {
      %get3A_143 = arith.constant 5 : index
      %get3A_144 = tpu.vector_load %arg8[%get3A_143] {strides = array<i32>} : memref<656xi32, #tpu.memory_space<vmem>>, vector<16xi32>,
      %slice3A_145 = vector.extract_strided_slice %get3A_144 {offsets = [0], sizes = [1], strides = [1]} : vector<16xi32> to vector<1xi32>
      %squeeze3A_146 = vector.extract %slice3A_145[0] : i32 from vector<1xi32>
      %get3A_147 = arith.index_cast %squeeze3A_146 : i32 to index
      %get3A_148 = tpu.vector_load %arg9[%get3A_147] {strides = array<i32>} : memref<528xi32, #tpu.memory_space<vmem>>, vector<16xi32>,
      %slice3A_149 = vector.extract_strided_slice %get3A_148 {offsets = [0], sizes = [1], strides = [1]} : vector<16xi32> to vector<1xi32>
      %squeeze3A_150 = vector.extract %slice3A_149[0] : i32 from vector<1xi32>
      %shift_right_logical3A = arith.constant 7 : i32
      %shift_right_logical3A_151 = arith.shrui %squeeze3A_150, %shift_right_logical3A : i32
      %mul3A_152 = arith.constant 128 : i32
      %mul3A_153 = arith.muli %shift_right_logical3A_151, %mul3A_152 : i32
      %multiple_of3A_154 = tpu.assume_multiple %mul3A_153, 128 : i32
      %dma_start3A_155 = arith.constant 0 : i32
      %dma_start3A_156 = tpu.memref_slice %arg2[%dma_start3A_155, %multiple_of3A_154] : memref<64x1000000xf32, #tpu.memory_space<hbm>> -> memref<64x128xf32, #tpu.memory_space<hbm>>
      %dma_start3A_157 = arith.constant 0 : i32
      %dma_start3A_158 = tpu.memref_slice %arg2[%dma_start3A_157, %multiple_of3A_154] : memref<64x1000000xf32, #tpu.memory_space<hbm>> -> memref<64x128xf32, #tpu.memory_space<hbm>>
      tpu.enqueue_dma source(%dma_start3A_158 : memref<64x128xf32, #tpu.memory_space<hbm>>) target(%arg18 : memref<64x128xf32, #tpu.memory_space<vmem>>) target_semaphore(%arg24 : memref<!tpu.dma_semaphore, #tpu.memory_space<semaphore_mem>>)
    } else {
    }
    %iota3A = tpu.iota {dimensions = array<i32: 0>} : vector<16xi32>
    %add3A_45 = arith.constant 0 : i32
    %add3A_46 = vector.broadcast %add3A_45 : i32 to vector<16xi32>
    %add3A_47 = arith.addi %iota3A, %add3A_46 : vector<16xi32>
    %iota3A_48 = tpu.iota {dimensions = array<i32: 0>} : vector<16xi32>
    %add3A_49 = arith.constant 16 : i32
    %add3A_50 = vector.broadcast %add3A_49 : i32 to vector<16xi32>
    %add3A_51 = arith.addi %iota3A_48, %add3A_50 : vector<16xi32>
    %iota3A_52 = tpu.iota {dimensions = array<i32: 0>} : vector<16xi32>
    %add3A_53 = arith.constant 32 : i32
    %add3A_54 = vector.broadcast %add3A_53 : i32 to vector<16xi32>
    %add3A_55 = arith.addi %iota3A_52, %add3A_54 : vector<16xi32>
    %iota3A_56 = tpu.iota {dimensions = array<i32: 0>} : vector<16xi32>
    %add3A_57 = arith.constant 48 : i32
    %add3A_58 = vector.broadcast %add3A_57 : i32 to vector<16xi32>
    %add3A_59 = arith.addi %iota3A_56, %add3A_58 : vector<16xi32>
    %scan3A = arith.constant 0 : i32
    %scan3A_60 = arith.constant 0 : i32
    %scan3A_61 = arith.constant 106 : i32
    %scan3A_62 = arith.addi %scan3A_60, %scan3A_61 : i32
    %scan3A_63 = arith.constant 1 : i32
    scf.for %scan3A_143 = %scan3A_60 to %scan3A_62 step %scan3A_63  : i32 {
      %mul3A_144 = arith.constant 6 : i32
      %mul3A_145 = arith.muli %scan3A_143, %mul3A_144 : i32
      %add3A_146 = arith.constant 0 : i32
      %add3A_147 = arith.addi %mul3A_145, %add3A_146 : i32
      %lt3A = arith.cmpi slt, %add3A_147, %squeeze3A : i32
      %convert_element_type3A_148 = arith.extui %lt3A : i1 to i32
      %cond3A_149 = arith.constant 0 : i32
      %cond3A_150 = arith.cmpi ne, %convert_element_type3A_148, %cond3A_149 : i32
      scf.if %cond3A_150 {
        %dma_wait3A_191 = arith.constant 0 : i32
        %dma_wait3A_192 = arith.constant 0 : i32
        %dma_wait3A_193 = tpu.memref_slice %arg2[%dma_wait3A_191, %dma_wait3A_192] : memref<64x1000000xf32, #tpu.memory_space<hbm>> -> memref<64x128xf32, #tpu.memory_space<hbm>>
        %dma_wait3A_194 = arith.constant 0 : i32
        %dma_wait3A_195 = arith.constant 0 : i32
        %dma_wait3A_196 = tpu.memref_slice %arg2[%dma_wait3A_194, %dma_wait3A_195] : memref<64x1000000xf32, #tpu.memory_space<hbm>> -> memref<64x128xf32, #tpu.memory_space<hbm>>
        tpu.wait_dma2 semaphore(%arg19 : memref<!tpu.dma_semaphore, #tpu.memory_space<semaphore_mem>>) src(%dma_wait3A_196 : memref<64x128xf32, #tpu.memory_space<hbm>>) dst(%arg13 : memref<64x128xf32, #tpu.memory_space<vmem>>)
        %get3A_197 = arith.index_cast %add3A_147 : i32 to index
        %get3A_198 = tpu.vector_load %arg8[%get3A_197] {strides = array<i32>} : memref<656xi32, #tpu.memory_space<vmem>>, vector<16xi32>,
        %slice3A_199 = vector.extract_strided_slice %get3A_198 {offsets = [0], sizes = [1], strides = [1]} : vector<16xi32> to vector<1xi32>
        %squeeze3A_200 = vector.extract %slice3A_199[0] : i32 from vector<1xi32>
        %add3A_201 = arith.constant 1 : i32
        %add3A_202 = arith.addi %add3A_147, %add3A_201 : i32
        %get3A_203 = arith.index_cast %add3A_202 : i32 to index
        %get3A_204 = tpu.vector_load %arg8[%get3A_203] {strides = array<i32>} : memref<656xi32, #tpu.memory_space<vmem>>, vector<16xi32>,
        %slice3A_205 = vector.extract_strided_slice %get3A_204 {offsets = [0], sizes = [1], strides = [1]} : vector<16xi32> to vector<1xi32>
        %squeeze3A_206 = vector.extract %slice3A_205[0] : i32 from vector<1xi32>
        %while3A = arith.constant 0 : i32
        %while3A_207 = arith.subi %squeeze3A_206, %squeeze3A_200 : i32
        %while3A_208 = arith.addi %squeeze3A_200, %while3A_207 : i32
        %while3A_209 = arith.constant 1 : i32
        %while3A_210 = arith.divsi %while3A_207, %while3A_209 : i32
        %while3A_211 = arith.muli %while3A_210, %while3A_209 : i32
        %while3A_212 = arith.addi %squeeze3A_200, %while3A_211 : i32
        %while3A_213 = arith.constant 1 : i32
        scf.for %while3A_221 = %squeeze3A_200 to %while3A_212 step %while3A_213  : i32 {
          %get3A_222 = arith.index_cast %while3A_221 : i32 to index
          %get3A_223 = tpu.vector_load %arg9[%get3A_222] {strides = array<i32>} : memref<528xi32, #tpu.memory_space<vmem>>, vector<16xi32>,
          %slice3A_224 = vector.extract_strided_slice %get3A_223 {offsets = [0], sizes = [1], strides = [1]} : vector<16xi32> to vector<1xi32>
          %squeeze3A_225 = vector.extract %slice3A_224[0] : i32 from vector<1xi32>
          %and3A = arith.constant 127 : i32
          %and3A_226 = arith.andi %squeeze3A_225, %and3A : i32
          %broadcast_in_dim3A = vector.broadcast %and3A_226 : i32 to vector<16xi32>
          %gather3A = tpu.vector_load_idx %arg13[%add3A_47, %broadcast_in_dim3A] : memref<64x128xf32, #tpu.memory_space<vmem>>[vector<16xi32>, vector<16xi32>], vector<16xf32>,
          %swap3A = arith.index_cast %while3A_221 : i32 to index
          %swap3A_227 = arith.constant 0 : index
          %swap3A_228 = tpu.vector_load %arg12[%swap3A, %swap3A_227] {strides = array<i32>} : memref<512x128xf32, #tpu.memory_space<vmem>>, vector<16xf32>,
          tpu.vector_store %arg12[%swap3A, %swap3A_227], %gather3A {strides = array<i32>} : memref<512x128xf32, #tpu.memory_space<vmem>>, vector<16xf32>,
          %gather3A_229 = tpu.vector_load_idx %arg13[%add3A_51, %broadcast_in_dim3A] : memref<64x128xf32, #tpu.memory_space<vmem>>[vector<16xi32>, vector<16xi32>], vector<16xf32>,
          %swap3A_230 = arith.index_cast %while3A_221 : i32 to index
          %swap3A_231 = arith.constant 16 : index
          %swap3A_232 = tpu.vector_load %arg12[%swap3A_230, %swap3A_231] {strides = array<i32>} : memref<512x128xf32, #tpu.memory_space<vmem>>, vector<16xf32>,
          tpu.vector_store %arg12[%swap3A_230, %swap3A_231], %gather3A_229 {strides = array<i32>} : memref<512x128xf32, #tpu.memory_space<vmem>>, vector<16xf32>,
          %gather3A_233 = tpu.vector_load_idx %arg13[%add3A_55, %broadcast_in_dim3A] : memref<64x128xf32, #tpu.memory_space<vmem>>[vector<16xi32>, vector<16xi32>], vector<16xf32>,
          %swap3A_234 = arith.index_cast %while3A_221 : i32 to index
          %swap3A_235 = arith.constant 32 : index
          %swap3A_236 = tpu.vector_load %arg12[%swap3A_234, %swap3A_235] {strides = array<i32>} : memref<512x128xf32, #tpu.memory_space<vmem>>, vector<16xf32>,
          tpu.vector_store %arg12[%swap3A_234, %swap3A_235], %gather3A_233 {strides = array<i32>} : memref<512x128xf32, #tpu.memory_space<vmem>>, vector<16xf32>,
          %gather3A_237 = tpu.vector_load_idx %arg13[%add3A_59, %broadcast_in_dim3A] : memref<64x128xf32, #tpu.memory_space<vmem>>[vector<16xi32>, vector<16xi32>], vector<16xf32>,
          %swap3A_238 = arith.index_cast %while3A_221 : i32 to index
          %swap3A_239 = arith.constant 48 : index
          %swap3A_240 = tpu.vector_load %arg12[%swap3A_238, %swap3A_239] {strides = array<i32>} : memref<512x128xf32, #tpu.memory_space<vmem>>, vector<16xf32>,
          tpu.vector_store %arg12[%swap3A_238, %swap3A_239], %gather3A_237 {strides = array<i32>} : memref<512x128xf32, #tpu.memory_space<vmem>>, vector<16xf32>,
        }
        %while3A_214 = arith.constant 1 : i32
        scf.for %while3A_221 = %while3A_212 to %while3A_208 step %while3A_214  : i32 {
          %get3A_222 = arith.index_cast %while3A_221 : i32 to index
          %get3A_223 = tpu.vector_load %arg9[%get3A_222] {strides = array<i32>} : memref<528xi32, #tpu.memory_space<vmem>>, vector<16xi32>,
          %slice3A_224 = vector.extract_strided_slice %get3A_223 {offsets = [0], sizes = [1], strides = [1]} : vector<16xi32> to vector<1xi32>
          %squeeze3A_225 = vector.extract %slice3A_224[0] : i32 from vector<1xi32>
          %and3A = arith.constant 127 : i32
          %and3A_226 = arith.andi %squeeze3A_225, %and3A : i32
          %broadcast_in_dim3A = vector.broadcast %and3A_226 : i32 to vector<16xi32>
          %gather3A = tpu.vector_load_idx %arg13[%add3A_47, %broadcast_in_dim3A] : memref<64x128xf32, #tpu.memory_space<vmem>>[vector<16xi32>, vector<16xi32>], vector<16xf32>,
          %swap3A = arith.index_cast %while3A_221 : i32 to index
          %swap3A_227 = arith.constant 0 : index
          %swap3A_228 = tpu.vector_load %arg12[%swap3A, %swap3A_227] {strides = array<i32>} : memref<512x128xf32, #tpu.memory_space<vmem>>, vector<16xf32>,
          tpu.vector_store %arg12[%swap3A, %swap3A_227], %gather3A {strides = array<i32>} : memref<512x128xf32, #tpu.memory_space<vmem>>, vector<16xf32>,
          %gather3A_229 = tpu.vector_load_idx %arg13[%add3A_51, %broadcast_in_dim3A] : memref<64x128xf32, #tpu.memory_space<vmem>>[vector<16xi32>, vector<16xi32>], vector<16xf32>,
          %swap3A_230 = arith.index_cast %while3A_221 : i32 to index
          %swap3A_231 = arith.constant 16 : index
          %swap3A_232 = tpu.vector_load %arg12[%swap3A_230, %swap3A_231] {strides = array<i32>} : memref<512x128xf32, #tpu.memory_space<vmem>>, vector<16xf32>,
          tpu.vector_store %arg12[%swap3A_230, %swap3A_231], %gather3A_229 {strides = array<i32>} : memref<512x128xf32, #tpu.memory_space<vmem>>, vector<16xf32>,
          %gather3A_233 = tpu.vector_load_idx %arg13[%add3A_55, %broadcast_in_dim3A] : memref<64x128xf32, #tpu.memory_space<vmem>>[vector<16xi32>, vector<16xi32>], vector<16xf32>,
          %swap3A_234 = arith.index_cast %while3A_221 : i32 to index
          %swap3A_235 = arith.constant 32 : index
          %swap3A_236 = tpu.vector_load %arg12[%swap3A_234, %swap3A_235] {strides = array<i32>} : memref<512x128xf32, #tpu.memory_space<vmem>>, vector<16xf32>,
          tpu.vector_store %arg12[%swap3A_234, %swap3A_235], %gather3A_233 {strides = array<i32>} : memref<512x128xf32, #tpu.memory_space<vmem>>, vector<16xf32>,
          %gather3A_237 = tpu.vector_load_idx %arg13[%add3A_59, %broadcast_in_dim3A] : memref<64x128xf32, #tpu.memory_space<vmem>>[vector<16xi32>, vector<16xi32>], vector<16xf32>,
          %swap3A_238 = arith.index_cast %while3A_221 : i32 to index
          %swap3A_239 = arith.constant 48 : index
          %swap3A_240 = tpu.vector_load %arg12[%swap3A_238, %swap3A_239] {strides = array<i32>} : memref<512x128xf32, #tpu.memory_space<vmem>>, vector<16xf32>,
          tpu.vector_store %arg12[%swap3A_238, %swap3A_239], %gather3A_237 {strides = array<i32>} : memref<512x128xf32, #tpu.memory_space<vmem>>, vector<16xf32>,
        }
        %add3A_215 = arith.constant 6 : i32
        %add3A_216 = arith.addi %add3A_147, %add3A_215 : i32
        %lt3A_217 = arith.cmpi slt, %add3A_216, %squeeze3A : i32
        %convert_element_type3A_218 = arith.extui %lt3A_217 : i1 to i32
        %cond3A_219 = arith.constant 0 : i32
        %cond3A_220 = arith.cmpi ne, %convert_element_type3A_218, %cond3A_219 : i32
        scf.if %cond3A_220 {
          %add3A_221 = arith.constant 6 : i32
          %add3A_222 = arith.addi %add3A_147, %add3A_221 : i32
          %get3A_223 = arith.index_cast %add3A_222 : i32 to index
          %get3A_224 = tpu.vector_load %arg8[%get3A_223] {strides = array<i32>} : memref<656xi32, #tpu.memory_space<vmem>>, vector<16xi32>,
          %slice3A_225 = vector.extract_strided_slice %get3A_224 {offsets = [0], sizes = [1], strides = [1]} : vector<16xi32> to vector<1xi32>
          %squeeze3A_226 = vector.extract %slice3A_225[0] : i32 from vector<1xi32>
          %get3A_227 = arith.index_cast %squeeze3A_226 : i32 to index
          %get3A_228 = tpu.vector_load %arg9[%get3A_227] {strides = array<i32>} : memref<528xi32, #tpu.memory_space<vmem>>, vector<16xi32>,
          %slice3A_229 = vector.extract_strided_slice %get3A_228 {offsets = [0], sizes = [1], strides = [1]} : vector<16xi32> to vector<1xi32>
          %squeeze3A_230 = vector.extract %slice3A_229[0] : i32 from vector<1xi32>
          %shift_right_logical3A = arith.constant 7 : i32
          %shift_right_logical3A_231 = arith.shrui %squeeze3A_230, %shift_right_logical3A : i32
          %mul3A_232 = arith.constant 128 : i32
          %mul3A_233 = arith.muli %shift_right_logical3A_231, %mul3A_232 : i32
          %multiple_of3A_234 = tpu.assume_multiple %mul3A_233, 128 : i32
          %dma_start3A_235 = arith.constant 0 : i32
          %dma_start3A_236 = tpu.memref_slice %arg2[%dma_start3A_235, %multiple_of3A_234] : memref<64x1000000xf32, #tpu.memory_space<hbm>> -> memref<64x128xf32, #tpu.memory_space<hbm>>
          %dma_start3A_237 = arith.constant 0 : i32
          %dma_start3A_238 = tpu.memref_slice %arg2[%dma_start3A_237, %multiple_of3A_234] : memref<64x1000000xf32, #tpu.memory_space<hbm>> -> memref<64x128xf32, #tpu.memory_space<hbm>>
          tpu.enqueue_dma source(%dma_start3A_238 : memref<64x128xf32, #tpu.memory_space<hbm>>) target(%arg13 : memref<64x128xf32, #tpu.memory_space<vmem>>) target_semaphore(%arg19 : memref<!tpu.dma_semaphore, #tpu.memory_space<semaphore_mem>>)
        } else {
        }
      } else {
      }
      %mul3A_151 = arith.constant 6 : i32
      %mul3A_152 = arith.muli %scan3A_143, %mul3A_151 : i32
      %add3A_153 = arith.constant 1 : i32
      %add3A_154 = arith.addi %mul3A_152, %add3A_153 : i32
      %lt3A_155 = arith.cmpi slt, %add3A_154, %squeeze3A : i32
      %convert_element_type3A_156 = arith.extui %lt3A_155 : i1 to i32
      %cond3A_157 = arith.constant 0 : i32
      %cond3A_158 = arith.cmpi ne, %convert_element_type3A_156, %cond3A_157 : i32
      scf.if %cond3A_158 {
        %dma_wait3A_191 = arith.constant 0 : i32
        %dma_wait3A_192 = arith.constant 0 : i32
        %dma_wait3A_193 = tpu.memref_slice %arg2[%dma_wait3A_191, %dma_wait3A_192] : memref<64x1000000xf32, #tpu.memory_space<hbm>> -> memref<64x128xf32, #tpu.memory_space<hbm>>
        %dma_wait3A_194 = arith.constant 0 : i32
        %dma_wait3A_195 = arith.constant 0 : i32
        %dma_wait3A_196 = tpu.memref_slice %arg2[%dma_wait3A_194, %dma_wait3A_195] : memref<64x1000000xf32, #tpu.memory_space<hbm>> -> memref<64x128xf32, #tpu.memory_space<hbm>>
        tpu.wait_dma2 semaphore(%arg20 : memref<!tpu.dma_semaphore, #tpu.memory_space<semaphore_mem>>) src(%dma_wait3A_196 : memref<64x128xf32, #tpu.memory_space<hbm>>) dst(%arg14 : memref<64x128xf32, #tpu.memory_space<vmem>>)
        %get3A_197 = arith.index_cast %add3A_154 : i32 to index
        %get3A_198 = tpu.vector_load %arg8[%get3A_197] {strides = array<i32>} : memref<656xi32, #tpu.memory_space<vmem>>, vector<16xi32>,
        %slice3A_199 = vector.extract_strided_slice %get3A_198 {offsets = [0], sizes = [1], strides = [1]} : vector<16xi32> to vector<1xi32>
        %squeeze3A_200 = vector.extract %slice3A_199[0] : i32 from vector<1xi32>
        %add3A_201 = arith.constant 1 : i32
        %add3A_202 = arith.addi %add3A_154, %add3A_201 : i32
        %get3A_203 = arith.index_cast %add3A_202 : i32 to index
        %get3A_204 = tpu.vector_load %arg8[%get3A_203] {strides = array<i32>} : memref<656xi32, #tpu.memory_space<vmem>>, vector<16xi32>,
        %slice3A_205 = vector.extract_strided_slice %get3A_204 {offsets = [0], sizes = [1], strides = [1]} : vector<16xi32> to vector<1xi32>
        %squeeze3A_206 = vector.extract %slice3A_205[0] : i32 from vector<1xi32>
        %while3A = arith.constant 0 : i32
        %while3A_207 = arith.subi %squeeze3A_206, %squeeze3A_200 : i32
        %while3A_208 = arith.addi %squeeze3A_200, %while3A_207 : i32
        %while3A_209 = arith.constant 1 : i32
        %while3A_210 = arith.divsi %while3A_207, %while3A_209 : i32
        %while3A_211 = arith.muli %while3A_210, %while3A_209 : i32
        %while3A_212 = arith.addi %squeeze3A_200, %while3A_211 : i32
        %while3A_213 = arith.constant 1 : i32
        scf.for %while3A_221 = %squeeze3A_200 to %while3A_212 step %while3A_213  : i32 {
          %get3A_222 = arith.index_cast %while3A_221 : i32 to index
          %get3A_223 = tpu.vector_load %arg9[%get3A_222] {strides = array<i32>} : memref<528xi32, #tpu.memory_space<vmem>>, vector<16xi32>,
          %slice3A_224 = vector.extract_strided_slice %get3A_223 {offsets = [0], sizes = [1], strides = [1]} : vector<16xi32> to vector<1xi32>
          %squeeze3A_225 = vector.extract %slice3A_224[0] : i32 from vector<1xi32>
          %and3A = arith.constant 127 : i32
          %and3A_226 = arith.andi %squeeze3A_225, %and3A : i32
          %broadcast_in_dim3A = vector.broadcast %and3A_226 : i32 to vector<16xi32>
          %gather3A = tpu.vector_load_idx %arg14[%add3A_47, %broadcast_in_dim3A] : memref<64x128xf32, #tpu.memory_space<vmem>>[vector<16xi32>, vector<16xi32>], vector<16xf32>,
          %swap3A = arith.index_cast %while3A_221 : i32 to index
          %swap3A_227 = arith.constant 0 : index
          %swap3A_228 = tpu.vector_load %arg12[%swap3A, %swap3A_227] {strides = array<i32>} : memref<512x128xf32, #tpu.memory_space<vmem>>, vector<16xf32>,
          tpu.vector_store %arg12[%swap3A, %swap3A_227], %gather3A {strides = array<i32>} : memref<512x128xf32, #tpu.memory_space<vmem>>, vector<16xf32>,
          %gather3A_229 = tpu.vector_load_idx %arg14[%add3A_51, %broadcast_in_dim3A] : memref<64x128xf32, #tpu.memory_space<vmem>>[vector<16xi32>, vector<16xi32>], vector<16xf32>,
          %swap3A_230 = arith.index_cast %while3A_221 : i32 to index
          %swap3A_231 = arith.constant 16 : index
          %swap3A_232 = tpu.vector_load %arg12[%swap3A_230, %swap3A_231] {strides = array<i32>} : memref<512x128xf32, #tpu.memory_space<vmem>>, vector<16xf32>,
          tpu.vector_store %arg12[%swap3A_230, %swap3A_231], %gather3A_229 {strides = array<i32>} : memref<512x128xf32, #tpu.memory_space<vmem>>, vector<16xf32>,
          %gather3A_233 = tpu.vector_load_idx %arg14[%add3A_55, %broadcast_in_dim3A] : memref<64x128xf32, #tpu.memory_space<vmem>>[vector<16xi32>, vector<16xi32>], vector<16xf32>,
          %swap3A_234 = arith.index_cast %while3A_221 : i32 to index
          %swap3A_235 = arith.constant 32 : index
          %swap3A_236 = tpu.vector_load %arg12[%swap3A_234, %swap3A_235] {strides = array<i32>} : memref<512x128xf32, #tpu.memory_space<vmem>>, vector<16xf32>,
          tpu.vector_store %arg12[%swap3A_234, %swap3A_235], %gather3A_233 {strides = array<i32>} : memref<512x128xf32, #tpu.memory_space<vmem>>, vector<16xf32>,
          %gather3A_237 = tpu.vector_load_idx %arg14[%add3A_59, %broadcast_in_dim3A] : memref<64x128xf32, #tpu.memory_space<vmem>>[vector<16xi32>, vector<16xi32>], vector<16xf32>,
          %swap3A_238 = arith.index_cast %while3A_221 : i32 to index
          %swap3A_239 = arith.constant 48 : index
          %swap3A_240 = tpu.vector_load %arg12[%swap3A_238, %swap3A_239] {strides = array<i32>} : memref<512x128xf32, #tpu.memory_space<vmem>>, vector<16xf32>,
          tpu.vector_store %arg12[%swap3A_238, %swap3A_239], %gather3A_237 {strides = array<i32>} : memref<512x128xf32, #tpu.memory_space<vmem>>, vector<16xf32>,
        }
        %while3A_214 = arith.constant 1 : i32
        scf.for %while3A_221 = %while3A_212 to %while3A_208 step %while3A_214  : i32 {
          %get3A_222 = arith.index_cast %while3A_221 : i32 to index
          %get3A_223 = tpu.vector_load %arg9[%get3A_222] {strides = array<i32>} : memref<528xi32, #tpu.memory_space<vmem>>, vector<16xi32>,
          %slice3A_224 = vector.extract_strided_slice %get3A_223 {offsets = [0], sizes = [1], strides = [1]} : vector<16xi32> to vector<1xi32>
          %squeeze3A_225 = vector.extract %slice3A_224[0] : i32 from vector<1xi32>
          %and3A = arith.constant 127 : i32
          %and3A_226 = arith.andi %squeeze3A_225, %and3A : i32
          %broadcast_in_dim3A = vector.broadcast %and3A_226 : i32 to vector<16xi32>
          %gather3A = tpu.vector_load_idx %arg14[%add3A_47, %broadcast_in_dim3A] : memref<64x128xf32, #tpu.memory_space<vmem>>[vector<16xi32>, vector<16xi32>], vector<16xf32>,
          %swap3A = arith.index_cast %while3A_221 : i32 to index
          %swap3A_227 = arith.constant 0 : index
          %swap3A_228 = tpu.vector_load %arg12[%swap3A, %swap3A_227] {strides = array<i32>} : memref<512x128xf32, #tpu.memory_space<vmem>>, vector<16xf32>,
          tpu.vector_store %arg12[%swap3A, %swap3A_227], %gather3A {strides = array<i32>} : memref<512x128xf32, #tpu.memory_space<vmem>>, vector<16xf32>,
          %gather3A_229 = tpu.vector_load_idx %arg14[%add3A_51, %broadcast_in_dim3A] : memref<64x128xf32, #tpu.memory_space<vmem>>[vector<16xi32>, vector<16xi32>], vector<16xf32>,
          %swap3A_230 = arith.index_cast %while3A_221 : i32 to index
          %swap3A_231 = arith.constant 16 : index
          %swap3A_232 = tpu.vector_load %arg12[%swap3A_230, %swap3A_231] {strides = array<i32>} : memref<512x128xf32, #tpu.memory_space<vmem>>, vector<16xf32>,
          tpu.vector_store %arg12[%swap3A_230, %swap3A_231], %gather3A_229 {strides = array<i32>} : memref<512x128xf32, #tpu.memory_space<vmem>>, vector<16xf32>,
          %gather3A_233 = tpu.vector_load_idx %arg14[%add3A_55, %broadcast_in_dim3A] : memref<64x128xf32, #tpu.memory_space<vmem>>[vector<16xi32>, vector<16xi32>], vector<16xf32>,
          %swap3A_234 = arith.index_cast %while3A_221 : i32 to index
          %swap3A_235 = arith.constant 32 : index
          %swap3A_236 = tpu.vector_load %arg12[%swap3A_234, %swap3A_235] {strides = array<i32>} : memref<512x128xf32, #tpu.memory_space<vmem>>, vector<16xf32>,
          tpu.vector_store %arg12[%swap3A_234, %swap3A_235], %gather3A_233 {strides = array<i32>} : memref<512x128xf32, #tpu.memory_space<vmem>>, vector<16xf32>,
          %gather3A_237 = tpu.vector_load_idx %arg14[%add3A_59, %broadcast_in_dim3A] : memref<64x128xf32, #tpu.memory_space<vmem>>[vector<16xi32>, vector<16xi32>], vector<16xf32>,
          %swap3A_238 = arith.index_cast %while3A_221 : i32 to index
          %swap3A_239 = arith.constant 48 : index
          %swap3A_240 = tpu.vector_load %arg12[%swap3A_238, %swap3A_239] {strides = array<i32>} : memref<512x128xf32, #tpu.memory_space<vmem>>, vector<16xf32>,
          tpu.vector_store %arg12[%swap3A_238, %swap3A_239], %gather3A_237 {strides = array<i32>} : memref<512x128xf32, #tpu.memory_space<vmem>>, vector<16xf32>,
        }
        %add3A_215 = arith.constant 6 : i32
        %add3A_216 = arith.addi %add3A_154, %add3A_215 : i32
        %lt3A_217 = arith.cmpi slt, %add3A_216, %squeeze3A : i32
        %convert_element_type3A_218 = arith.extui %lt3A_217 : i1 to i32
        %cond3A_219 = arith.constant 0 : i32
        %cond3A_220 = arith.cmpi ne, %convert_element_type3A_218, %cond3A_219 : i32
        scf.if %cond3A_220 {
          %add3A_221 = arith.constant 6 : i32
          %add3A_222 = arith.addi %add3A_154, %add3A_221 : i32
          %get3A_223 = arith.index_cast %add3A_222 : i32 to index
          %get3A_224 = tpu.vector_load %arg8[%get3A_223] {strides = array<i32>} : memref<656xi32, #tpu.memory_space<vmem>>, vector<16xi32>,
          %slice3A_225 = vector.extract_strided_slice %get3A_224 {offsets = [0], sizes = [1], strides = [1]} : vector<16xi32> to vector<1xi32>
          %squeeze3A_226 = vector.extract %slice3A_225[0] : i32 from vector<1xi32>
          %get3A_227 = arith.index_cast %squeeze3A_226 : i32 to index
          %get3A_228 = tpu.vector_load %arg9[%get3A_227] {strides = array<i32>} : memref<528xi32, #tpu.memory_space<vmem>>, vector<16xi32>,
          %slice3A_229 = vector.extract_strided_slice %get3A_228 {offsets = [0], sizes = [1], strides = [1]} : vector<16xi32> to vector<1xi32>
          %squeeze3A_230 = vector.extract %slice3A_229[0] : i32 from vector<1xi32>
          %shift_right_logical3A = arith.constant 7 : i32
          %shift_right_logical3A_231 = arith.shrui %squeeze3A_230, %shift_right_logical3A : i32
          %mul3A_232 = arith.constant 128 : i32
          %mul3A_233 = arith.muli %shift_right_logical3A_231, %mul3A_232 : i32
          %multiple_of3A_234 = tpu.assume_multiple %mul3A_233, 128 : i32
          %dma_start3A_235 = arith.constant 0 : i32
          %dma_start3A_236 = tpu.memref_slice %arg2[%dma_start3A_235, %multiple_of3A_234] : memref<64x1000000xf32, #tpu.memory_space<hbm>> -> memref<64x128xf32, #tpu.memory_space<hbm>>
          %dma_start3A_237 = arith.constant 0 : i32
          %dma_start3A_238 = tpu.memref_slice %arg2[%dma_start3A_237, %multiple_of3A_234] : memref<64x1000000xf32, #tpu.memory_space<hbm>> -> memref<64x128xf32, #tpu.memory_space<hbm>>
          tpu.enqueue_dma source(%dma_start3A_238 : memref<64x128xf32, #tpu.memory_space<hbm>>) target(%arg14 : memref<64x128xf32, #tpu.memory_space<vmem>>) target_semaphore(%arg20 : memref<!tpu.dma_semaphore, #tpu.memory_space<semaphore_mem>>)
        } else {
        }
      } else {
      }
      %mul3A_159 = arith.constant 6 : i32
      %mul3A_160 = arith.muli %scan3A_143, %mul3A_159 : i32
      %add3A_161 = arith.constant 2 : i32
      %add3A_162 = arith.addi %mul3A_160, %add3A_161 : i32
      %lt3A_163 = arith.cmpi slt, %add3A_162, %squeeze3A : i32
      %convert_element_type3A_164 = arith.extui %lt3A_163 : i1 to i32
      %cond3A_165 = arith.constant 0 : i32
      %cond3A_166 = arith.cmpi ne, %convert_element_type3A_164, %cond3A_165 : i32
      scf.if %cond3A_166 {
        %dma_wait3A_191 = arith.constant 0 : i32
        %dma_wait3A_192 = arith.constant 0 : i32
        %dma_wait3A_193 = tpu.memref_slice %arg2[%dma_wait3A_191, %dma_wait3A_192] : memref<64x1000000xf32, #tpu.memory_space<hbm>> -> memref<64x128xf32, #tpu.memory_space<hbm>>
        %dma_wait3A_194 = arith.constant 0 : i32
        %dma_wait3A_195 = arith.constant 0 : i32
        %dma_wait3A_196 = tpu.memref_slice %arg2[%dma_wait3A_194, %dma_wait3A_195] : memref<64x1000000xf32, #tpu.memory_space<hbm>> -> memref<64x128xf32, #tpu.memory_space<hbm>>
        tpu.wait_dma2 semaphore(%arg21 : memref<!tpu.dma_semaphore, #tpu.memory_space<semaphore_mem>>) src(%dma_wait3A_196 : memref<64x128xf32, #tpu.memory_space<hbm>>) dst(%arg15 : memref<64x128xf32, #tpu.memory_space<vmem>>)
        %get3A_197 = arith.index_cast %add3A_162 : i32 to index
        %get3A_198 = tpu.vector_load %arg8[%get3A_197] {strides = array<i32>} : memref<656xi32, #tpu.memory_space<vmem>>, vector<16xi32>,
        %slice3A_199 = vector.extract_strided_slice %get3A_198 {offsets = [0], sizes = [1], strides = [1]} : vector<16xi32> to vector<1xi32>
        %squeeze3A_200 = vector.extract %slice3A_199[0] : i32 from vector<1xi32>
        %add3A_201 = arith.constant 1 : i32
        %add3A_202 = arith.addi %add3A_162, %add3A_201 : i32
        %get3A_203 = arith.index_cast %add3A_202 : i32 to index
        %get3A_204 = tpu.vector_load %arg8[%get3A_203] {strides = array<i32>} : memref<656xi32, #tpu.memory_space<vmem>>, vector<16xi32>,
        %slice3A_205 = vector.extract_strided_slice %get3A_204 {offsets = [0], sizes = [1], strides = [1]} : vector<16xi32> to vector<1xi32>
        %squeeze3A_206 = vector.extract %slice3A_205[0] : i32 from vector<1xi32>
        %while3A = arith.constant 0 : i32
        %while3A_207 = arith.subi %squeeze3A_206, %squeeze3A_200 : i32
        %while3A_208 = arith.addi %squeeze3A_200, %while3A_207 : i32
        %while3A_209 = arith.constant 1 : i32
        %while3A_210 = arith.divsi %while3A_207, %while3A_209 : i32
        %while3A_211 = arith.muli %while3A_210, %while3A_209 : i32
        %while3A_212 = arith.addi %squeeze3A_200, %while3A_211 : i32
        %while3A_213 = arith.constant 1 : i32
        scf.for %while3A_221 = %squeeze3A_200 to %while3A_212 step %while3A_213  : i32 {
          %get3A_222 = arith.index_cast %while3A_221 : i32 to index
          %get3A_223 = tpu.vector_load %arg9[%get3A_222] {strides = array<i32>} : memref<528xi32, #tpu.memory_space<vmem>>, vector<16xi32>,
          %slice3A_224 = vector.extract_strided_slice %get3A_223 {offsets = [0], sizes = [1], strides = [1]} : vector<16xi32> to vector<1xi32>
          %squeeze3A_225 = vector.extract %slice3A_224[0] : i32 from vector<1xi32>
          %and3A = arith.constant 127 : i32
          %and3A_226 = arith.andi %squeeze3A_225, %and3A : i32
          %broadcast_in_dim3A = vector.broadcast %and3A_226 : i32 to vector<16xi32>
          %gather3A = tpu.vector_load_idx %arg15[%add3A_47, %broadcast_in_dim3A] : memref<64x128xf32, #tpu.memory_space<vmem>>[vector<16xi32>, vector<16xi32>], vector<16xf32>,
          %swap3A = arith.index_cast %while3A_221 : i32 to index
          %swap3A_227 = arith.constant 0 : index
          %swap3A_228 = tpu.vector_load %arg12[%swap3A, %swap3A_227] {strides = array<i32>} : memref<512x128xf32, #tpu.memory_space<vmem>>, vector<16xf32>,
          tpu.vector_store %arg12[%swap3A, %swap3A_227], %gather3A {strides = array<i32>} : memref<512x128xf32, #tpu.memory_space<vmem>>, vector<16xf32>,
          %gather3A_229 = tpu.vector_load_idx %arg15[%add3A_51, %broadcast_in_dim3A] : memref<64x128xf32, #tpu.memory_space<vmem>>[vector<16xi32>, vector<16xi32>], vector<16xf32>,
          %swap3A_230 = arith.index_cast %while3A_221 : i32 to index
          %swap3A_231 = arith.constant 16 : index
          %swap3A_232 = tpu.vector_load %arg12[%swap3A_230, %swap3A_231] {strides = array<i32>} : memref<512x128xf32, #tpu.memory_space<vmem>>, vector<16xf32>,
          tpu.vector_store %arg12[%swap3A_230, %swap3A_231], %gather3A_229 {strides = array<i32>} : memref<512x128xf32, #tpu.memory_space<vmem>>, vector<16xf32>,
          %gather3A_233 = tpu.vector_load_idx %arg15[%add3A_55, %broadcast_in_dim3A] : memref<64x128xf32, #tpu.memory_space<vmem>>[vector<16xi32>, vector<16xi32>], vector<16xf32>,
          %swap3A_234 = arith.index_cast %while3A_221 : i32 to index
          %swap3A_235 = arith.constant 32 : index
          %swap3A_236 = tpu.vector_load %arg12[%swap3A_234, %swap3A_235] {strides = array<i32>} : memref<512x128xf32, #tpu.memory_space<vmem>>, vector<16xf32>,
          tpu.vector_store %arg12[%swap3A_234, %swap3A_235], %gather3A_233 {strides = array<i32>} : memref<512x128xf32, #tpu.memory_space<vmem>>, vector<16xf32>,
          %gather3A_237 = tpu.vector_load_idx %arg15[%add3A_59, %broadcast_in_dim3A] : memref<64x128xf32, #tpu.memory_space<vmem>>[vector<16xi32>, vector<16xi32>], vector<16xf32>,
          %swap3A_238 = arith.index_cast %while3A_221 : i32 to index
          %swap3A_239 = arith.constant 48 : index
          %swap3A_240 = tpu.vector_load %arg12[%swap3A_238, %swap3A_239] {strides = array<i32>} : memref<512x128xf32, #tpu.memory_space<vmem>>, vector<16xf32>,
          tpu.vector_store %arg12[%swap3A_238, %swap3A_239], %gather3A_237 {strides = array<i32>} : memref<512x128xf32, #tpu.memory_space<vmem>>, vector<16xf32>,
        }
        %while3A_214 = arith.constant 1 : i32
        scf.for %while3A_221 = %while3A_212 to %while3A_208 step %while3A_214  : i32 {
          %get3A_222 = arith.index_cast %while3A_221 : i32 to index
          %get3A_223 = tpu.vector_load %arg9[%get3A_222] {strides = array<i32>} : memref<528xi32, #tpu.memory_space<vmem>>, vector<16xi32>,
          %slice3A_224 = vector.extract_strided_slice %get3A_223 {offsets = [0], sizes = [1], strides = [1]} : vector<16xi32> to vector<1xi32>
          %squeeze3A_225 = vector.extract %slice3A_224[0] : i32 from vector<1xi32>
          %and3A = arith.constant 127 : i32
          %and3A_226 = arith.andi %squeeze3A_225, %and3A : i32
          %broadcast_in_dim3A = vector.broadcast %and3A_226 : i32 to vector<16xi32>
          %gather3A = tpu.vector_load_idx %arg15[%add3A_47, %broadcast_in_dim3A] : memref<64x128xf32, #tpu.memory_space<vmem>>[vector<16xi32>, vector<16xi32>], vector<16xf32>,
          %swap3A = arith.index_cast %while3A_221 : i32 to index
          %swap3A_227 = arith.constant 0 : index
          %swap3A_228 = tpu.vector_load %arg12[%swap3A, %swap3A_227] {strides = array<i32>} : memref<512x128xf32, #tpu.memory_space<vmem>>, vector<16xf32>,
          tpu.vector_store %arg12[%swap3A, %swap3A_227], %gather3A {strides = array<i32>} : memref<512x128xf32, #tpu.memory_space<vmem>>, vector<16xf32>,
          %gather3A_229 = tpu.vector_load_idx %arg15[%add3A_51, %broadcast_in_dim3A] : memref<64x128xf32, #tpu.memory_space<vmem>>[vector<16xi32>, vector<16xi32>], vector<16xf32>,
          %swap3A_230 = arith.index_cast %while3A_221 : i32 to index
          %swap3A_231 = arith.constant 16 : index
          %swap3A_232 = tpu.vector_load %arg12[%swap3A_230, %swap3A_231] {strides = array<i32>} : memref<512x128xf32, #tpu.memory_space<vmem>>, vector<16xf32>,
          tpu.vector_store %arg12[%swap3A_230, %swap3A_231], %gather3A_229 {strides = array<i32>} : memref<512x128xf32, #tpu.memory_space<vmem>>, vector<16xf32>,
          %gather3A_233 = tpu.vector_load_idx %arg15[%add3A_55, %broadcast_in_dim3A] : memref<64x128xf32, #tpu.memory_space<vmem>>[vector<16xi32>, vector<16xi32>], vector<16xf32>,
          %swap3A_234 = arith.index_cast %while3A_221 : i32 to index
          %swap3A_235 = arith.constant 32 : index
          %swap3A_236 = tpu.vector_load %arg12[%swap3A_234, %swap3A_235] {strides = array<i32>} : memref<512x128xf32, #tpu.memory_space<vmem>>, vector<16xf32>,
          tpu.vector_store %arg12[%swap3A_234, %swap3A_235], %gather3A_233 {strides = array<i32>} : memref<512x128xf32, #tpu.memory_space<vmem>>, vector<16xf32>,
          %gather3A_237 = tpu.vector_load_idx %arg15[%add3A_59, %broadcast_in_dim3A] : memref<64x128xf32, #tpu.memory_space<vmem>>[vector<16xi32>, vector<16xi32>], vector<16xf32>,
          %swap3A_238 = arith.index_cast %while3A_221 : i32 to index
          %swap3A_239 = arith.constant 48 : index
          %swap3A_240 = tpu.vector_load %arg12[%swap3A_238, %swap3A_239] {strides = array<i32>} : memref<512x128xf32, #tpu.memory_space<vmem>>, vector<16xf32>,
          tpu.vector_store %arg12[%swap3A_238, %swap3A_239], %gather3A_237 {strides = array<i32>} : memref<512x128xf32, #tpu.memory_space<vmem>>, vector<16xf32>,
        }
        %add3A_215 = arith.constant 6 : i32
        %add3A_216 = arith.addi %add3A_162, %add3A_215 : i32
        %lt3A_217 = arith.cmpi slt, %add3A_216, %squeeze3A : i32
        %convert_element_type3A_218 = arith.extui %lt3A_217 : i1 to i32
        %cond3A_219 = arith.constant 0 : i32
        %cond3A_220 = arith.cmpi ne, %convert_element_type3A_218, %cond3A_219 : i32
        scf.if %cond3A_220 {
          %add3A_221 = arith.constant 6 : i32
          %add3A_222 = arith.addi %add3A_162, %add3A_221 : i32
          %get3A_223 = arith.index_cast %add3A_222 : i32 to index
          %get3A_224 = tpu.vector_load %arg8[%get3A_223] {strides = array<i32>} : memref<656xi32, #tpu.memory_space<vmem>>, vector<16xi32>,
          %slice3A_225 = vector.extract_strided_slice %get3A_224 {offsets = [0], sizes = [1], strides = [1]} : vector<16xi32> to vector<1xi32>
          %squeeze3A_226 = vector.extract %slice3A_225[0] : i32 from vector<1xi32>
          %get3A_227 = arith.index_cast %squeeze3A_226 : i32 to index
          %get3A_228 = tpu.vector_load %arg9[%get3A_227] {strides = array<i32>} : memref<528xi32, #tpu.memory_space<vmem>>, vector<16xi32>,
          %slice3A_229 = vector.extract_strided_slice %get3A_228 {offsets = [0], sizes = [1], strides = [1]} : vector<16xi32> to vector<1xi32>
          %squeeze3A_230 = vector.extract %slice3A_229[0] : i32 from vector<1xi32>
          %shift_right_logical3A = arith.constant 7 : i32
          %shift_right_logical3A_231 = arith.shrui %squeeze3A_230, %shift_right_logical3A : i32
          %mul3A_232 = arith.constant 128 : i32
          %mul3A_233 = arith.muli %shift_right_logical3A_231, %mul3A_232 : i32
          %multiple_of3A_234 = tpu.assume_multiple %mul3A_233, 128 : i32
          %dma_start3A_235 = arith.constant 0 : i32
          %dma_start3A_236 = tpu.memref_slice %arg2[%dma_start3A_235, %multiple_of3A_234] : memref<64x1000000xf32, #tpu.memory_space<hbm>> -> memref<64x128xf32, #tpu.memory_space<hbm>>
          %dma_start3A_237 = arith.constant 0 : i32
          %dma_start3A_238 = tpu.memref_slice %arg2[%dma_start3A_237, %multiple_of3A_234] : memref<64x1000000xf32, #tpu.memory_space<hbm>> -> memref<64x128xf32, #tpu.memory_space<hbm>>
          tpu.enqueue_dma source(%dma_start3A_238 : memref<64x128xf32, #tpu.memory_space<hbm>>) target(%arg15 : memref<64x128xf32, #tpu.memory_space<vmem>>) target_semaphore(%arg21 : memref<!tpu.dma_semaphore, #tpu.memory_space<semaphore_mem>>)
        } else {
        }
      } else {
      }
      %mul3A_167 = arith.constant 6 : i32
      %mul3A_168 = arith.muli %scan3A_143, %mul3A_167 : i32
      %add3A_169 = arith.constant 3 : i32
      %add3A_170 = arith.addi %mul3A_168, %add3A_169 : i32
      %lt3A_171 = arith.cmpi slt, %add3A_170, %squeeze3A : i32
      %convert_element_type3A_172 = arith.extui %lt3A_171 : i1 to i32
      %cond3A_173 = arith.constant 0 : i32
      %cond3A_174 = arith.cmpi ne, %convert_element_type3A_172, %cond3A_173 : i32
      scf.if %cond3A_174 {
        %dma_wait3A_191 = arith.constant 0 : i32
        %dma_wait3A_192 = arith.constant 0 : i32
        %dma_wait3A_193 = tpu.memref_slice %arg2[%dma_wait3A_191, %dma_wait3A_192] : memref<64x1000000xf32, #tpu.memory_space<hbm>> -> memref<64x128xf32, #tpu.memory_space<hbm>>
        %dma_wait3A_194 = arith.constant 0 : i32
        %dma_wait3A_195 = arith.constant 0 : i32
        %dma_wait3A_196 = tpu.memref_slice %arg2[%dma_wait3A_194, %dma_wait3A_195] : memref<64x1000000xf32, #tpu.memory_space<hbm>> -> memref<64x128xf32, #tpu.memory_space<hbm>>
        tpu.wait_dma2 semaphore(%arg22 : memref<!tpu.dma_semaphore, #tpu.memory_space<semaphore_mem>>) src(%dma_wait3A_196 : memref<64x128xf32, #tpu.memory_space<hbm>>) dst(%arg16 : memref<64x128xf32, #tpu.memory_space<vmem>>)
        %get3A_197 = arith.index_cast %add3A_170 : i32 to index
        %get3A_198 = tpu.vector_load %arg8[%get3A_197] {strides = array<i32>} : memref<656xi32, #tpu.memory_space<vmem>>, vector<16xi32>,
        %slice3A_199 = vector.extract_strided_slice %get3A_198 {offsets = [0], sizes = [1], strides = [1]} : vector<16xi32> to vector<1xi32>
        %squeeze3A_200 = vector.extract %slice3A_199[0] : i32 from vector<1xi32>
        %add3A_201 = arith.constant 1 : i32
        %add3A_202 = arith.addi %add3A_170, %add3A_201 : i32
        %get3A_203 = arith.index_cast %add3A_202 : i32 to index
        %get3A_204 = tpu.vector_load %arg8[%get3A_203] {strides = array<i32>} : memref<656xi32, #tpu.memory_space<vmem>>, vector<16xi32>,
        %slice3A_205 = vector.extract_strided_slice %get3A_204 {offsets = [0], sizes = [1], strides = [1]} : vector<16xi32> to vector<1xi32>
        %squeeze3A_206 = vector.extract %slice3A_205[0] : i32 from vector<1xi32>
        %while3A = arith.constant 0 : i32
        %while3A_207 = arith.subi %squeeze3A_206, %squeeze3A_200 : i32
        %while3A_208 = arith.addi %squeeze3A_200, %while3A_207 : i32
        %while3A_209 = arith.constant 1 : i32
        %while3A_210 = arith.divsi %while3A_207, %while3A_209 : i32
        %while3A_211 = arith.muli %while3A_210, %while3A_209 : i32
        %while3A_212 = arith.addi %squeeze3A_200, %while3A_211 : i32
        %while3A_213 = arith.constant 1 : i32
        scf.for %while3A_221 = %squeeze3A_200 to %while3A_212 step %while3A_213  : i32 {
          %get3A_222 = arith.index_cast %while3A_221 : i32 to index
          %get3A_223 = tpu.vector_load %arg9[%get3A_222] {strides = array<i32>} : memref<528xi32, #tpu.memory_space<vmem>>, vector<16xi32>,
          %slice3A_224 = vector.extract_strided_slice %get3A_223 {offsets = [0], sizes = [1], strides = [1]} : vector<16xi32> to vector<1xi32>
          %squeeze3A_225 = vector.extract %slice3A_224[0] : i32 from vector<1xi32>
          %and3A = arith.constant 127 : i32
          %and3A_226 = arith.andi %squeeze3A_225, %and3A : i32
          %broadcast_in_dim3A = vector.broadcast %and3A_226 : i32 to vector<16xi32>
          %gather3A = tpu.vector_load_idx %arg16[%add3A_47, %broadcast_in_dim3A] : memref<64x128xf32, #tpu.memory_space<vmem>>[vector<16xi32>, vector<16xi32>], vector<16xf32>,
          %swap3A = arith.index_cast %while3A_221 : i32 to index
          %swap3A_227 = arith.constant 0 : index
          %swap3A_228 = tpu.vector_load %arg12[%swap3A, %swap3A_227] {strides = array<i32>} : memref<512x128xf32, #tpu.memory_space<vmem>>, vector<16xf32>,
          tpu.vector_store %arg12[%swap3A, %swap3A_227], %gather3A {strides = array<i32>} : memref<512x128xf32, #tpu.memory_space<vmem>>, vector<16xf32>,
          %gather3A_229 = tpu.vector_load_idx %arg16[%add3A_51, %broadcast_in_dim3A] : memref<64x128xf32, #tpu.memory_space<vmem>>[vector<16xi32>, vector<16xi32>], vector<16xf32>,
          %swap3A_230 = arith.index_cast %while3A_221 : i32 to index
          %swap3A_231 = arith.constant 16 : index
          %swap3A_232 = tpu.vector_load %arg12[%swap3A_230, %swap3A_231] {strides = array<i32>} : memref<512x128xf32, #tpu.memory_space<vmem>>, vector<16xf32>,
          tpu.vector_store %arg12[%swap3A_230, %swap3A_231], %gather3A_229 {strides = array<i32>} : memref<512x128xf32, #tpu.memory_space<vmem>>, vector<16xf32>,
          %gather3A_233 = tpu.vector_load_idx %arg16[%add3A_55, %broadcast_in_dim3A] : memref<64x128xf32, #tpu.memory_space<vmem>>[vector<16xi32>, vector<16xi32>], vector<16xf32>,
          %swap3A_234 = arith.index_cast %while3A_221 : i32 to index
          %swap3A_235 = arith.constant 32 : index
          %swap3A_236 = tpu.vector_load %arg12[%swap3A_234, %swap3A_235] {strides = array<i32>} : memref<512x128xf32, #tpu.memory_space<vmem>>, vector<16xf32>,
          tpu.vector_store %arg12[%swap3A_234, %swap3A_235], %gather3A_233 {strides = array<i32>} : memref<512x128xf32, #tpu.memory_space<vmem>>, vector<16xf32>,
          %gather3A_237 = tpu.vector_load_idx %arg16[%add3A_59, %broadcast_in_dim3A] : memref<64x128xf32, #tpu.memory_space<vmem>>[vector<16xi32>, vector<16xi32>], vector<16xf32>,
          %swap3A_238 = arith.index_cast %while3A_221 : i32 to index
          %swap3A_239 = arith.constant 48 : index
          %swap3A_240 = tpu.vector_load %arg12[%swap3A_238, %swap3A_239] {strides = array<i32>} : memref<512x128xf32, #tpu.memory_space<vmem>>, vector<16xf32>,
          tpu.vector_store %arg12[%swap3A_238, %swap3A_239], %gather3A_237 {strides = array<i32>} : memref<512x128xf32, #tpu.memory_space<vmem>>, vector<16xf32>,
        }
        %while3A_214 = arith.constant 1 : i32
        scf.for %while3A_221 = %while3A_212 to %while3A_208 step %while3A_214  : i32 {
          %get3A_222 = arith.index_cast %while3A_221 : i32 to index
          %get3A_223 = tpu.vector_load %arg9[%get3A_222] {strides = array<i32>} : memref<528xi32, #tpu.memory_space<vmem>>, vector<16xi32>,
          %slice3A_224 = vector.extract_strided_slice %get3A_223 {offsets = [0], sizes = [1], strides = [1]} : vector<16xi32> to vector<1xi32>
          %squeeze3A_225 = vector.extract %slice3A_224[0] : i32 from vector<1xi32>
          %and3A = arith.constant 127 : i32
          %and3A_226 = arith.andi %squeeze3A_225, %and3A : i32
          %broadcast_in_dim3A = vector.broadcast %and3A_226 : i32 to vector<16xi32>
          %gather3A = tpu.vector_load_idx %arg16[%add3A_47, %broadcast_in_dim3A] : memref<64x128xf32, #tpu.memory_space<vmem>>[vector<16xi32>, vector<16xi32>], vector<16xf32>,
          %swap3A = arith.index_cast %while3A_221 : i32 to index
          %swap3A_227 = arith.constant 0 : index
          %swap3A_228 = tpu.vector_load %arg12[%swap3A, %swap3A_227] {strides = array<i32>} : memref<512x128xf32, #tpu.memory_space<vmem>>, vector<16xf32>,
          tpu.vector_store %arg12[%swap3A, %swap3A_227], %gather3A {strides = array<i32>} : memref<512x128xf32, #tpu.memory_space<vmem>>, vector<16xf32>,
          %gather3A_229 = tpu.vector_load_idx %arg16[%add3A_51, %broadcast_in_dim3A] : memref<64x128xf32, #tpu.memory_space<vmem>>[vector<16xi32>, vector<16xi32>], vector<16xf32>,
          %swap3A_230 = arith.index_cast %while3A_221 : i32 to index
          %swap3A_231 = arith.constant 16 : index
          %swap3A_232 = tpu.vector_load %arg12[%swap3A_230, %swap3A_231] {strides = array<i32>} : memref<512x128xf32, #tpu.memory_space<vmem>>, vector<16xf32>,
          tpu.vector_store %arg12[%swap3A_230, %swap3A_231], %gather3A_229 {strides = array<i32>} : memref<512x128xf32, #tpu.memory_space<vmem>>, vector<16xf32>,
          %gather3A_233 = tpu.vector_load_idx %arg16[%add3A_55, %broadcast_in_dim3A] : memref<64x128xf32, #tpu.memory_space<vmem>>[vector<16xi32>, vector<16xi32>], vector<16xf32>,
          %swap3A_234 = arith.index_cast %while3A_221 : i32 to index
          %swap3A_235 = arith.constant 32 : index
          %swap3A_236 = tpu.vector_load %arg12[%swap3A_234, %swap3A_235] {strides = array<i32>} : memref<512x128xf32, #tpu.memory_space<vmem>>, vector<16xf32>,
          tpu.vector_store %arg12[%swap3A_234, %swap3A_235], %gather3A_233 {strides = array<i32>} : memref<512x128xf32, #tpu.memory_space<vmem>>, vector<16xf32>,
          %gather3A_237 = tpu.vector_load_idx %arg16[%add3A_59, %broadcast_in_dim3A] : memref<64x128xf32, #tpu.memory_space<vmem>>[vector<16xi32>, vector<16xi32>], vector<16xf32>,
          %swap3A_238 = arith.index_cast %while3A_221 : i32 to index
          %swap3A_239 = arith.constant 48 : index
          %swap3A_240 = tpu.vector_load %arg12[%swap3A_238, %swap3A_239] {strides = array<i32>} : memref<512x128xf32, #tpu.memory_space<vmem>>, vector<16xf32>,
          tpu.vector_store %arg12[%swap3A_238, %swap3A_239], %gather3A_237 {strides = array<i32>} : memref<512x128xf32, #tpu.memory_space<vmem>>, vector<16xf32>,
        }
        %add3A_215 = arith.constant 6 : i32
        %add3A_216 = arith.addi %add3A_170, %add3A_215 : i32
        %lt3A_217 = arith.cmpi slt, %add3A_216, %squeeze3A : i32
        %convert_element_type3A_218 = arith.extui %lt3A_217 : i1 to i32
        %cond3A_219 = arith.constant 0 : i32
        %cond3A_220 = arith.cmpi ne, %convert_element_type3A_218, %cond3A_219 : i32
        scf.if %cond3A_220 {
          %add3A_221 = arith.constant 6 : i32
          %add3A_222 = arith.addi %add3A_170, %add3A_221 : i32
          %get3A_223 = arith.index_cast %add3A_222 : i32 to index
          %get3A_224 = tpu.vector_load %arg8[%get3A_223] {strides = array<i32>} : memref<656xi32, #tpu.memory_space<vmem>>, vector<16xi32>,
          %slice3A_225 = vector.extract_strided_slice %get3A_224 {offsets = [0], sizes = [1], strides = [1]} : vector<16xi32> to vector<1xi32>
          %squeeze3A_226 = vector.extract %slice3A_225[0] : i32 from vector<1xi32>
          %get3A_227 = arith.index_cast %squeeze3A_226 : i32 to index
          %get3A_228 = tpu.vector_load %arg9[%get3A_227] {strides = array<i32>} : memref<528xi32, #tpu.memory_space<vmem>>, vector<16xi32>,
          %slice3A_229 = vector.extract_strided_slice %get3A_228 {offsets = [0], sizes = [1], strides = [1]} : vector<16xi32> to vector<1xi32>
          %squeeze3A_230 = vector.extract %slice3A_229[0] : i32 from vector<1xi32>
          %shift_right_logical3A = arith.constant 7 : i32
          %shift_right_logical3A_231 = arith.shrui %squeeze3A_230, %shift_right_logical3A : i32
          %mul3A_232 = arith.constant 128 : i32
          %mul3A_233 = arith.muli %shift_right_logical3A_231, %mul3A_232 : i32
          %multiple_of3A_234 = tpu.assume_multiple %mul3A_233, 128 : i32
          %dma_start3A_235 = arith.constant 0 : i32
          %dma_start3A_236 = tpu.memref_slice %arg2[%dma_start3A_235, %multiple_of3A_234] : memref<64x1000000xf32, #tpu.memory_space<hbm>> -> memref<64x128xf32, #tpu.memory_space<hbm>>
          %dma_start3A_237 = arith.constant 0 : i32
          %dma_start3A_238 = tpu.memref_slice %arg2[%dma_start3A_237, %multiple_of3A_234] : memref<64x1000000xf32, #tpu.memory_space<hbm>> -> memref<64x128xf32, #tpu.memory_space<hbm>>
          tpu.enqueue_dma source(%dma_start3A_238 : memref<64x128xf32, #tpu.memory_space<hbm>>) target(%arg16 : memref<64x128xf32, #tpu.memory_space<vmem>>) target_semaphore(%arg22 : memref<!tpu.dma_semaphore, #tpu.memory_space<semaphore_mem>>)
        } else {
        }
      } else {
      }
      %mul3A_175 = arith.constant 6 : i32
      %mul3A_176 = arith.muli %scan3A_143, %mul3A_175 : i32
      %add3A_177 = arith.constant 4 : i32
      %add3A_178 = arith.addi %mul3A_176, %add3A_177 : i32
      %lt3A_179 = arith.cmpi slt, %add3A_178, %squeeze3A : i32
      %convert_element_type3A_180 = arith.extui %lt3A_179 : i1 to i32
      %cond3A_181 = arith.constant 0 : i32
      %cond3A_182 = arith.cmpi ne, %convert_element_type3A_180, %cond3A_181 : i32
      scf.if %cond3A_182 {
        %dma_wait3A_191 = arith.constant 0 : i32
        %dma_wait3A_192 = arith.constant 0 : i32
        %dma_wait3A_193 = tpu.memref_slice %arg2[%dma_wait3A_191, %dma_wait3A_192] : memref<64x1000000xf32, #tpu.memory_space<hbm>> -> memref<64x128xf32, #tpu.memory_space<hbm>>
        %dma_wait3A_194 = arith.constant 0 : i32
        %dma_wait3A_195 = arith.constant 0 : i32
        %dma_wait3A_196 = tpu.memref_slice %arg2[%dma_wait3A_194, %dma_wait3A_195] : memref<64x1000000xf32, #tpu.memory_space<hbm>> -> memref<64x128xf32, #tpu.memory_space<hbm>>
        tpu.wait_dma2 semaphore(%arg23 : memref<!tpu.dma_semaphore, #tpu.memory_space<semaphore_mem>>) src(%dma_wait3A_196 : memref<64x128xf32, #tpu.memory_space<hbm>>) dst(%arg17 : memref<64x128xf32, #tpu.memory_space<vmem>>)
        %get3A_197 = arith.index_cast %add3A_178 : i32 to index
        %get3A_198 = tpu.vector_load %arg8[%get3A_197] {strides = array<i32>} : memref<656xi32, #tpu.memory_space<vmem>>, vector<16xi32>,
        %slice3A_199 = vector.extract_strided_slice %get3A_198 {offsets = [0], sizes = [1], strides = [1]} : vector<16xi32> to vector<1xi32>
        %squeeze3A_200 = vector.extract %slice3A_199[0] : i32 from vector<1xi32>
        %add3A_201 = arith.constant 1 : i32
        %add3A_202 = arith.addi %add3A_178, %add3A_201 : i32
        %get3A_203 = arith.index_cast %add3A_202 : i32 to index
        %get3A_204 = tpu.vector_load %arg8[%get3A_203] {strides = array<i32>} : memref<656xi32, #tpu.memory_space<vmem>>, vector<16xi32>,
        %slice3A_205 = vector.extract_strided_slice %get3A_204 {offsets = [0], sizes = [1], strides = [1]} : vector<16xi32> to vector<1xi32>
        %squeeze3A_206 = vector.extract %slice3A_205[0] : i32 from vector<1xi32>
        %while3A = arith.constant 0 : i32
        %while3A_207 = arith.subi %squeeze3A_206, %squeeze3A_200 : i32
        %while3A_208 = arith.addi %squeeze3A_200, %while3A_207 : i32
        %while3A_209 = arith.constant 1 : i32
        %while3A_210 = arith.divsi %while3A_207, %while3A_209 : i32
        %while3A_211 = arith.muli %while3A_210, %while3A_209 : i32
        %while3A_212 = arith.addi %squeeze3A_200, %while3A_211 : i32
        %while3A_213 = arith.constant 1 : i32
        scf.for %while3A_221 = %squeeze3A_200 to %while3A_212 step %while3A_213  : i32 {
          %get3A_222 = arith.index_cast %while3A_221 : i32 to index
          %get3A_223 = tpu.vector_load %arg9[%get3A_222] {strides = array<i32>} : memref<528xi32, #tpu.memory_space<vmem>>, vector<16xi32>,
          %slice3A_224 = vector.extract_strided_slice %get3A_223 {offsets = [0], sizes = [1], strides = [1]} : vector<16xi32> to vector<1xi32>
          %squeeze3A_225 = vector.extract %slice3A_224[0] : i32 from vector<1xi32>
          %and3A = arith.constant 127 : i32
          %and3A_226 = arith.andi %squeeze3A_225, %and3A : i32
          %broadcast_in_dim3A = vector.broadcast %and3A_226 : i32 to vector<16xi32>
          %gather3A = tpu.vector_load_idx %arg17[%add3A_47, %broadcast_in_dim3A] : memref<64x128xf32, #tpu.memory_space<vmem>>[vector<16xi32>, vector<16xi32>], vector<16xf32>,
          %swap3A = arith.index_cast %while3A_221 : i32 to index
          %swap3A_227 = arith.constant 0 : index
          %swap3A_228 = tpu.vector_load %arg12[%swap3A, %swap3A_227] {strides = array<i32>} : memref<512x128xf32, #tpu.memory_space<vmem>>, vector<16xf32>,
          tpu.vector_store %arg12[%swap3A, %swap3A_227], %gather3A {strides = array<i32>} : memref<512x128xf32, #tpu.memory_space<vmem>>, vector<16xf32>,
          %gather3A_229 = tpu.vector_load_idx %arg17[%add3A_51, %broadcast_in_dim3A] : memref<64x128xf32, #tpu.memory_space<vmem>>[vector<16xi32>, vector<16xi32>], vector<16xf32>,
          %swap3A_230 = arith.index_cast %while3A_221 : i32 to index
          %swap3A_231 = arith.constant 16 : index
          %swap3A_232 = tpu.vector_load %arg12[%swap3A_230, %swap3A_231] {strides = array<i32>} : memref<512x128xf32, #tpu.memory_space<vmem>>, vector<16xf32>,
          tpu.vector_store %arg12[%swap3A_230, %swap3A_231], %gather3A_229 {strides = array<i32>} : memref<512x128xf32, #tpu.memory_space<vmem>>, vector<16xf32>,
          %gather3A_233 = tpu.vector_load_idx %arg17[%add3A_55, %broadcast_in_dim3A] : memref<64x128xf32, #tpu.memory_space<vmem>>[vector<16xi32>, vector<16xi32>], vector<16xf32>,
          %swap3A_234 = arith.index_cast %while3A_221 : i32 to index
          %swap3A_235 = arith.constant 32 : index
          %swap3A_236 = tpu.vector_load %arg12[%swap3A_234, %swap3A_235] {strides = array<i32>} : memref<512x128xf32, #tpu.memory_space<vmem>>, vector<16xf32>,
          tpu.vector_store %arg12[%swap3A_234, %swap3A_235], %gather3A_233 {strides = array<i32>} : memref<512x128xf32, #tpu.memory_space<vmem>>, vector<16xf32>,
          %gather3A_237 = tpu.vector_load_idx %arg17[%add3A_59, %broadcast_in_dim3A] : memref<64x128xf32, #tpu.memory_space<vmem>>[vector<16xi32>, vector<16xi32>], vector<16xf32>,
          %swap3A_238 = arith.index_cast %while3A_221 : i32 to index
          %swap3A_239 = arith.constant 48 : index
          %swap3A_240 = tpu.vector_load %arg12[%swap3A_238, %swap3A_239] {strides = array<i32>} : memref<512x128xf32, #tpu.memory_space<vmem>>, vector<16xf32>,
          tpu.vector_store %arg12[%swap3A_238, %swap3A_239], %gather3A_237 {strides = array<i32>} : memref<512x128xf32, #tpu.memory_space<vmem>>, vector<16xf32>,
        }
        %while3A_214 = arith.constant 1 : i32
        scf.for %while3A_221 = %while3A_212 to %while3A_208 step %while3A_214  : i32 {
          %get3A_222 = arith.index_cast %while3A_221 : i32 to index
          %get3A_223 = tpu.vector_load %arg9[%get3A_222] {strides = array<i32>} : memref<528xi32, #tpu.memory_space<vmem>>, vector<16xi32>,
          %slice3A_224 = vector.extract_strided_slice %get3A_223 {offsets = [0], sizes = [1], strides = [1]} : vector<16xi32> to vector<1xi32>
          %squeeze3A_225 = vector.extract %slice3A_224[0] : i32 from vector<1xi32>
          %and3A = arith.constant 127 : i32
          %and3A_226 = arith.andi %squeeze3A_225, %and3A : i32
          %broadcast_in_dim3A = vector.broadcast %and3A_226 : i32 to vector<16xi32>
          %gather3A = tpu.vector_load_idx %arg17[%add3A_47, %broadcast_in_dim3A] : memref<64x128xf32, #tpu.memory_space<vmem>>[vector<16xi32>, vector<16xi32>], vector<16xf32>,
          %swap3A = arith.index_cast %while3A_221 : i32 to index
          %swap3A_227 = arith.constant 0 : index
          %swap3A_228 = tpu.vector_load %arg12[%swap3A, %swap3A_227] {strides = array<i32>} : memref<512x128xf32, #tpu.memory_space<vmem>>, vector<16xf32>,
          tpu.vector_store %arg12[%swap3A, %swap3A_227], %gather3A {strides = array<i32>} : memref<512x128xf32, #tpu.memory_space<vmem>>, vector<16xf32>,
          %gather3A_229 = tpu.vector_load_idx %arg17[%add3A_51, %broadcast_in_dim3A] : memref<64x128xf32, #tpu.memory_space<vmem>>[vector<16xi32>, vector<16xi32>], vector<16xf32>,
          %swap3A_230 = arith.index_cast %while3A_221 : i32 to index
          %swap3A_231 = arith.constant 16 : index
          %swap3A_232 = tpu.vector_load %arg12[%swap3A_230, %swap3A_231] {strides = array<i32>} : memref<512x128xf32, #tpu.memory_space<vmem>>, vector<16xf32>,
          tpu.vector_store %arg12[%swap3A_230, %swap3A_231], %gather3A_229 {strides = array<i32>} : memref<512x128xf32, #tpu.memory_space<vmem>>, vector<16xf32>,
          %gather3A_233 = tpu.vector_load_idx %arg17[%add3A_55, %broadcast_in_dim3A] : memref<64x128xf32, #tpu.memory_space<vmem>>[vector<16xi32>, vector<16xi32>], vector<16xf32>,
          %swap3A_234 = arith.index_cast %while3A_221 : i32 to index
          %swap3A_235 = arith.constant 32 : index
          %swap3A_236 = tpu.vector_load %arg12[%swap3A_234, %swap3A_235] {strides = array<i32>} : memref<512x128xf32, #tpu.memory_space<vmem>>, vector<16xf32>,
          tpu.vector_store %arg12[%swap3A_234, %swap3A_235], %gather3A_233 {strides = array<i32>} : memref<512x128xf32, #tpu.memory_space<vmem>>, vector<16xf32>,
          %gather3A_237 = tpu.vector_load_idx %arg17[%add3A_59, %broadcast_in_dim3A] : memref<64x128xf32, #tpu.memory_space<vmem>>[vector<16xi32>, vector<16xi32>], vector<16xf32>,
          %swap3A_238 = arith.index_cast %while3A_221 : i32 to index
          %swap3A_239 = arith.constant 48 : index
          %swap3A_240 = tpu.vector_load %arg12[%swap3A_238, %swap3A_239] {strides = array<i32>} : memref<512x128xf32, #tpu.memory_space<vmem>>, vector<16xf32>,
          tpu.vector_store %arg12[%swap3A_238, %swap3A_239], %gather3A_237 {strides = array<i32>} : memref<512x128xf32, #tpu.memory_space<vmem>>, vector<16xf32>,
        }
        %add3A_215 = arith.constant 6 : i32
        %add3A_216 = arith.addi %add3A_178, %add3A_215 : i32
        %lt3A_217 = arith.cmpi slt, %add3A_216, %squeeze3A : i32
        %convert_element_type3A_218 = arith.extui %lt3A_217 : i1 to i32
        %cond3A_219 = arith.constant 0 : i32
        %cond3A_220 = arith.cmpi ne, %convert_element_type3A_218, %cond3A_219 : i32
        scf.if %cond3A_220 {
          %add3A_221 = arith.constant 6 : i32
          %add3A_222 = arith.addi %add3A_178, %add3A_221 : i32
          %get3A_223 = arith.index_cast %add3A_222 : i32 to index
          %get3A_224 = tpu.vector_load %arg8[%get3A_223] {strides = array<i32>} : memref<656xi32, #tpu.memory_space<vmem>>, vector<16xi32>,
          %slice3A_225 = vector.extract_strided_slice %get3A_224 {offsets = [0], sizes = [1], strides = [1]} : vector<16xi32> to vector<1xi32>
          %squeeze3A_226 = vector.extract %slice3A_225[0] : i32 from vector<1xi32>
          %get3A_227 = arith.index_cast %squeeze3A_226 : i32 to index
          %get3A_228 = tpu.vector_load %arg9[%get3A_227] {strides = array<i32>} : memref<528xi32, #tpu.memory_space<vmem>>, vector<16xi32>,
          %slice3A_229 = vector.extract_strided_slice %get3A_228 {offsets = [0], sizes = [1], strides = [1]} : vector<16xi32> to vector<1xi32>
          %squeeze3A_230 = vector.extract %slice3A_229[0] : i32 from vector<1xi32>
          %shift_right_logical3A = arith.constant 7 : i32
          %shift_right_logical3A_231 = arith.shrui %squeeze3A_230, %shift_right_logical3A : i32
          %mul3A_232 = arith.constant 128 : i32
          %mul3A_233 = arith.muli %shift_right_logical3A_231, %mul3A_232 : i32
          %multiple_of3A_234 = tpu.assume_multiple %mul3A_233, 128 : i32
          %dma_start3A_235 = arith.constant 0 : i32
          %dma_start3A_236 = tpu.memref_slice %arg2[%dma_start3A_235, %multiple_of3A_234] : memref<64x1000000xf32, #tpu.memory_space<hbm>> -> memref<64x128xf32, #tpu.memory_space<hbm>>
          %dma_start3A_237 = arith.constant 0 : i32
          %dma_start3A_238 = tpu.memref_slice %arg2[%dma_start3A_237, %multiple_of3A_234] : memref<64x1000000xf32, #tpu.memory_space<hbm>> -> memref<64x128xf32, #tpu.memory_space<hbm>>
          tpu.enqueue_dma source(%dma_start3A_238 : memref<64x128xf32, #tpu.memory_space<hbm>>) target(%arg17 : memref<64x128xf32, #tpu.memory_space<vmem>>) target_semaphore(%arg23 : memref<!tpu.dma_semaphore, #tpu.memory_space<semaphore_mem>>)
        } else {
        }
      } else {
      }
      %mul3A_183 = arith.constant 6 : i32
      %mul3A_184 = arith.muli %scan3A_143, %mul3A_183 : i32
      %add3A_185 = arith.constant 5 : i32
      %add3A_186 = arith.addi %mul3A_184, %add3A_185 : i32
      %lt3A_187 = arith.cmpi slt, %add3A_186, %squeeze3A : i32
      %convert_element_type3A_188 = arith.extui %lt3A_187 : i1 to i32
      %cond3A_189 = arith.constant 0 : i32
      %cond3A_190 = arith.cmpi ne, %convert_element_type3A_188, %cond3A_189 : i32
      scf.if %cond3A_190 {
        %dma_wait3A_191 = arith.constant 0 : i32
        %dma_wait3A_192 = arith.constant 0 : i32
        %dma_wait3A_193 = tpu.memref_slice %arg2[%dma_wait3A_191, %dma_wait3A_192] : memref<64x1000000xf32, #tpu.memory_space<hbm>> -> memref<64x128xf32, #tpu.memory_space<hbm>>
        %dma_wait3A_194 = arith.constant 0 : i32
        %dma_wait3A_195 = arith.constant 0 : i32
        %dma_wait3A_196 = tpu.memref_slice %arg2[%dma_wait3A_194, %dma_wait3A_195] : memref<64x1000000xf32, #tpu.memory_space<hbm>> -> memref<64x128xf32, #tpu.memory_space<hbm>>
        tpu.wait_dma2 semaphore(%arg24 : memref<!tpu.dma_semaphore, #tpu.memory_space<semaphore_mem>>) src(%dma_wait3A_196 : memref<64x128xf32, #tpu.memory_space<hbm>>) dst(%arg18 : memref<64x128xf32, #tpu.memory_space<vmem>>)
        %get3A_197 = arith.index_cast %add3A_186 : i32 to index
        %get3A_198 = tpu.vector_load %arg8[%get3A_197] {strides = array<i32>} : memref<656xi32, #tpu.memory_space<vmem>>, vector<16xi32>,
        %slice3A_199 = vector.extract_strided_slice %get3A_198 {offsets = [0], sizes = [1], strides = [1]} : vector<16xi32> to vector<1xi32>
        %squeeze3A_200 = vector.extract %slice3A_199[0] : i32 from vector<1xi32>
        %add3A_201 = arith.constant 1 : i32
        %add3A_202 = arith.addi %add3A_186, %add3A_201 : i32
        %get3A_203 = arith.index_cast %add3A_202 : i32 to index
        %get3A_204 = tpu.vector_load %arg8[%get3A_203] {strides = array<i32>} : memref<656xi32, #tpu.memory_space<vmem>>, vector<16xi32>,
        %slice3A_205 = vector.extract_strided_slice %get3A_204 {offsets = [0], sizes = [1], strides = [1]} : vector<16xi32> to vector<1xi32>
        %squeeze3A_206 = vector.extract %slice3A_205[0] : i32 from vector<1xi32>
        %while3A = arith.constant 0 : i32
        %while3A_207 = arith.subi %squeeze3A_206, %squeeze3A_200 : i32
        %while3A_208 = arith.addi %squeeze3A_200, %while3A_207 : i32
        %while3A_209 = arith.constant 1 : i32
        %while3A_210 = arith.divsi %while3A_207, %while3A_209 : i32
        %while3A_211 = arith.muli %while3A_210, %while3A_209 : i32
        %while3A_212 = arith.addi %squeeze3A_200, %while3A_211 : i32
        %while3A_213 = arith.constant 1 : i32
        scf.for %while3A_221 = %squeeze3A_200 to %while3A_212 step %while3A_213  : i32 {
          %get3A_222 = arith.index_cast %while3A_221 : i32 to index
          %get3A_223 = tpu.vector_load %arg9[%get3A_222] {strides = array<i32>} : memref<528xi32, #tpu.memory_space<vmem>>, vector<16xi32>,
          %slice3A_224 = vector.extract_strided_slice %get3A_223 {offsets = [0], sizes = [1], strides = [1]} : vector<16xi32> to vector<1xi32>
          %squeeze3A_225 = vector.extract %slice3A_224[0] : i32 from vector<1xi32>
          %and3A = arith.constant 127 : i32
          %and3A_226 = arith.andi %squeeze3A_225, %and3A : i32
          %broadcast_in_dim3A = vector.broadcast %and3A_226 : i32 to vector<16xi32>
          %gather3A = tpu.vector_load_idx %arg18[%add3A_47, %broadcast_in_dim3A] : memref<64x128xf32, #tpu.memory_space<vmem>>[vector<16xi32>, vector<16xi32>], vector<16xf32>,
          %swap3A = arith.index_cast %while3A_221 : i32 to index
          %swap3A_227 = arith.constant 0 : index
          %swap3A_228 = tpu.vector_load %arg12[%swap3A, %swap3A_227] {strides = array<i32>} : memref<512x128xf32, #tpu.memory_space<vmem>>, vector<16xf32>,
          tpu.vector_store %arg12[%swap3A, %swap3A_227], %gather3A {strides = array<i32>} : memref<512x128xf32, #tpu.memory_space<vmem>>, vector<16xf32>,
          %gather3A_229 = tpu.vector_load_idx %arg18[%add3A_51, %broadcast_in_dim3A] : memref<64x128xf32, #tpu.memory_space<vmem>>[vector<16xi32>, vector<16xi32>], vector<16xf32>,
          %swap3A_230 = arith.index_cast %while3A_221 : i32 to index
          %swap3A_231 = arith.constant 16 : index
          %swap3A_232 = tpu.vector_load %arg12[%swap3A_230, %swap3A_231] {strides = array<i32>} : memref<512x128xf32, #tpu.memory_space<vmem>>, vector<16xf32>,
          tpu.vector_store %arg12[%swap3A_230, %swap3A_231], %gather3A_229 {strides = array<i32>} : memref<512x128xf32, #tpu.memory_space<vmem>>, vector<16xf32>,
          %gather3A_233 = tpu.vector_load_idx %arg18[%add3A_55, %broadcast_in_dim3A] : memref<64x128xf32, #tpu.memory_space<vmem>>[vector<16xi32>, vector<16xi32>], vector<16xf32>,
          %swap3A_234 = arith.index_cast %while3A_221 : i32 to index
          %swap3A_235 = arith.constant 32 : index
          %swap3A_236 = tpu.vector_load %arg12[%swap3A_234, %swap3A_235] {strides = array<i32>} : memref<512x128xf32, #tpu.memory_space<vmem>>, vector<16xf32>,
          tpu.vector_store %arg12[%swap3A_234, %swap3A_235], %gather3A_233 {strides = array<i32>} : memref<512x128xf32, #tpu.memory_space<vmem>>, vector<16xf32>,
          %gather3A_237 = tpu.vector_load_idx %arg18[%add3A_59, %broadcast_in_dim3A] : memref<64x128xf32, #tpu.memory_space<vmem>>[vector<16xi32>, vector<16xi32>], vector<16xf32>,
          %swap3A_238 = arith.index_cast %while3A_221 : i32 to index
          %swap3A_239 = arith.constant 48 : index
          %swap3A_240 = tpu.vector_load %arg12[%swap3A_238, %swap3A_239] {strides = array<i32>} : memref<512x128xf32, #tpu.memory_space<vmem>>, vector<16xf32>,
          tpu.vector_store %arg12[%swap3A_238, %swap3A_239], %gather3A_237 {strides = array<i32>} : memref<512x128xf32, #tpu.memory_space<vmem>>, vector<16xf32>,
        }
        %while3A_214 = arith.constant 1 : i32
        scf.for %while3A_221 = %while3A_212 to %while3A_208 step %while3A_214  : i32 {
          %get3A_222 = arith.index_cast %while3A_221 : i32 to index
          %get3A_223 = tpu.vector_load %arg9[%get3A_222] {strides = array<i32>} : memref<528xi32, #tpu.memory_space<vmem>>, vector<16xi32>,
          %slice3A_224 = vector.extract_strided_slice %get3A_223 {offsets = [0], sizes = [1], strides = [1]} : vector<16xi32> to vector<1xi32>
          %squeeze3A_225 = vector.extract %slice3A_224[0] : i32 from vector<1xi32>
          %and3A = arith.constant 127 : i32
          %and3A_226 = arith.andi %squeeze3A_225, %and3A : i32
          %broadcast_in_dim3A = vector.broadcast %and3A_226 : i32 to vector<16xi32>
          %gather3A = tpu.vector_load_idx %arg18[%add3A_47, %broadcast_in_dim3A] : memref<64x128xf32, #tpu.memory_space<vmem>>[vector<16xi32>, vector<16xi32>], vector<16xf32>,
          %swap3A = arith.index_cast %while3A_221 : i32 to index
          %swap3A_227 = arith.constant 0 : index
          %swap3A_228 = tpu.vector_load %arg12[%swap3A, %swap3A_227] {strides = array<i32>} : memref<512x128xf32, #tpu.memory_space<vmem>>, vector<16xf32>,
          tpu.vector_store %arg12[%swap3A, %swap3A_227], %gather3A {strides = array<i32>} : memref<512x128xf32, #tpu.memory_space<vmem>>, vector<16xf32>,
          %gather3A_229 = tpu.vector_load_idx %arg18[%add3A_51, %broadcast_in_dim3A] : memref<64x128xf32, #tpu.memory_space<vmem>>[vector<16xi32>, vector<16xi32>], vector<16xf32>,
          %swap3A_230 = arith.index_cast %while3A_221 : i32 to index
          %swap3A_231 = arith.constant 16 : index
          %swap3A_232 = tpu.vector_load %arg12[%swap3A_230, %swap3A_231] {strides = array<i32>} : memref<512x128xf32, #tpu.memory_space<vmem>>, vector<16xf32>,
          tpu.vector_store %arg12[%swap3A_230, %swap3A_231], %gather3A_229 {strides = array<i32>} : memref<512x128xf32, #tpu.memory_space<vmem>>, vector<16xf32>,
          %gather3A_233 = tpu.vector_load_idx %arg18[%add3A_55, %broadcast_in_dim3A] : memref<64x128xf32, #tpu.memory_space<vmem>>[vector<16xi32>, vector<16xi32>], vector<16xf32>,
          %swap3A_234 = arith.index_cast %while3A_221 : i32 to index
          %swap3A_235 = arith.constant 32 : index
          %swap3A_236 = tpu.vector_load %arg12[%swap3A_234, %swap3A_235] {strides = array<i32>} : memref<512x128xf32, #tpu.memory_space<vmem>>, vector<16xf32>,
          tpu.vector_store %arg12[%swap3A_234, %swap3A_235], %gather3A_233 {strides = array<i32>} : memref<512x128xf32, #tpu.memory_space<vmem>>, vector<16xf32>,
          %gather3A_237 = tpu.vector_load_idx %arg18[%add3A_59, %broadcast_in_dim3A] : memref<64x128xf32, #tpu.memory_space<vmem>>[vector<16xi32>, vector<16xi32>], vector<16xf32>,
          %swap3A_238 = arith.index_cast %while3A_221 : i32 to index
          %swap3A_239 = arith.constant 48 : index
          %swap3A_240 = tpu.vector_load %arg12[%swap3A_238, %swap3A_239] {strides = array<i32>} : memref<512x128xf32, #tpu.memory_space<vmem>>, vector<16xf32>,
          tpu.vector_store %arg12[%swap3A_238, %swap3A_239], %gather3A_237 {strides = array<i32>} : memref<512x128xf32, #tpu.memory_space<vmem>>, vector<16xf32>,
        }
        %add3A_215 = arith.constant 6 : i32
        %add3A_216 = arith.addi %add3A_186, %add3A_215 : i32
        %lt3A_217 = arith.cmpi slt, %add3A_216, %squeeze3A : i32
        %convert_element_type3A_218 = arith.extui %lt3A_217 : i1 to i32
        %cond3A_219 = arith.constant 0 : i32
        %cond3A_220 = arith.cmpi ne, %convert_element_type3A_218, %cond3A_219 : i32
        scf.if %cond3A_220 {
          %add3A_221 = arith.constant 6 : i32
          %add3A_222 = arith.addi %add3A_186, %add3A_221 : i32
          %get3A_223 = arith.index_cast %add3A_222 : i32 to index
          %get3A_224 = tpu.vector_load %arg8[%get3A_223] {strides = array<i32>} : memref<656xi32, #tpu.memory_space<vmem>>, vector<16xi32>,
          %slice3A_225 = vector.extract_strided_slice %get3A_224 {offsets = [0], sizes = [1], strides = [1]} : vector<16xi32> to vector<1xi32>
          %squeeze3A_226 = vector.extract %slice3A_225[0] : i32 from vector<1xi32>
          %get3A_227 = arith.index_cast %squeeze3A_226 : i32 to index
          %get3A_228 = tpu.vector_load %arg9[%get3A_227] {strides = array<i32>} : memref<528xi32, #tpu.memory_space<vmem>>, vector<16xi32>,
          %slice3A_229 = vector.extract_strided_slice %get3A_228 {offsets = [0], sizes = [1], strides = [1]} : vector<16xi32> to vector<1xi32>
          %squeeze3A_230 = vector.extract %slice3A_229[0] : i32 from vector<1xi32>
          %shift_right_logical3A = arith.constant 7 : i32
          %shift_right_logical3A_231 = arith.shrui %squeeze3A_230, %shift_right_logical3A : i32
          %mul3A_232 = arith.constant 128 : i32
          %mul3A_233 = arith.muli %shift_right_logical3A_231, %mul3A_232 : i32
          %multiple_of3A_234 = tpu.assume_multiple %mul3A_233, 128 : i32
          %dma_start3A_235 = arith.constant 0 : i32
          %dma_start3A_236 = tpu.memref_slice %arg2[%dma_start3A_235, %multiple_of3A_234] : memref<64x1000000xf32, #tpu.memory_space<hbm>> -> memref<64x128xf32, #tpu.memory_space<hbm>>
          %dma_start3A_237 = arith.constant 0 : i32
          %dma_start3A_238 = tpu.memref_slice %arg2[%dma_start3A_237, %multiple_of3A_234] : memref<64x1000000xf32, #tpu.memory_space<hbm>> -> memref<64x128xf32, #tpu.memory_space<hbm>>
          tpu.enqueue_dma source(%dma_start3A_238 : memref<64x128xf32, #tpu.memory_space<hbm>>) target(%arg18 : memref<64x128xf32, #tpu.memory_space<vmem>>) target_semaphore(%arg24 : memref<!tpu.dma_semaphore, #tpu.memory_space<semaphore_mem>>)
        } else {
        }
      } else {
      }
    }
    %scan3A_64 = arith.constant 106 : i32
    %dma_start3A = arith.constant 0 : i32
    %dma_start3A_65 = arith.constant 0 : i32
    %dma_start3A_66 = arith.constant 0 : i32
    %dma_start3A_67 = tpu.memref_slice %arg12[%dma_start3A_65, %dma_start3A_66] : memref<512x128xf32, #tpu.memory_space<vmem>> -> memref<128x128xf32, #tpu.memory_space<vmem>>
    %dma_start3A_68 = arith.constant 0 : i32
    %dma_start3A_69 = tpu.memref_slice %arg11[%dma_start3A, %dma_start3A_68] : memref<4x128xi32, #tpu.memory_space<vmem>> -> memref<1x128xi32, #tpu.memory_space<vmem>>
    %dma_start3A_70 = tpu.memref_squeeze %dma_start3A_69 : memref<1x128xi32, #tpu.memory_space<vmem>> -> memref<128xi32, #tpu.memory_space<vmem>>
    %dma_start3A_71 = arith.constant 0 : i32
    %dma_start3A_72 = arith.constant 0 : i32
    %dma_start3A_73 = tpu.memref_slice %arg7[%dma_start3A_71, %dma_start3A_72] : memref<16384x128xf32, #tpu.memory_space<hbm>> -> memref<16384x128xf32, #tpu.memory_space<hbm>>
    tpu.enqueue_indirect_dma source(%dma_start3A_67 : memref<128x128xf32, #tpu.memory_space<vmem>>) target(%dma_start3A_73 : memref<16384x128xf32, #tpu.memory_space<hbm>>) offsets(%dma_start3A_70 : memref<128xi32, #tpu.memory_space<vmem>>) semaphore(%arg25 : memref<!tpu.dma_semaphore, #tpu.memory_space<semaphore_mem>>)
    %dma_start3A_74 = arith.constant 1 : i32
    %dma_start3A_75 = arith.constant 128 : i32
    %dma_start3A_76 = arith.constant 0 : i32
    %dma_start3A_77 = tpu.memref_slice %arg12[%dma_start3A_75, %dma_start3A_76] : memref<512x128xf32, #tpu.memory_space<vmem>> -> memref<128x128xf32, #tpu.memory_space<vmem>>
    %dma_start3A_78 = arith.constant 0 : i32
    %dma_start3A_79 = tpu.memref_slice %arg11[%dma_start3A_74, %dma_start3A_78] : memref<4x128xi32, #tpu.memory_space<vmem>> -> memref<1x128xi32, #tpu.memory_space<vmem>>
    %dma_start3A_80 = tpu.memref_squeeze %dma_start3A_79 : memref<1x128xi32, #tpu.memory_space<vmem>> -> memref<128xi32, #tpu.memory_space<vmem>>
    %dma_start3A_81 = arith.constant 0 : i32
    %dma_start3A_82 = arith.constant 0 : i32
    %dma_start3A_83 = tpu.memref_slice %arg7[%dma_start3A_81, %dma_start3A_82] : memref<16384x128xf32, #tpu.memory_space<hbm>> -> memref<16384x128xf32, #tpu.memory_space<hbm>>
    tpu.enqueue_indirect_dma source(%dma_start3A_77 : memref<128x128xf32, #tpu.memory_space<vmem>>) target(%dma_start3A_83 : memref<16384x128xf32, #tpu.memory_space<hbm>>) offsets(%dma_start3A_80 : memref<128xi32, #tpu.memory_space<vmem>>) semaphore(%arg25 : memref<!tpu.dma_semaphore, #tpu.memory_space<semaphore_mem>>)
    %dma_start3A_84 = arith.constant 2 : i32
    %dma_start3A_85 = arith.constant 256 : i32
    %dma_start3A_86 = arith.constant 0 : i32
    %dma_start3A_87 = tpu.memref_slice %arg12[%dma_start3A_85, %dma_start3A_86] : memref<512x128xf32, #tpu.memory_space<vmem>> -> memref<128x128xf32, #tpu.memory_space<vmem>>
    %dma_start3A_88 = arith.constant 0 : i32
    %dma_start3A_89 = tpu.memref_slice %arg11[%dma_start3A_84, %dma_start3A_88] : memref<4x128xi32, #tpu.memory_space<vmem>> -> memref<1x128xi32, #tpu.memory_space<vmem>>
    %dma_start3A_90 = tpu.memref_squeeze %dma_start3A_89 : memref<1x128xi32, #tpu.memory_space<vmem>> -> memref<128xi32, #tpu.memory_space<vmem>>
    %dma_start3A_91 = arith.constant 0 : i32
    %dma_start3A_92 = arith.constant 0 : i32
    %dma_start3A_93 = tpu.memref_slice %arg7[%dma_start3A_91, %dma_start3A_92] : memref<16384x128xf32, #tpu.memory_space<hbm>> -> memref<16384x128xf32, #tpu.memory_space<hbm>>
    tpu.enqueue_indirect_dma source(%dma_start3A_87 : memref<128x128xf32, #tpu.memory_space<vmem>>) target(%dma_start3A_93 : memref<16384x128xf32, #tpu.memory_space<hbm>>) offsets(%dma_start3A_90 : memref<128xi32, #tpu.memory_space<vmem>>) semaphore(%arg25 : memref<!tpu.dma_semaphore, #tpu.memory_space<semaphore_mem>>)
    %dma_start3A_94 = arith.constant 3 : i32
    %dma_start3A_95 = arith.constant 384 : i32
    %dma_start3A_96 = arith.constant 0 : i32
    %dma_start3A_97 = tpu.memref_slice %arg12[%dma_start3A_95, %dma_start3A_96] : memref<512x128xf32, #tpu.memory_space<vmem>> -> memref<128x128xf32, #tpu.memory_space<vmem>>
    %dma_start3A_98 = arith.constant 0 : i32
    %dma_start3A_99 = tpu.memref_slice %arg11[%dma_start3A_94, %dma_start3A_98] : memref<4x128xi32, #tpu.memory_space<vmem>> -> memref<1x128xi32, #tpu.memory_space<vmem>>
    %dma_start3A_100 = tpu.memref_squeeze %dma_start3A_99 : memref<1x128xi32, #tpu.memory_space<vmem>> -> memref<128xi32, #tpu.memory_space<vmem>>
    %dma_start3A_101 = arith.constant 0 : i32
    %dma_start3A_102 = arith.constant 0 : i32
    %dma_start3A_103 = tpu.memref_slice %arg7[%dma_start3A_101, %dma_start3A_102] : memref<16384x128xf32, #tpu.memory_space<hbm>> -> memref<16384x128xf32, #tpu.memory_space<hbm>>
    tpu.enqueue_indirect_dma source(%dma_start3A_97 : memref<128x128xf32, #tpu.memory_space<vmem>>) target(%dma_start3A_103 : memref<16384x128xf32, #tpu.memory_space<hbm>>) offsets(%dma_start3A_100 : memref<128xi32, #tpu.memory_space<vmem>>) semaphore(%arg25 : memref<!tpu.dma_semaphore, #tpu.memory_space<semaphore_mem>>)
    %dma_wait3A = arith.constant 0 : i32
    %dma_wait3A_104 = arith.constant 0 : i32
    %dma_wait3A_105 = arith.constant 0 : i32
    %dma_wait3A_106 = tpu.memref_slice %arg12[%dma_wait3A_104, %dma_wait3A_105] : memref<512x128xf32, #tpu.memory_space<vmem>> -> memref<128x128xf32, #tpu.memory_space<vmem>>
    %dma_wait3A_107 = arith.constant 0 : i32
    %dma_wait3A_108 = tpu.memref_slice %arg11[%dma_wait3A, %dma_wait3A_107] : memref<4x128xi32, #tpu.memory_space<vmem>> -> memref<1x128xi32, #tpu.memory_space<vmem>>
    %dma_wait3A_109 = tpu.memref_squeeze %dma_wait3A_108 : memref<1x128xi32, #tpu.memory_space<vmem>> -> memref<128xi32, #tpu.memory_space<vmem>>
    %dma_wait3A_110 = arith.constant 0 : i32
    %dma_wait3A_111 = arith.constant 0 : i32
    %dma_wait3A_112 = tpu.memref_slice %arg7[%dma_wait3A_110, %dma_wait3A_111] : memref<16384x128xf32, #tpu.memory_space<hbm>> -> memref<16384x128xf32, #tpu.memory_space<hbm>>
    tpu.wait_indirect_dma semaphore(%arg25 : memref<!tpu.dma_semaphore, #tpu.memory_space<semaphore_mem>>) src(%dma_wait3A_106 : memref<128x128xf32, #tpu.memory_space<vmem>>) dst(%dma_wait3A_112 : memref<16384x128xf32, #tpu.memory_space<hbm>>)
    %dma_wait3A_113 = arith.constant 0 : i32
    %dma_wait3A_114 = arith.constant 128 : i32
    %dma_wait3A_115 = arith.constant 0 : i32
    %dma_wait3A_116 = tpu.memref_slice %arg12[%dma_wait3A_114, %dma_wait3A_115] : memref<512x128xf32, #tpu.memory_space<vmem>> -> memref<128x128xf32, #tpu.memory_space<vmem>>
    %dma_wait3A_117 = arith.constant 0 : i32
    %dma_wait3A_118 = tpu.memref_slice %arg11[%dma_wait3A_113, %dma_wait3A_117] : memref<4x128xi32, #tpu.memory_space<vmem>> -> memref<1x128xi32, #tpu.memory_space<vmem>>
    %dma_wait3A_119 = tpu.memref_squeeze %dma_wait3A_118 : memref<1x128xi32, #tpu.memory_space<vmem>> -> memref<128xi32, #tpu.memory_space<vmem>>
    %dma_wait3A_120 = arith.constant 0 : i32
    %dma_wait3A_121 = arith.constant 0 : i32
    %dma_wait3A_122 = tpu.memref_slice %arg7[%dma_wait3A_120, %dma_wait3A_121] : memref<16384x128xf32, #tpu.memory_space<hbm>> -> memref<16384x128xf32, #tpu.memory_space<hbm>>
    tpu.wait_indirect_dma semaphore(%arg25 : memref<!tpu.dma_semaphore, #tpu.memory_space<semaphore_mem>>) src(%dma_wait3A_116 : memref<128x128xf32, #tpu.memory_space<vmem>>) dst(%dma_wait3A_122 : memref<16384x128xf32, #tpu.memory_space<hbm>>)
    %dma_wait3A_123 = arith.constant 0 : i32
    %dma_wait3A_124 = arith.constant 256 : i32
    %dma_wait3A_125 = arith.constant 0 : i32
    %dma_wait3A_126 = tpu.memref_slice %arg12[%dma_wait3A_124, %dma_wait3A_125] : memref<512x128xf32, #tpu.memory_space<vmem>> -> memref<128x128xf32, #tpu.memory_space<vmem>>
    %dma_wait3A_127 = arith.constant 0 : i32
    %dma_wait3A_128 = tpu.memref_slice %arg11[%dma_wait3A_123, %dma_wait3A_127] : memref<4x128xi32, #tpu.memory_space<vmem>> -> memref<1x128xi32, #tpu.memory_space<vmem>>
    %dma_wait3A_129 = tpu.memref_squeeze %dma_wait3A_128 : memref<1x128xi32, #tpu.memory_space<vmem>> -> memref<128xi32, #tpu.memory_space<vmem>>
    %dma_wait3A_130 = arith.constant 0 : i32
    %dma_wait3A_131 = arith.constant 0 : i32
    %dma_wait3A_132 = tpu.memref_slice %arg7[%dma_wait3A_130, %dma_wait3A_131] : memref<16384x128xf32, #tpu.memory_space<hbm>> -> memref<16384x128xf32, #tpu.memory_space<hbm>>
    tpu.wait_indirect_dma semaphore(%arg25 : memref<!tpu.dma_semaphore, #tpu.memory_space<semaphore_mem>>) src(%dma_wait3A_126 : memref<128x128xf32, #tpu.memory_space<vmem>>) dst(%dma_wait3A_132 : memref<16384x128xf32, #tpu.memory_space<hbm>>)
    %dma_wait3A_133 = arith.constant 0 : i32
    %dma_wait3A_134 = arith.constant 384 : i32
    %dma_wait3A_135 = arith.constant 0 : i32
    %dma_wait3A_136 = tpu.memref_slice %arg12[%dma_wait3A_134, %dma_wait3A_135] : memref<512x128xf32, #tpu.memory_space<vmem>> -> memref<128x128xf32, #tpu.memory_space<vmem>>
    %dma_wait3A_137 = arith.constant 0 : i32
    %dma_wait3A_138 = tpu.memref_slice %arg11[%dma_wait3A_133, %dma_wait3A_137] : memref<4x128xi32, #tpu.memory_space<vmem>> -> memref<1x128xi32, #tpu.memory_space<vmem>>
    %dma_wait3A_139 = tpu.memref_squeeze %dma_wait3A_138 : memref<1x128xi32, #tpu.memory_space<vmem>> -> memref<128xi32, #tpu.memory_space<vmem>>
    %dma_wait3A_140 = arith.constant 0 : i32
    %dma_wait3A_141 = arith.constant 0 : i32
    %dma_wait3A_142 = tpu.memref_slice %arg7[%dma_wait3A_140, %dma_wait3A_141] : memref<16384x128xf32, #tpu.memory_space<hbm>> -> memref<16384x128xf32, #tpu.memory_space<hbm>>
    tpu.wait_indirect_dma semaphore(%arg25 : memref<!tpu.dma_semaphore, #tpu.memory_space<semaphore_mem>>) src(%dma_wait3A_136 : memref<128x128xf32, #tpu.memory_space<vmem>>) dst(%dma_wait3A_142 : memref<16384x128xf32, #tpu.memory_space<hbm>>)
    return
  }
}

#map = affine_map<(d0, d1) -> (0, 0)>
#map1 = affine_map<(d0, d1) -> (0)>
module attributes {stable_mosaic.version = 14 : i64} {
  func.func @_dot_body(%arg0: i32, %arg1: i32, %arg2: memref<16384x128xf32, #tpu.memory_space<hbm>>, %arg3: memref<16384x128xf32, #tpu.memory_space<hbm>>, %arg4: memref<4096xf32, #tpu.memory_space<hbm>>, %arg5: memref<256x128xf32, #tpu.memory_space<vmem>>, %arg6: memref<256x128xf32, #tpu.memory_space<vmem>>, %arg7: memref<128xf32, #tpu.memory_space<vmem>>, %arg8: memref<!tpu.dma_semaphore, #tpu.memory_space<semaphore_mem>>) attributes {dimension_semantics = [#tpu.dimension_semantics<core_parallel>, #tpu.dimension_semantics<subcore_parallel>], iteration_bounds = array<i64: 2, 16>, scalar_prefetch = 0 : i64, scratch_operands = 4 : i64, tpu.core_type = #tpu.core_type<sc_vector_subcore>, window_params = [{transform_indices = #map}, {transform_indices = #map}, {transform_indices = #map1}]} {
    %mul3A = arith.constant 2 : i32
    %mul3A_0 = arith.muli %arg1, %mul3A : i32
    %add3A = arith.addi %mul3A_0, %arg0 : i32
    %mul3A_1 = arith.constant 512 : i32
    %mul3A_2 = arith.muli %add3A, %mul3A_1 : i32
    %multiple_of3A = tpu.assume_multiple %mul3A_2, 128 : i32
    %broadcast_in_dim3A = arith.constant 0.000000e+00 : f32
    %broadcast_in_dim3A_3 = vector.broadcast %broadcast_in_dim3A : f32 to vector<16xf32>
    %add3A_4 = arith.constant 0 : i32
    %add3A_5 = arith.addi %multiple_of3A, %add3A_4 : i32
    %multiple_of3A_6 = tpu.assume_multiple %add3A_5, 128 : i32
    %dma_start3A = arith.constant 0 : i32
    %dma_start3A_7 = tpu.memref_slice %arg2[%multiple_of3A_6, %dma_start3A] : memref<16384x128xf32, #tpu.memory_space<hbm>> -> memref<256x128xf32, #tpu.memory_space<hbm>>
    %dma_start3A_8 = arith.constant 0 : i32
    %dma_start3A_9 = tpu.memref_slice %arg2[%multiple_of3A_6, %dma_start3A_8] : memref<16384x128xf32, #tpu.memory_space<hbm>> -> memref<256x128xf32, #tpu.memory_space<hbm>>
    tpu.enqueue_dma source(%dma_start3A_9 : memref<256x128xf32, #tpu.memory_space<hbm>>) target(%arg5 : memref<256x128xf32, #tpu.memory_space<vmem>>) target_semaphore(%arg8 : memref<!tpu.dma_semaphore, #tpu.memory_space<semaphore_mem>>)
    %dma_start3A_10 = arith.constant 0 : i32
    %dma_start3A_11 = tpu.memref_slice %arg3[%multiple_of3A_6, %dma_start3A_10] : memref<16384x128xf32, #tpu.memory_space<hbm>> -> memref<256x128xf32, #tpu.memory_space<hbm>>
    %dma_start3A_12 = arith.constant 0 : i32
    %dma_start3A_13 = tpu.memref_slice %arg3[%multiple_of3A_6, %dma_start3A_12] : memref<16384x128xf32, #tpu.memory_space<hbm>> -> memref<256x128xf32, #tpu.memory_space<hbm>>
    tpu.enqueue_dma source(%dma_start3A_13 : memref<256x128xf32, #tpu.memory_space<hbm>>) target(%arg6 : memref<256x128xf32, #tpu.memory_space<vmem>>) target_semaphore(%arg8 : memref<!tpu.dma_semaphore, #tpu.memory_space<semaphore_mem>>)
    %dma_wait3A = arith.constant 0 : i32
    %dma_wait3A_14 = tpu.memref_slice %arg2[%multiple_of3A_6, %dma_wait3A] : memref<16384x128xf32, #tpu.memory_space<hbm>> -> memref<256x128xf32, #tpu.memory_space<hbm>>
    %dma_wait3A_15 = arith.constant 0 : i32
    %dma_wait3A_16 = tpu.memref_slice %arg2[%multiple_of3A_6, %dma_wait3A_15] : memref<16384x128xf32, #tpu.memory_space<hbm>> -> memref<256x128xf32, #tpu.memory_space<hbm>>
    tpu.wait_dma2 semaphore(%arg8 : memref<!tpu.dma_semaphore, #tpu.memory_space<semaphore_mem>>) src(%dma_wait3A_16 : memref<256x128xf32, #tpu.memory_space<hbm>>) dst(%arg5 : memref<256x128xf32, #tpu.memory_space<vmem>>)
    %dma_wait3A_17 = arith.constant 0 : i32
    %dma_wait3A_18 = tpu.memref_slice %arg3[%multiple_of3A_6, %dma_wait3A_17] : memref<16384x128xf32, #tpu.memory_space<hbm>> -> memref<256x128xf32, #tpu.memory_space<hbm>>
    %dma_wait3A_19 = arith.constant 0 : i32
    %dma_wait3A_20 = tpu.memref_slice %arg3[%multiple_of3A_6, %dma_wait3A_19] : memref<16384x128xf32, #tpu.memory_space<hbm>> -> memref<256x128xf32, #tpu.memory_space<hbm>>
    tpu.wait_dma2 semaphore(%arg8 : memref<!tpu.dma_semaphore, #tpu.memory_space<semaphore_mem>>) src(%dma_wait3A_20 : memref<256x128xf32, #tpu.memory_space<hbm>>) dst(%arg6 : memref<256x128xf32, #tpu.memory_space<vmem>>)
    %scan3A = arith.constant 0 : i32
    %scan3A_21 = arith.constant 256 : i32
    %scan3A_22 = arith.addi %scan3A, %scan3A_21 : i32
    %scan3A_23 = arith.constant 1 : i32
    %scan3A_24 = scf.for %scan3A_83 = %scan3A to %scan3A_22 step %scan3A_23 iter_args(%scan3A_84 = %broadcast_in_dim3A_3) -> (vector<16xf32>)  : i32 {
      %get3A = arith.index_cast %scan3A_83 : i32 to index
      %get3A_85 = arith.constant 0 : index
      %get3A_86 = tpu.vector_load %arg5[%get3A, %get3A_85] {strides = array<i32>} : memref<256x128xf32, #tpu.memory_space<vmem>>, vector<16xf32>,
      %get3A_87 = arith.index_cast %scan3A_83 : i32 to index
      %get3A_88 = arith.constant 0 : index
      %get3A_89 = tpu.vector_load %arg6[%get3A_87, %get3A_88] {strides = array<i32>} : memref<256x128xf32, #tpu.memory_space<vmem>>, vector<16xf32>,
      %mul3A_90 = arith.mulf %get3A_86, %get3A_89 : vector<16xf32>
      %add3A_91 = arith.addf %scan3A_84, %mul3A_90 : vector<16xf32>
      %get3A_92 = arith.index_cast %scan3A_83 : i32 to index
      %get3A_93 = arith.constant 16 : index
      %get3A_94 = tpu.vector_load %arg5[%get3A_92, %get3A_93] {strides = array<i32>} : memref<256x128xf32, #tpu.memory_space<vmem>>, vector<16xf32>,
      %get3A_95 = arith.index_cast %scan3A_83 : i32 to index
      %get3A_96 = arith.constant 16 : index
      %get3A_97 = tpu.vector_load %arg6[%get3A_95, %get3A_96] {strides = array<i32>} : memref<256x128xf32, #tpu.memory_space<vmem>>, vector<16xf32>,
      %mul3A_98 = arith.mulf %get3A_94, %get3A_97 : vector<16xf32>
      %add3A_99 = arith.addf %add3A_91, %mul3A_98 : vector<16xf32>
      %get3A_100 = arith.index_cast %scan3A_83 : i32 to index
      %get3A_101 = arith.constant 32 : index
      %get3A_102 = tpu.vector_load %arg5[%get3A_100, %get3A_101] {strides = array<i32>} : memref<256x128xf32, #tpu.memory_space<vmem>>, vector<16xf32>,
      %get3A_103 = arith.index_cast %scan3A_83 : i32 to index
      %get3A_104 = arith.constant 32 : index
      %get3A_105 = tpu.vector_load %arg6[%get3A_103, %get3A_104] {strides = array<i32>} : memref<256x128xf32, #tpu.memory_space<vmem>>, vector<16xf32>,
      %mul3A_106 = arith.mulf %get3A_102, %get3A_105 : vector<16xf32>
      %add3A_107 = arith.addf %add3A_99, %mul3A_106 : vector<16xf32>
      %get3A_108 = arith.index_cast %scan3A_83 : i32 to index
      %get3A_109 = arith.constant 48 : index
      %get3A_110 = tpu.vector_load %arg5[%get3A_108, %get3A_109] {strides = array<i32>} : memref<256x128xf32, #tpu.memory_space<vmem>>, vector<16xf32>,
      %get3A_111 = arith.index_cast %scan3A_83 : i32 to index
      %get3A_112 = arith.constant 48 : index
      %get3A_113 = tpu.vector_load %arg6[%get3A_111, %get3A_112] {strides = array<i32>} : memref<256x128xf32, #tpu.memory_space<vmem>>, vector<16xf32>,
      %mul3A_114 = arith.mulf %get3A_110, %get3A_113 : vector<16xf32>
      %add3A_115 = arith.addf %add3A_107, %mul3A_114 : vector<16xf32>
      scf.yield %add3A_115 : vector<16xf32>
    }
    %scan3A_25 = arith.constant 256 : i32
    %add3A_26 = arith.constant 256 : i32
    %add3A_27 = arith.addi %multiple_of3A, %add3A_26 : i32
    %multiple_of3A_28 = tpu.assume_multiple %add3A_27, 128 : i32
    %dma_start3A_29 = arith.constant 0 : i32
    %dma_start3A_30 = tpu.memref_slice %arg2[%multiple_of3A_28, %dma_start3A_29] : memref<16384x128xf32, #tpu.memory_space<hbm>> -> memref<256x128xf32, #tpu.memory_space<hbm>>
    %dma_start3A_31 = arith.constant 0 : i32
    %dma_start3A_32 = tpu.memref_slice %arg2[%multiple_of3A_28, %dma_start3A_31] : memref<16384x128xf32, #tpu.memory_space<hbm>> -> memref<256x128xf32, #tpu.memory_space<hbm>>
    tpu.enqueue_dma source(%dma_start3A_32 : memref<256x128xf32, #tpu.memory_space<hbm>>) target(%arg5 : memref<256x128xf32, #tpu.memory_space<vmem>>) target_semaphore(%arg8 : memref<!tpu.dma_semaphore, #tpu.memory_space<semaphore_mem>>)
    %dma_start3A_33 = arith.constant 0 : i32
    %dma_start3A_34 = tpu.memref_slice %arg3[%multiple_of3A_28, %dma_start3A_33] : memref<16384x128xf32, #tpu.memory_space<hbm>> -> memref<256x128xf32, #tpu.memory_space<hbm>>
    %dma_start3A_35 = arith.constant 0 : i32
    %dma_start3A_36 = tpu.memref_slice %arg3[%multiple_of3A_28, %dma_start3A_35] : memref<16384x128xf32, #tpu.memory_space<hbm>> -> memref<256x128xf32, #tpu.memory_space<hbm>>
    tpu.enqueue_dma source(%dma_start3A_36 : memref<256x128xf32, #tpu.memory_space<hbm>>) target(%arg6 : memref<256x128xf32, #tpu.memory_space<vmem>>) target_semaphore(%arg8 : memref<!tpu.dma_semaphore, #tpu.memory_space<semaphore_mem>>)
    %dma_wait3A_37 = arith.constant 0 : i32
    %dma_wait3A_38 = tpu.memref_slice %arg2[%multiple_of3A_28, %dma_wait3A_37] : memref<16384x128xf32, #tpu.memory_space<hbm>> -> memref<256x128xf32, #tpu.memory_space<hbm>>
    %dma_wait3A_39 = arith.constant 0 : i32
    %dma_wait3A_40 = tpu.memref_slice %arg2[%multiple_of3A_28, %dma_wait3A_39] : memref<16384x128xf32, #tpu.memory_space<hbm>> -> memref<256x128xf32, #tpu.memory_space<hbm>>
    tpu.wait_dma2 semaphore(%arg8 : memref<!tpu.dma_semaphore, #tpu.memory_space<semaphore_mem>>) src(%dma_wait3A_40 : memref<256x128xf32, #tpu.memory_space<hbm>>) dst(%arg5 : memref<256x128xf32, #tpu.memory_space<vmem>>)
    %dma_wait3A_41 = arith.constant 0 : i32
    %dma_wait3A_42 = tpu.memref_slice %arg3[%multiple_of3A_28, %dma_wait3A_41] : memref<16384x128xf32, #tpu.memory_space<hbm>> -> memref<256x128xf32, #tpu.memory_space<hbm>>
    %dma_wait3A_43 = arith.constant 0 : i32
    %dma_wait3A_44 = tpu.memref_slice %arg3[%multiple_of3A_28, %dma_wait3A_43] : memref<16384x128xf32, #tpu.memory_space<hbm>> -> memref<256x128xf32, #tpu.memory_space<hbm>>
    tpu.wait_dma2 semaphore(%arg8 : memref<!tpu.dma_semaphore, #tpu.memory_space<semaphore_mem>>) src(%dma_wait3A_44 : memref<256x128xf32, #tpu.memory_space<hbm>>) dst(%arg6 : memref<256x128xf32, #tpu.memory_space<vmem>>)
    %scan3A_45 = arith.constant 0 : i32
    %scan3A_46 = arith.constant 256 : i32
    %scan3A_47 = arith.addi %scan3A_45, %scan3A_46 : i32
    %scan3A_48 = arith.constant 1 : i32
    %scan3A_49 = scf.for %scan3A_83 = %scan3A_45 to %scan3A_47 step %scan3A_48 iter_args(%scan3A_84 = %scan3A_24) -> (vector<16xf32>)  : i32 {
      %get3A = arith.index_cast %scan3A_83 : i32 to index
      %get3A_85 = arith.constant 0 : index
      %get3A_86 = tpu.vector_load %arg5[%get3A, %get3A_85] {strides = array<i32>} : memref<256x128xf32, #tpu.memory_space<vmem>>, vector<16xf32>,
      %get3A_87 = arith.index_cast %scan3A_83 : i32 to index
      %get3A_88 = arith.constant 0 : index
      %get3A_89 = tpu.vector_load %arg6[%get3A_87, %get3A_88] {strides = array<i32>} : memref<256x128xf32, #tpu.memory_space<vmem>>, vector<16xf32>,
      %mul3A_90 = arith.mulf %get3A_86, %get3A_89 : vector<16xf32>
      %add3A_91 = arith.addf %scan3A_84, %mul3A_90 : vector<16xf32>
      %get3A_92 = arith.index_cast %scan3A_83 : i32 to index
      %get3A_93 = arith.constant 16 : index
      %get3A_94 = tpu.vector_load %arg5[%get3A_92, %get3A_93] {strides = array<i32>} : memref<256x128xf32, #tpu.memory_space<vmem>>, vector<16xf32>,
      %get3A_95 = arith.index_cast %scan3A_83 : i32 to index
      %get3A_96 = arith.constant 16 : index
      %get3A_97 = tpu.vector_load %arg6[%get3A_95, %get3A_96] {strides = array<i32>} : memref<256x128xf32, #tpu.memory_space<vmem>>, vector<16xf32>,
      %mul3A_98 = arith.mulf %get3A_94, %get3A_97 : vector<16xf32>
      %add3A_99 = arith.addf %add3A_91, %mul3A_98 : vector<16xf32>
      %get3A_100 = arith.index_cast %scan3A_83 : i32 to index
      %get3A_101 = arith.constant 32 : index
      %get3A_102 = tpu.vector_load %arg5[%get3A_100, %get3A_101] {strides = array<i32>} : memref<256x128xf32, #tpu.memory_space<vmem>>, vector<16xf32>,
      %get3A_103 = arith.index_cast %scan3A_83 : i32 to index
      %get3A_104 = arith.constant 32 : index
      %get3A_105 = tpu.vector_load %arg6[%get3A_103, %get3A_104] {strides = array<i32>} : memref<256x128xf32, #tpu.memory_space<vmem>>, vector<16xf32>,
      %mul3A_106 = arith.mulf %get3A_102, %get3A_105 : vector<16xf32>
      %add3A_107 = arith.addf %add3A_99, %mul3A_106 : vector<16xf32>
      %get3A_108 = arith.index_cast %scan3A_83 : i32 to index
      %get3A_109 = arith.constant 48 : index
      %get3A_110 = tpu.vector_load %arg5[%get3A_108, %get3A_109] {strides = array<i32>} : memref<256x128xf32, #tpu.memory_space<vmem>>, vector<16xf32>,
      %get3A_111 = arith.index_cast %scan3A_83 : i32 to index
      %get3A_112 = arith.constant 48 : index
      %get3A_113 = tpu.vector_load %arg6[%get3A_111, %get3A_112] {strides = array<i32>} : memref<256x128xf32, #tpu.memory_space<vmem>>, vector<16xf32>,
      %mul3A_114 = arith.mulf %get3A_110, %get3A_113 : vector<16xf32>
      %add3A_115 = arith.addf %add3A_107, %mul3A_114 : vector<16xf32>
      scf.yield %add3A_115 : vector<16xf32>
    }
    %scan3A_50 = arith.constant 256 : i32
    %swap3A = arith.constant 0 : index
    %swap3A_51 = tpu.vector_load %arg7[%swap3A] {strides = array<i32>} : memref<128xf32, #tpu.memory_space<vmem>>, vector<16xf32>,
    tpu.vector_store %arg7[%swap3A], %scan3A_49 {strides = array<i32>} : memref<128xf32, #tpu.memory_space<vmem>>, vector<16xf32>,
    %broadcast_in_dim3A_52 = arith.constant 0.000000e+00 : f32
    %broadcast_in_dim3A_53 = vector.broadcast %broadcast_in_dim3A_52 : f32 to vector<16xf32>
    %swap3A_54 = arith.constant 16 : index
    %swap3A_55 = tpu.vector_load %arg7[%swap3A_54] {strides = array<i32>} : memref<128xf32, #tpu.memory_space<vmem>>, vector<16xf32>,
    tpu.vector_store %arg7[%swap3A_54], %broadcast_in_dim3A_53 {strides = array<i32>} : memref<128xf32, #tpu.memory_space<vmem>>, vector<16xf32>,
    %broadcast_in_dim3A_56 = arith.constant 0.000000e+00 : f32
    %broadcast_in_dim3A_57 = vector.broadcast %broadcast_in_dim3A_56 : f32 to vector<16xf32>
    %swap3A_58 = arith.constant 32 : index
    %swap3A_59 = tpu.vector_load %arg7[%swap3A_58] {strides = array<i32>} : memref<128xf32, #tpu.memory_space<vmem>>, vector<16xf32>,
    tpu.vector_store %arg7[%swap3A_58], %broadcast_in_dim3A_57 {strides = array<i32>} : memref<128xf32, #tpu.memory_space<vmem>>, vector<16xf32>,
    %broadcast_in_dim3A_60 = arith.constant 0.000000e+00 : f32
    %broadcast_in_dim3A_61 = vector.broadcast %broadcast_in_dim3A_60 : f32 to vector<16xf32>
    %swap3A_62 = arith.constant 48 : index
    %swap3A_63 = tpu.vector_load %arg7[%swap3A_62] {strides = array<i32>} : memref<128xf32, #tpu.memory_space<vmem>>, vector<16xf32>,
    tpu.vector_store %arg7[%swap3A_62], %broadcast_in_dim3A_61 {strides = array<i32>} : memref<128xf32, #tpu.memory_space<vmem>>, vector<16xf32>,
    %broadcast_in_dim3A_64 = arith.constant 0.000000e+00 : f32
    %broadcast_in_dim3A_65 = vector.broadcast %broadcast_in_dim3A_64 : f32 to vector<16xf32>
    %swap3A_66 = arith.constant 64 : index
    %swap3A_67 = tpu.vector_load %arg7[%swap3A_66] {strides = array<i32>} : memref<128xf32, #tpu.memory_space<vmem>>, vector<16xf32>,
    tpu.vector_store %arg7[%swap3A_66], %broadcast_in_dim3A_65 {strides = array<i32>} : memref<128xf32, #tpu.memory_space<vmem>>, vector<16xf32>,
    %broadcast_in_dim3A_68 = arith.constant 0.000000e+00 : f32
    %broadcast_in_dim3A_69 = vector.broadcast %broadcast_in_dim3A_68 : f32 to vector<16xf32>
    %swap3A_70 = arith.constant 80 : index
    %swap3A_71 = tpu.vector_load %arg7[%swap3A_70] {strides = array<i32>} : memref<128xf32, #tpu.memory_space<vmem>>, vector<16xf32>,
    tpu.vector_store %arg7[%swap3A_70], %broadcast_in_dim3A_69 {strides = array<i32>} : memref<128xf32, #tpu.memory_space<vmem>>, vector<16xf32>,
    %broadcast_in_dim3A_72 = arith.constant 0.000000e+00 : f32
    %broadcast_in_dim3A_73 = vector.broadcast %broadcast_in_dim3A_72 : f32 to vector<16xf32>
    %swap3A_74 = arith.constant 96 : index
    %swap3A_75 = tpu.vector_load %arg7[%swap3A_74] {strides = array<i32>} : memref<128xf32, #tpu.memory_space<vmem>>, vector<16xf32>,
    tpu.vector_store %arg7[%swap3A_74], %broadcast_in_dim3A_73 {strides = array<i32>} : memref<128xf32, #tpu.memory_space<vmem>>, vector<16xf32>,
    %broadcast_in_dim3A_76 = arith.constant 0.000000e+00 : f32
    %broadcast_in_dim3A_77 = vector.broadcast %broadcast_in_dim3A_76 : f32 to vector<16xf32>
    %swap3A_78 = arith.constant 112 : index
    %swap3A_79 = tpu.vector_load %arg7[%swap3A_78] {strides = array<i32>} : memref<128xf32, #tpu.memory_space<vmem>>, vector<16xf32>,
    tpu.vector_store %arg7[%swap3A_78], %broadcast_in_dim3A_77 {strides = array<i32>} : memref<128xf32, #tpu.memory_space<vmem>>, vector<16xf32>,
    %mul3A_80 = arith.constant 128 : i32
    %mul3A_81 = arith.muli %add3A, %mul3A_80 : i32
    %multiple_of3A_82 = tpu.assume_multiple %mul3A_81, 128 : i32
    "tpu.region"() ({
      %run_scoped3A = tpu.sem_alloc : memref<!tpu.dma_semaphore, #tpu.memory_space<semaphore_mem>>
      %dma_start3A_83 = tpu.memref_slice %arg4[%multiple_of3A_82] : memref<4096xf32, #tpu.memory_space<hbm>> -> memref<128xf32, #tpu.memory_space<hbm>>
      %dma_start3A_84 = tpu.memref_slice %arg4[%multiple_of3A_82] : memref<4096xf32, #tpu.memory_space<hbm>> -> memref<128xf32, #tpu.memory_space<hbm>>
      tpu.enqueue_dma source(%arg7 : memref<128xf32, #tpu.memory_space<vmem>>) target(%dma_start3A_84 : memref<128xf32, #tpu.memory_space<hbm>>) target_semaphore(%run_scoped3A : memref<!tpu.dma_semaphore, #tpu.memory_space<semaphore_mem>>)
      %dma_wait3A_85 = tpu.memref_slice %arg4[%multiple_of3A_82] : memref<4096xf32, #tpu.memory_space<hbm>> -> memref<128xf32, #tpu.memory_space<hbm>>
      %dma_wait3A_86 = tpu.memref_slice %arg4[%multiple_of3A_82] : memref<4096xf32, #tpu.memory_space<hbm>> -> memref<128xf32, #tpu.memory_space<hbm>>
      tpu.wait_dma2 semaphore(%run_scoped3A : memref<!tpu.dma_semaphore, #tpu.memory_space<semaphore_mem>>) src(%arg7 : memref<128xf32, #tpu.memory_space<vmem>>) dst(%dma_wait3A_86 : memref<128xf32, #tpu.memory_space<hbm>>)
      tpu.yield
    }) : () -> ()
    return
  }
}

#map = affine_map<(d0, d1) -> (0)>
#map1 = affine_map<(d0, d1) -> (0, 0)>
module attributes {stable_mosaic.version = 14 : i64} {
  func.func @_combine_body(%arg0: i32, %arg1: i32, %arg2: memref<4096xf32, #tpu.memory_space<hbm>>, %arg3: memref<128x128xi32, #tpu.memory_space<hbm>>, %arg4: memref<128x128xi32, #tpu.memory_space<hbm>>, %arg5: memref<1000000xf32, #tpu.memory_space<hbm>>, %arg6: memref<1000000xf32, #tpu.memory_space<hbm>>, %arg7: memref<16384xf32, #tpu.memory_space<hbm>>, %arg8: memref<4096xf32, #tpu.memory_space<vmem>>, %arg9: memref<4x128xi32, #tpu.memory_space<vmem>>, %arg10: memref<4x128xi32, #tpu.memory_space<vmem>>, %arg11: memref<512xf32, #tpu.memory_space<vmem>>, %arg12: memref<512xf32, #tpu.memory_space<vmem>>, %arg13: memref<512xf32, #tpu.memory_space<vmem>>, %arg14: memref<!tpu.dma_semaphore, #tpu.memory_space<semaphore_mem>>) attributes {dimension_semantics = [#tpu.dimension_semantics<core_parallel>, #tpu.dimension_semantics<subcore_parallel>], iteration_bounds = array<i64: 2, 16>, scalar_prefetch = 0 : i64, scratch_operands = 7 : i64, tpu.core_type = #tpu.core_type<sc_vector_subcore>, window_params = [{transform_indices = #map}, {transform_indices = #map1}, {transform_indices = #map1}, {transform_indices = #map}, {transform_indices = #map}, {transform_indices = #map}]} {
    %mul3A = arith.constant 2 : i32
    %mul3A_0 = arith.muli %arg1, %mul3A : i32
    %add3A = arith.addi %mul3A_0, %arg0 : i32
    %mul3A_1 = arith.constant 512 : i32
    %mul3A_2 = arith.muli %add3A, %mul3A_1 : i32
    %multiple_of3A = tpu.assume_multiple %mul3A_2, 128 : i32
    %mul3A_3 = arith.constant 4 : i32
    %mul3A_4 = arith.muli %add3A, %mul3A_3 : i32
    "tpu.region"() ({
      %run_scoped3A = tpu.sem_alloc : memref<!tpu.dma_semaphore, #tpu.memory_space<semaphore_mem>>
      %dma_start3A_148 = arith.constant 0 : i32
      %dma_start3A_149 = tpu.memref_slice %arg3[%mul3A_4, %dma_start3A_148] : memref<128x128xi32, #tpu.memory_space<hbm>> -> memref<4x128xi32, #tpu.memory_space<hbm>>
      %dma_start3A_150 = arith.constant 0 : i32
      %dma_start3A_151 = tpu.memref_slice %arg3[%mul3A_4, %dma_start3A_150] : memref<128x128xi32, #tpu.memory_space<hbm>> -> memref<4x128xi32, #tpu.memory_space<hbm>>
      tpu.enqueue_dma source(%dma_start3A_151 : memref<4x128xi32, #tpu.memory_space<hbm>>) target(%arg9 : memref<4x128xi32, #tpu.memory_space<vmem>>) target_semaphore(%run_scoped3A : memref<!tpu.dma_semaphore, #tpu.memory_space<semaphore_mem>>)
      %dma_wait3A_152 = arith.constant 0 : i32
      %dma_wait3A_153 = tpu.memref_slice %arg3[%mul3A_4, %dma_wait3A_152] : memref<128x128xi32, #tpu.memory_space<hbm>> -> memref<4x128xi32, #tpu.memory_space<hbm>>
      %dma_wait3A_154 = arith.constant 0 : i32
      %dma_wait3A_155 = tpu.memref_slice %arg3[%mul3A_4, %dma_wait3A_154] : memref<128x128xi32, #tpu.memory_space<hbm>> -> memref<4x128xi32, #tpu.memory_space<hbm>>
      tpu.wait_dma2 semaphore(%run_scoped3A : memref<!tpu.dma_semaphore, #tpu.memory_space<semaphore_mem>>) src(%dma_wait3A_155 : memref<4x128xi32, #tpu.memory_space<hbm>>) dst(%arg9 : memref<4x128xi32, #tpu.memory_space<vmem>>)
      tpu.yield
    }) : () -> ()
    %mul3A_5 = arith.constant 4 : i32
    %mul3A_6 = arith.muli %add3A, %mul3A_5 : i32
    "tpu.region"() ({
      %run_scoped3A = tpu.sem_alloc : memref<!tpu.dma_semaphore, #tpu.memory_space<semaphore_mem>>
      %dma_start3A_148 = arith.constant 0 : i32
      %dma_start3A_149 = tpu.memref_slice %arg4[%mul3A_6, %dma_start3A_148] : memref<128x128xi32, #tpu.memory_space<hbm>> -> memref<4x128xi32, #tpu.memory_space<hbm>>
      %dma_start3A_150 = arith.constant 0 : i32
      %dma_start3A_151 = tpu.memref_slice %arg4[%mul3A_6, %dma_start3A_150] : memref<128x128xi32, #tpu.memory_space<hbm>> -> memref<4x128xi32, #tpu.memory_space<hbm>>
      tpu.enqueue_dma source(%dma_start3A_151 : memref<4x128xi32, #tpu.memory_space<hbm>>) target(%arg10 : memref<4x128xi32, #tpu.memory_space<vmem>>) target_semaphore(%run_scoped3A : memref<!tpu.dma_semaphore, #tpu.memory_space<semaphore_mem>>)
      %dma_wait3A_152 = arith.constant 0 : i32
      %dma_wait3A_153 = tpu.memref_slice %arg4[%mul3A_6, %dma_wait3A_152] : memref<128x128xi32, #tpu.memory_space<hbm>> -> memref<4x128xi32, #tpu.memory_space<hbm>>
      %dma_wait3A_154 = arith.constant 0 : i32
      %dma_wait3A_155 = tpu.memref_slice %arg4[%mul3A_6, %dma_wait3A_154] : memref<128x128xi32, #tpu.memory_space<hbm>> -> memref<4x128xi32, #tpu.memory_space<hbm>>
      tpu.wait_dma2 semaphore(%run_scoped3A : memref<!tpu.dma_semaphore, #tpu.memory_space<semaphore_mem>>) src(%dma_wait3A_155 : memref<4x128xi32, #tpu.memory_space<hbm>>) dst(%arg10 : memref<4x128xi32, #tpu.memory_space<vmem>>)
      tpu.yield
    }) : () -> ()
    %dma_start3A = arith.constant 0 : i32
    %dma_start3A_7 = arith.constant 0 : i32
    %dma_start3A_8 = tpu.memref_slice %arg11[%dma_start3A_7] : memref<512xf32, #tpu.memory_space<vmem>> -> memref<128xf32, #tpu.memory_space<vmem>>
    %dma_start3A_9 = arith.constant 0 : i32
    %dma_start3A_10 = tpu.memref_slice %arg9[%dma_start3A, %dma_start3A_9] : memref<4x128xi32, #tpu.memory_space<vmem>> -> memref<1x128xi32, #tpu.memory_space<vmem>>
    %dma_start3A_11 = tpu.memref_squeeze %dma_start3A_10 : memref<1x128xi32, #tpu.memory_space<vmem>> -> memref<128xi32, #tpu.memory_space<vmem>>
    %dma_start3A_12 = arith.constant 0 : i32
    %dma_start3A_13 = tpu.memref_slice %arg5[%dma_start3A_12] : memref<1000000xf32, #tpu.memory_space<hbm>> -> memref<1000000xf32, #tpu.memory_space<hbm>>
    tpu.enqueue_indirect_dma source(%dma_start3A_13 : memref<1000000xf32, #tpu.memory_space<hbm>>) target(%dma_start3A_8 : memref<128xf32, #tpu.memory_space<vmem>>) offsets(%dma_start3A_11 : memref<128xi32, #tpu.memory_space<vmem>>) semaphore(%arg14 : memref<!tpu.dma_semaphore, #tpu.memory_space<semaphore_mem>>)
    %dma_start3A_14 = arith.constant 0 : i32
    %dma_start3A_15 = arith.constant 0 : i32
    %dma_start3A_16 = tpu.memref_slice %arg12[%dma_start3A_15] : memref<512xf32, #tpu.memory_space<vmem>> -> memref<128xf32, #tpu.memory_space<vmem>>
    %dma_start3A_17 = arith.constant 0 : i32
    %dma_start3A_18 = tpu.memref_slice %arg10[%dma_start3A_14, %dma_start3A_17] : memref<4x128xi32, #tpu.memory_space<vmem>> -> memref<1x128xi32, #tpu.memory_space<vmem>>
    %dma_start3A_19 = tpu.memref_squeeze %dma_start3A_18 : memref<1x128xi32, #tpu.memory_space<vmem>> -> memref<128xi32, #tpu.memory_space<vmem>>
    %dma_start3A_20 = arith.constant 0 : i32
    %dma_start3A_21 = tpu.memref_slice %arg6[%dma_start3A_20] : memref<1000000xf32, #tpu.memory_space<hbm>> -> memref<1000000xf32, #tpu.memory_space<hbm>>
    tpu.enqueue_indirect_dma source(%dma_start3A_21 : memref<1000000xf32, #tpu.memory_space<hbm>>) target(%dma_start3A_16 : memref<128xf32, #tpu.memory_space<vmem>>) offsets(%dma_start3A_19 : memref<128xi32, #tpu.memory_space<vmem>>) semaphore(%arg14 : memref<!tpu.dma_semaphore, #tpu.memory_space<semaphore_mem>>)
    %dma_start3A_22 = arith.constant 1 : i32
    %dma_start3A_23 = arith.constant 128 : i32
    %dma_start3A_24 = tpu.memref_slice %arg11[%dma_start3A_23] : memref<512xf32, #tpu.memory_space<vmem>> -> memref<128xf32, #tpu.memory_space<vmem>>
    %dma_start3A_25 = arith.constant 0 : i32
    %dma_start3A_26 = tpu.memref_slice %arg9[%dma_start3A_22, %dma_start3A_25] : memref<4x128xi32, #tpu.memory_space<vmem>> -> memref<1x128xi32, #tpu.memory_space<vmem>>
    %dma_start3A_27 = tpu.memref_squeeze %dma_start3A_26 : memref<1x128xi32, #tpu.memory_space<vmem>> -> memref<128xi32, #tpu.memory_space<vmem>>
    %dma_start3A_28 = arith.constant 0 : i32
    %dma_start3A_29 = tpu.memref_slice %arg5[%dma_start3A_28] : memref<1000000xf32, #tpu.memory_space<hbm>> -> memref<1000000xf32, #tpu.memory_space<hbm>>
    tpu.enqueue_indirect_dma source(%dma_start3A_29 : memref<1000000xf32, #tpu.memory_space<hbm>>) target(%dma_start3A_24 : memref<128xf32, #tpu.memory_space<vmem>>) offsets(%dma_start3A_27 : memref<128xi32, #tpu.memory_space<vmem>>) semaphore(%arg14 : memref<!tpu.dma_semaphore, #tpu.memory_space<semaphore_mem>>)
    %dma_start3A_30 = arith.constant 1 : i32
    %dma_start3A_31 = arith.constant 128 : i32
    %dma_start3A_32 = tpu.memref_slice %arg12[%dma_start3A_31] : memref<512xf32, #tpu.memory_space<vmem>> -> memref<128xf32, #tpu.memory_space<vmem>>
    %dma_start3A_33 = arith.constant 0 : i32
    %dma_start3A_34 = tpu.memref_slice %arg10[%dma_start3A_30, %dma_start3A_33] : memref<4x128xi32, #tpu.memory_space<vmem>> -> memref<1x128xi32, #tpu.memory_space<vmem>>
    %dma_start3A_35 = tpu.memref_squeeze %dma_start3A_34 : memref<1x128xi32, #tpu.memory_space<vmem>> -> memref<128xi32, #tpu.memory_space<vmem>>
    %dma_start3A_36 = arith.constant 0 : i32
    %dma_start3A_37 = tpu.memref_slice %arg6[%dma_start3A_36] : memref<1000000xf32, #tpu.memory_space<hbm>> -> memref<1000000xf32, #tpu.memory_space<hbm>>
    tpu.enqueue_indirect_dma source(%dma_start3A_37 : memref<1000000xf32, #tpu.memory_space<hbm>>) target(%dma_start3A_32 : memref<128xf32, #tpu.memory_space<vmem>>) offsets(%dma_start3A_35 : memref<128xi32, #tpu.memory_space<vmem>>) semaphore(%arg14 : memref<!tpu.dma_semaphore, #tpu.memory_space<semaphore_mem>>)
    %dma_start3A_38 = arith.constant 2 : i32
    %dma_start3A_39 = arith.constant 256 : i32
    %dma_start3A_40 = tpu.memref_slice %arg11[%dma_start3A_39] : memref<512xf32, #tpu.memory_space<vmem>> -> memref<128xf32, #tpu.memory_space<vmem>>
    %dma_start3A_41 = arith.constant 0 : i32
    %dma_start3A_42 = tpu.memref_slice %arg9[%dma_start3A_38, %dma_start3A_41] : memref<4x128xi32, #tpu.memory_space<vmem>> -> memref<1x128xi32, #tpu.memory_space<vmem>>
    %dma_start3A_43 = tpu.memref_squeeze %dma_start3A_42 : memref<1x128xi32, #tpu.memory_space<vmem>> -> memref<128xi32, #tpu.memory_space<vmem>>
    %dma_start3A_44 = arith.constant 0 : i32
    %dma_start3A_45 = tpu.memref_slice %arg5[%dma_start3A_44] : memref<1000000xf32, #tpu.memory_space<hbm>> -> memref<1000000xf32, #tpu.memory_space<hbm>>
    tpu.enqueue_indirect_dma source(%dma_start3A_45 : memref<1000000xf32, #tpu.memory_space<hbm>>) target(%dma_start3A_40 : memref<128xf32, #tpu.memory_space<vmem>>) offsets(%dma_start3A_43 : memref<128xi32, #tpu.memory_space<vmem>>) semaphore(%arg14 : memref<!tpu.dma_semaphore, #tpu.memory_space<semaphore_mem>>)
    %dma_start3A_46 = arith.constant 2 : i32
    %dma_start3A_47 = arith.constant 256 : i32
    %dma_start3A_48 = tpu.memref_slice %arg12[%dma_start3A_47] : memref<512xf32, #tpu.memory_space<vmem>> -> memref<128xf32, #tpu.memory_space<vmem>>
    %dma_start3A_49 = arith.constant 0 : i32
    %dma_start3A_50 = tpu.memref_slice %arg10[%dma_start3A_46, %dma_start3A_49] : memref<4x128xi32, #tpu.memory_space<vmem>> -> memref<1x128xi32, #tpu.memory_space<vmem>>
    %dma_start3A_51 = tpu.memref_squeeze %dma_start3A_50 : memref<1x128xi32, #tpu.memory_space<vmem>> -> memref<128xi32, #tpu.memory_space<vmem>>
    %dma_start3A_52 = arith.constant 0 : i32
    %dma_start3A_53 = tpu.memref_slice %arg6[%dma_start3A_52] : memref<1000000xf32, #tpu.memory_space<hbm>> -> memref<1000000xf32, #tpu.memory_space<hbm>>
    tpu.enqueue_indirect_dma source(%dma_start3A_53 : memref<1000000xf32, #tpu.memory_space<hbm>>) target(%dma_start3A_48 : memref<128xf32, #tpu.memory_space<vmem>>) offsets(%dma_start3A_51 : memref<128xi32, #tpu.memory_space<vmem>>) semaphore(%arg14 : memref<!tpu.dma_semaphore, #tpu.memory_space<semaphore_mem>>)
    %dma_start3A_54 = arith.constant 3 : i32
    %dma_start3A_55 = arith.constant 384 : i32
    %dma_start3A_56 = tpu.memref_slice %arg11[%dma_start3A_55] : memref<512xf32, #tpu.memory_space<vmem>> -> memref<128xf32, #tpu.memory_space<vmem>>
    %dma_start3A_57 = arith.constant 0 : i32
    %dma_start3A_58 = tpu.memref_slice %arg9[%dma_start3A_54, %dma_start3A_57] : memref<4x128xi32, #tpu.memory_space<vmem>> -> memref<1x128xi32, #tpu.memory_space<vmem>>
    %dma_start3A_59 = tpu.memref_squeeze %dma_start3A_58 : memref<1x128xi32, #tpu.memory_space<vmem>> -> memref<128xi32, #tpu.memory_space<vmem>>
    %dma_start3A_60 = arith.constant 0 : i32
    %dma_start3A_61 = tpu.memref_slice %arg5[%dma_start3A_60] : memref<1000000xf32, #tpu.memory_space<hbm>> -> memref<1000000xf32, #tpu.memory_space<hbm>>
    tpu.enqueue_indirect_dma source(%dma_start3A_61 : memref<1000000xf32, #tpu.memory_space<hbm>>) target(%dma_start3A_56 : memref<128xf32, #tpu.memory_space<vmem>>) offsets(%dma_start3A_59 : memref<128xi32, #tpu.memory_space<vmem>>) semaphore(%arg14 : memref<!tpu.dma_semaphore, #tpu.memory_space<semaphore_mem>>)
    %dma_start3A_62 = arith.constant 3 : i32
    %dma_start3A_63 = arith.constant 384 : i32
    %dma_start3A_64 = tpu.memref_slice %arg12[%dma_start3A_63] : memref<512xf32, #tpu.memory_space<vmem>> -> memref<128xf32, #tpu.memory_space<vmem>>
    %dma_start3A_65 = arith.constant 0 : i32
    %dma_start3A_66 = tpu.memref_slice %arg10[%dma_start3A_62, %dma_start3A_65] : memref<4x128xi32, #tpu.memory_space<vmem>> -> memref<1x128xi32, #tpu.memory_space<vmem>>
    %dma_start3A_67 = tpu.memref_squeeze %dma_start3A_66 : memref<1x128xi32, #tpu.memory_space<vmem>> -> memref<128xi32, #tpu.memory_space<vmem>>
    %dma_start3A_68 = arith.constant 0 : i32
    %dma_start3A_69 = tpu.memref_slice %arg6[%dma_start3A_68] : memref<1000000xf32, #tpu.memory_space<hbm>> -> memref<1000000xf32, #tpu.memory_space<hbm>>
    tpu.enqueue_indirect_dma source(%dma_start3A_69 : memref<1000000xf32, #tpu.memory_space<hbm>>) target(%dma_start3A_64 : memref<128xf32, #tpu.memory_space<vmem>>) offsets(%dma_start3A_67 : memref<128xi32, #tpu.memory_space<vmem>>) semaphore(%arg14 : memref<!tpu.dma_semaphore, #tpu.memory_space<semaphore_mem>>)
    "tpu.region"() ({
      %run_scoped3A = tpu.sem_alloc : memref<!tpu.dma_semaphore, #tpu.memory_space<semaphore_mem>>
      tpu.enqueue_dma source(%arg2 : memref<4096xf32, #tpu.memory_space<hbm>>) target(%arg8 : memref<4096xf32, #tpu.memory_space<vmem>>) target_semaphore(%run_scoped3A : memref<!tpu.dma_semaphore, #tpu.memory_space<semaphore_mem>>)
      tpu.wait_dma2 semaphore(%run_scoped3A : memref<!tpu.dma_semaphore, #tpu.memory_space<semaphore_mem>>) src(%arg2 : memref<4096xf32, #tpu.memory_space<hbm>>) dst(%arg8 : memref<4096xf32, #tpu.memory_space<vmem>>)
      tpu.yield
    }) : () -> ()
    %dma_wait3A = arith.constant 0 : i32
    %dma_wait3A_70 = arith.constant 0 : i32
    %dma_wait3A_71 = tpu.memref_slice %arg11[%dma_wait3A_70] : memref<512xf32, #tpu.memory_space<vmem>> -> memref<128xf32, #tpu.memory_space<vmem>>
    %dma_wait3A_72 = arith.constant 0 : i32
    %dma_wait3A_73 = tpu.memref_slice %arg9[%dma_wait3A, %dma_wait3A_72] : memref<4x128xi32, #tpu.memory_space<vmem>> -> memref<1x128xi32, #tpu.memory_space<vmem>>
    %dma_wait3A_74 = tpu.memref_squeeze %dma_wait3A_73 : memref<1x128xi32, #tpu.memory_space<vmem>> -> memref<128xi32, #tpu.memory_space<vmem>>
    %dma_wait3A_75 = arith.constant 0 : i32
    %dma_wait3A_76 = tpu.memref_slice %arg5[%dma_wait3A_75] : memref<1000000xf32, #tpu.memory_space<hbm>> -> memref<1000000xf32, #tpu.memory_space<hbm>>
    tpu.wait_indirect_dma semaphore(%arg14 : memref<!tpu.dma_semaphore, #tpu.memory_space<semaphore_mem>>) src(%dma_wait3A_76 : memref<1000000xf32, #tpu.memory_space<hbm>>) dst(%dma_wait3A_71 : memref<128xf32, #tpu.memory_space<vmem>>)
    %dma_wait3A_77 = arith.constant 0 : i32
    %dma_wait3A_78 = arith.constant 0 : i32
    %dma_wait3A_79 = tpu.memref_slice %arg12[%dma_wait3A_78] : memref<512xf32, #tpu.memory_space<vmem>> -> memref<128xf32, #tpu.memory_space<vmem>>
    %dma_wait3A_80 = arith.constant 0 : i32
    %dma_wait3A_81 = tpu.memref_slice %arg10[%dma_wait3A_77, %dma_wait3A_80] : memref<4x128xi32, #tpu.memory_space<vmem>> -> memref<1x128xi32, #tpu.memory_space<vmem>>
    %dma_wait3A_82 = tpu.memref_squeeze %dma_wait3A_81 : memref<1x128xi32, #tpu.memory_space<vmem>> -> memref<128xi32, #tpu.memory_space<vmem>>
    %dma_wait3A_83 = arith.constant 0 : i32
    %dma_wait3A_84 = tpu.memref_slice %arg6[%dma_wait3A_83] : memref<1000000xf32, #tpu.memory_space<hbm>> -> memref<1000000xf32, #tpu.memory_space<hbm>>
    tpu.wait_indirect_dma semaphore(%arg14 : memref<!tpu.dma_semaphore, #tpu.memory_space<semaphore_mem>>) src(%dma_wait3A_84 : memref<1000000xf32, #tpu.memory_space<hbm>>) dst(%dma_wait3A_79 : memref<128xf32, #tpu.memory_space<vmem>>)
    %dma_wait3A_85 = arith.constant 1 : i32
    %dma_wait3A_86 = arith.constant 128 : i32
    %dma_wait3A_87 = tpu.memref_slice %arg11[%dma_wait3A_86] : memref<512xf32, #tpu.memory_space<vmem>> -> memref<128xf32, #tpu.memory_space<vmem>>
    %dma_wait3A_88 = arith.constant 0 : i32
    %dma_wait3A_89 = tpu.memref_slice %arg9[%dma_wait3A_85, %dma_wait3A_88] : memref<4x128xi32, #tpu.memory_space<vmem>> -> memref<1x128xi32, #tpu.memory_space<vmem>>
    %dma_wait3A_90 = tpu.memref_squeeze %dma_wait3A_89 : memref<1x128xi32, #tpu.memory_space<vmem>> -> memref<128xi32, #tpu.memory_space<vmem>>
    %dma_wait3A_91 = arith.constant 0 : i32
    %dma_wait3A_92 = tpu.memref_slice %arg5[%dma_wait3A_91] : memref<1000000xf32, #tpu.memory_space<hbm>> -> memref<1000000xf32, #tpu.memory_space<hbm>>
    tpu.wait_indirect_dma semaphore(%arg14 : memref<!tpu.dma_semaphore, #tpu.memory_space<semaphore_mem>>) src(%dma_wait3A_92 : memref<1000000xf32, #tpu.memory_space<hbm>>) dst(%dma_wait3A_87 : memref<128xf32, #tpu.memory_space<vmem>>)
    %dma_wait3A_93 = arith.constant 1 : i32
    %dma_wait3A_94 = arith.constant 128 : i32
    %dma_wait3A_95 = tpu.memref_slice %arg12[%dma_wait3A_94] : memref<512xf32, #tpu.memory_space<vmem>> -> memref<128xf32, #tpu.memory_space<vmem>>
    %dma_wait3A_96 = arith.constant 0 : i32
    %dma_wait3A_97 = tpu.memref_slice %arg10[%dma_wait3A_93, %dma_wait3A_96] : memref<4x128xi32, #tpu.memory_space<vmem>> -> memref<1x128xi32, #tpu.memory_space<vmem>>
    %dma_wait3A_98 = tpu.memref_squeeze %dma_wait3A_97 : memref<1x128xi32, #tpu.memory_space<vmem>> -> memref<128xi32, #tpu.memory_space<vmem>>
    %dma_wait3A_99 = arith.constant 0 : i32
    %dma_wait3A_100 = tpu.memref_slice %arg6[%dma_wait3A_99] : memref<1000000xf32, #tpu.memory_space<hbm>> -> memref<1000000xf32, #tpu.memory_space<hbm>>
    tpu.wait_indirect_dma semaphore(%arg14 : memref<!tpu.dma_semaphore, #tpu.memory_space<semaphore_mem>>) src(%dma_wait3A_100 : memref<1000000xf32, #tpu.memory_space<hbm>>) dst(%dma_wait3A_95 : memref<128xf32, #tpu.memory_space<vmem>>)
    %dma_wait3A_101 = arith.constant 2 : i32
    %dma_wait3A_102 = arith.constant 256 : i32
    %dma_wait3A_103 = tpu.memref_slice %arg11[%dma_wait3A_102] : memref<512xf32, #tpu.memory_space<vmem>> -> memref<128xf32, #tpu.memory_space<vmem>>
    %dma_wait3A_104 = arith.constant 0 : i32
    %dma_wait3A_105 = tpu.memref_slice %arg9[%dma_wait3A_101, %dma_wait3A_104] : memref<4x128xi32, #tpu.memory_space<vmem>> -> memref<1x128xi32, #tpu.memory_space<vmem>>
    %dma_wait3A_106 = tpu.memref_squeeze %dma_wait3A_105 : memref<1x128xi32, #tpu.memory_space<vmem>> -> memref<128xi32, #tpu.memory_space<vmem>>
    %dma_wait3A_107 = arith.constant 0 : i32
    %dma_wait3A_108 = tpu.memref_slice %arg5[%dma_wait3A_107] : memref<1000000xf32, #tpu.memory_space<hbm>> -> memref<1000000xf32, #tpu.memory_space<hbm>>
    tpu.wait_indirect_dma semaphore(%arg14 : memref<!tpu.dma_semaphore, #tpu.memory_space<semaphore_mem>>) src(%dma_wait3A_108 : memref<1000000xf32, #tpu.memory_space<hbm>>) dst(%dma_wait3A_103 : memref<128xf32, #tpu.memory_space<vmem>>)
    %dma_wait3A_109 = arith.constant 2 : i32
    %dma_wait3A_110 = arith.constant 256 : i32
    %dma_wait3A_111 = tpu.memref_slice %arg12[%dma_wait3A_110] : memref<512xf32, #tpu.memory_space<vmem>> -> memref<128xf32, #tpu.memory_space<vmem>>
    %dma_wait3A_112 = arith.constant 0 : i32
    %dma_wait3A_113 = tpu.memref_slice %arg10[%dma_wait3A_109, %dma_wait3A_112] : memref<4x128xi32, #tpu.memory_space<vmem>> -> memref<1x128xi32, #tpu.memory_space<vmem>>
    %dma_wait3A_114 = tpu.memref_squeeze %dma_wait3A_113 : memref<1x128xi32, #tpu.memory_space<vmem>> -> memref<128xi32, #tpu.memory_space<vmem>>
    %dma_wait3A_115 = arith.constant 0 : i32
    %dma_wait3A_116 = tpu.memref_slice %arg6[%dma_wait3A_115] : memref<1000000xf32, #tpu.memory_space<hbm>> -> memref<1000000xf32, #tpu.memory_space<hbm>>
    tpu.wait_indirect_dma semaphore(%arg14 : memref<!tpu.dma_semaphore, #tpu.memory_space<semaphore_mem>>) src(%dma_wait3A_116 : memref<1000000xf32, #tpu.memory_space<hbm>>) dst(%dma_wait3A_111 : memref<128xf32, #tpu.memory_space<vmem>>)
    %dma_wait3A_117 = arith.constant 3 : i32
    %dma_wait3A_118 = arith.constant 384 : i32
    %dma_wait3A_119 = tpu.memref_slice %arg11[%dma_wait3A_118] : memref<512xf32, #tpu.memory_space<vmem>> -> memref<128xf32, #tpu.memory_space<vmem>>
    %dma_wait3A_120 = arith.constant 0 : i32
    %dma_wait3A_121 = tpu.memref_slice %arg9[%dma_wait3A_117, %dma_wait3A_120] : memref<4x128xi32, #tpu.memory_space<vmem>> -> memref<1x128xi32, #tpu.memory_space<vmem>>
    %dma_wait3A_122 = tpu.memref_squeeze %dma_wait3A_121 : memref<1x128xi32, #tpu.memory_space<vmem>> -> memref<128xi32, #tpu.memory_space<vmem>>
    %dma_wait3A_123 = arith.constant 0 : i32
    %dma_wait3A_124 = tpu.memref_slice %arg5[%dma_wait3A_123] : memref<1000000xf32, #tpu.memory_space<hbm>> -> memref<1000000xf32, #tpu.memory_space<hbm>>
    tpu.wait_indirect_dma semaphore(%arg14 : memref<!tpu.dma_semaphore, #tpu.memory_space<semaphore_mem>>) src(%dma_wait3A_124 : memref<1000000xf32, #tpu.memory_space<hbm>>) dst(%dma_wait3A_119 : memref<128xf32, #tpu.memory_space<vmem>>)
    %dma_wait3A_125 = arith.constant 3 : i32
    %dma_wait3A_126 = arith.constant 384 : i32
    %dma_wait3A_127 = tpu.memref_slice %arg12[%dma_wait3A_126] : memref<512xf32, #tpu.memory_space<vmem>> -> memref<128xf32, #tpu.memory_space<vmem>>
    %dma_wait3A_128 = arith.constant 0 : i32
    %dma_wait3A_129 = tpu.memref_slice %arg10[%dma_wait3A_125, %dma_wait3A_128] : memref<4x128xi32, #tpu.memory_space<vmem>> -> memref<1x128xi32, #tpu.memory_space<vmem>>
    %dma_wait3A_130 = tpu.memref_squeeze %dma_wait3A_129 : memref<1x128xi32, #tpu.memory_space<vmem>> -> memref<128xi32, #tpu.memory_space<vmem>>
    %dma_wait3A_131 = arith.constant 0 : i32
    %dma_wait3A_132 = tpu.memref_slice %arg6[%dma_wait3A_131] : memref<1000000xf32, #tpu.memory_space<hbm>> -> memref<1000000xf32, #tpu.memory_space<hbm>>
    tpu.wait_indirect_dma semaphore(%arg14 : memref<!tpu.dma_semaphore, #tpu.memory_space<semaphore_mem>>) src(%dma_wait3A_132 : memref<1000000xf32, #tpu.memory_space<hbm>>) dst(%dma_wait3A_127 : memref<128xf32, #tpu.memory_space<vmem>>)
    %broadcast_in_dim3A = arith.constant 0.000000e+00 : f32
    %broadcast_in_dim3A_133 = vector.broadcast %broadcast_in_dim3A : f32 to vector<16xf32>
    %scan3A = arith.constant 0 : i32
    %scan3A_134 = arith.constant 32 : i32
    %scan3A_135 = arith.addi %scan3A, %scan3A_134 : i32
    %scan3A_136 = arith.constant 1 : i32
    %scan3A_137 = scf.for %scan3A_148 = %scan3A to %scan3A_135 step %scan3A_136 iter_args(%scan3A_149 = %broadcast_in_dim3A_133) -> (vector<16xf32>)  : i32 {
      %mul3A_150 = arith.constant 128 : i32
      %mul3A_151 = arith.muli %scan3A_148, %mul3A_150 : i32
      %get3A = arith.index_cast %mul3A_151 : i32 to index
      %get3A_152 = tpu.vector_load %arg8[%get3A] {strides = array<i32>} : memref<4096xf32, #tpu.memory_space<vmem>>, vector<16xf32>,
      %add3A_153 = arith.addf %scan3A_149, %get3A_152 : vector<16xf32>
      scf.yield %add3A_153 : vector<16xf32>
    }
    %scan3A_138 = arith.constant 32 : i32
    %reduce_sum3A = arith.constant true
    %reduce_sum3A_139 = vector.broadcast %reduce_sum3A : i1 to vector<16xi1>
    %reduce_sum3A_140 = tpu.scan <sum>, %scan3A_137 masked %reduce_sum3A_139 : vector<16xf32>, vector<16xi1> -> vector<16xf32>
    %reduce_sum3A_141 = vector.extract %reduce_sum3A_140[15] : f32 from vector<16xf32>
    %scan3A_142 = arith.constant 0 : i32
    %scan3A_143 = arith.constant 0 : i32
    %scan3A_144 = arith.constant 32 : i32
    %scan3A_145 = arith.addi %scan3A_143, %scan3A_144 : i32
    %scan3A_146 = arith.constant 1 : i32
    scf.for %scan3A_148 = %scan3A_143 to %scan3A_145 step %scan3A_146  : i32 {
      %mul3A_149 = arith.constant 16 : i32
      %mul3A_150 = arith.muli %scan3A_148, %mul3A_149 : i32
      %get3A = arith.index_cast %mul3A_150 : i32 to index
      %get3A_151 = tpu.vector_load %arg11[%get3A] {strides = array<i32>} : memref<512xf32, #tpu.memory_space<vmem>>, vector<16xf32>,
      %add3A_152 = vector.broadcast %reduce_sum3A_141 : f32 to vector<16xf32>
      %add3A_153 = arith.addf %add3A_152, %get3A_151 : vector<16xf32>
      %get3A_154 = arith.index_cast %mul3A_150 : i32 to index
      %get3A_155 = tpu.vector_load %arg12[%get3A_154] {strides = array<i32>} : memref<512xf32, #tpu.memory_space<vmem>>, vector<16xf32>,
      %add3A_156 = arith.addf %add3A_153, %get3A_155 : vector<16xf32>
      %neg3A = arith.constant 0.000000e+00 : f32
      %neg3A_157 = vector.broadcast %neg3A : f32 to vector<16xf32>
      %neg3A_158 = arith.subf %neg3A_157, %add3A_156 : vector<16xf32>
      %exp3A = math.exp %neg3A_158 : vector<16xf32>
      %add3A_159 = arith.constant 1.000000e+00 : f32
      %add3A_160 = vector.broadcast %add3A_159 : f32 to vector<16xf32>
      %add3A_161 = arith.addf %add3A_160, %exp3A : vector<16xf32>
      %div3A = arith.constant 1.000000e+00 : f32
      %div3A_162 = vector.broadcast %div3A : f32 to vector<16xf32>
      %div3A_163 = arith.divf %div3A_162, %add3A_161 : vector<16xf32>
      %swap3A = arith.index_cast %mul3A_150 : i32 to index
      %swap3A_164 = tpu.vector_load %arg13[%swap3A] {strides = array<i32>} : memref<512xf32, #tpu.memory_space<vmem>>, vector<16xf32>,
      tpu.vector_store %arg13[%swap3A], %div3A_163 {strides = array<i32>} : memref<512xf32, #tpu.memory_space<vmem>>, vector<16xf32>,
    }
    %scan3A_147 = arith.constant 32 : i32
    "tpu.region"() ({
      %run_scoped3A = tpu.sem_alloc : memref<!tpu.dma_semaphore, #tpu.memory_space<semaphore_mem>>
      %dma_start3A_148 = tpu.memref_slice %arg7[%multiple_of3A] : memref<16384xf32, #tpu.memory_space<hbm>> -> memref<512xf32, #tpu.memory_space<hbm>>
      %dma_start3A_149 = tpu.memref_slice %arg7[%multiple_of3A] : memref<16384xf32, #tpu.memory_space<hbm>> -> memref<512xf32, #tpu.memory_space<hbm>>
      tpu.enqueue_dma source(%arg13 : memref<512xf32, #tpu.memory_space<vmem>>) target(%dma_start3A_149 : memref<512xf32, #tpu.memory_space<hbm>>) target_semaphore(%run_scoped3A : memref<!tpu.dma_semaphore, #tpu.memory_space<semaphore_mem>>)
      %dma_wait3A_150 = tpu.memref_slice %arg7[%multiple_of3A] : memref<16384xf32, #tpu.memory_space<hbm>> -> memref<512xf32, #tpu.memory_space<hbm>>
      %dma_wait3A_151 = tpu.memref_slice %arg7[%multiple_of3A] : memref<16384xf32, #tpu.memory_space<hbm>> -> memref<512xf32, #tpu.memory_space<hbm>>
      tpu.wait_dma2 semaphore(%run_scoped3A : memref<!tpu.dma_semaphore, #tpu.memory_space<semaphore_mem>>) src(%arg13 : memref<512xf32, #tpu.memory_space<vmem>>) dst(%dma_wait3A_151 : memref<512xf32, #tpu.memory_space<hbm>>)
      tpu.yield
    }) : () -> ()
    return
  }
}

</mosaic_0001>

<sc_bundles>
// kernel: gather_offload_async_start.1
scs
__scs_entry_jumppad:
0x0: {  	(pc) =	sbr.rel $0x88, $3  }
0x1: {  	(tag) =	ssettag $0x0;
	lr =	simm.s32 $0x1  }
0x2: {  	[smem:$0x3F9C] =	sst lr;
	_ =	strace $0xD0000000  }
0x3: {  	_ = 	snop  }
0x4: {  	_ = 	snop  }
0x5: {  	_ = 	snop  }
0x6: {  	_ = 	snop  }
0x7: {  	_ = 	snop  }
__scs_overlays_trampoline_lowered:
0x8: {  	[smem:$0x3FAB] =	sst s0  }
0x9: {  	[smem:$0x3FAC] =	sst s1  }
0xa: {  	[smem:$0x3FAD] =	sst s2  }
0xb: {  	[smem:$0x3FAE] =	sst s3  }
0xc: {  	[smem:$0x3FAF] =	sst s4  }
0xd: {  	[smem:$0x3FB0] =	sst s5  }
0xe: {  	[smem:$0x3FB1] =	sst s6  }
0xf: {  	[smem:$0x3FB2] =	sst s7  }
0x10: {  	[smem:$0x3FB3] =	sst s8  }
0x11: {  	[smem:$0x3FB4] =	sst s9;
	s0 =	simm.s32 @!p0 $0x0  }
0x12: {  	s1 =	sld [smem:$0x3F9A];
	s0 =	simm.s32 @p0 $0x1  }
0x13: {  	[smem:$0x3FB5] =	sst s0;
	s0 =	simm.s32 @!p1 $0x0  }
0x14: {  	s2 =	sld [smem:$0x3F99];
	s0 =	simm.s32 @p1 $0x1  }
0x15: {  	[smem:$0x3FB6] =	sst s0;
	s0 =	simm.s32 @!p2 $0x0  }
0x16: {  	s3 =	sld [smem:$0x3FDB];
	s0 =	simm.s32 @p2 $0x1  }
0x17: {  	s4 =	simm.s32 $0x1BF5;
	[smem:$0x3FB8] =	sst s0  }
0x18: {  	s0 =	sld [smem:$0x3F9B];
	_ =	swait.ge [sflag:s4], $0x0  }
0x19: {  	s7 =	sld [smem:$0x3F9C]  }
0x1a: {  	s8 =	sadd.s32 $0xFFFFE003, lr  }
0x1b: {  	s9 =	sadd.s32 $0xFFFFFEF7, lr;
	s5 =	simm.s32 $0xFFFFFFFF;
	p2 =	slt.u32 s8, $0xFFFFF086  }
0x1c: {  	p1 =	slt.u32 s9, $0xF7A;
	s5 =	simm.s32 @!p2 $0x0  }
0x1d: {  	s5 =	simm.s32 @p1 $0x1;
	p0 =	seq.s32 s7, s2  }
0x1e: {  	s7 =	smul.u32 @!p0 $0xF7A, s2;
	p2 =	seq.s32 @!p0 s5, $0x0  }
0x1f: {  	s9 =	smul.u32 $0xF7A, s1;
	s8 =	simm.s32 @!p0 $0x1BF5;
	p2 =	por !p2, p0  }
0x20: {  	[sflag:s8] =	ssyncset.s32 @!p0 $0xFFFFF086;
	s6 =	sadd.s32 @!p0 s3, s7;
	s7 =	simm.s32 @!p0 $0x108  }
0x21: {  	s3 =	sadd.s32 s3, s9;
	s6 =	sadd.s32 @!p0 $0x88, s6;
	s7 =	simm.s32 @p2 $0x1082  }
0x22: {  	[simem:s7], [sflag:s8] =	dma.local @!p0 [hbm:s6], $0xF7A  }
0x23: {  	s9 =	sor.u32 $0xD0000000, s2;
	s6 =	simm.s32 $0x108;
	_ =	swait.ge @!p0 [sflag:s8], $0x0  }
0x24: {  	s3 =	sadd.s32 $0x88, s3;
	s6 =	simm.s32 @!p1 $0x1082;
	[sflag:s4] =	ssyncset.s32 $0xFFFFF086  }
0x25: {  	[simem:s6], [sflag:s4] =	dma.local [hbm:s3], $0xF7A  }
0x26: {  	[smem:$0x3F9C] =	sst s1;
	(tag) =	ssettag s2;
	_ =	strace s9  }
0x27: {  	s1 =	sld [smem:$0x3FAC]  }
0x28: {  	s2 =	sld [smem:$0x3FAD]  }
0x29: {  	s4 =	sld [smem:$0x3FAF]  }
0x2a: {  	p0 =	seq.s32 s5, $0x0;
	s5 =	sld [smem:$0x3FB0]  }
0x2b: {  	s6 =	sld [smem:$0x3FB1]  }
0x2c: {  	s7 =	sld [smem:$0x3FB2]  }
0x2d: {  	s3 =	simm.s32 $0x108;
	s8 =	sld [smem:$0x3FB3]  }
0x2e: {  	s3 =	simm.s32 @!p0 $0x1082;
	s9 =	sld [smem:$0x3FB4]  }
0x2f: {  	lr =	sadd.s32 s0, s3;
	s0 =	sld [smem:$0x3FAB]  }
0x30: {  	s3 =	sld [smem:$0x3FAE]  }
0x31: {  	[smem:$0x3FB7] =	sst s10  }
0x32: {  	s10 =	sld [smem:$0x3FB5];
	_ =	sdelay $0x3  }
0x33: {  	p0 =	seq.s32 s10, $0x1;
	s10 =	sld [smem:$0x3FB7];
	_ =	sdelay $0x3  }
0x34: {  	[smem:$0x3FB7] =	sst s10  }
0x35: {  	s10 =	sld [smem:$0x3FB6];
	_ =	sdelay $0x3  }
0x36: {  	p1 =	seq.s32 s10, $0x1;
	s10 =	sld [smem:$0x3FB7];
	_ =	sdelay $0x3  }
0x37: {  	[smem:$0x3FB7] =	sst s10  }
0x38: {  	s10 =	sld [smem:$0x3FB8]  }
0x39: {  	_ = 	snop;
	(pc) =	sbr.ind lr, $3  }
0x3a: {  	_ = 	snop  }
0x3b: {  	_ = 	snop  }
0x3c: {  	p2 =	seq.s32 s10, $0x1;
	s10 =	sld [smem:$0x3FB7]  }
0x3d: {  	_ =	shalt  }
0x3e: {  	_ =	shalt  }
0x3f: {  	_ =	shalt  }
0x40: {  	_ =	shalt  }
0x41: {  	_ =	shalt  }
0x42: {  	_ =	shalt  }
0x43: {  	_ =	shalt  }
0x44: {  	_ =	shalt  }
0x45: {  	_ =	shalt  }
0x46: {  	_ =	shalt  }
0x47: {  	_ =	shalt  }
0x48: {  	_ =	shalt  }
0x49: {  	_ =	shalt  }
0x4a: {  	_ =	shalt  }
0x4b: {  	_ =	shalt  }
0x4c: {  	_ =	shalt  }
0x4d: {  	_ =	shalt  }
0x4e: {  	_ =	shalt  }
0x4f: {  	_ =	shalt  }
0x50: {  	_ =	shalt  }
0x51: {  	_ =	shalt  }
0x52: {  	_ =	shalt  }
0x53: {  	_ =	shalt  }
0x54: {  	_ =	shalt  }
0x55: {  	_ =	shalt  }
0x56: {  	_ =	shalt  }
0x57: {  	_ =	shalt  }
0x58: {  	_ =	shalt  }
0x59: {  	_ =	shalt  }
0x5a: {  	_ =	shalt  }
0x5b: {  	_ =	shalt  }
0x5c: {  	_ =	shalt  }
0x5d: {  	_ =	shalt  }
0x5e: {  	_ =	shalt  }
0x5f: {  	_ =	shalt  }
0x60: {  	_ =	shalt  }
0x61: {  	_ =	shalt  }
0x62: {  	_ =	shalt  }
0x63: {  	_ =	shalt  }
0x64: {  	_ =	shalt  }
0x65: {  	_ =	shalt  }
0x66: {  	_ =	shalt  }
0x67: {  	_ =	shalt  }
0x68: {  	_ =	shalt  }
0x69: {  	_ =	shalt  }
0x6a: {  	_ =	shalt  }
0x6b: {  	_ =	shalt  }
0x6c: {  	_ =	shalt  }
0x6d: {  	_ =	shalt  }
0x6e: {  	_ =	shalt  }
0x6f: {  	_ =	shalt  }
0x70: {  	_ =	shalt  }
0x71: {  	_ =	shalt  }
0x72: {  	_ =	shalt  }
0x73: {  	_ =	shalt  }
0x74: {  	_ =	shalt  }
0x75: {  	_ =	shalt  }
0x76: {  	_ =	shalt  }
0x77: {  	_ =	shalt  }
0x78: {  	_ =	shalt  }
0x79: {  	_ =	shalt  }
0x7a: {  	_ =	shalt  }
0x7b: {  	_ =	shalt  }
0x7c: {  	_ =	shalt  }
0x7d: {  	_ =	shalt  }
0x7e: {  	_ =	shalt  }
0x7f: {  	_ =	shalt  }
0x80: {  	_ =	shalt  }
0x81: {  	_ =	shalt  }
0x82: {  	_ =	shalt  }
0x83: {  	_ =	shalt  }
0x84: {  	_ =	shalt  }
0x85: {  	_ =	shalt  }
0x86: {  	_ =	shalt  }
0x87: {  	_ =	shalt  }
.Lfunc_end0:
.L_simem_size_0:
called_computation.1_lowered:
.L_overlay_start_0:
0x88: {  	s2 =	sld [smem:$0x3FD9]  }
0x89: {  	s3 =	sld [smem:$0x3FFE];
	_ =	sdelay $0x1  }
0x8a: {  	s1 =	srdreg.scid  }
0x8b: {  	s0 =	sand.u32 $0x1, s1  }
0x8c: {  	s16 =	sshll.u32 s0, $0xA;
	s2 =	sadd.s32 s3, s2  }
0x8d: {  	s2 =	sadd.s32 s2, s16  }
0x8e: {  	[smem:$0x3FC3] =	sst s2  }
0x8f: {  	_ = 	snop  }
0x90: {  	(tm) =	ssettm $0x1  }
0x91: {  	s17 =	sld [smem:$0x3FFB];
	_ =	sdelay $0x3  }
0x92: {  	_ =	strace s17  }
0x93: {  	s2 =	sld [smem:$0x3FFC];
	_ =	sdelay $0x3  }
0x94: {  	_ =	strace s2  }
0x95: {  	s2 =	sld [smem:$0x3FFD];
	_ =	sdelay $0x3  }
0x96: {  	_ =	strace s2  }
0x97: {  	_ =	strace $0x8FFFFFFF  }
0x98: {  	s18 =	sld [smem:$0x3FDB];
	_ =	sdelay $0x1  }
0x99: {  	s19 =	simm.s32 $_scs_section_size  }
0x9a: {  	s4 =	simm.s32 $_size__tile_overlayer_lowered;
	s5 =	simm.s32 $_tile_overlayer_lowered  }
0x9b: {  	s22 =	simm.s32 $0x1BFF;
	s21 =	sshll.u32 s5, $0x1;
	s2 =	sadd.s32 s19, s18  }
0x9c: {  	s6 =	simm.s32 $0x0;
	s20 =	sshll.u32 s4, $0x1;
	s4 =	sadd.s32 s21, s2  }
0x9d: {  	[timem:s6], [sflag:s22] =	dma.local [hbm:s4], s20  }
0x9e: {  	_ =	swait.ge [sflag:s22], s20  }
0x9f: {  	s3 =	ssub.s32 $0x0, s20;
	[sflag:s22] =	ssyncset.done $0x0  }
0xa0: {  	[sflag:s22] =	ssyncadd.s32 s3;
	_ =	sdelay $0x1  }
0xa1: {  	s23 =	simm.s32 $0x1B8B  }
0xa2: {  	_ =	swait.ge [sflag:s23], $0x1  }
0xa3: {  	[sflag:s23] =	ssyncset.done $0x0  }
0xa4: {  	s25 =	simm.s32 $0x1B8E;
	s24 =	sld [smem:$0x3FFE];
	[sflag:s23] =	ssyncadd.s32 $0xFFFFFFFF  }
0xa5: {  	s26 =	simm.s32 $execute0_lowered;
	[smem:$0x3FD2] =	sst s25  }
0xa6: {  	s4 =	sshll.u32 s26, $0x1;
	_ =	strace $0x80000046;
	[dreg:$0x1] =	wrdreg $0xFFFFFFFF  }
0xa7: {  	s28 =	simm.s32 $_size_execute0_lowered;
	s2 =	sadd.s32 s2, s4;
	[dreg:$0x0] =	wrdreg $0x0  }
0xa8: {  	s4 =	sshll.u32 s28, $0x1;
	[dreg:$0x2] =	wrdreg s2  }
0xa9: {  	[dreg:$0x3] =	wrdreg s4  }
0xaa: {  	[dreg:$0x4] =	wrdreg $0xC0  }
0xab: {  	_ =	task [dreg:s6], $0x5FFFF  }
0xac: {  	[dreg:$0x1] =	wrdreg $0xFFFFFFFF  }
0xad: {  	[dreg:$0x0] =	wrdreg $0x60  }
0xae: {  	[dreg:$0x2] =	wrdreg s24  }
0xaf: {  	[dreg:$0x3] =	wrdreg $0x9  }
0xb0: {  	_ =	task.clear_ibuf [dreg:s6], $0x4FFFF;
	_ =	strace $0x90000046  }
0xb1: {  	s29 =	simm.s32 $0x9;
	_ =	strace $0x80000048  }
0xb2: {  	_ =	swait.ge [sflag:s29], $0x1  }
0xb3: {  	[sflag:s29] =	ssyncadd.s32 $0xFFFFFFFF  }
0xb4: {  	_ =	strace $0x90000048  }
0xb5: {  	_ =	sfence  }
0xb6: {  	s30 =	sld [smem:$0x0];
	_ =	sdelay $0x2  }
0xb7: {  	s31 =	sshll.u32 s1, $0xD;
	s1 =	sshrl.u32 s1, $0x2  }
0xb8: {  	s3 =	sand.u32 $0x4000, s31;
	s1 =	sadd.s32 s1, s30  }
0xb9: {  	s0 =	sor.u32 s3, s0;
	s1 =	sshll.u32 s1, $0x11  }
0xba: {  	s0 =	sor.u32 s1, s0  }
0xbb: {  	s0 =	sadd.s32 $0x8F2B, s0  }
0xbc: {  	[sflag:s0] =	ssyncadd.remote.s32 $0x1  }
0xbd: {  	_ =	sfence.sel $0xFFFF  }
0xbe: {  	[dreg:$0x0] =	wrdreg $0xFFFFFFFF;
	(pc) =	sbr.abs _section_cstart, $3  }
0xbf: {  	[dreg:$0x1] =	wrdreg $0xFFFFFFFF  }
0xc0: {  	_ =	task.clear_ibuf [dreg:s6], $0x2FFFF;
	_ =	strace $0x9FFFFFFF  }
0xc1: {  	(tm) =	ssettm $0x7FFFFFFF  }
tec
execute0_lowered:
.L_overlay_start_1:
0x0: {  	(tag) =	ssettag $0x1  }
0x1: {  	s1 =	srdreg.scid  }
0x2: {  	s0 =	stileid.u32;
	s2 =	rddreg [dreg:$0x0];
	s6 =	simm.s32 $0x1  }
0x3: {  	s9 =	simm.s32 $0x1;
	s10 =	simm.s32 $0x3;
	s1 =	sshll.u32 s1, $0x8  }
0x4: {  	s13 =	simm.s32 $0x0;
	s3 =	sshll.u32 s0, $0x9;
	s4 =	sand.u32 $0x100, s1  }
0x5: {  	s12 =	simm.s32 $0x0;
	s5 =	sadd.s32 $0x2800, s2;
	s3 =	sor.u32 s3, s4  }
0x6: {  	s1 =	rddreg [dreg:$0x1];
	_ =	strace $0x80000047;
	s8 =	ssub.s32 $0x4000, s3  }
.Ltmp0:
0x7: {  	s4 =	sadd.s32 $0x1800, s2;
	s7 =	sand.u32 $0x1F00, s8;
	(pc) =	sbr.rel .LBB2_1-.Ltmp0, $4  }
0x8: {  	[sflag:s6] =	ssyncpa.u1 $0x0;
	s11 =	smov.u32 s3;
	p0 =	sne.s32 s7, $0x0  }
0x9: {  	s8 =	sshrl.u32 s8, $0xD;
	s7 =	simm.s32 $0x2;
	s9 =	simm.s32 @!p0 $0x0  }
0xa: {  	[sflag:s7] =	ssyncpa.u1 $0x0;
	p0 =	por $0x0, $0x0;
	s8 =	sadd.s32 s9, s8  }
0xb: {  	vm0 =	vmmov $0xffff;
	[sflag:s10] =	ssyncpa.u1 $0x0;
	s10 =	simm.s32 $0x0;
	s9 =	sadd.s32 $0x1, s8  }
.LBB2_4:
0xc: {  	v2 =	vnsel vm1, $0x0, v2  }
0xd: {  	vm1 =	vgt.s32 v0, $0x0;
	v2 =	vmin.u32 v2, $0x3FFF  }
0xe: {  	v0 =	vnsel vm1, $0x0, v0  }
0xf: {  	v0 =	vmin.u32 v0, $0x3FFF  }
0x10: {  	[tilespmem:s15], [sflag:$0x1] =	stream.indirect_vreg.gather [hbm4b:s2+s10], $0x1, v1, vm0, $0x4038;
	[tilespmem:$0x400] =	vst v63  }
0x11: {  	(ifvalue) =	ssetifvalue $0x7FFFFFFF  }
0x12: {  	[tilespmem:s16], [sflag:$0x1] =	stream.indirect_vreg.gather [hbm4b:s2+s10], $0x1, v2, vm0, $0x4038;
	[tilespmem:$0x400] =	vst v63  }
0x13: {  	s29 =	sadd.s32 $0x10, s16;
	(ifvalue) =	ssetifvalue $0x7FFFFFFF  }
0x14: {  	[tilespmem:s29], [sflag:$0x1] =	stream.indirect_vreg.gather [hbm4b:s2+s10], $0x1, v0, vm0, $0x4038;
	[tilespmem:$0x400] =	vst v63  }
0x15: {  	_ =	swait.ge [sflag:s6], $0x100  }
0x16: {  	s30 =	sshrl.u32 s13, $0x3;
	[sflag:s6] =	ssyncset.done $0x0  }
0x17: {  	s31 =	sand.u32 $0x7, s13;
	s15 =	sadd.s32 s5, s30;
	[sflag:s6] =	ssyncadd.s32 $0xFFFFFF00  }
0x18: {  	[hbm4b:s15+s31] =	stream.linear.scatter [tilespmem:s14], [sflag:$0x3], $0x100, $0x38;
	[tilespmem:$0x400] =	vst v63  }
.LBB2_5:
0x19: {  	s15 =	sadd.s32 $0x2000, s11  }
0x1a: {  	p2 =	sgt.s32 s15, $0x3FFF  }
0x1b: {  	s15 =	smov.u32 @p2 s3;
	p2 =	sne.s32 s12, s9  }
.Ltmp1:
0x1c: {  	p1 =	slt.u32 s12, $0x2;
	(pc) =	sbr.rel @!p2 .LBB2_6-.Ltmp1, $4  }
0x1d: {  	s14 =	simm.s32 @!p1 $0x3  }
0x1e: {  	s16 =	sadd.s32 $0x1, s12;
	_ =	swait.ge @!p1 [sflag:s14], $0x100  }
0x1f: {  	s13 =	smov.u32 s11;
	p0 =	por !p0, !p0;
	[sflag:s14] =	ssyncset.done @!p1 $0x0  }
0x20: {  	s12 =	smov.u32 s16;
	s11 =	smov.u32 s15;
	[sflag:s14] =	ssyncadd.s32 @!p1 $0xFFFFFF00  }
.LBB2_1:
0x21: {  	p1 =	sge.u32 s12, s8  }
0x22: {  	s14 =	sxor.u32 @!p1 $0xFFFFFFFF, s12  }
0x23: {  	s31 =	sadd.s32 $0xFFFFFFFF, s12;
	s15 =	sshrl.u32 @!p1 s11, $0x3;
	s14 =	sshll.u32 @!p1 s14, $0x8  }
0x24: {  	s16 =	sand.u32 @!p1 $0x7, s11;
	s15 =	sadd.s32 @!p1 s4, s15;
	s14 =	sand.u32 @!p1 $0x100, s14  }
0x25: {  	[tilespmem:s14], [sflag:$0x2] =	stream.linear.gather @!p1 [hbm4b:s15+s16], $0x100, $0x38;
	[tilespmem:$0x400] =	vst v63  }
0x26: {  	p1 =	sge.u32 s31, s8  }
.Ltmp2:
0x27: {  	_ = 	snop;
	(pc) =	sbr.rel @p1 .LBB2_5-.Ltmp2, $1  }
0x28: {  	_ =	sdelay $0x3  }
0x29: {  	s14 =	simm.s32 $0x1  }
0x2a: {  	_ =	swait.ge [sflag:s7], $0x100;
	s14 =	simm.s32 @!p0 $0x0  }
0x2b: {  	[sflag:s7] =	ssyncset.done $0x0;
	s14 =	sshll.u32 s14, $0x8  }
0x2c: {  	[sflag:s7] =	ssyncadd.s32 $0xFFFFFF00;
	(ifvalue) =	ssetifvalue $0x7FFFFFFF;
	v0 =	vld.msk [tilespmem:s14+$0x0 ss:$0x1], $0xffff;
	_ =	sdelay $0x4  }
0x2d: {  	s15 =	sadd.s32 $0x10, s14;
	vm1 =	vgt.s32 v0, $0x0  }
0x2e: {  	v2 =	vld.msk [tilespmem:s15+$0x0 ss:$0x1], $0xffff;
	v1 =	vnsel vm1, $0x0, v0  }
0x2f: {  	v1 =	vmin.u32 v1, $0x3FFF;
	_ =	sdelay $0x1  }
0x30: {  	s16 =	sshll.u32 s12, $0x8;
	s18 =	simm.s32 $0x20  }
0x31: {  	s16 =	sand.u32 $0x100, s16;
	s17 =	sadd.s32 $0x10, s15;
	s15 =	sor.u32 $0x200, s14  }
0x32: {  	s14 =	sor.u32 $0x200, s16;
	s16 =	sadd.s32 $0x10, s15;
	v0 =	vld.msk [tilespmem:s17+$0x0 ss:$0x1], $0xffff;
	vm1 =	vgt.s32 v2, $0x0;
	(ifvalue) =	ssetifvalue $0x7FFFFFFF  }
.LBB2_3:
0x33: {  	[tilespmem:s15], [sflag:$0x1] =	stream.indirect_vreg.gather [hbm4b:s2+s10], $0x1, v1, vm0, $0x4038;
	[tilespmem:$0x400] =	vst v63  }
0x34: {  	s18 =	sadd.s32 $0x10, s18  }
0x35: {  	v2 =	vnsel vm1, $0x0, v2;
	p1 =	slt.u32 s18, $0xF0  }
.Ltmp3:
0x36: {  	s15 =	smov.u32 s16;
	v1 =	vmin.u32 v2, $0x3FFF;
	(pc) =	sbr.rel @p1 .LBB2_3-.Ltmp3, $3  }
0x37: {  	_ =	sdelay $0x1  }
0x38: {  	s17 =	sadd.s32 $0x10, s17  }
0x39: {  	vm1 =	vgt.s32 v0, $0x0;
	s16 =	sadd.s32 $0x10, s16;
	v2 =	vmov v0;
	(ifvalue) =	ssetifvalue $0x7FFFFFFF;
	v0 =	vld.msk [tilespmem:s17+$0x0 ss:$0x1], $0xffff  }
.Ltmp4:
0x3a: {  	_ = 	snop;
	(pc) =	sbr.rel .LBB2_4-.Ltmp4, $1  }
0x3b: {  	_ =	sdelay $0x3  }
.LBB2_6:
0x3c: {  	_ =	sfence.sel $0x180000  }
0x3d: {  	s2 =	simm.s32 $0x2;
	[bflag:$0x0] =	sbarrier.arrive $0xFFFF  }
0x3e: {  	s30 =	simm.s32 $0x3;
	[sflag:s2] =	ssyncpa.u1 $0x1  }
0x3f: {  	s31 =	simm.s32 $0x1;
	[sflag:s30] =	ssyncpa.u1 $0x1  }
0x40: {  	[sflag:s31] =	ssyncpa.u1 $0x1  }
0x41: {  	p0 =	sne.s32 s0, $0x0;
	_ =	strace $0x90000047  }
0x42: {  	s0 =	sadd.s32 @!p0 $0x100000, s1;
	[bflag:$0x2] =	sbarrier.arrive $0xFFFF  }
0x43: {  	[sflag:s0] =	ssyncadd.tile.s32 @!p0 $0x1;
	_ =	shalt  }
.Lfunc_end2:
_tile_overlayer_lowered:
.L_overlay_start_2:
0x44: {  	(tag) =	ssettag $0x2  }
0x45: {  	s0 =	rddreg [dreg:$0x0];
	s2 =	stileid.u32  }
0x46: {  	s1 =	rddreg [dreg:$0x1];
	p0 =	sne.s32 s2, $0x0  }
0x47: {  	s3 =	rddreg [dreg:$0x2];
	[bflag:$0x3] =	sbarrier.arrive $0xFFFF;
	s2 =	simm.s32 @!p0 $0x1C01  }
0x48: {  	[timem:s3], [sflag:s2] =	dma.local @!p0 [hbm:s0], s1  }
0x49: {  	s0 =	simm.s32 @!p0 $0x1  }
0x4a: {  	_ =	swait.ge @!p0 [sflag:s0], s1  }
0x4b: {  	s1 =	ssub.s32 @!p0 $0x0, s1;
	[sflag:s0] =	ssyncset.done @!p0 $0x0  }
0x4c: {  	[sflag:s0] =	ssyncadd.s32 @!p0 s1  }
0x4d: {  	[bflag:$0x3] =	sbarrier.arrive $0xFFFF  }
0x4e: {  	_ =	shalt  }

// kernel: gather_offload_async_start
scs
__scs_entry_jumppad:
0x0: {  	(pc) =	sbr.rel $0x88, $3  }
0x1: {  	(tag) =	ssettag $0x0;
	lr =	simm.s32 $0x1  }
0x2: {  	[smem:$0x3F9C] =	sst lr;
	_ =	strace $0xD0000000  }
0x3: {  	_ = 	snop  }
0x4: {  	_ = 	snop  }
0x5: {  	_ = 	snop  }
0x6: {  	_ = 	snop  }
0x7: {  	_ = 	snop  }
__scs_overlays_trampoline_lowered:
0x8: {  	[smem:$0x3FAB] =	sst s0  }
0x9: {  	[smem:$0x3FAC] =	sst s1  }
0xa: {  	[smem:$0x3FAD] =	sst s2  }
0xb: {  	[smem:$0x3FAE] =	sst s3  }
0xc: {  	[smem:$0x3FAF] =	sst s4  }
0xd: {  	[smem:$0x3FB0] =	sst s5  }
0xe: {  	[smem:$0x3FB1] =	sst s6  }
0xf: {  	[smem:$0x3FB2] =	sst s7  }
0x10: {  	[smem:$0x3FB3] =	sst s8  }
0x11: {  	[smem:$0x3FB4] =	sst s9;
	s0 =	simm.s32 @!p0 $0x0  }
0x12: {  	s1 =	sld [smem:$0x3F9A];
	s0 =	simm.s32 @p0 $0x1  }
0x13: {  	[smem:$0x3FB5] =	sst s0;
	s0 =	simm.s32 @!p1 $0x0  }
0x14: {  	s2 =	sld [smem:$0x3F99];
	s0 =	simm.s32 @p1 $0x1  }
0x15: {  	[smem:$0x3FB6] =	sst s0;
	s0 =	simm.s32 @!p2 $0x0  }
0x16: {  	s3 =	sld [smem:$0x3FDB];
	s0 =	simm.s32 @p2 $0x1  }
0x17: {  	s4 =	simm.s32 $0x1BF5;
	[smem:$0x3FB8] =	sst s0  }
0x18: {  	s0 =	sld [smem:$0x3F9B];
	_ =	swait.ge [sflag:s4], $0x0  }
0x19: {  	s7 =	sld [smem:$0x3F9C]  }
0x1a: {  	s8 =	sadd.s32 $0xFFFFE003, lr  }
0x1b: {  	s9 =	sadd.s32 $0xFFFFFEF7, lr;
	s5 =	simm.s32 $0xFFFFFFFF;
	p2 =	slt.u32 s8, $0xFFFFF086  }
0x1c: {  	p1 =	slt.u32 s9, $0xF7A;
	s5 =	simm.s32 @!p2 $0x0  }
0x1d: {  	s5 =	simm.s32 @p1 $0x1;
	p0 =	seq.s32 s7, s2  }
0x1e: {  	s7 =	smul.u32 @!p0 $0xF7A, s2;
	p2 =	seq.s32 @!p0 s5, $0x0  }
0x1f: {  	s9 =	smul.u32 $0xF7A, s1;
	s8 =	simm.s32 @!p0 $0x1BF5;
	p2 =	por !p2, p0  }
0x20: {  	[sflag:s8] =	ssyncset.s32 @!p0 $0xFFFFF086;
	s6 =	sadd.s32 @!p0 s3, s7;
	s7 =	simm.s32 @!p0 $0x108  }
0x21: {  	s3 =	sadd.s32 s3, s9;
	s6 =	sadd.s32 @!p0 $0x88, s6;
	s7 =	simm.s32 @p2 $0x1082  }
0x22: {  	[simem:s7], [sflag:s8] =	dma.local @!p0 [hbm:s6], $0xF7A  }
0x23: {  	s9 =	sor.u32 $0xD0000000, s2;
	s6 =	simm.s32 $0x108;
	_ =	swait.ge @!p0 [sflag:s8], $0x0  }
0x24: {  	s3 =	sadd.s32 $0x88, s3;
	s6 =	simm.s32 @!p1 $0x1082;
	[sflag:s4] =	ssyncset.s32 $0xFFFFF086  }
0x25: {  	[simem:s6], [sflag:s4] =	dma.local [hbm:s3], $0xF7A  }
0x26: {  	[smem:$0x3F9C] =	sst s1;
	(tag) =	ssettag s2;
	_ =	strace s9  }
0x27: {  	s1 =	sld [smem:$0x3FAC]  }
0x28: {  	s2 =	sld [smem:$0x3FAD]  }
0x29: {  	s4 =	sld [smem:$0x3FAF]  }
0x2a: {  	p0 =	seq.s32 s5, $0x0;
	s5 =	sld [smem:$0x3FB0]  }
0x2b: {  	s6 =	sld [smem:$0x3FB1]  }
0x2c: {  	s7 =	sld [smem:$0x3FB2]  }
0x2d: {  	s3 =	simm.s32 $0x108;
	s8 =	sld [smem:$0x3FB3]  }
0x2e: {  	s3 =	simm.s32 @!p0 $0x1082;
	s9 =	sld [smem:$0x3FB4]  }
0x2f: {  	lr =	sadd.s32 s0, s3;
	s0 =	sld [smem:$0x3FAB]  }
0x30: {  	s3 =	sld [smem:$0x3FAE]  }
0x31: {  	[smem:$0x3FB7] =	sst s10  }
0x32: {  	s10 =	sld [smem:$0x3FB5];
	_ =	sdelay $0x3  }
0x33: {  	p0 =	seq.s32 s10, $0x1;
	s10 =	sld [smem:$0x3FB7];
	_ =	sdelay $0x3  }
0x34: {  	[smem:$0x3FB7] =	sst s10  }
0x35: {  	s10 =	sld [smem:$0x3FB6];
	_ =	sdelay $0x3  }
0x36: {  	p1 =	seq.s32 s10, $0x1;
	s10 =	sld [smem:$0x3FB7];
	_ =	sdelay $0x3  }
0x37: {  	[smem:$0x3FB7] =	sst s10  }
0x38: {  	s10 =	sld [smem:$0x3FB8]  }
0x39: {  	_ = 	snop;
	(pc) =	sbr.ind lr, $3  }
0x3a: {  	_ = 	snop  }
0x3b: {  	_ = 	snop  }
0x3c: {  	p2 =	seq.s32 s10, $0x1;
	s10 =	sld [smem:$0x3FB7]  }
0x3d: {  	_ =	shalt  }
0x3e: {  	_ =	shalt  }
0x3f: {  	_ =	shalt  }
0x40: {  	_ =	shalt  }
0x41: {  	_ =	shalt  }
0x42: {  	_ =	shalt  }
0x43: {  	_ =	shalt  }
0x44: {  	_ =	shalt  }
0x45: {  	_ =	shalt  }
0x46: {  	_ =	shalt  }
0x47: {  	_ =	shalt  }
0x48: {  	_ =	shalt  }
0x49: {  	_ =	shalt  }
0x4a: {  	_ =	shalt  }
0x4b: {  	_ =	shalt  }
0x4c: {  	_ =	shalt  }
0x4d: {  	_ =	shalt  }
0x4e: {  	_ =	shalt  }
0x4f: {  	_ =	shalt  }
0x50: {  	_ =	shalt  }
0x51: {  	_ =	shalt  }
0x52: {  	_ =	shalt  }
0x53: {  	_ =	shalt  }
0x54: {  	_ =	shalt  }
0x55: {  	_ =	shalt  }
0x56: {  	_ =	shalt  }
0x57: {  	_ =	shalt  }
0x58: {  	_ =	shalt  }
0x59: {  	_ =	shalt  }
0x5a: {  	_ =	shalt  }
0x5b: {  	_ =	shalt  }
0x5c: {  	_ =	shalt  }
0x5d: {  	_ =	shalt  }
0x5e: {  	_ =	shalt  }
0x5f: {  	_ =	shalt  }
0x60: {  	_ =	shalt  }
0x61: {  	_ =	shalt  }
0x62: {  	_ =	shalt  }
0x63: {  	_ =	shalt  }
0x64: {  	_ =	shalt  }
0x65: {  	_ =	shalt  }
0x66: {  	_ =	shalt  }
0x67: {  	_ =	shalt  }
0x68: {  	_ =	shalt  }
0x69: {  	_ =	shalt  }
0x6a: {  	_ =	shalt  }
0x6b: {  	_ =	shalt  }
0x6c: {  	_ =	shalt  }
0x6d: {  	_ =	shalt  }
0x6e: {  	_ =	shalt  }
0x6f: {  	_ =	shalt  }
0x70: {  	_ =	shalt  }
0x71: {  	_ =	shalt  }
0x72: {  	_ =	shalt  }
0x73: {  	_ =	shalt  }
0x74: {  	_ =	shalt  }
0x75: {  	_ =	shalt  }
0x76: {  	_ =	shalt  }
0x77: {  	_ =	shalt  }
0x78: {  	_ =	shalt  }
0x79: {  	_ =	shalt  }
0x7a: {  	_ =	shalt  }
0x7b: {  	_ =	shalt  }
0x7c: {  	_ =	shalt  }
0x7d: {  	_ =	shalt  }
0x7e: {  	_ =	shalt  }
0x7f: {  	_ =	shalt  }
0x80: {  	_ =	shalt  }
0x81: {  	_ =	shalt  }
0x82: {  	_ =	shalt  }
0x83: {  	_ =	shalt  }
0x84: {  	_ =	shalt  }
0x85: {  	_ =	shalt  }
0x86: {  	_ =	shalt  }
0x87: {  	_ =	shalt  }
.Lfunc_end0:
.L_simem_size_0:
called_computation_lowered:
.L_overlay_start_0:
0x88: {  	s2 =	sld [smem:$0x3FD9]  }
0x89: {  	s3 =	sld [smem:$0x3FFE];
	_ =	sdelay $0x1  }
0x8a: {  	s1 =	srdreg.scid  }
0x8b: {  	s0 =	sand.u32 $0x1, s1  }
0x8c: {  	s17 =	sshll.u32 s0, $0xA;
	s2 =	sadd.s32 s3, s2  }
0x8d: {  	s2 =	sadd.s32 s2, s17  }
0x8e: {  	[smem:$0x3FC3] =	sst s2  }
0x8f: {  	_ = 	snop  }
0x90: {  	s2 =	sld [smem:$0x3FD0];
	(tm) =	ssettm $0x1  }
0x91: {  	s18 =	sld [smem:$0x3FFB];
	_ =	sdelay $0x3  }
0x92: {  	_ =	strace s18  }
0x93: {  	s3 =	sld [smem:$0x3FFC];
	_ =	sdelay $0x3  }
0x94: {  	_ =	strace s3  }
0x95: {  	s3 =	sld [smem:$0x3FFD];
	_ =	sdelay $0x3  }
0x96: {  	_ =	strace s3  }
0x97: {  	_ =	strace $0x8FFFFFFF  }
0x98: {  	s19 =	sld [smem:$0x3FDB];
	_ =	sdelay $0x1  }
0x99: {  	s4 =	simm.s32 $_scs_section_size  }
0x9a: {  	s5 =	simm.s32 $_size__tile_overlayer_lowered;
	s6 =	simm.s32 $_tile_overlayer_lowered  }
0x9b: {  	s22 =	simm.s32 $0x1BFF;
	s21 =	sshll.u32 s6, $0x1;
	s3 =	sadd.s32 s4, s19  }
0x9c: {  	s7 =	simm.s32 $0x0;
	s20 =	sshll.u32 s5, $0x1;
	s5 =	sadd.s32 s21, s3  }
0x9d: {  	[timem:s7], [sflag:s22] =	dma.local [hbm:s5], s20  }
0x9e: {  	_ =	swait.ge [sflag:s22], s20  }
0x9f: {  	s4 =	ssub.s32 $0x0, s20;
	[sflag:s22] =	ssyncset.done $0x0  }
0xa0: {  	[sflag:s22] =	ssyncadd.s32 s4;
	_ =	sdelay $0x1  }
0xa1: {  	s23 =	simm.s32 $0x1B8B  }
0xa2: {  	_ =	swait.ge [sflag:s23], $0x1  }
0xa3: {  	[sflag:s23] =	ssyncset.done $0x0  }
0xa4: {  	s25 =	simm.s32 $0x1B8E;
	s24 =	sld [smem:$0x3FFE];
	[sflag:s23] =	ssyncadd.s32 $0xFFFFFFFF  }
0xa5: {  	s26 =	simm.s32 $execute0_lowered;
	[smem:$0x3FD2] =	sst s25  }
0xa6: {  	s5 =	sshll.u32 s26, $0x1;
	_ =	strace $0x80000049;
	[dreg:$0x1] =	wrdreg $0xFFFFFFFF  }
0xa7: {  	s28 =	simm.s32 $_size_execute0_lowered;
	s3 =	sadd.s32 s3, s5;
	[dreg:$0x0] =	wrdreg $0x0  }
0xa8: {  	s5 =	sshll.u32 s28, $0x1;
	[dreg:$0x2] =	wrdreg s3  }
0xa9: {  	[dreg:$0x3] =	wrdreg s5  }
0xaa: {  	[dreg:$0x4] =	wrdreg $0xC0  }
0xab: {  	_ =	task [dreg:s7], $0x5FFFF  }
0xac: {  	[dreg:$0x1] =	wrdreg $0xFFFFFFFF  }
0xad: {  	[dreg:$0x0] =	wrdreg $0x60  }
0xae: {  	[dreg:$0x2] =	wrdreg s24  }
0xaf: {  	[dreg:$0x3] =	wrdreg s2  }
0xb0: {  	[dreg:$0x4] =	wrdreg $0xA  }
0xb1: {  	_ =	task.clear_ibuf [dreg:s7], $0x5FFFF;
	_ =	strace $0x90000049  }
0xb2: {  	s29 =	simm.s32 $0xA;
	_ =	strace $0x8000004B  }
0xb3: {  	_ =	swait.ge [sflag:s29], $0x1  }
0xb4: {  	[sflag:s29] =	ssyncadd.s32 $0xFFFFFFFF  }
0xb5: {  	_ =	strace $0x9000004B  }
0xb6: {  	_ =	sfence  }
0xb7: {  	s30 =	sld [smem:$0x0];
	_ =	sdelay $0x2  }
0xb8: {  	s31 =	sshll.u32 s1, $0xD;
	s1 =	sshrl.u32 s1, $0x2  }
0xb9: {  	s3 =	sand.u32 $0x4000, s31;
	s1 =	sadd.s32 s1, s30  }
0xba: {  	s0 =	sor.u32 s3, s0;
	s1 =	sshll.u32 s1, $0x11  }
0xbb: {  	s0 =	sor.u32 s1, s0  }
0xbc: {  	s0 =	sadd.s32 $0x8F2B, s0  }
0xbd: {  	[sflag:s0] =	ssyncadd.remote.s32 $0x1  }
0xbe: {  	_ =	sfence.sel $0xFFFF  }
0xbf: {  	[dreg:$0x0] =	wrdreg $0xFFFFFFFF;
	(pc) =	sbr.abs _section_cstart, $3  }
0xc0: {  	[dreg:$0x1] =	wrdreg $0xFFFFFFFF  }
0xc1: {  	_ =	task.clear_ibuf [dreg:s7], $0x2FFFF;
	_ =	strace $0x9FFFFFFF  }
0xc2: {  	(tm) =	ssettm $0x7FFFFFFF  }
0xc3: {  	_ =	shalt  }
tec
execute0_lowered:
.L_overlay_start_1:
0x0: {  	(tag) =	ssettag $0x1  }
0x1: {  	s1 =	srdreg.scid;
	s5 =	rddreg [dreg:$0x0]  }
0x2: {  	s0 =	stileid.u32;
	s2 =	rddreg [dreg:$0x1];
	s6 =	simm.s32 $0x1  }
0x3: {  	s9 =	simm.s32 $0x1;
	s10 =	simm.s32 $0x3;
	s1 =	sshll.u32 s1, $0x8  }
0x4: {  	s13 =	simm.s32 $0x0;
	s3 =	sshll.u32 s0, $0x9;
	s4 =	sand.u32 $0x100, s1  }
0x5: {  	s12 =	simm.s32 $0x0;
	s1 =	rddreg [dreg:$0x2];
	s3 =	sor.u32 s3, s4  }
0x6: {  	_ =	strace $0x8000004A;
	s4 =	sadd.s32 $0x800, s5;
	s8 =	ssub.s32 $0x4000, s3  }
.Ltmp0:
0x7: {  	s5 =	sadd.s32 $0x3400, s5;
	s7 =	sand.u32 $0x1F00, s8;
	(pc) =	sbr.rel .LBB2_1-.Ltmp0, $4  }
0x8: {  	[sflag:s6] =	ssyncpa.u1 $0x0;
	s11 =	smov.u32 s3;
	p0 =	sne.s32 s7, $0x0  }
0x9: {  	s8 =	sshrl.u32 s8, $0xD;
	s7 =	simm.s32 $0x2;
	s9 =	simm.s32 @!p0 $0x0  }
0xa: {  	[sflag:s7] =	ssyncpa.u1 $0x0;
	p0 =	por $0x0, $0x0;
	s8 =	sadd.s32 s9, s8  }
0xb: {  	vm0 =	vmmov $0xffff;
	[sflag:s10] =	ssyncpa.u1 $0x0;
	s10 =	simm.s32 $0x0;
	s9 =	sadd.s32 $0x1, s8  }
.LBB2_4:
0xc: {  	v2 =	vnsel vm1, $0x0, v2  }
0xd: {  	vm1 =	vgt.s32 v0, $0x0;
	v2 =	vmin.u32 v2, $0x3FFF  }
0xe: {  	v0 =	vnsel vm1, $0x0, v0  }
0xf: {  	v0 =	vmin.u32 v0, $0x3FFF  }
0x10: {  	[tilespmem:s15], [sflag:$0x1] =	stream.indirect_vreg.gather [hbm4b:s4+s10], $0x1, v1, vm0, $0x4038;
	[tilespmem:$0x400] =	vst v63  }
0x11: {  	(ifvalue) =	ssetifvalue $0x7FFFFFFF  }
0x12: {  	[tilespmem:s16], [sflag:$0x1] =	stream.indirect_vreg.gather [hbm4b:s4+s10], $0x1, v2, vm0, $0x4038;
	[tilespmem:$0x400] =	vst v63  }
0x13: {  	s29 =	sadd.s32 $0x10, s16;
	(ifvalue) =	ssetifvalue $0x7FFFFFFF  }
0x14: {  	[tilespmem:s29], [sflag:$0x1] =	stream.indirect_vreg.gather [hbm4b:s4+s10], $0x1, v0, vm0, $0x4038;
	[tilespmem:$0x400] =	vst v63  }
0x15: {  	_ =	swait.ge [sflag:s6], $0x100  }
0x16: {  	s30 =	sshrl.u32 s13, $0x3;
	[sflag:s6] =	ssyncset.done $0x0  }
0x17: {  	s31 =	sand.u32 $0x7, s13;
	s15 =	sadd.s32 s5, s30;
	[sflag:s6] =	ssyncadd.s32 $0xFFFFFF00  }
0x18: {  	[hbm4b:s15+s31] =	stream.linear.scatter [tilespmem:s14], [sflag:$0x3], $0x100, $0x38;
	[tilespmem:$0x400] =	vst v63  }
.LBB2_5:
0x19: {  	s15 =	sadd.s32 $0x2000, s11  }
0x1a: {  	p2 =	sgt.s32 s15, $0x3FFF  }
0x1b: {  	s15 =	smov.u32 @p2 s3;
	p2 =	sne.s32 s12, s9  }
.Ltmp1:
0x1c: {  	p1 =	slt.u32 s12, $0x2;
	(pc) =	sbr.rel @!p2 .LBB2_6-.Ltmp1, $4  }
0x1d: {  	s14 =	simm.s32 @!p1 $0x3  }
0x1e: {  	s16 =	sadd.s32 $0x1, s12;
	_ =	swait.ge @!p1 [sflag:s14], $0x100  }
0x1f: {  	s13 =	smov.u32 s11;
	p0 =	por !p0, !p0;
	[sflag:s14] =	ssyncset.done @!p1 $0x0  }
0x20: {  	s12 =	smov.u32 s16;
	s11 =	smov.u32 s15;
	[sflag:s14] =	ssyncadd.s32 @!p1 $0xFFFFFF00  }
.LBB2_1:
0x21: {  	p1 =	sge.u32 s12, s8  }
0x22: {  	s14 =	sxor.u32 @!p1 $0xFFFFFFFF, s12  }
0x23: {  	s31 =	sadd.s32 $0xFFFFFFFF, s12;
	s15 =	sshrl.u32 @!p1 s11, $0x3;
	s14 =	sshll.u32 @!p1 s14, $0x8  }
0x24: {  	s16 =	sand.u32 @!p1 $0x7, s11;
	s15 =	sadd.s32 @!p1 s2, s15;
	s14 =	sand.u32 @!p1 $0x100, s14  }
0x25: {  	[tilespmem:s14], [sflag:$0x2] =	stream.linear.gather @!p1 [hbm4b:s15+s16], $0x100, $0x38;
	[tilespmem:$0x400] =	vst v63  }
0x26: {  	p1 =	sge.u32 s31, s8  }
.Ltmp2:
0x27: {  	_ = 	snop;
	(pc) =	sbr.rel @p1 .LBB2_5-.Ltmp2, $1  }
0x28: {  	_ =	sdelay $0x3  }
0x29: {  	s14 =	simm.s32 $0x1  }
0x2a: {  	_ =	swait.ge [sflag:s7], $0x100;
	s14 =	simm.s32 @!p0 $0x0  }
0x2b: {  	[sflag:s7] =	ssyncset.done $0x0;
	s14 =	sshll.u32 s14, $0x8  }
0x2c: {  	[sflag:s7] =	ssyncadd.s32 $0xFFFFFF00;
	(ifvalue) =	ssetifvalue $0x7FFFFFFF;
	v0 =	vld.msk [tilespmem:s14+$0x0 ss:$0x1], $0xffff;
	_ =	sdelay $0x4  }
0x2d: {  	s15 =	sadd.s32 $0x10, s14;
	vm1 =	vgt.s32 v0, $0x0  }
0x2e: {  	v2 =	vld.msk [tilespmem:s15+$0x0 ss:$0x1], $0xffff;
	v1 =	vnsel vm1, $0x0, v0  }
0x2f: {  	v1 =	vmin.u32 v1, $0x3FFF;
	_ =	sdelay $0x1  }
0x30: {  	s16 =	sshll.u32 s12, $0x8;
	s18 =	simm.s32 $0x20  }
0x31: {  	s16 =	sand.u32 $0x100, s16;
	s17 =	sadd.s32 $0x10, s15;
	s15 =	sor.u32 $0x200, s14  }
0x32: {  	s14 =	sor.u32 $0x200, s16;
	s16 =	sadd.s32 $0x10, s15;
	v0 =	vld.msk [tilespmem:s17+$0x0 ss:$0x1], $0xffff;
	vm1 =	vgt.s32 v2, $0x0;
	(ifvalue) =	ssetifvalue $0x7FFFFFFF  }
.LBB2_3:
0x33: {  	[tilespmem:s15], [sflag:$0x1] =	stream.indirect_vreg.gather [hbm4b:s4+s10], $0x1, v1, vm0, $0x4038;
	[tilespmem:$0x400] =	vst v63  }
0x34: {  	s18 =	sadd.s32 $0x10, s18  }
0x35: {  	v2 =	vnsel vm1, $0x0, v2;
	p1 =	slt.u32 s18, $0xF0  }
.Ltmp3:
0x36: {  	s15 =	smov.u32 s16;
	v1 =	vmin.u32 v2, $0x3FFF;
	(pc) =	sbr.rel @p1 .LBB2_3-.Ltmp3, $3  }
0x37: {  	_ =	sdelay $0x1  }
0x38: {  	s17 =	sadd.s32 $0x10, s17  }
0x39: {  	vm1 =	vgt.s32 v0, $0x0;
	s16 =	sadd.s32 $0x10, s16;
	v2 =	vmov v0;
	(ifvalue) =	ssetifvalue $0x7FFFFFFF;
	v0 =	vld.msk [tilespmem:s17+$0x0 ss:$0x1], $0xffff  }
.Ltmp4:
0x3a: {  	_ = 	snop;
	(pc) =	sbr.rel .LBB2_4-.Ltmp4, $1  }
0x3b: {  	_ =	sdelay $0x3  }
.LBB2_6:
0x3c: {  	_ =	sfence.sel $0x180000  }
0x3d: {  	s2 =	simm.s32 $0x2;
	[bflag:$0x0] =	sbarrier.arrive $0xFFFF  }
0x3e: {  	s30 =	simm.s32 $0x3;
	[sflag:s2] =	ssyncpa.u1 $0x1  }
0x3f: {  	s31 =	simm.s32 $0x1;
	[sflag:s30] =	ssyncpa.u1 $0x1  }
0x40: {  	[sflag:s31] =	ssyncpa.u1 $0x1  }
0x41: {  	p0 =	sne.s32 s0, $0x0;
	_ =	strace $0x9000004A  }
0x42: {  	s0 =	sadd.s32 @!p0 $0x100000, s1;
	[bflag:$0x2] =	sbarrier.arrive $0xFFFF  }
0x43: {  	[sflag:s0] =	ssyncadd.tile.s32 @!p0 $0x1;
	_ =	shalt  }
.Lfunc_end2:
_tile_overlayer_lowered:
.L_overlay_start_2:
0x44: {  	(tag) =	ssettag $0x2  }
0x45: {  	s0 =	rddreg [dreg:$0x0];
	s2 =	stileid.u32  }
0x46: {  	s1 =	rddreg [dreg:$0x1];
	p0 =	sne.s32 s2, $0x0  }
0x47: {  	s3 =	rddreg [dreg:$0x2];
	[bflag:$0x3] =	sbarrier.arrive $0xFFFF;
	s2 =	simm.s32 @!p0 $0x1C01  }
0x48: {  	[timem:s3], [sflag:s2] =	dma.local @!p0 [hbm:s0], s1  }
0x49: {  	s0 =	simm.s32 @!p0 $0x1  }
0x4a: {  	_ =	swait.ge @!p0 [sflag:s0], s1  }
0x4b: {  	s1 =	ssub.s32 @!p0 $0x0, s1;
	[sflag:s0] =	ssyncset.done @!p0 $0x0  }
0x4c: {  	[sflag:s0] =	ssyncadd.s32 @!p0 s1  }
0x4d: {  	[bflag:$0x3] =	sbarrier.arrive $0xFFFF  }
0x4e: {  	_ =	shalt  }

// kernel: kernel.12.cloned.1.call-start
scs
__scs_entry_jumppad:
0x0: {  	(pc) =	sbr.rel $0x88, $3  }
0x1: {  	(tag) =	ssettag $0x0;
	lr =	simm.s32 $0x1  }
0x2: {  	[smem:$0x3F9C] =	sst lr;
	_ =	strace $0xD0000000  }
0x3: {  	_ = 	snop  }
0x4: {  	_ = 	snop  }
0x5: {  	_ = 	snop  }
0x6: {  	_ = 	snop  }
0x7: {  	_ = 	snop  }
__scs_overlays_trampoline_lowered:
0x8: {  	[smem:$0x3FAB] =	sst s0  }
0x9: {  	[smem:$0x3FAC] =	sst s1  }
0xa: {  	[smem:$0x3FAD] =	sst s2  }
0xb: {  	[smem:$0x3FAE] =	sst s3  }
0xc: {  	[smem:$0x3FAF] =	sst s4  }
0xd: {  	[smem:$0x3FB0] =	sst s5  }
0xe: {  	[smem:$0x3FB1] =	sst s6  }
0xf: {  	[smem:$0x3FB2] =	sst s7  }
0x10: {  	[smem:$0x3FB3] =	sst s8  }
0x11: {  	[smem:$0x3FB4] =	sst s9;
	s0 =	simm.s32 @!p0 $0x0  }
0x12: {  	s1 =	sld [smem:$0x3F9A];
	s0 =	simm.s32 @p0 $0x1  }
0x13: {  	[smem:$0x3FB5] =	sst s0;
	s0 =	simm.s32 @!p1 $0x0  }
0x14: {  	s2 =	sld [smem:$0x3F99];
	s0 =	simm.s32 @p1 $0x1  }
0x15: {  	[smem:$0x3FB6] =	sst s0;
	s0 =	simm.s32 @!p2 $0x0  }
0x16: {  	s3 =	sld [smem:$0x3FDB];
	s0 =	simm.s32 @p2 $0x1  }
0x17: {  	s4 =	simm.s32 $0x1BF5;
	[smem:$0x3FB8] =	sst s0  }
0x18: {  	s0 =	sld [smem:$0x3F9B];
	_ =	swait.ge [sflag:s4], $0x0  }
0x19: {  	s7 =	sld [smem:$0x3F9C]  }
0x1a: {  	s8 =	sadd.s32 $0xFFFFE003, lr  }
0x1b: {  	s9 =	sadd.s32 $0xFFFFFEF7, lr;
	s5 =	simm.s32 $0xFFFFFFFF;
	p2 =	slt.u32 s8, $0xFFFFF086  }
0x1c: {  	p1 =	slt.u32 s9, $0xF7A;
	s5 =	simm.s32 @!p2 $0x0  }
0x1d: {  	s5 =	simm.s32 @p1 $0x1;
	p0 =	seq.s32 s7, s2  }
0x1e: {  	s7 =	smul.u32 @!p0 $0xF7A, s2;
	p2 =	seq.s32 @!p0 s5, $0x0  }
0x1f: {  	s9 =	smul.u32 $0xF7A, s1;
	s8 =	simm.s32 @!p0 $0x1BF5;
	p2 =	por !p2, p0  }
0x20: {  	[sflag:s8] =	ssyncset.s32 @!p0 $0xFFFFF086;
	s6 =	sadd.s32 @!p0 s3, s7;
	s7 =	simm.s32 @!p0 $0x108  }
0x21: {  	s3 =	sadd.s32 s3, s9;
	s6 =	sadd.s32 @!p0 $0x88, s6;
	s7 =	simm.s32 @p2 $0x1082  }
0x22: {  	[simem:s7], [sflag:s8] =	dma.local @!p0 [hbm:s6], $0xF7A  }
0x23: {  	s9 =	sor.u32 $0xD0000000, s2;
	s6 =	simm.s32 $0x108;
	_ =	swait.ge @!p0 [sflag:s8], $0x0  }
0x24: {  	s3 =	sadd.s32 $0x88, s3;
	s6 =	simm.s32 @!p1 $0x1082;
	[sflag:s4] =	ssyncset.s32 $0xFFFFF086  }
0x25: {  	[simem:s6], [sflag:s4] =	dma.local [hbm:s3], $0xF7A  }
0x26: {  	[smem:$0x3F9C] =	sst s1;
	(tag) =	ssettag s2;
	_ =	strace s9  }
0x27: {  	s1 =	sld [smem:$0x3FAC]  }
0x28: {  	s2 =	sld [smem:$0x3FAD]  }
0x29: {  	s4 =	sld [smem:$0x3FAF]  }
0x2a: {  	p0 =	seq.s32 s5, $0x0;
	s5 =	sld [smem:$0x3FB0]  }
0x2b: {  	s6 =	sld [smem:$0x3FB1]  }
0x2c: {  	s7 =	sld [smem:$0x3FB2]  }
0x2d: {  	s3 =	simm.s32 $0x108;
	s8 =	sld [smem:$0x3FB3]  }
0x2e: {  	s3 =	simm.s32 @!p0 $0x1082;
	s9 =	sld [smem:$0x3FB4]  }
0x2f: {  	lr =	sadd.s32 s0, s3;
	s0 =	sld [smem:$0x3FAB]  }
0x30: {  	s3 =	sld [smem:$0x3FAE]  }
0x31: {  	[smem:$0x3FB7] =	sst s10  }
0x32: {  	s10 =	sld [smem:$0x3FB5];
	_ =	sdelay $0x3  }
0x33: {  	p0 =	seq.s32 s10, $0x1;
	s10 =	sld [smem:$0x3FB7];
	_ =	sdelay $0x3  }
0x34: {  	[smem:$0x3FB7] =	sst s10  }
0x35: {  	s10 =	sld [smem:$0x3FB6];
	_ =	sdelay $0x3  }
0x36: {  	p1 =	seq.s32 s10, $0x1;
	s10 =	sld [smem:$0x3FB7];
	_ =	sdelay $0x3  }
0x37: {  	[smem:$0x3FB7] =	sst s10  }
0x38: {  	s10 =	sld [smem:$0x3FB8]  }
0x39: {  	_ = 	snop;
	(pc) =	sbr.ind lr, $3  }
0x3a: {  	_ = 	snop  }
0x3b: {  	_ = 	snop  }
0x3c: {  	p2 =	seq.s32 s10, $0x1;
	s10 =	sld [smem:$0x3FB7]  }
0x3d: {  	_ =	shalt  }
0x3e: {  	_ =	shalt  }
0x3f: {  	_ =	shalt  }
0x40: {  	_ =	shalt  }
0x41: {  	_ =	shalt  }
0x42: {  	_ =	shalt  }
0x43: {  	_ =	shalt  }
0x44: {  	_ =	shalt  }
0x45: {  	_ =	shalt  }
0x46: {  	_ =	shalt  }
0x47: {  	_ =	shalt  }
0x48: {  	_ =	shalt  }
0x49: {  	_ =	shalt  }
0x4a: {  	_ =	shalt  }
0x4b: {  	_ =	shalt  }
0x4c: {  	_ =	shalt  }
0x4d: {  	_ =	shalt  }
0x4e: {  	_ =	shalt  }
0x4f: {  	_ =	shalt  }
0x50: {  	_ =	shalt  }
0x51: {  	_ =	shalt  }
0x52: {  	_ =	shalt  }
0x53: {  	_ =	shalt  }
0x54: {  	_ =	shalt  }
0x55: {  	_ =	shalt  }
0x56: {  	_ =	shalt  }
0x57: {  	_ =	shalt  }
0x58: {  	_ =	shalt  }
0x59: {  	_ =	shalt  }
0x5a: {  	_ =	shalt  }
0x5b: {  	_ =	shalt  }
0x5c: {  	_ =	shalt  }
0x5d: {  	_ =	shalt  }
0x5e: {  	_ =	shalt  }
0x5f: {  	_ =	shalt  }
0x60: {  	_ =	shalt  }
0x61: {  	_ =	shalt  }
0x62: {  	_ =	shalt  }
0x63: {  	_ =	shalt  }
0x64: {  	_ =	shalt  }
0x65: {  	_ =	shalt  }
0x66: {  	_ =	shalt  }
0x67: {  	_ =	shalt  }
0x68: {  	_ =	shalt  }
0x69: {  	_ =	shalt  }
0x6a: {  	_ =	shalt  }
0x6b: {  	_ =	shalt  }
0x6c: {  	_ =	shalt  }
0x6d: {  	_ =	shalt  }
0x6e: {  	_ =	shalt  }
0x6f: {  	_ =	shalt  }
0x70: {  	_ =	shalt  }
0x71: {  	_ =	shalt  }
0x72: {  	_ =	shalt  }
0x73: {  	_ =	shalt  }
0x74: {  	_ =	shalt  }
0x75: {  	_ =	shalt  }
0x76: {  	_ =	shalt  }
0x77: {  	_ =	shalt  }
0x78: {  	_ =	shalt  }
0x79: {  	_ =	shalt  }
0x7a: {  	_ =	shalt  }
0x7b: {  	_ =	shalt  }
0x7c: {  	_ =	shalt  }
0x7d: {  	_ =	shalt  }
0x7e: {  	_ =	shalt  }
0x7f: {  	_ =	shalt  }
0x80: {  	_ =	shalt  }
0x81: {  	_ =	shalt  }
0x82: {  	_ =	shalt  }
0x83: {  	_ =	shalt  }
0x84: {  	_ =	shalt  }
0x85: {  	_ =	shalt  }
0x86: {  	_ =	shalt  }
0x87: {  	_ =	shalt  }
.Lfunc_end0:
.L_simem_size_0:
called_computation.4_lowered:
.L_overlay_start_0:
0x88: {  	s2 =	sld [smem:$0x3FD9]  }
0x89: {  	s3 =	sld [smem:$0x3FFE];
	_ =	sdelay $0x1  }
0x8a: {  	s1 =	srdreg.scid  }
0x8b: {  	s0 =	sand.u32 $0x1, s1  }
0x8c: {  	s16 =	sshll.u32 s0, $0xA;
	s2 =	sadd.s32 s3, s2  }
0x8d: {  	s2 =	sadd.s32 s2, s16  }
0x8e: {  	[smem:$0x3FC3] =	sst s2  }
0x8f: {  	_ = 	snop  }
0x90: {  	(tm) =	ssettm $0x1  }
0x91: {  	s17 =	sld [smem:$0x3FFB];
	_ =	sdelay $0x3  }
0x92: {  	_ =	strace s17  }
0x93: {  	s2 =	sld [smem:$0x3FFC];
	_ =	sdelay $0x3  }
0x94: {  	_ =	strace s2  }
0x95: {  	s2 =	sld [smem:$0x3FFD];
	_ =	sdelay $0x3  }
0x96: {  	_ =	strace s2  }
0x97: {  	_ =	strace $0x8FFFFFFF  }
0x98: {  	s18 =	sld [smem:$0x3FDB];
	_ =	sdelay $0x1  }
0x99: {  	s19 =	simm.s32 $_scs_section_size  }
0x9a: {  	s4 =	simm.s32 $_size__tile_overlayer_lowered;
	s5 =	simm.s32 $_tile_overlayer_lowered  }
0x9b: {  	s22 =	simm.s32 $0x1BFF;
	s21 =	sshll.u32 s5, $0x1;
	s2 =	sadd.s32 s19, s18  }
0x9c: {  	s6 =	simm.s32 $0x0;
	s20 =	sshll.u32 s4, $0x1;
	s4 =	sadd.s32 s21, s2  }
0x9d: {  	[timem:s6], [sflag:s22] =	dma.local [hbm:s4], s20  }
0x9e: {  	_ =	swait.ge [sflag:s22], s20  }
0x9f: {  	s3 =	ssub.s32 $0x0, s20;
	[sflag:s22] =	ssyncset.done $0x0  }
0xa0: {  	[sflag:s22] =	ssyncadd.s32 s3;
	_ =	sdelay $0x1  }
0xa1: {  	s23 =	simm.s32 $0x1B8B  }
0xa2: {  	_ =	swait.ge [sflag:s23], $0x1  }
0xa3: {  	[sflag:s23] =	ssyncset.done $0x0  }
0xa4: {  	s25 =	simm.s32 $0x1B8E;
	s24 =	sld [smem:$0x3FFE];
	[sflag:s23] =	ssyncadd.s32 $0xFFFFFFFF  }
0xa5: {  	s26 =	simm.s32 $execute0_lowered;
	[smem:$0x3FD2] =	sst s25  }
0xa6: {  	s4 =	sshll.u32 s26, $0x1;
	_ =	strace $0x80000052;
	[dreg:$0x1] =	wrdreg $0xFFFFFFFF  }
0xa7: {  	s28 =	simm.s32 $_size_execute0_lowered;
	s2 =	sadd.s32 s2, s4;
	[dreg:$0x0] =	wrdreg $0x0  }
0xa8: {  	s4 =	sshll.u32 s28, $0x1;
	[dreg:$0x2] =	wrdreg s2  }
0xa9: {  	[dreg:$0x3] =	wrdreg s4  }
0xaa: {  	[dreg:$0x4] =	wrdreg $0xC0  }
0xab: {  	_ =	task [dreg:s6], $0x5FFFF  }
0xac: {  	[dreg:$0x1] =	wrdreg $0xFFFFFFFF  }
0xad: {  	[dreg:$0x0] =	wrdreg $0x60  }
0xae: {  	[dreg:$0x2] =	wrdreg s24  }
0xaf: {  	[dreg:$0x3] =	wrdreg $0x9  }
0xb0: {  	_ =	task.clear_ibuf [dreg:s6], $0x4FFFF;
	_ =	strace $0x90000052  }
0xb1: {  	s29 =	simm.s32 $0x9;
	_ =	strace $0x80000054  }
0xb2: {  	_ =	swait.ge [sflag:s29], $0x1  }
0xb3: {  	[sflag:s29] =	ssyncadd.s32 $0xFFFFFFFF  }
0xb4: {  	_ =	strace $0x90000054  }
0xb5: {  	_ =	sfence  }
0xb6: {  	s30 =	sld [smem:$0x0];
	_ =	sdelay $0x2  }
0xb7: {  	s31 =	sshll.u32 s1, $0xD;
	s1 =	sshrl.u32 s1, $0x2  }
0xb8: {  	s3 =	sand.u32 $0x4000, s31;
	s1 =	sadd.s32 s1, s30  }
0xb9: {  	s0 =	sor.u32 s3, s0;
	s1 =	sshll.u32 s1, $0x11  }
0xba: {  	s0 =	sor.u32 s1, s0  }
0xbb: {  	s0 =	sadd.s32 $0x8F2B, s0  }
0xbc: {  	[sflag:s0] =	ssyncadd.remote.s32 $0x1  }
0xbd: {  	_ =	sfence.sel $0xFFFF  }
0xbe: {  	[dreg:$0x0] =	wrdreg $0xFFFFFFFF;
	(pc) =	sbr.abs _section_cstart, $3  }
0xbf: {  	[dreg:$0x1] =	wrdreg $0xFFFFFFFF  }
0xc0: {  	_ =	task.clear_ibuf [dreg:s6], $0x2FFFF;
	_ =	strace $0x9FFFFFFF  }
0xc1: {  	(tm) =	ssettm $0x7FFFFFFF  }
tec
execute0_lowered:
.L_overlay_start_1:
0x0: {  	(tag) =	ssettag $0x1  }
0x1: {  	s3 =	rddreg [dreg:$0x0]  }
0x2: {  	s0 =	rddreg [dreg:$0x1];
	s2 =	simm.s32 $0x0  }
0x3: {  	s4 =	srdreg.scid;
	s1 =	stileid.u32;
	s11 =	simm.s32 $0x10000  }
0x4: {  	s12 =	simm.s32 $0x2;
	s13 =	simm.s32 $0x0;
	[smem:$0x7FF] =	sst s2  }
0x5: {  	s4 =	sand.u32 $0x1, s4;
	s5 =	sshll.u32 s1, $0x1;
	s6 =	sadd.s32 $0x44600, s3  }
0x6: {  	s7 =	sadd.s32 $0x3C00, s3;
	s5 =	sor.u32 s4, s5;
	s4 =	ssub.s32 $0x2, s4  }
0x7: {  	_ =	strace $0x80000053;
	s8 =	sshll.u32 s5, $0x4;
	s9 =	sshrl.u32 s4, $0x1  }
0x8: {  	s5 =	sshll.u32 s5, $0xD;
	s8 =	sadd.s32 s8, s3;
	s9 =	ssub.s32 s4, s9  }
0x9: {  	s3 =	sadd.s32 s6, s5;
	s4 =	sadd.s32 s7, s5;
	s10 =	sor.u32 $0x1000, s5  }
0xa: {  	s5 =	sadd.s32 s6, s10;
	s6 =	sadd.s32 s7, s10;
	s7 =	sadd.s32 $0x43C00, s8  }
0xb: {  	v0 =	vimm.f32 $0.0e+00;
	s8 =	smax.u32 s9, $0x1;
	s9 =	simm.s32 $0x8000;
	s10 =	simm.s32 $0x1  }
.LBB2_1:
0xc: {  	[tilespmem:s2], [sflag:$0x1] =	stream.linear.gather [hbm4b:s3+s2], $0x8000, $0x38;
	[tilespmem:$0x10080] =	vst v63  }
0xd: {  	_ = 	snop  }
0xe: {  	[tilespmem:s9], [sflag:$0x1] =	stream.linear.gather [hbm4b:s4+s2], $0x8000, $0x38;
	[tilespmem:$0x10080] =	vst v63  }
0xf: {  	_ =	swait.ge [sflag:s10], $0x8000  }
0x10: {  	[sflag:s10] =	ssyncset.done $0x0  }
0x11: {  	[sflag:s10] =	ssyncadd.s32 $0xFFFF8000  }
0x12: {  	_ =	swait.ge [sflag:s10], $0x8000  }
0x13: {  	[sflag:s10] =	ssyncset.done $0x0  }
0x14: {  	s15 =	simm.s32 $0x0;
	[sflag:s10] =	ssyncadd.s32 $0xFFFF8000  }
0x15: {  	v2 =	vld [tilespmem:s15+$0x0]  }
0x16: {  	v3 =	vld [tilespmem:s15+$0x8000]  }
0x17: {  	v7 =	vld [tilespmem:s15+$0x10]  }
0x18: {  	v8 =	vld [tilespmem:s15+$0x8010]  }
0x19: {  	v1 =	vld [tilespmem:s15+$0x20]  }
0x1a: {  	v4 =	vld [tilespmem:s15+$0x8020]  }
0x1b: {  	v5 =	vld [tilespmem:s15+$0x8030];
	v6 =	vmul.f32 v3, v2  }
0x1c: {  	s14 =	simm.s32 $0x80;
	v2 =	vld [tilespmem:s15+$0x30]  }
0x1d: {  	v3 =	vld [tilespmem:s14+$0x0];
	s15 =	simm.s32 $0x400;
	v7 =	vmul.f32 v8, v7;
	v6 =	vadd.f32 v6, v0  }
.LBB2_2:
0x1e: {  	p0 =	sne.s32 s15, $0x1FE00;
	v8 =	vld [tilespmem:s14+$0x8000]  }
0x1f: {  	v9 =	vld [tilespmem:s14+$0x10];
	v6 =	vadd.f32 v7, v6;
	v4 =	vmul.f32 v4, v1  }
0x20: {  	v7 =	vld [tilespmem:s14+$0x8010]  }
.Ltmp0:
0x21: {  	v1 =	vld [tilespmem:s14+$0x20];
	v6 =	vadd.f32 v4, v6;
	v5 =	vmul.f32 v5, v2;
	(pc) =	sbr.rel @p0 .LBB2_2-.Ltmp0, $4  }
0x22: {  	v4 =	vld [tilespmem:s14+$0x8020]  }
0x23: {  	v8 =	vmul.f32 v8, v3;
	v2 =	vld [tilespmem:s14+$0x30];
	v6 =	vadd.f32 v5, v6  }
0x24: {  	v5 =	vld [tilespmem:s14+$0x8030];
	s14 =	sshra.s32 s15, $0x2  }
0x25: {  	s15 =	sadd.s32 $0x200, s15;
	v3 =	vld [tilespmem:s14+$0x0];
	v6 =	vadd.f32 v8, v6;
	v7 =	vmul.f32 v7, v9  }
0x26: {  	v8 =	vld [tilespmem:s14+$0x8000]  }
0x27: {  	v9 =	vld [tilespmem:s14+$0x10]  }
0x28: {  	v10 =	vld [tilespmem:s14+$0x8010]  }
0x29: {  	v11 =	vld [tilespmem:s14+$0x20]  }
0x2a: {  	v12 =	vld [tilespmem:s14+$0x8020]  }
0x2b: {  	v13 =	vld [tilespmem:s14+$0x30];
	s31 =	simm.s32 $0x0  }
0x2c: {  	v14 =	vld [tilespmem:s14+$0x8030];
	[tilespmem:s31], [sflag:$0x1] =	stream.linear.gather [hbm4b:s5+s31], $0x8000, $0x38  }
0x2d: {  	_ = 	snop  }
0x2e: {  	[tilespmem:s9], [sflag:$0x1] =	stream.linear.gather [hbm4b:s6+s31], $0x8000, $0x38;
	[tilespmem:$0x10080] =	vst v63  }
0x2f: {  	v6 =	vadd.f32 v7, v6;
	v1 =	vmul.f32 v4, v1;
	_ =	swait.ge [sflag:s10], $0x8000  }
0x30: {  	[sflag:s10] =	ssyncset.done $0x0  }
0x31: {  	v1 =	vadd.f32 v1, v6;
	v2 =	vmul.f32 v5, v2;
	[sflag:s10] =	ssyncadd.s32 $0xFFFF8000  }
0x32: {  	_ =	swait.ge [sflag:s10], $0x8000  }
0x33: {  	v3 =	vmul.f32 v8, v3;
	v1 =	vadd.f32 v2, v1;
	[sflag:s10] =	ssyncset.done $0x0  }
0x34: {  	s15 =	simm.s32 $0x0;
	[sflag:s10] =	ssyncadd.s32 $0xFFFF8000  }
0x35: {  	v2 =	vmul.f32 v10, v9;
	v1 =	vadd.f32 v3, v1;
	v3 =	vld [tilespmem:s15+$0x0]  }
0x36: {  	v5 =	vld [tilespmem:s15+$0x8000]  }
0x37: {  	v1 =	vadd.f32 v2, v1;
	v2 =	vmul.f32 v12, v11;
	v7 =	vld [tilespmem:s15+$0x10]  }
0x38: {  	v8 =	vld [tilespmem:s15+$0x8010]  }
0x39: {  	v6 =	vmul.f32 v14, v13;
	v4 =	vld [tilespmem:s15+$0x8020];
	v2 =	vadd.f32 v2, v1  }
0x3a: {  	v1 =	vld [tilespmem:s15+$0x20]  }
0x3b: {  	v6 =	vadd.f32 v6, v2;
	v2 =	vld [tilespmem:s15+$0x30];
	v63 =	vmul.f32 v5, v3  }
0x3c: {  	s14 =	simm.s32 $0x80;
	v5 =	vld [tilespmem:s15+$0x8030]  }
0x3d: {  	v3 =	vld [tilespmem:s14+$0x0];
	s15 =	simm.s32 $0x400;
	v7 =	vmul.f32 v8, v7;
	v6 =	vadd.f32 v63, v6  }
.LBB2_4:
0x3e: {  	p0 =	sne.s32 s15, $0x1FE00;
	v8 =	vld [tilespmem:s14+$0x8000]  }
0x3f: {  	v9 =	vld [tilespmem:s14+$0x10];
	v6 =	vadd.f32 v7, v6;
	v4 =	vmul.f32 v4, v1  }
0x40: {  	v7 =	vld [tilespmem:s14+$0x8010]  }
.Ltmp1:
0x41: {  	v1 =	vld [tilespmem:s14+$0x20];
	v6 =	vadd.f32 v4, v6;
	v5 =	vmul.f32 v5, v2;
	(pc) =	sbr.rel @p0 .LBB2_4-.Ltmp1, $4  }
0x42: {  	v4 =	vld [tilespmem:s14+$0x8020]  }
0x43: {  	v8 =	vmul.f32 v8, v3;
	v2 =	vld [tilespmem:s14+$0x30];
	v6 =	vadd.f32 v5, v6  }
0x44: {  	v5 =	vld [tilespmem:s14+$0x8030];
	s14 =	sshra.s32 s15, $0x2  }
0x45: {  	s15 =	sadd.s32 $0x200, s15;
	v3 =	vld [tilespmem:s14+$0x0];
	v6 =	vadd.f32 v8, v6;
	v7 =	vmul.f32 v7, v9  }
0x46: {  	v8 =	vld [tilespmem:s14+$0x8000]  }
0x47: {  	v9 =	vld [tilespmem:s14+$0x10];
	v6 =	vadd.f32 v7, v6;
	v1 =	vmul.f32 v4, v1  }
0x48: {  	v60 =	vld [tilespmem:s14+$0x8010]  }
0x49: {  	v61 =	vld [tilespmem:s14+$0x20];
	v1 =	vadd.f32 v1, v6;
	v2 =	vmul.f32 v5, v2  }
0x4a: {  	v62 =	vld [tilespmem:s14+$0x8020]  }
0x4b: {  	v63 =	vld [tilespmem:s14+$0x30];
	v3 =	vmul.f32 v8, v3;
	v1 =	vadd.f32 v2, v1  }
0x4c: {  	v2 =	vld [tilespmem:s14+$0x8030]  }
0x4d: {  	v1 =	vadd.f32 v3, v1;
	v3 =	vmul.f32 v60, v9  }
0x4e: {  	[tilespmem:$0x10010] =	vst v0  }
0x4f: {  	[tilespmem:$0x10020] =	vst v0;
	v1 =	vadd.f32 v3, v1;
	v3 =	vmul.f32 v62, v61  }
0x50: {  	[tilespmem:$0x10030] =	vst v0  }
0x51: {  	[tilespmem:$0x10040] =	vst v0;
	v2 =	vmul.f32 v2, v63;
	v1 =	vadd.f32 v3, v1  }
0x52: {  	[tilespmem:$0x10050] =	vst v0  }
0x53: {  	s13 =	sadd.s32 $0x1, s13;
	[tilespmem:$0x10060] =	vst v0;
	v1 =	vadd.f32 v2, v1  }
0x54: {  	p0 =	sne.s32 s13, s8;
	[tilespmem:$0x10070] =	vst v0  }
.Ltmp2:
0x55: {  	[tilespmem:$0x10000] =	vst v1;
	(pc) =	sbr.rel @p0 .LBB2_1-.Ltmp2, $4  }
0x56: {  	[hbm4b:s7+s2] =	stream.linear.scatter [tilespmem:s11], [sflag:$0x2], $0x80, $0x38;
	[tilespmem:$0x10080] =	vst v63  }
0x57: {  	_ =	swait.ge [sflag:s12], $0x80  }
0x58: {  	[sflag:s12] =	ssyncset.done $0x0  }
0x59: {  	[sflag:s12] =	ssyncadd.s32 $0xFFFFFF80  }
0x5a: {  	_ =	sfence.sel $0x180000  }
0x5b: {  	[bflag:$0x0] =	sbarrier.arrive $0xFFFF  }
0x5c: {  	p0 =	sne.s32 s1, $0x0;
	_ =	strace $0x90000053  }
0x5d: {  	s0 =	sadd.s32 @!p0 $0x100000, s0;
	[bflag:$0x2] =	sbarrier.arrive $0xFFFF  }
0x5e: {  	[sflag:s0] =	ssyncadd.tile.s32 @!p0 $0x1;
	_ =	shalt  }
.Lfunc_end2:
_tile_overlayer_lowered:
.L_overlay_start_2:
0x5f: {  	(tag) =	ssettag $0x2  }
0x60: {  	s0 =	rddreg [dreg:$0x0];
	s2 =	stileid.u32  }
0x61: {  	s1 =	rddreg [dreg:$0x1];
	p0 =	sne.s32 s2, $0x0  }
0x62: {  	s3 =	rddreg [dreg:$0x2];
	[bflag:$0x3] =	sbarrier.arrive $0xFFFF;
	s2 =	simm.s32 @!p0 $0x1C02  }
0x63: {  	[timem:s3], [sflag:s2] =	dma.local @!p0 [hbm:s0], s1  }
0x64: {  	s0 =	simm.s32 @!p0 $0x2  }
0x65: {  	_ =	swait.ge @!p0 [sflag:s0], s1  }
0x66: {  	s1 =	ssub.s32 @!p0 $0x0, s1;
	[sflag:s0] =	ssyncset.done @!p0 $0x0  }
0x67: {  	[sflag:s0] =	ssyncadd.s32 @!p0 s1  }
0x68: {  	[bflag:$0x3] =	sbarrier.arrive $0xFFFF  }
0x69: {  	_ =	shalt  }

// kernel: kernel.15.cloned.1.call-start
scs
__scs_entry_jumppad:
0x0: {  	(pc) =	sbr.rel $0x88, $3  }
0x1: {  	(tag) =	ssettag $0x0;
	lr =	simm.s32 $0x1  }
0x2: {  	[smem:$0x3F9C] =	sst lr;
	_ =	strace $0xD0000000  }
0x3: {  	_ = 	snop  }
0x4: {  	_ = 	snop  }
0x5: {  	_ = 	snop  }
0x6: {  	_ = 	snop  }
0x7: {  	_ = 	snop  }
__scs_overlays_trampoline_lowered:
0x8: {  	[smem:$0x3FAB] =	sst s0  }
0x9: {  	[smem:$0x3FAC] =	sst s1  }
0xa: {  	[smem:$0x3FAD] =	sst s2  }
0xb: {  	[smem:$0x3FAE] =	sst s3  }
0xc: {  	[smem:$0x3FAF] =	sst s4  }
0xd: {  	[smem:$0x3FB0] =	sst s5  }
0xe: {  	[smem:$0x3FB1] =	sst s6  }
0xf: {  	[smem:$0x3FB2] =	sst s7  }
0x10: {  	[smem:$0x3FB3] =	sst s8  }
0x11: {  	[smem:$0x3FB4] =	sst s9;
	s0 =	simm.s32 @!p0 $0x0  }
0x12: {  	s1 =	sld [smem:$0x3F9A];
	s0 =	simm.s32 @p0 $0x1  }
0x13: {  	[smem:$0x3FB5] =	sst s0;
	s0 =	simm.s32 @!p1 $0x0  }
0x14: {  	s2 =	sld [smem:$0x3F99];
	s0 =	simm.s32 @p1 $0x1  }
0x15: {  	[smem:$0x3FB6] =	sst s0;
	s0 =	simm.s32 @!p2 $0x0  }
0x16: {  	s3 =	sld [smem:$0x3FDB];
	s0 =	simm.s32 @p2 $0x1  }
0x17: {  	s4 =	simm.s32 $0x1BF5;
	[smem:$0x3FB8] =	sst s0  }
0x18: {  	s0 =	sld [smem:$0x3F9B];
	_ =	swait.ge [sflag:s4], $0x0  }
0x19: {  	s7 =	sld [smem:$0x3F9C]  }
0x1a: {  	s8 =	sadd.s32 $0xFFFFE003, lr  }
0x1b: {  	s9 =	sadd.s32 $0xFFFFFEF7, lr;
	s5 =	simm.s32 $0xFFFFFFFF;
	p2 =	slt.u32 s8, $0xFFFFF086  }
0x1c: {  	p1 =	slt.u32 s9, $0xF7A;
	s5 =	simm.s32 @!p2 $0x0  }
0x1d: {  	s5 =	simm.s32 @p1 $0x1;
	p0 =	seq.s32 s7, s2  }
0x1e: {  	s7 =	smul.u32 @!p0 $0xF7A, s2;
	p2 =	seq.s32 @!p0 s5, $0x0  }
0x1f: {  	s9 =	smul.u32 $0xF7A, s1;
	s8 =	simm.s32 @!p0 $0x1BF5;
	p2 =	por !p2, p0  }
0x20: {  	[sflag:s8] =	ssyncset.s32 @!p0 $0xFFFFF086;
	s6 =	sadd.s32 @!p0 s3, s7;
	s7 =	simm.s32 @!p0 $0x108  }
0x21: {  	s3 =	sadd.s32 s3, s9;
	s6 =	sadd.s32 @!p0 $0x88, s6;
	s7 =	simm.s32 @p2 $0x1082  }
0x22: {  	[simem:s7], [sflag:s8] =	dma.local @!p0 [hbm:s6], $0xF7A  }
0x23: {  	s9 =	sor.u32 $0xD0000000, s2;
	s6 =	simm.s32 $0x108;
	_ =	swait.ge @!p0 [sflag:s8], $0x0  }
0x24: {  	s3 =	sadd.s32 $0x88, s3;
	s6 =	simm.s32 @!p1 $0x1082;
	[sflag:s4] =	ssyncset.s32 $0xFFFFF086  }
0x25: {  	[simem:s6], [sflag:s4] =	dma.local [hbm:s3], $0xF7A  }
0x26: {  	[smem:$0x3F9C] =	sst s1;
	(tag) =	ssettag s2;
	_ =	strace s9  }
0x27: {  	s1 =	sld [smem:$0x3FAC]  }
0x28: {  	s2 =	sld [smem:$0x3FAD]  }
0x29: {  	s4 =	sld [smem:$0x3FAF]  }
0x2a: {  	p0 =	seq.s32 s5, $0x0;
	s5 =	sld [smem:$0x3FB0]  }
0x2b: {  	s6 =	sld [smem:$0x3FB1]  }
0x2c: {  	s7 =	sld [smem:$0x3FB2]  }
0x2d: {  	s3 =	simm.s32 $0x108;
	s8 =	sld [smem:$0x3FB3]  }
0x2e: {  	s3 =	simm.s32 @!p0 $0x1082;
	s9 =	sld [smem:$0x3FB4]  }
0x2f: {  	lr =	sadd.s32 s0, s3;
	s0 =	sld [smem:$0x3FAB]  }
0x30: {  	s3 =	sld [smem:$0x3FAE]  }
0x31: {  	[smem:$0x3FB7] =	sst s10  }
0x32: {  	s10 =	sld [smem:$0x3FB5];
	_ =	sdelay $0x3  }
0x33: {  	p0 =	seq.s32 s10, $0x1;
	s10 =	sld [smem:$0x3FB7];
	_ =	sdelay $0x3  }
0x34: {  	[smem:$0x3FB7] =	sst s10  }
0x35: {  	s10 =	sld [smem:$0x3FB6];
	_ =	sdelay $0x3  }
0x36: {  	p1 =	seq.s32 s10, $0x1;
	s10 =	sld [smem:$0x3FB7];
	_ =	sdelay $0x3  }
0x37: {  	[smem:$0x3FB7] =	sst s10  }
0x38: {  	s10 =	sld [smem:$0x3FB8]  }
0x39: {  	_ = 	snop;
	(pc) =	sbr.ind lr, $3  }
0x3a: {  	_ = 	snop  }
0x3b: {  	_ = 	snop  }
0x3c: {  	p2 =	seq.s32 s10, $0x1;
	s10 =	sld [smem:$0x3FB7]  }
0x3d: {  	_ =	shalt  }
0x3e: {  	_ =	shalt  }
0x3f: {  	_ =	shalt  }
0x40: {  	_ =	shalt  }
0x41: {  	_ =	shalt  }
0x42: {  	_ =	shalt  }
0x43: {  	_ =	shalt  }
0x44: {  	_ =	shalt  }
0x45: {  	_ =	shalt  }
0x46: {  	_ =	shalt  }
0x47: {  	_ =	shalt  }
0x48: {  	_ =	shalt  }
0x49: {  	_ =	shalt  }
0x4a: {  	_ =	shalt  }
0x4b: {  	_ =	shalt  }
0x4c: {  	_ =	shalt  }
0x4d: {  	_ =	shalt  }
0x4e: {  	_ =	shalt  }
0x4f: {  	_ =	shalt  }
0x50: {  	_ =	shalt  }
0x51: {  	_ =	shalt  }
0x52: {  	_ =	shalt  }
0x53: {  	_ =	shalt  }
0x54: {  	_ =	shalt  }
0x55: {  	_ =	shalt  }
0x56: {  	_ =	shalt  }
0x57: {  	_ =	shalt  }
0x58: {  	_ =	shalt  }
0x59: {  	_ =	shalt  }
0x5a: {  	_ =	shalt  }
0x5b: {  	_ =	shalt  }
0x5c: {  	_ =	shalt  }
0x5d: {  	_ =	shalt  }
0x5e: {  	_ =	shalt  }
0x5f: {  	_ =	shalt  }
0x60: {  	_ =	shalt  }
0x61: {  	_ =	shalt  }
0x62: {  	_ =	shalt  }
0x63: {  	_ =	shalt  }
0x64: {  	_ =	shalt  }
0x65: {  	_ =	shalt  }
0x66: {  	_ =	shalt  }
0x67: {  	_ =	shalt  }
0x68: {  	_ =	shalt  }
0x69: {  	_ =	shalt  }
0x6a: {  	_ =	shalt  }
0x6b: {  	_ =	shalt  }
0x6c: {  	_ =	shalt  }
0x6d: {  	_ =	shalt  }
0x6e: {  	_ =	shalt  }
0x6f: {  	_ =	shalt  }
0x70: {  	_ =	shalt  }
0x71: {  	_ =	shalt  }
0x72: {  	_ =	shalt  }
0x73: {  	_ =	shalt  }
0x74: {  	_ =	shalt  }
0x75: {  	_ =	shalt  }
0x76: {  	_ =	shalt  }
0x77: {  	_ =	shalt  }
0x78: {  	_ =	shalt  }
0x79: {  	_ =	shalt  }
0x7a: {  	_ =	shalt  }
0x7b: {  	_ =	shalt  }
0x7c: {  	_ =	shalt  }
0x7d: {  	_ =	shalt  }
0x7e: {  	_ =	shalt  }
0x7f: {  	_ =	shalt  }
0x80: {  	_ =	shalt  }
0x81: {  	_ =	shalt  }
0x82: {  	_ =	shalt  }
0x83: {  	_ =	shalt  }
0x84: {  	_ =	shalt  }
0x85: {  	_ =	shalt  }
0x86: {  	_ =	shalt  }
0x87: {  	_ =	shalt  }
.Lfunc_end0:
.L_simem_size_0:
called_computation.5_lowered:
.L_overlay_start_0:
0x88: {  	s2 =	sld [smem:$0x3FD9]  }
0x89: {  	s3 =	sld [smem:$0x3FFE];
	_ =	sdelay $0x1  }
0x8a: {  	s1 =	srdreg.scid  }
0x8b: {  	s0 =	sand.u32 $0x1, s1  }
0x8c: {  	s17 =	sshll.u32 s0, $0xA;
	s2 =	sadd.s32 s3, s2  }
0x8d: {  	s2 =	sadd.s32 s2, s17  }
0x8e: {  	[smem:$0x3FC3] =	sst s2  }
0x8f: {  	_ = 	snop  }
0x90: {  	s2 =	sld [smem:$0x3FD0];
	(tm) =	ssettm $0x1  }
0x91: {  	s18 =	sld [smem:$0x3FFB];
	_ =	sdelay $0x3  }
0x92: {  	_ =	strace s18  }
0x93: {  	s3 =	sld [smem:$0x3FFC];
	_ =	sdelay $0x3  }
0x94: {  	_ =	strace s3  }
0x95: {  	s3 =	sld [smem:$0x3FFD];
	_ =	sdelay $0x3  }
0x96: {  	_ =	strace s3  }
0x97: {  	_ =	strace $0x8FFFFFFF  }
0x98: {  	s19 =	sld [smem:$0x3FDB];
	_ =	sdelay $0x1  }
0x99: {  	s4 =	simm.s32 $_scs_section_size  }
0x9a: {  	s5 =	simm.s32 $_size__tile_overlayer_lowered;
	s6 =	simm.s32 $_tile_overlayer_lowered  }
0x9b: {  	s22 =	simm.s32 $0x1BFF;
	s21 =	sshll.u32 s6, $0x1;
	s3 =	sadd.s32 s4, s19  }
0x9c: {  	s7 =	simm.s32 $0x0;
	s20 =	sshll.u32 s5, $0x1;
	s5 =	sadd.s32 s21, s3  }
0x9d: {  	[timem:s7], [sflag:s22] =	dma.local [hbm:s5], s20  }
0x9e: {  	_ =	swait.ge [sflag:s22], s20  }
0x9f: {  	s4 =	ssub.s32 $0x0, s20;
	[sflag:s22] =	ssyncset.done $0x0  }
0xa0: {  	[sflag:s22] =	ssyncadd.s32 s4;
	_ =	sdelay $0x1  }
0xa1: {  	s23 =	simm.s32 $0x1B8B  }
0xa2: {  	_ =	swait.ge [sflag:s23], $0x1  }
0xa3: {  	[sflag:s23] =	ssyncset.done $0x0  }
0xa4: {  	s25 =	simm.s32 $0x1B8E;
	s24 =	sld [smem:$0x3FFE];
	[sflag:s23] =	ssyncadd.s32 $0xFFFFFFFF  }
0xa5: {  	s26 =	simm.s32 $execute0_lowered;
	[smem:$0x3FD2] =	sst s25  }
0xa6: {  	s5 =	sshll.u32 s26, $0x1;
	_ =	strace $0x80000055;
	[dreg:$0x1] =	wrdreg $0xFFFFFFFF  }
0xa7: {  	s28 =	simm.s32 $_size_execute0_lowered;
	s3 =	sadd.s32 s3, s5;
	[dreg:$0x0] =	wrdreg $0x0  }
0xa8: {  	s5 =	sshll.u32 s28, $0x1;
	[dreg:$0x2] =	wrdreg s3  }
0xa9: {  	[dreg:$0x3] =	wrdreg s5  }
0xaa: {  	[dreg:$0x4] =	wrdreg $0xC0  }
0xab: {  	_ =	task [dreg:s7], $0x5FFFF  }
0xac: {  	[dreg:$0x1] =	wrdreg $0xFFFFFFFF  }
0xad: {  	[dreg:$0x0] =	wrdreg $0x60  }
0xae: {  	[dreg:$0x2] =	wrdreg s24  }
0xaf: {  	[dreg:$0x3] =	wrdreg s2  }
0xb0: {  	[dreg:$0x4] =	wrdreg $0x9  }
0xb1: {  	_ =	task.clear_ibuf [dreg:s7], $0x5FFFF;
	_ =	strace $0x90000055  }
0xb2: {  	s29 =	simm.s32 $0x9;
	_ =	strace $0x80000057  }
0xb3: {  	_ =	swait.ge [sflag:s29], $0x1  }
0xb4: {  	[sflag:s29] =	ssyncadd.s32 $0xFFFFFFFF  }
0xb5: {  	_ =	strace $0x90000057  }
0xb6: {  	_ =	sfence  }
0xb7: {  	s30 =	sld [smem:$0x0];
	_ =	sdelay $0x2  }
0xb8: {  	s31 =	sshll.u32 s1, $0xD;
	s1 =	sshrl.u32 s1, $0x2  }
0xb9: {  	s3 =	sand.u32 $0x4000, s31;
	s1 =	sadd.s32 s1, s30  }
0xba: {  	s0 =	sor.u32 s3, s0;
	s1 =	sshll.u32 s1, $0x11  }
0xbb: {  	s0 =	sor.u32 s1, s0  }
0xbc: {  	s0 =	sadd.s32 $0x8F2B, s0  }
0xbd: {  	[sflag:s0] =	ssyncadd.remote.s32 $0x1  }
0xbe: {  	_ =	sfence.sel $0xFFFF  }
0xbf: {  	[dreg:$0x0] =	wrdreg $0xFFFFFFFF;
	(pc) =	sbr.abs _section_cstart, $3  }
0xc0: {  	[dreg:$0x1] =	wrdreg $0xFFFFFFFF  }
0xc1: {  	_ =	task.clear_ibuf [dreg:s7], $0x2FFFF;
	_ =	strace $0x9FFFFFFF  }
0xc2: {  	(tm) =	ssettm $0x7FFFFFFF  }
0xc3: {  	_ =	shalt  }
tec
execute0_lowered:
.L_overlay_start_1:
0x0: {  	(tag) =	ssettag $0x1  }
0x1: {  	s0 =	rddreg [dreg:$0x0]  }
0x2: {  	s2 =	rddreg [dreg:$0x1];
	s1 =	simm.s32 $0x0  }
0x3: {  	s4 =	srdreg.scid;
	s5 =	stileid.u32;
	s11 =	simm.s32 $0x2  }
0x4: {  	s12 =	simm.s32 $0x1200;
	s13 =	simm.s32 $0x80;
	s20 =	simm.s32 $0x1100  }
0x5: {  	s21 =	simm.s32 $0x1500;
	s22 =	simm.s32 $0x1300;
	s23 =	simm.s32 $0x1700  }
0x6: {  	s24 =	simm.s32 $0x1180;
	s25 =	simm.s32 $0x1580;
	s26 =	simm.s32 $0x1380  }
0x7: {  	s28 =	simm.s32 $0x1780;
	s29 =	simm.s32 $0x1;
	s30 =	simm.s32 $0x1800  }
0x8: {  	s31 =	simm.s32 $0x0;
	[smem:$0x7FF] =	sst s1;
	s3 =	sadd.s32 $0x43C00, s0  }
0x9: {  	s4 =	sand.u32 $0x1, s4;
	s5 =	sshll.u32 s5, $0x7;
	_ =	strace $0x80000056  }
0xa: {  	s6 =	ssub.s32 $0x2, s4;
	s7 =	sshll.u32 s4, $0x6;
	s4 =	sadd.s32 $0xA3000, s0  }
0xb: {  	s8 =	sshrl.u32 s6, $0x1;
	s9 =	sor.u32 s7, s5;
	s5 =	sadd.s32 $0x84600, s0  }
0xc: {  	s10 =	ssub.s32 s6, s8;
	s6 =	sadd.s32 s0, s9;
	s8 =	sadd.s32 s2, s9  }
0xd: {  	s7 =	sadd.s32 $0x800, s6;
	s9 =	smax.u32 s10, $0x1;
	s10 =	simm.s32 $0x1000  }
.LBB2_1:
0xe: {  	[tilespmem:s10], [sflag:$0x2] =	stream.linear.gather [hbm4b:s7+s1], $0x200, $0x38;
	[tilespmem:$0x1A00] =	vst v63  }
0xf: {  	_ =	swait.ge [sflag:s11], $0x200  }
0x10: {  	[sflag:s11] =	ssyncset.done $0x0  }
0x11: {  	[sflag:s11] =	ssyncadd.s32 $0xFFFFFE00  }
0x12: {  	[tilespmem:s12], [sflag:$0x2] =	stream.linear.gather [hbm4b:s6+s1], $0x200, $0x38;
	[tilespmem:$0x1A00] =	vst v63  }
0x13: {  	_ =	swait.ge [sflag:s11], $0x200  }
0x14: {  	[sflag:s11] =	ssyncset.done $0x0  }
0x15: {  	s0 =	simm.s32 $0x1400;
	[sflag:s11] =	ssyncadd.s32 $0xFFFFFE00  }
0x16: {  	[tilespmem:s0], [sflag:$0x1] =	stream.indirect.gather [hbm4b:s4+s13], $0x1, s10, s13, $0xb8;
	[tilespmem:$0x1A00] =	vst v63  }
0x17: {  	s16 =	simm.s32 $0x1600  }
0x18: {  	[tilespmem:s16], [sflag:$0x1] =	stream.indirect.gather [hbm4b:s5+s13], $0x1, s12, s13, $0xb8;
	[tilespmem:$0x1A00] =	vst v63  }
0x19: {  	s17 =	simm.s32 $0x1080;
	s2 =	simm.s32 $0x1480  }
0x1a: {  	[tilespmem:s2], [sflag:$0x1] =	stream.indirect.gather [hbm4b:s4+s13], $0x1, s17, s13, $0xb8;
	[tilespmem:$0x1A00] =	vst v63  }
0x1b: {  	s18 =	simm.s32 $0x1280;
	s19 =	simm.s32 $0x1680  }
0x1c: {  	[tilespmem:s19], [sflag:$0x1] =	stream.indirect.gather [hbm4b:s5+s13], $0x1, s18, s13, $0xb8;
	[tilespmem:$0x1A00] =	vst v63  }
0x1d: {  	_ = 	snop  }
0x1e: {  	[tilespmem:s21], [sflag:$0x1] =	stream.indirect.gather [hbm4b:s4+s13], $0x1, s20, s13, $0xb8;
	[tilespmem:$0x1A00] =	vst v63  }
0x1f: {  	_ = 	snop  }
0x20: {  	[tilespmem:s23], [sflag:$0x1] =	stream.indirect.gather [hbm4b:s5+s13], $0x1, s22, s13, $0xb8;
	[tilespmem:$0x1A00] =	vst v63  }
0x21: {  	_ = 	snop  }
0x22: {  	[tilespmem:s25], [sflag:$0x1] =	stream.indirect.gather [hbm4b:s4+s13], $0x1, s24, s13, $0xb8;
	[tilespmem:$0x1A00] =	vst v63  }
0x23: {  	_ = 	snop  }
0x24: {  	[tilespmem:s28], [sflag:$0x1] =	stream.indirect.gather [hbm4b:s5+s13], $0x1, s26, s13, $0xb8;
	[tilespmem:$0x1A00] =	vst v63  }
0x25: {  	_ = 	snop  }
0x26: {  	[tilespmem:s1], [sflag:$0x2] =	stream.linear.gather [hbm4b:s3+s1], $0x1000, $0x38;
	[tilespmem:$0x1A00] =	vst v63  }
0x27: {  	_ =	swait.ge [sflag:s11], $0x1000  }
0x28: {  	[sflag:s11] =	ssyncset.done $0x0  }
0x29: {  	[sflag:s11] =	ssyncadd.s32 $0xFFFFF000  }
0x2a: {  	_ =	swait.ge [sflag:s29], $0x80  }
0x2b: {  	[sflag:s29] =	ssyncset.done $0x0  }
0x2c: {  	[sflag:s29] =	ssyncadd.s32 $0xFFFFFF80  }
0x2d: {  	_ =	swait.ge [sflag:s29], $0x80  }
0x2e: {  	[sflag:s29] =	ssyncset.done $0x0  }
0x2f: {  	[sflag:s29] =	ssyncadd.s32 $0xFFFFFF80  }
0x30: {  	_ =	swait.ge [sflag:s29], $0x80  }
0x31: {  	[sflag:s29] =	ssyncset.done $0x0  }
0x32: {  	[sflag:s29] =	ssyncadd.s32 $0xFFFFFF80  }
0x33: {  	_ =	swait.ge [sflag:s29], $0x80  }
0x34: {  	[sflag:s29] =	ssyncset.done $0x0  }
0x35: {  	[sflag:s29] =	ssyncadd.s32 $0xFFFFFF80  }
0x36: {  	_ =	swait.ge [sflag:s29], $0x80  }
0x37: {  	[sflag:s29] =	ssyncset.done $0x0  }
0x38: {  	[sflag:s29] =	ssyncadd.s32 $0xFFFFFF80  }
0x39: {  	_ =	swait.ge [sflag:s29], $0x80  }
0x3a: {  	[sflag:s29] =	ssyncset.done $0x0  }
0x3b: {  	[sflag:s29] =	ssyncadd.s32 $0xFFFFFF80  }
0x3c: {  	_ =	swait.ge [sflag:s29], $0x80  }
0x3d: {  	[sflag:s29] =	ssyncset.done $0x0  }
0x3e: {  	[sflag:s29] =	ssyncadd.s32 $0xFFFFFF80  }
0x3f: {  	_ =	swait.ge [sflag:s29], $0x80  }
0x40: {  	[sflag:s29] =	ssyncset.done $0x0  }
0x41: {  	[sflag:s29] =	ssyncadd.s32 $0xFFFFFF80  }
0x42: {  	v0 =	vld [tilespmem:$0x0];
	_ =	sdelay $0x1  }
0x43: {  	v1 =	vld [tilespmem:$0x80];
	_ =	sdelay $0x1  }
0x44: {  	v2 =	vld [tilespmem:$0x100]  }
0x45: {  	v0 =	vadd.f32 $0.0e+00, v0  }
0x46: {  	v3 =	vld [tilespmem:$0x180]  }
0x47: {  	v0 =	vadd.f32 v1, v0  }
0x48: {  	v1 =	vld [tilespmem:$0x200]  }
0x49: {  	v0 =	vadd.f32 v2, v0  }
0x4a: {  	v2 =	vld [tilespmem:$0x280]  }
0x4b: {  	v0 =	vadd.f32 v3, v0  }
0x4c: {  	v3 =	vld [tilespmem:$0x300]  }
0x4d: {  	v0 =	vadd.f32 v1, v0  }
0x4e: {  	v1 =	vld [tilespmem:$0x380]  }
0x4f: {  	v0 =	vadd.f32 v2, v0  }
0x50: {  	v2 =	vld [tilespmem:$0x400]  }
0x51: {  	v0 =	vadd.f32 v3, v0  }
0x52: {  	v3 =	vld [tilespmem:$0x480]  }
0x53: {  	v0 =	vadd.f32 v1, v0  }
0x54: {  	v1 =	vld [tilespmem:$0x500]  }
0x55: {  	v0 =	vadd.f32 v2, v0  }
0x56: {  	v2 =	vld [tilespmem:$0x580]  }
0x57: {  	v0 =	vadd.f32 v3, v0  }
0x58: {  	v3 =	vld [tilespmem:$0x600]  }
0x59: {  	v0 =	vadd.f32 v1, v0  }
0x5a: {  	v1 =	vld [tilespmem:$0x680]  }
0x5b: {  	v0 =	vadd.f32 v2, v0  }
0x5c: {  	v2 =	vld [tilespmem:$0x700]  }
0x5d: {  	v0 =	vadd.f32 v3, v0  }
0x5e: {  	v3 =	vld [tilespmem:$0x780]  }
0x5f: {  	v0 =	vadd.f32 v1, v0  }
0x60: {  	v1 =	vld [tilespmem:$0x800]  }
0x61: {  	v0 =	vadd.f32 v2, v0  }
0x62: {  	v2 =	vld [tilespmem:$0x880]  }
0x63: {  	v0 =	vadd.f32 v3, v0  }
0x64: {  	v3 =	vld [tilespmem:$0x900]  }
0x65: {  	v0 =	vadd.f32 v1, v0  }
0x66: {  	v1 =	vld [tilespmem:$0x980]  }
0x67: {  	v0 =	vadd.f32 v2, v0  }
0x68: {  	v2 =	vld [tilespmem:$0xA00]  }
0x69: {  	v0 =	vadd.f32 v3, v0  }
0x6a: {  	v3 =	vld [tilespmem:$0xA80]  }
0x6b: {  	v0 =	vadd.f32 v1, v0  }
0x6c: {  	v1 =	vld [tilespmem:$0xB00]  }
0x6d: {  	v0 =	vadd.f32 v2, v0  }
0x6e: {  	v2 =	vld [tilespmem:$0xB80]  }
0x6f: {  	v0 =	vadd.f32 v3, v0  }
0x70: {  	v3 =	vld [tilespmem:$0xC00]  }
0x71: {  	v0 =	vadd.f32 v1, v0  }
0x72: {  	v1 =	vld [tilespmem:$0xC80]  }
0x73: {  	v0 =	vadd.f32 v2, v0  }
0x74: {  	v2 =	vld [tilespmem:$0xD00]  }
0x75: {  	v0 =	vadd.f32 v3, v0  }
0x76: {  	v3 =	vld [tilespmem:$0xD80]  }
0x77: {  	v0 =	vadd.f32 v1, v0  }
0x78: {  	v1 =	vld [tilespmem:$0xE00]  }
0x79: {  	v0 =	vadd.f32 v2, v0  }
0x7a: {  	v2 =	vld [tilespmem:$0xE80]  }
0x7b: {  	v0 =	vadd.f32 v3, v0  }
0x7c: {  	v3 =	vld [tilespmem:$0xF00]  }
0x7d: {  	v0 =	vadd.f32 v1, v0  }
0x7e: {  	v1 =	vld [tilespmem:$0xF80]  }
0x7f: {  	v0 =	vadd.f32 v2, v0;
	_ =	sdelay $0x1  }
0x80: {  	v0 =	vadd.f32 v3, v0;
	_ =	sdelay $0x1  }
0x81: {  	v0 =	vadd.f32 v1, v0;
	_ =	sdelay $0x1  }
0x82: {  	(xrf2) =	vadd.scan.msk.f32 $0xffff, v0;
	_ =	sdelay $0x6  }
0x83: {  	s2 =	simm.s32 $0x0  }
0x84: {  	v1 =	vld [tilespmem:s2+$0x1400];
	_ =	sdelay $0x1  }
0x85: {  	v2 =	vld [tilespmem:s2+$0x1600];
	v0, _, _ =	vpop (xrf2)  }
0x86: {  	s0 =	simm.s32 $0x10;
	v0 =	vbroadcast v0, $0xF  }
0x87: {  	v3 =	vld [tilespmem:s0+$0x1400]  }
0x88: {  	v1 =	vadd.f32 v1, v0  }
0x89: {  	s14 =	simm.s32 $0x20;
	v4 =	vld [tilespmem:s0+$0x1600]  }
0x8a: {  	v5 =	vld [tilespmem:s14+$0x1400];
	v1 =	vadd.f32 v2, v1;
	_ =	sdelay $0x1  }
0x8b: {  	v2 =	vadd.f32 v3, v0;
	v3 =	vld [tilespmem:s14+$0x1600];
	v1 =	vsub.f32 $0.0e+00, v1;
	_ =	sdelay $0x1  }
0x8c: {  	v1 =	vmul.f32 $1.442695020e+00, v1  }
0x8d: {  	v2 =	vadd.f32 v4, v2;
	v4 =	vadd.f32 v5, v0  }
0x8e: {  	(erf) = vpow2.f32 v1  }
0x8f: {  	v2 =	vsub.f32 $0.0e+00, v2;
	v3 =	vadd.f32 v3, v4  }
0x90: {  	s15 =	simm.s32 $0x30  }
0x91: {  	v1 =	vmul.f32 $1.442695020e+00, v2;
	v2 =	vld [tilespmem:s15+$0x1400];
	v3 =	vsub.f32 $0.0e+00, v3;
	_ =	sdelay $0x1  }
0x92: {  	(erf) = vpow2.f32 v1;
	v1 =	vld [tilespmem:s15+$0x1600];
	v3 =	vmul.f32 $1.442695020e+00, v3;
	_ =	sdelay $0x2  }
0x93: {  	v2 =	vadd.f32 v2, v0  }
0x94: {  	s16 =	simm.s32 $0x40;
	(erf) = vpow2.f32 v3;
	v3 =	vpop (erf)  }
0x95: {  	v4 =	vld [tilespmem:s16+$0x1400];
	v1 =	vadd.f32 v1, v2;
	v3 =	vadd.f32 $1.000000000e+00, v3;
	_ =	sdelay $0x1  }
0x96: {  	v2 =	vld [tilespmem:s16+$0x1600];
	v1 =	vsub.f32 $0.0e+00, v1;
	(erf) = vrcp.f32 v3;
	_ =	sdelay $0x1  }
0x97: {  	v5 =	vpop (erf);
	v6 =	vmul.f32 $1.442695020e+00, v1  }
0x98: {  	s17 =	simm.s32 $0x50;
	v4 =	vadd.f32 v4, v0;
	v3 =	vadd.f32 $1.000000000e+00, v5  }
0x99: {  	v1 =	vld [tilespmem:s17+$0x1400];
	(erf) = vpow2.f32 v6  }
0x9a: {  	v4 =	vadd.f32 v2, v4;
	(erf) = vrcp.f32 v3  }
0x9b: {  	v2 =	vld [tilespmem:s17+$0x1600]  }
0x9c: {  	v4 =	vsub.f32 $0.0e+00, v4  }
0x9d: {  	s18 =	simm.s32 $0x180;
	v3 =	vpop (erf)  }
.LBB2_2:
0x9e: {  	s19 =	sshra.s32 s18, $0x2;
	v5 =	vadd.f32 v1, v0;
	v4 =	vmul.f32 $1.442695020e+00, v4;
	v6 =	vpop (erf);
	p0 =	sne.s32 s18, $0x7C0  }
.Ltmp0:
0x9f: {  	s18 =	sadd.s32 $0x40, s18;
	v3 =	vadd.f32 $1.000000000e+00, v3;
	v1 =	vld [tilespmem:s19+$0x1400];
	[tilespmem:s2+$0x1800] =	vst v6;
	(pc) =	sbr.rel @p0 .LBB2_2-.Ltmp0, $4  }
0xa0: {  	s2 =	smov.u32 s0;
	s0 =	smov.u32 s14;
	s14 =	smov.u32 s15;
	v5 =	vadd.f32 v2, v5;
	(erf) = vpow2.f32 v4  }
0xa1: {  	s15 =	smov.u32 s16;
	s16 =	smov.u32 s17;
	s17 =	smov.u32 s19;
	v2 =	vld [tilespmem:s19+$0x1600];
	(erf) = vrcp.f32 v3  }
0xa2: {  	v4 =	vsub.f32 $0.0e+00, v5  }
0xa3: {  	v3 =	vpop (erf)  }
0xa4: {  	v0 =	vadd.f32 v1, v0;
	_ =	sdelay $0x1  }
0xa5: {  	v0 =	vadd.f32 v2, v0;
	_ =	sdelay $0x1  }
0xa6: {  	v53 =	vmul.f32 $1.442695020e+00, v4;
	v0 =	vsub.f32 $0.0e+00, v0  }
0xa7: {  	v54 =	vadd.f32 $1.000000000e+00, v3  }
0xa8: {  	(erf) = vpow2.f32 v53;
	v0 =	vmul.f32 $1.442695020e+00, v0  }
0xa9: {  	(erf) = vrcp.f32 v54  }
0xaa: {  	(erf) = vpow2.f32 v0;
	_ =	sdelay $0x3  }
0xab: {  	v55 =	vpop (erf)  }
0xac: {  	v56 =	vpop (erf)  }
0xad: {  	v57 =	vpop (erf)  }
0xae: {  	v58 =	vpop (erf)  }
0xaf: {  	v1 =	vadd.f32 $1.000000000e+00, v56;
	v59 =	vpop (erf)  }
0xb0: {  	v3 =	vadd.f32 $1.000000000e+00, v58;
	v5 =	vpop (erf)  }
0xb1: {  	(erf) = vrcp.f32 v1;
	v60 =	vadd.f32 $1.000000000e+00, v5  }
0xb2: {  	(erf) = vrcp.f32 v3  }
0xb3: {  	(erf) = vrcp.f32 v60;
	_ =	sdelay $0x4  }
0xb4: {  	[tilespmem:s2+$0x1800] =	vst v55  }
0xb5: {  	[tilespmem:s0+$0x1800] =	vst v57  }
0xb6: {  	[tilespmem:s14+$0x1800] =	vst v59;
	v61 =	vpop (erf)  }
0xb7: {  	s31 =	sadd.s32 $0x1, s31;
	[tilespmem:s15+$0x1800] =	vst v61;
	v62 =	vpop (erf)  }
0xb8: {  	p0 =	sne.s32 s31, s9;
	[tilespmem:s16+$0x1800] =	vst v62;
	v63 =	vpop (erf)  }
.Ltmp1:
0xb9: {  	[tilespmem:s17+$0x1800] =	vst v63;
	(pc) =	sbr.rel @p0 .LBB2_1-.Ltmp1, $4  }
0xba: {  	[hbm4b:s8+s1] =	stream.linear.scatter [tilespmem:s30], [sflag:$0x2], $0x200, $0x38;
	[tilespmem:$0x1A00] =	vst v63  }
0xbb: {  	_ =	swait.ge [sflag:s11], $0x200  }
0xbc: {  	[sflag:s11] =	ssyncset.done $0x0  }
0xbd: {  	[sflag:s11] =	ssyncadd.s32 $0xFFFFFE00  }
0xbe: {  	_ =	sfence.sel $0x180000  }
0xbf: {  	[bflag:$0x0] =	sbarrier.arrive $0xFFFF  }
0xc0: {  	_ =	strace $0x90000056  }
0xc1: {  	s0 =	stileid.u32;
	[bflag:$0x2] =	sbarrier.arrive $0xFFFF  }
0xc2: {  	p0 =	sne.s32 s0, $0x0;
	s0 =	rddreg [dreg:$0x2]  }
0xc3: {  	s0 =	sadd.s32 @!p0 $0x100000, s0  }
0xc4: {  	[sflag:s0] =	ssyncadd.tile.s32 @!p0 $0x1;
	_ =	shalt  }
.Lfunc_end2:
_tile_overlayer_lowered:
.L_overlay_start_2:
0xc5: {  	(tag) =	ssettag $0x2  }
0xc6: {  	s0 =	rddreg [dreg:$0x0];
	s2 =	stileid.u32  }
0xc7: {  	s1 =	rddreg [dreg:$0x1];
	p0 =	sne.s32 s2, $0x0  }
0xc8: {  	s3 =	rddreg [dreg:$0x2];
	[bflag:$0x3] =	sbarrier.arrive $0xFFFF;
	s2 =	simm.s32 @!p0 $0x1C02  }
0xc9: {  	[timem:s3], [sflag:s2] =	dma.local @!p0 [hbm:s0], s1  }
0xca: {  	s0 =	simm.s32 @!p0 $0x2  }
0xcb: {  	_ =	swait.ge @!p0 [sflag:s0], s1  }
0xcc: {  	s1 =	ssub.s32 @!p0 $0x0, s1;
	[sflag:s0] =	ssyncset.done @!p0 $0x0  }
0xcd: {  	[sflag:s0] =	ssyncadd.s32 @!p0 s1  }
0xce: {  	[bflag:$0x3] =	sbarrier.arrive $0xFFFF  }
0xcf: {  	_ =	shalt  }

// kernel: kernel.6.cloned.1.call-start
scs
__scs_entry_jumppad:
0x0: {  	(pc) =	sbr.rel $0x88, $3  }
0x1: {  	(tag) =	ssettag $0x0;
	lr =	simm.s32 $0x1  }
0x2: {  	[smem:$0x3F9C] =	sst lr;
	_ =	strace $0xD0000000  }
0x3: {  	_ = 	snop  }
0x4: {  	_ = 	snop  }
0x5: {  	_ = 	snop  }
0x6: {  	_ = 	snop  }
0x7: {  	_ = 	snop  }
__scs_overlays_trampoline_lowered:
0x8: {  	[smem:$0x3FAB] =	sst s0  }
0x9: {  	[smem:$0x3FAC] =	sst s1  }
0xa: {  	[smem:$0x3FAD] =	sst s2  }
0xb: {  	[smem:$0x3FAE] =	sst s3  }
0xc: {  	[smem:$0x3FAF] =	sst s4  }
0xd: {  	[smem:$0x3FB0] =	sst s5  }
0xe: {  	[smem:$0x3FB1] =	sst s6  }
0xf: {  	[smem:$0x3FB2] =	sst s7  }
0x10: {  	[smem:$0x3FB3] =	sst s8  }
0x11: {  	[smem:$0x3FB4] =	sst s9;
	s0 =	simm.s32 @!p0 $0x0  }
0x12: {  	s1 =	sld [smem:$0x3F9A];
	s0 =	simm.s32 @p0 $0x1  }
0x13: {  	[smem:$0x3FB5] =	sst s0;
	s0 =	simm.s32 @!p1 $0x0  }
0x14: {  	s2 =	sld [smem:$0x3F99];
	s0 =	simm.s32 @p1 $0x1  }
0x15: {  	[smem:$0x3FB6] =	sst s0;
	s0 =	simm.s32 @!p2 $0x0  }
0x16: {  	s3 =	sld [smem:$0x3FDB];
	s0 =	simm.s32 @p2 $0x1  }
0x17: {  	s4 =	simm.s32 $0x1BF5;
	[smem:$0x3FB8] =	sst s0  }
0x18: {  	s0 =	sld [smem:$0x3F9B];
	_ =	swait.ge [sflag:s4], $0x0  }
0x19: {  	s7 =	sld [smem:$0x3F9C]  }
0x1a: {  	s8 =	sadd.s32 $0xFFFFE003, lr  }
0x1b: {  	s9 =	sadd.s32 $0xFFFFFEF7, lr;
	s5 =	simm.s32 $0xFFFFFFFF;
	p2 =	slt.u32 s8, $0xFFFFF086  }
0x1c: {  	p1 =	slt.u32 s9, $0xF7A;
	s5 =	simm.s32 @!p2 $0x0  }
0x1d: {  	s5 =	simm.s32 @p1 $0x1;
	p0 =	seq.s32 s7, s2  }
0x1e: {  	s7 =	smul.u32 @!p0 $0xF7A, s2;
	p2 =	seq.s32 @!p0 s5, $0x0  }
0x1f: {  	s9 =	smul.u32 $0xF7A, s1;
	s8 =	simm.s32 @!p0 $0x1BF5;
	p2 =	por !p2, p0  }
0x20: {  	[sflag:s8] =	ssyncset.s32 @!p0 $0xFFFFF086;
	s6 =	sadd.s32 @!p0 s3, s7;
	s7 =	simm.s32 @!p0 $0x108  }
0x21: {  	s3 =	sadd.s32 s3, s9;
	s6 =	sadd.s32 @!p0 $0x88, s6;
	s7 =	simm.s32 @p2 $0x1082  }
0x22: {  	[simem:s7], [sflag:s8] =	dma.local @!p0 [hbm:s6], $0xF7A  }
0x23: {  	s9 =	sor.u32 $0xD0000000, s2;
	s6 =	simm.s32 $0x108;
	_ =	swait.ge @!p0 [sflag:s8], $0x0  }
0x24: {  	s3 =	sadd.s32 $0x88, s3;
	s6 =	simm.s32 @!p1 $0x1082;
	[sflag:s4] =	ssyncset.s32 $0xFFFFF086  }
0x25: {  	[simem:s6], [sflag:s4] =	dma.local [hbm:s3], $0xF7A  }
0x26: {  	[smem:$0x3F9C] =	sst s1;
	(tag) =	ssettag s2;
	_ =	strace s9  }
0x27: {  	s1 =	sld [smem:$0x3FAC]  }
0x28: {  	s2 =	sld [smem:$0x3FAD]  }
0x29: {  	s4 =	sld [smem:$0x3FAF]  }
0x2a: {  	p0 =	seq.s32 s5, $0x0;
	s5 =	sld [smem:$0x3FB0]  }
0x2b: {  	s6 =	sld [smem:$0x3FB1]  }
0x2c: {  	s7 =	sld [smem:$0x3FB2]  }
0x2d: {  	s3 =	simm.s32 $0x108;
	s8 =	sld [smem:$0x3FB3]  }
0x2e: {  	s3 =	simm.s32 @!p0 $0x1082;
	s9 =	sld [smem:$0x3FB4]  }
0x2f: {  	lr =	sadd.s32 s0, s3;
	s0 =	sld [smem:$0x3FAB]  }
0x30: {  	s3 =	sld [smem:$0x3FAE]  }
0x31: {  	[smem:$0x3FB7] =	sst s10  }
0x32: {  	s10 =	sld [smem:$0x3FB5];
	_ =	sdelay $0x3  }
0x33: {  	p0 =	seq.s32 s10, $0x1;
	s10 =	sld [smem:$0x3FB7];
	_ =	sdelay $0x3  }
0x34: {  	[smem:$0x3FB7] =	sst s10  }
0x35: {  	s10 =	sld [smem:$0x3FB6];
	_ =	sdelay $0x3  }
0x36: {  	p1 =	seq.s32 s10, $0x1;
	s10 =	sld [smem:$0x3FB7];
	_ =	sdelay $0x3  }
0x37: {  	[smem:$0x3FB7] =	sst s10  }
0x38: {  	s10 =	sld [smem:$0x3FB8]  }
0x39: {  	_ = 	snop;
	(pc) =	sbr.ind lr, $3  }
0x3a: {  	_ = 	snop  }
0x3b: {  	_ = 	snop  }
0x3c: {  	p2 =	seq.s32 s10, $0x1;
	s10 =	sld [smem:$0x3FB7]  }
0x3d: {  	_ =	shalt  }
0x3e: {  	_ =	shalt  }
0x3f: {  	_ =	shalt  }
0x40: {  	_ =	shalt  }
0x41: {  	_ =	shalt  }
0x42: {  	_ =	shalt  }
0x43: {  	_ =	shalt  }
0x44: {  	_ =	shalt  }
0x45: {  	_ =	shalt  }
0x46: {  	_ =	shalt  }
0x47: {  	_ =	shalt  }
0x48: {  	_ =	shalt  }
0x49: {  	_ =	shalt  }
0x4a: {  	_ =	shalt  }
0x4b: {  	_ =	shalt  }
0x4c: {  	_ =	shalt  }
0x4d: {  	_ =	shalt  }
0x4e: {  	_ =	shalt  }
0x4f: {  	_ =	shalt  }
0x50: {  	_ =	shalt  }
0x51: {  	_ =	shalt  }
0x52: {  	_ =	shalt  }
0x53: {  	_ =	shalt  }
0x54: {  	_ =	shalt  }
0x55: {  	_ =	shalt  }
0x56: {  	_ =	shalt  }
0x57: {  	_ =	shalt  }
0x58: {  	_ =	shalt  }
0x59: {  	_ =	shalt  }
0x5a: {  	_ =	shalt  }
0x5b: {  	_ =	shalt  }
0x5c: {  	_ =	shalt  }
0x5d: {  	_ =	shalt  }
0x5e: {  	_ =	shalt  }
0x5f: {  	_ =	shalt  }
0x60: {  	_ =	shalt  }
0x61: {  	_ =	shalt  }
0x62: {  	_ =	shalt  }
0x63: {  	_ =	shalt  }
0x64: {  	_ =	shalt  }
0x65: {  	_ =	shalt  }
0x66: {  	_ =	shalt  }
0x67: {  	_ =	shalt  }
0x68: {  	_ =	shalt  }
0x69: {  	_ =	shalt  }
0x6a: {  	_ =	shalt  }
0x6b: {  	_ =	shalt  }
0x6c: {  	_ =	shalt  }
0x6d: {  	_ =	shalt  }
0x6e: {  	_ =	shalt  }
0x6f: {  	_ =	shalt  }
0x70: {  	_ =	shalt  }
0x71: {  	_ =	shalt  }
0x72: {  	_ =	shalt  }
0x73: {  	_ =	shalt  }
0x74: {  	_ =	shalt  }
0x75: {  	_ =	shalt  }
0x76: {  	_ =	shalt  }
0x77: {  	_ =	shalt  }
0x78: {  	_ =	shalt  }
0x79: {  	_ =	shalt  }
0x7a: {  	_ =	shalt  }
0x7b: {  	_ =	shalt  }
0x7c: {  	_ =	shalt  }
0x7d: {  	_ =	shalt  }
0x7e: {  	_ =	shalt  }
0x7f: {  	_ =	shalt  }
0x80: {  	_ =	shalt  }
0x81: {  	_ =	shalt  }
0x82: {  	_ =	shalt  }
0x83: {  	_ =	shalt  }
0x84: {  	_ =	shalt  }
0x85: {  	_ =	shalt  }
0x86: {  	_ =	shalt  }
0x87: {  	_ =	shalt  }
.Lfunc_end0:
.L_simem_size_0:
called_computation.2_lowered:
.L_overlay_start_0:
0x88: {  	s2 =	sld [smem:$0x3FD9]  }
0x89: {  	s3 =	sld [smem:$0x3FFE];
	_ =	sdelay $0x1  }
0x8a: {  	s1 =	srdreg.scid  }
0x8b: {  	s0 =	sand.u32 $0x1, s1  }
0x8c: {  	s17 =	sshll.u32 s0, $0xA;
	s2 =	sadd.s32 s3, s2  }
0x8d: {  	s2 =	sadd.s32 s2, s17  }
0x8e: {  	[smem:$0x3FC3] =	sst s2  }
0x8f: {  	_ = 	snop  }
0x90: {  	s4 =	sld [smem:$0x3FC8]  }
0x91: {  	s18 =	sld [smem:$0x3FD0];
	(tm) =	ssettm $0x1  }
0x92: {  	s19 =	sld [smem:$0x3FFB];
	_ =	sdelay $0x3  }
0x93: {  	_ =	strace s19  }
0x94: {  	s2 =	sld [smem:$0x3FFC];
	_ =	sdelay $0x3  }
0x95: {  	_ =	strace s2  }
0x96: {  	s2 =	sld [smem:$0x3FFD];
	_ =	sdelay $0x3  }
0x97: {  	_ =	strace s2  }
0x98: {  	_ =	strace $0x8FFFFFFF  }
0x99: {  	s20 =	sld [smem:$0x3FDB];
	_ =	sdelay $0x1  }
0x9a: {  	s5 =	simm.s32 $_scs_section_size  }
0x9b: {  	s6 =	simm.s32 $_size__tile_overlayer_lowered;
	s7 =	simm.s32 $_tile_overlayer_lowered  }
0x9c: {  	s8 =	simm.s32 $0x1BFF;
	s21 =	sshll.u32 s7, $0x1;
	s5 =	sadd.s32 s5, s20  }
0x9d: {  	s22 =	simm.s32 $0x0;
	s6 =	sshll.u32 s6, $0x1;
	s7 =	sadd.s32 s21, s5  }
0x9e: {  	[timem:s22], [sflag:s8] =	dma.local [hbm:s7], s6  }
0x9f: {  	_ =	swait.ge [sflag:s8], s6  }
0xa0: {  	s6 =	ssub.s32 $0x0, s6;
	[sflag:s8] =	ssyncset.done $0x0  }
0xa1: {  	[sflag:s8] =	ssyncadd.s32 s6;
	_ =	sdelay $0x1  }
0xa2: {  	s23 =	simm.s32 $0x1B8B  }
0xa3: {  	_ =	swait.ge [sflag:s23], $0x1  }
0xa4: {  	[sflag:s23] =	ssyncset.done $0x0  }
0xa5: {  	[sflag:s23] =	ssyncadd.s32 $0xFFFFFFFF  }
0xa6: {  	s6 =	sld [smem:$0x0]  }
0xa7: {  	s7 =	sand.u32 $0xFFFFFFFE, s1  }
0xa8: {  	p0 =	sne.s32 s1, s7  }
0xa9: {  	s7 =	sshll.u32 @p0 s7, $0xE  }
0xaa: {  	s7 =	sadd.s32 @p0 $0x11B8D, s7;
	s8 =	sshll.u32 @p0 s6, $0x11  }
0xab: {  	s7 =	sor.u32 @p0 s8, s7  }
0xac: {  	[sflag:s7] =	ssyncadd.remote.s32 @p0 $0x1;
	_ =	sdelay $0x1  }
0xad: {  	s7 =	simm.s32 @p0 $0x1B8D  }
0xae: {  	_ =	swait.eq @p0 [sflag:s7], $0x1  }
0xaf: {  	[sflag:s7] =	ssyncadd.s32 @p0 $0xFFFFFFFF  }
0xb0: {  	s8 =	sshll.u32 @!p0 s1, $0xE  }
0xb1: {  	s8 =	sor.u32 @!p0 $0x4000, s8;
	s7 =	simm.s32 @!p0 $0x1B8D  }
0xb2: {  	s6 =	sshll.u32 @!p0 s6, $0x11;
	s8 =	sadd.s32 @!p0 $0x11B8D, s8;
	_ =	swait.eq @!p0 [sflag:s7], $0x1  }
0xb3: {  	s6 =	sor.u32 @!p0 s6, s8;
	[sflag:s7] =	ssyncadd.s32 @!p0 $0xFFFFFFFF  }
0xb4: {  	s25 =	simm.s32 $0x1B8E;
	s24 =	sld [smem:$0x3FFE];
	[sflag:s6] =	ssyncadd.remote.s32 @!p0 $0x1  }
0xb5: {  	s26 =	simm.s32 $execute0_lowered;
	[smem:$0x3FD2] =	sst s25  }
0xb6: {  	s7 =	sshll.u32 s26, $0x1;
	_ =	strace $0x8000004F;
	[dreg:$0x1] =	wrdreg $0xFFFFFFFF  }
0xb7: {  	s28 =	simm.s32 $_size_execute0_lowered;
	s5 =	sadd.s32 s5, s7;
	[dreg:$0x0] =	wrdreg $0x0  }
0xb8: {  	s7 =	sshll.u32 s28, $0x1;
	[dreg:$0x2] =	wrdreg s5  }
0xb9: {  	[dreg:$0x3] =	wrdreg s7  }
0xba: {  	[dreg:$0x4] =	wrdreg $0xC0  }
0xbb: {  	_ =	task [dreg:s22], $0x5FFFF  }
0xbc: {  	[dreg:$0x1] =	wrdreg $0xFFFFFFFF  }
0xbd: {  	[dreg:$0x0] =	wrdreg $0x60  }
0xbe: {  	[dreg:$0x2] =	wrdreg s4  }
0xbf: {  	[dreg:$0x3] =	wrdreg s24  }
0xc0: {  	[dreg:$0x4] =	wrdreg s18  }
0xc1: {  	[dreg:$0x5] =	wrdreg $0xA  }
0xc2: {  	_ =	task.clear_ibuf [dreg:s22], $0x6FFFF;
	_ =	strace $0x9000004F  }
0xc3: {  	s29 =	simm.s32 $0xA;
	_ =	strace $0x80000051  }
0xc4: {  	_ =	swait.ge [sflag:s29], $0x1  }
0xc5: {  	[sflag:s29] =	ssyncadd.s32 $0xFFFFFFFF  }
0xc6: {  	_ =	strace $0x90000051  }
0xc7: {  	_ =	sfence  }
0xc8: {  	s30 =	sld [smem:$0x0];
	_ =	sdelay $0x2  }
0xc9: {  	s31 =	sshll.u32 s1, $0xD;
	s1 =	sshrl.u32 s1, $0x2  }
0xca: {  	s4 =	sand.u32 $0x4000, s31;
	s1 =	sadd.s32 s1, s30  }
0xcb: {  	s0 =	sor.u32 s4, s0;
	s1 =	sshll.u32 s1, $0x11  }
0xcc: {  	s0 =	sor.u32 s1, s0  }
0xcd: {  	s0 =	sadd.s32 $0x8F2B, s0  }
0xce: {  	[sflag:s0] =	ssyncadd.remote.s32 $0x1  }
0xcf: {  	_ =	sfence.sel $0xFFFF  }
0xd0: {  	[dreg:$0x0] =	wrdreg $0xFFFFFFFF;
	(pc) =	sbr.abs _section_cstart, $3  }
0xd1: {  	[dreg:$0x1] =	wrdreg $0xFFFFFFFF  }
0xd2: {  	_ =	task.clear_ibuf [dreg:s22], $0x2FFFF;
	_ =	strace $0x9FFFFFFF  }
0xd3: {  	(tm) =	ssettm $0x7FFFFFFF  }
tec
execute0_lowered:
.L_overlay_start_1:
0x0: {  	(tag) =	ssettag $0x1  }
0x1: {  	s1 =	rddreg [dreg:$0x0]  }
0x2: {  	s0 =	rddreg [dreg:$0x1];
	s2 =	srdreg.scid  }
0x3: {  	s3 =	stileid.u32;
	s5 =	rddreg [dreg:$0x2]  }
0x4: {  	s14 =	simm.s32 $0x8;
	s10 =	simm.s32 $0x700;
	s18 =	simm.s32 $0x780  }
0x5: {  	s28 =	simm.s32 $0x12800;
	s29 =	simm.s32 $0x3;
	s30 =	simm.s32 $0x4  }
0x6: {  	s31 =	simm.s32 $0x16800;
	s15 =	simm.s32 $0x80;
	s16 =	simm.s32 $0x7  }
0x7: {  	s17 =	simm.s32 $0x0;
	s2 =	sand.u32 $0x1, s2;
	s4 =	sshll.u32 s3, $0x1  }
0x8: {  	s3 =	simm.s32 $0x0;
	s21 =	sadd.s32 $0x3400, s0;
	s4 =	sor.u32 s2, s4  }
0x9: {  	[smem:$0x7FF] =	sst s3;
	s2 =	ssub.s32 $0x2, s2;
	s6 =	smul.u32 $0x50, s4  }
0xa: {  	_ =	strace $0x80000050;
	s7 =	sshll.u32 s4, $0x6;
	[dreg:$0x4] =	wrdreg s21  }
0xb: {  	s22 =	sshrl.u32 s2, $0x1;
	s21 =	simm.s32 $0x6;
	s9 =	sadd.s32 s7, s0  }
0xc: {  	s24 =	sadd.s32 s5, s7;
	s8 =	sadd.s32 s6, s0;
	s6 =	sadd.s32 $0x44600, s0  }
0xd: {  	s0 =	ssub.s32 s2, s22;
	[dreg:$0x6] =	wrdreg s24;
	s25 =	sadd.s32 $0x2000, s9  }
0xe: {  	s26 =	sadd.s32 $0x2010, s9;
	s11 =	sadd.s32 $0x2020, s9;
	s12 =	sadd.s32 $0x2030, s9  }
.Ltmp0:
0xf: {  	s9 =	simm.s32 $0x680;
	s24 =	simm.s32 $0x1;
	(pc) =	sbr.rel .LBB2_1-.Ltmp0, $4  }
0x10: {  	v0 =	vlaneseq.u32;
	s2 =	simm.s32 $0x5;
	s22 =	simm.s32 $0x1A800;
	[dreg:$0x7] =	wrdreg s25  }
0x11: {  	v0 =	vmul.u32 $0x80, v0;
	s23 =	sadd.s32 $0x43C00, s8;
	[dreg:$0x8] =	wrdreg s26;
	s13 =	smax.u32 s0, $0x1  }
0x12: {  	s8 =	simm.s32 $0x600;
	s25 =	simm.s32 $0x10800;
	s26 =	simm.s32 $0x2  }
0x13: {  	v1 =	vor.u32 $0x800, v0;
	v2 =	vor.u32 $0x1000, v0;
	v3 =	vor.u32 $0x1800, v0;
	s0 =	simm.s32 $0x18800;
	[dreg:$0x5] =	wrdreg s23;
	s23 =	simm.s32 $0x14800  }
.LBB2_41:
0x14: {  	s8 =	simm.s32 $0x600;
	s5 =	simm.s32 $0x800  }
0x15: {  	[hbm4b:s6+s15] =	stream.indirect.scatter [tilespmem:s5], [sflag:$0x7], $0x80, s8, s15, $0xb8;
	[tilespmem:$0x1C800] =	vst v63  }
0x16: {  	s9 =	simm.s32 $0x680;
	s18 =	simm.s32 $0x4800  }
0x17: {  	[hbm4b:s6+s15] =	stream.indirect.scatter [tilespmem:s18], [sflag:$0x7], $0x80, s9, s15, $0xb8;
	[tilespmem:$0x1C800] =	vst v63  }
0x18: {  	s10 =	simm.s32 $0x700;
	s19 =	simm.s32 $0x8800  }
0x19: {  	[hbm4b:s6+s15] =	stream.indirect.scatter [tilespmem:s19], [sflag:$0x7], $0x80, s10, s15, $0xb8;
	[tilespmem:$0x1C800] =	vst v63  }
0x1a: {  	s20 =	simm.s32 $0xC800;
	s18 =	simm.s32 $0x780  }
0x1b: {  	[hbm4b:s6+s15] =	stream.indirect.scatter [tilespmem:s20], [sflag:$0x7], $0x80, s18, s15, $0xb8;
	[tilespmem:$0x1C800] =	vst v63  }
0x1c: {  	_ =	swait.ge [sflag:s16], $0x4000  }
0x1d: {  	[sflag:s16] =	ssyncset.done $0x0  }
0x1e: {  	[sflag:s16] =	ssyncadd.s32 $0xFFFFC000  }
0x1f: {  	_ =	swait.ge [sflag:s16], $0x4000  }
0x20: {  	[sflag:s16] =	ssyncset.done $0x0  }
0x21: {  	s17 =	sadd.s32 $0x1, s17;
	[sflag:s16] =	ssyncadd.s32 $0xFFFFC000  }
0x22: {  	p0 =	sne.s32 s17, s13;
	_ =	swait.ge [sflag:s16], $0x4000  }
.Ltmp1:
0x23: {  	[sflag:s16] =	ssyncset.done $0x0;
	(pc) =	sbr.rel @!p0 .LBB2_42-.Ltmp1, $4  }
0x24: {  	[sflag:s16] =	ssyncadd.s32 $0xFFFFC000  }
0x25: {  	_ =	swait.ge [sflag:s16], $0x4000  }
0x26: {  	[sflag:s16] =	ssyncset.done $0x0  }
0x27: {  	[sflag:s16] =	ssyncadd.s32 $0xFFFFC000  }
.LBB2_1:
0x28: {  	s5 =	rddreg [dreg:$0x5]  }
0x29: {  	[tilespmem:s3], [sflag:$0x8] =	stream.linear.gather [hbm4b:s5+s3], $0x280, $0x38;
	[tilespmem:$0x1C800] =	vst v63  }
0x2a: {  	_ =	swait.ge [sflag:s14], $0x280  }
0x2b: {  	[sflag:s14] =	ssyncset.done $0x0  }
0x2c: {  	s7 =	simm.s32 $0x300;
	s20 =	rddreg [dreg:$0x6];
	[sflag:s14] =	ssyncadd.s32 $0xFFFFFD80  }
0x2d: {  	[tilespmem:s7], [sflag:$0x8] =	stream.linear.gather [hbm4b:s20+s3], $0x200, $0x38;
	[tilespmem:$0x1C800] =	vst v63  }
0x2e: {  	_ =	swait.ge [sflag:s14], $0x200  }
0x2f: {  	[sflag:s14] =	ssyncset.done $0x0  }
0x30: {  	s20 =	simm.s32 $0x580;
	s19 =	rddreg [dreg:$0x4];
	[sflag:s14] =	ssyncadd.s32 $0xFFFFFE00  }
0x31: {  	[tilespmem:s20], [sflag:$0x8] =	stream.linear.gather [hbm4b:s19+s3], $0x20, $0x38;
	[tilespmem:$0x1C800] =	vst v63  }
0x32: {  	_ =	swait.ge [sflag:s14], $0x20  }
0x33: {  	[sflag:s14] =	ssyncset.done $0x0  }
0x34: {  	s19 =	rddreg [dreg:$0x7];
	[sflag:s14] =	ssyncadd.s32 $0xFFFFFFE0  }
0x35: {  	[tilespmem:s8], [sflag:$0x8] =	stream.linear.gather [hbm4b:s19+s3], $0x80, $0x38;
	[tilespmem:$0x1C800] =	vst v63  }
0x36: {  	_ =	swait.ge [sflag:s14], $0x80  }
0x37: {  	[sflag:s14] =	ssyncset.done $0x0  }
0x38: {  	s20 =	rddreg [dreg:$0x8];
	[sflag:s14] =	ssyncadd.s32 $0xFFFFFF80  }
0x39: {  	[tilespmem:s9], [sflag:$0x8] =	stream.linear.gather [hbm4b:s20+s3], $0x80, $0x38;
	[tilespmem:$0x1C800] =	vst v63  }
0x3a: {  	_ =	swait.ge [sflag:s14], $0x80  }
0x3b: {  	[sflag:s14] =	ssyncset.done $0x0  }
0x3c: {  	[sflag:s14] =	ssyncadd.s32 $0xFFFFFF80  }
0x3d: {  	[tilespmem:s10], [sflag:$0x8] =	stream.linear.gather [hbm4b:s11+s3], $0x80, $0x38;
	[tilespmem:$0x1C800] =	vst v63  }
0x3e: {  	_ =	swait.ge [sflag:s14], $0x80  }
0x3f: {  	[sflag:s14] =	ssyncset.done $0x0  }
0x40: {  	[sflag:s14] =	ssyncadd.s32 $0xFFFFFF80  }
0x41: {  	[tilespmem:s18], [sflag:$0x8] =	stream.linear.gather [hbm4b:s12+s3], $0x80, $0x38;
	[tilespmem:$0x1C800] =	vst v63  }
0x42: {  	_ =	swait.ge [sflag:s14], $0x80  }
0x43: {  	[sflag:s14] =	ssyncset.done $0x0  }
0x44: {  	[sflag:s14] =	ssyncadd.s32 $0xFFFFFF80  }
0x45: {  	v4 =	vld [tilespmem:s4+$0x580];
	_ =	sdelay $0x4  }
0x46: {  	(v2sf) =	vpush v4, $0x0;
	_ =	sdelay $0xe  }
0x47: {  	s18 =	spop (v2sf)  }
0x48: {  	p0 =	slt.s32 s18, $0x1  }
0x49: {  	v4 =	vld @!p0 [tilespmem:$0x0];
	_ =	sdelay $0x4  }
0x4a: {  	(v2sf) =	vpush @!p0 v4, $0x0;
	_ =	sdelay $0xe  }
0x4b: {  	s5 =	spop @!p0 (v2sf)  }
0x4c: {  	v4 =	vld @!p0 [tilespmem:s5+$0x300];
	_ =	sdelay $0x4  }
0x4d: {  	(v2sf) =	vpush @!p0 v4, $0x0;
	_ =	sdelay $0xe  }
0x4e: {  	s7 =	simm.s32 @!p0 $0x400;
	s5 =	spop @!p0 (v2sf)  }
0x4f: {  	s8 =	simm.s32 @!p0 $0x7A1400;
	s5 =	sand.u32 @!p0 $0xFFFFF80, s5  }
0x50: {  	s9 =	simm.s32 @!p0 $0x10800;
	p1 =	seq.s32 @!p0 s18, $0x1;
	s5 =	sadd.s32 @!p0 s1, s5  }
0x51: {  	[tilespmem:s9], [sflag:$0x1] =	stream.strided.gather @!p0 [hbm4b:s5+s7], $0x2000, s8, s7, $0x38;
	[tilespmem:$0x1C800] =	vst v63  }
0x52: {  	p0 =	por p0, p1  }
0x53: {  	v4 =	vld @!p0 [tilespmem:$0x1];
	_ =	sdelay $0x4  }
0x54: {  	(v2sf) =	vpush @!p0 v4, $0x0;
	_ =	sdelay $0xe  }
0x55: {  	s5 =	spop @!p0 (v2sf)  }
0x56: {  	v4 =	vld @!p0 [tilespmem:s5+$0x300];
	_ =	sdelay $0x4  }
0x57: {  	(v2sf) =	vpush @!p0 v4, $0x0;
	_ =	sdelay $0xe  }
0x58: {  	s7 =	simm.s32 @!p0 $0x400;
	s5 =	spop @!p0 (v2sf)  }
0x59: {  	s8 =	simm.s32 @!p0 $0x7A1400;
	s5 =	sand.u32 @!p0 $0xFFFFF80, s5  }
0x5a: {  	s9 =	simm.s32 @!p0 $0x12800;
	p1 =	slt.u32 @!p0 s18, $0x3;
	s5 =	sadd.s32 @!p0 s1, s5  }
0x5b: {  	[tilespmem:s9], [sflag:$0x2] =	stream.strided.gather @!p0 [hbm4b:s5+s7], $0x2000, s8, s7, $0x38;
	[tilespmem:$0x1C800] =	vst v63  }
0x5c: {  	p0 =	por p0, p1  }
.Ltmp2:
0x5d: {  	_ = 	snop;
	(pc) =	sbr.rel @p0 .LBB2_3-.Ltmp2, $1  }
0x5e: {  	_ =	sdelay $0x3  }
0x5f: {  	v4 =	vld [tilespmem:$0x2];
	_ =	sdelay $0x4  }
0x60: {  	(v2sf) =	vpush v4, $0x0;
	_ =	sdelay $0xe  }
0x61: {  	s5 =	spop (v2sf)  }
0x62: {  	v4 =	vld [tilespmem:s5+$0x300];
	_ =	sdelay $0x4  }
0x63: {  	(v2sf) =	vpush v4, $0x0;
	_ =	sdelay $0xe  }
0x64: {  	s20 =	spop (v2sf)  }
0x65: {  	s7 =	simm.s32 $0x400;
	s5 =	sand.u32 $0xFFFFF80, s20  }
0x66: {  	s8 =	simm.s32 $0x7A1400;
	p0 =	seq.s32 s18, $0x3;
	s5 =	sadd.s32 s1, s5  }
0x67: {  	[tilespmem:s23], [sflag:$0x3] =	stream.strided.gather [hbm4b:s5+s7], $0x2000, s8, s7, $0x38;
	[tilespmem:$0x1C800] =	vst v63  }
0x68: {  	v4 =	vld @!p0 [tilespmem:$0x3];
	_ =	sdelay $0x4  }
0x69: {  	(v2sf) =	vpush @!p0 v4, $0x0;
	_ =	sdelay $0xe  }
0x6a: {  	s5 =	spop @!p0 (v2sf)  }
0x6b: {  	v4 =	vld @!p0 [tilespmem:s5+$0x300];
	_ =	sdelay $0x4  }
0x6c: {  	(v2sf) =	vpush @!p0 v4, $0x0;
	_ =	sdelay $0xe  }
0x6d: {  	p1 =	slt.u32 @!p0 s18, $0x5;
	s5 =	spop @!p0 (v2sf)  }
0x6e: {  	s9 =	simm.s32 @!p0 $0x16800;
	p2 =	por p1, p0;
	s5 =	sand.u32 @!p0 $0xFFFFF80, s5  }
0x6f: {  	s7 =	simm.s32 @!p0 $0x400;
	s8 =	simm.s32 @!p0 $0x7A1400;
	s5 =	sadd.s32 @!p0 s1, s5  }
0x70: {  	[tilespmem:s9], [sflag:$0x4] =	stream.strided.gather @!p0 [hbm4b:s5+s7], $0x2000, s8, s7, $0x38;
	[tilespmem:$0x1C800] =	vst v63  }
0x71: {  	v4 =	vld @!p2 [tilespmem:$0x4];
	_ =	sdelay $0x4  }
0x72: {  	(v2sf) =	vpush @!p2 v4, $0x0;
	_ =	sdelay $0xe  }
0x73: {  	s5 =	spop @!p2 (v2sf)  }
0x74: {  	v4 =	vld @!p2 [tilespmem:s5+$0x300];
	_ =	sdelay $0x4  }
0x75: {  	(v2sf) =	vpush @!p2 v4, $0x0;
	_ =	sdelay $0xe  }
0x76: {  	s5 =	spop @!p2 (v2sf)  }
0x77: {  	s7 =	simm.s32 @!p2 $0x400;
	s5 =	sand.u32 @!p2 $0xFFFFF80, s5  }
0x78: {  	s8 =	simm.s32 @!p2 $0x7A1400;
	s9 =	simm.s32 @!p2 $0x18800;
	s5 =	sadd.s32 @!p2 s1, s5  }
0x79: {  	[tilespmem:s9], [sflag:$0x5] =	stream.strided.gather @!p2 [hbm4b:s5+s7], $0x2000, s8, s7, $0x38;
	[tilespmem:$0x1C800] =	vst v63  }
0x7a: {  	p2 =	seq.s32 @!p2 s18, $0x5  }
0x7b: {  	p1 =	por @!p0 p2, p1  }
0x7c: {  	p0 =	por p1, p0  }
0x7d: {  	v4 =	vld @!p0 [tilespmem:$0x5];
	_ =	sdelay $0x4  }
0x7e: {  	(v2sf) =	vpush @!p0 v4, $0x0;
	_ =	sdelay $0xe  }
0x7f: {  	s5 =	spop @!p0 (v2sf)  }
0x80: {  	v4 =	vld @!p0 [tilespmem:s5+$0x300];
	_ =	sdelay $0x4  }
0x81: {  	(v2sf) =	vpush @!p0 v4, $0x0;
	_ =	sdelay $0xe  }
0x82: {  	s5 =	spop @!p0 (v2sf)  }
0x83: {  	s7 =	simm.s32 @!p0 $0x400;
	s5 =	sand.u32 @!p0 $0xFFFFF80, s5  }
0x84: {  	s8 =	simm.s32 @!p0 $0x7A1400;
	s9 =	simm.s32 @!p0 $0x1A800;
	s5 =	sadd.s32 @!p0 s1, s5  }
0x85: {  	[tilespmem:s9], [sflag:$0x6] =	stream.strided.gather @!p0 [hbm4b:s5+s7], $0x2000, s8, s7, $0x38;
	[tilespmem:$0x1C800] =	vst v63  }
.LBB2_3:
.Ltmp3:
0x86: {  	(pc) =	sbr.rel .LBB2_4-.Ltmp3, $2  }
0x87: {  	_ =	sdelay $0x2  }
0x88: {  	s5 =	simm.s32 $0x0  }
.LBB2_38:
0x89: {  	[tilespmem:s7+$0x10] =	vst v4  }
.LBB2_39:
0x8a: {  	s7 =	sadd.s32 $0xB, s19  }
0x8b: {  	p0 =	sge.u32 s7, s18  }
0x8c: {  	v4 =	vld @!p0 [tilespmem:s19+$0xB];
	_ =	sdelay $0x4  }
0x8d: {  	(v2sf) =	vpush @!p0 v4, $0x0;
	_ =	sdelay $0xe  }
0x8e: {  	s7 =	spop @!p0 (v2sf)  }
0x8f: {  	v4 =	vld @!p0 [tilespmem:s7+$0x300];
	_ =	sdelay $0x4  }
0x90: {  	(v2sf) =	vpush @!p0 v4, $0x0;
	_ =	sdelay $0xe  }
0x91: {  	s7 =	spop @!p0 (v2sf)  }
0x92: {  	s8 =	simm.s32 @!p0 $0x400;
	s7 =	sand.u32 @!p0 $0xFFFFF80, s7  }
0x93: {  	s9 =	simm.s32 @!p0 $0x7A1400;
	s10 =	simm.s32 @!p0 $0x1A800;
	s7 =	sadd.s32 @!p0 s1, s7  }
0x94: {  	[tilespmem:s10], [sflag:$0x6] =	stream.strided.gather @!p0 [hbm4b:s7+s8], $0x2000, s9, s8, $0x38;
	[tilespmem:$0x1C800] =	vst v63  }
.LBB2_40:
0x95: {  	s5 =	sadd.s32 $0x1, s5  }
0x96: {  	p0 =	sne.s32 s5, $0x6A  }
.Ltmp4:
0x97: {  	_ = 	snop;
	(pc) =	sbr.rel @!p0 .LBB2_41-.Ltmp4, $1  }
0x98: {  	_ =	sdelay $0x3  }
.LBB2_4:
0x99: {  	s19 =	smul.u32 $0x6, s5;
	_ =	sdelay $0x1  }
0x9a: {  	p0 =	sge.s32 s19, s18  }
.Ltmp5:
0x9b: {  	_ = 	snop;
	(pc) =	sbr.rel @p0 .LBB2_10-.Ltmp5, $1  }
0x9c: {  	_ =	sdelay $0x3  }
0x9d: {  	_ =	swait.ge [sflag:s24], $0x2000  }
0x9e: {  	[sflag:s24] =	ssyncset.done $0x0  }
0x9f: {  	[sflag:s24] =	ssyncadd.s32 $0xFFFFE000  }
0xa0: {  	v4 =	vld [tilespmem:s19+$0x0]  }
0xa1: {  	v5 =	vld [tilespmem:s19+$0x1];
	_ =	sdelay $0x3  }
0xa2: {  	(v2sf) =	vpush v4, $0x0  }
0xa3: {  	(v2sf) =	vpush v5, $0x0;
	_ =	sdelay $0xd  }
0xa4: {  	s8 =	spop (v2sf)  }
0xa5: {  	s9 =	spop (v2sf)  }
0xa6: {  	p0 =	sle.s32 s9, s8  }
.Ltmp6:
0xa7: {  	_ = 	snop;
	(pc) =	sbr.rel @p0 .LBB2_9-.Ltmp6, $1  }
0xa8: {  	_ =	sdelay $0x3  }
0xa9: {  	s7 =	sshll.u32 s8, $0x2  }
0xaa: {  	s7 =	sshra.s32 s7, $0x2  }
0xab: {  	s20 =	sadd.s32 $0x300, s7  }
0xac: {  	v4 =	vld [tilespmem:s20+$0x0];
	_ =	sdelay $0x4  }
0xad: {  	(v2sf) =	vpush v4, $0x0;
	_ =	sdelay $0xe  }
0xae: {  	s10 =	spop (v2sf)  }
0xaf: {  	s10 =	sand.u32 $0x7F, s10  }
0xb0: {  	v4 =	vor.u32 s10, v0;
	_ =	sdelay $0x4  }
0xb1: {  	v4 =	vld.idx.msk [tilespmem:v4+s25+$0x0], $0xffff  }
0xb2: {  	v5 =	vor.u32 s10, v1  }
0xb3: {  	s7 =	sshll.u32 s8, $0x9  }
0xb4: {  	s7 =	sshra.s32 s7, $0x2  }
0xb5: {  	s7 =	sadd.s32 $0x820, s7  }
0xb6: {  	[tilespmem:s7+$0xFFFFFFE0] =	vst v4  }
0xb7: {  	v4 =	vld.idx.msk [tilespmem:v5+s25+$0x0], $0xffff  }
0xb8: {  	v5 =	vor.u32 s10, v2;
	_ =	sdelay $0x3  }
0xb9: {  	[tilespmem:s7+$0xFFFFFFF0] =	vst v4  }
0xba: {  	v4 =	vld.idx.msk [tilespmem:v5+s25+$0x0], $0xffff;
	v5 =	vor.u32 s10, v3;
	s10 =	ssub.s32 s9, s8  }
0xbb: {  	p0 =	sne.s32 s10, $0x1  }
.Ltmp7:
0xbc: {  	_ = 	snop;
	(pc) =	sbr.rel @!p0 .LBB2_8-.Ltmp7, $3  }
0xbd: {  	_ =	sdelay $0x1  }
0xbe: {  	[tilespmem:s7+$0x0] =	vst v4  }
0xbf: {  	s8 =	sadd.s32 $0xFFFFFFFF, s10;
	v4 =	vld.idx.msk [tilespmem:v5+s25+$0x0], $0xffff  }
.LBB2_7:
0xc0: {  	_ =	sdelay $0x3  }
0xc1: {  	p0 =	sne.s32 s8, $0x1;
	s20 =	sadd.s32 $0x1, s20;
	[tilespmem:s7+$0x10] =	vst v4;
	s7 =	sadd.s32 $0x80, s7  }
0xc2: {  	s8 =	sadd.s32 $0xFFFFFFFF, s8;
	v4 =	vld [tilespmem:s20+$0x0];
	_ =	sdelay $0x4  }
0xc3: {  	(v2sf) =	vpush v4, $0x0;
	_ =	sdelay $0xe  }
0xc4: {  	s9 =	spop (v2sf)  }
0xc5: {  	s9 =	sand.u32 $0x7F, s9  }
0xc6: {  	v4 =	vor.u32 s9, v0;
	_ =	sdelay $0x4  }
0xc7: {  	v4 =	vld.idx.msk [tilespmem:v4+s25+$0x0], $0xffff;
	_ =	sdelay $0x1  }
0xc8: {  	v5 =	vor.u32 s9, v1;
	_ =	sdelay $0x3  }
0xc9: {  	[tilespmem:s7+$0xFFFFFFE0] =	vst v4  }
0xca: {  	v4 =	vld.idx.msk [tilespmem:v5+s25+$0x0], $0xffff;
	_ =	sdelay $0x1  }
0xcb: {  	v5 =	vor.u32 s9, v2;
	_ =	sdelay $0x3  }
0xcc: {  	[tilespmem:s7+$0xFFFFFFF0] =	vst v4  }
0xcd: {  	v4 =	vld.idx.msk [tilespmem:v5+s25+$0x0], $0xffff;
	_ =	sdelay $0x1  }
0xce: {  	v5 =	vor.u32 s9, v3  }
.Ltmp8:
0xcf: {  	(pc) =	sbr.rel @p0 .LBB2_7-.Ltmp8, $3  }
0xd0: {  	_ =	sdelay $0x1  }
0xd1: {  	[tilespmem:s7+$0x0] =	vst v4  }
0xd2: {  	v4 =	vld.idx.msk [tilespmem:v5+s25+$0x0], $0xffff  }
.LBB2_8:
0xd3: {  	_ =	sdelay $0x3  }
0xd4: {  	[tilespmem:s7+$0x10] =	vst v4  }
.LBB2_9:
0xd5: {  	s7 =	sadd.s32 $0x6, s19  }
0xd6: {  	p0 =	sge.u32 s7, s18  }
0xd7: {  	v4 =	vld @!p0 [tilespmem:s19+$0x6];
	_ =	sdelay $0x4  }
0xd8: {  	(v2sf) =	vpush @!p0 v4, $0x0;
	_ =	sdelay $0xe  }
0xd9: {  	s7 =	spop @!p0 (v2sf)  }
0xda: {  	v4 =	vld @!p0 [tilespmem:s7+$0x300];
	_ =	sdelay $0x4  }
0xdb: {  	(v2sf) =	vpush @!p0 v4, $0x0;
	_ =	sdelay $0xe  }
0xdc: {  	s7 =	spop @!p0 (v2sf)  }
0xdd: {  	s8 =	simm.s32 @!p0 $0x400;
	s7 =	sand.u32 @!p0 $0xFFFFF80, s7  }
0xde: {  	s9 =	simm.s32 @!p0 $0x7A1400;
	s10 =	simm.s32 @!p0 $0x10800;
	s7 =	sadd.s32 @!p0 s1, s7  }
0xdf: {  	[tilespmem:s10], [sflag:$0x1] =	stream.strided.gather @!p0 [hbm4b:s7+s8], $0x2000, s9, s8, $0x38;
	[tilespmem:$0x1C800] =	vst v63  }
.LBB2_10:
0xe0: {  	s7 =	sor.u32 $0x1, s19  }
0xe1: {  	p0 =	sge.s32 s7, s18  }
.Ltmp9:
0xe2: {  	_ = 	snop;
	(pc) =	sbr.rel @p0 .LBB2_16-.Ltmp9, $1  }
0xe3: {  	_ =	sdelay $0x3  }
0xe4: {  	_ =	swait.ge [sflag:s26], $0x2000  }
0xe5: {  	[sflag:s26] =	ssyncset.done $0x0  }
0xe6: {  	[sflag:s26] =	ssyncadd.s32 $0xFFFFE000  }
0xe7: {  	v4 =	vld [tilespmem:s19+$0x1]  }
0xe8: {  	v5 =	vld [tilespmem:s19+$0x2];
	_ =	sdelay $0x3  }
0xe9: {  	(v2sf) =	vpush v4, $0x0  }
0xea: {  	(v2sf) =	vpush v5, $0x0;
	_ =	sdelay $0xd  }
0xeb: {  	s8 =	spop (v2sf)  }
0xec: {  	s9 =	spop (v2sf)  }
0xed: {  	p0 =	sle.s32 s9, s8  }
.Ltmp10:
0xee: {  	_ = 	snop;
	(pc) =	sbr.rel @p0 .LBB2_15-.Ltmp10, $1  }
0xef: {  	_ =	sdelay $0x3  }
0xf0: {  	s7 =	sshll.u32 s8, $0x2  }
0xf1: {  	s7 =	sshra.s32 s7, $0x2  }
0xf2: {  	s20 =	sadd.s32 $0x300, s7  }
0xf3: {  	v4 =	vld [tilespmem:s20+$0x0];
	_ =	sdelay $0x4  }
0xf4: {  	(v2sf) =	vpush v4, $0x0;
	_ =	sdelay $0xe  }
0xf5: {  	s10 =	spop (v2sf)  }
0xf6: {  	s10 =	sand.u32 $0x7F, s10  }
0xf7: {  	v4 =	vor.u32 s10, v0;
	_ =	sdelay $0x4  }
0xf8: {  	v4 =	vld.idx.msk [tilespmem:v4+s28+$0x0], $0xffff  }
0xf9: {  	v5 =	vor.u32 s10, v1  }
0xfa: {  	s7 =	sshll.u32 s8, $0x9  }
0xfb: {  	s7 =	sshra.s32 s7, $0x2  }
0xfc: {  	s7 =	sadd.s32 $0x820, s7  }
0xfd: {  	[tilespmem:s7+$0xFFFFFFE0] =	vst v4  }
0xfe: {  	v4 =	vld.idx.msk [tilespmem:v5+s28+$0x0], $0xffff  }
0xff: {  	v5 =	vor.u32 s10, v2;
	_ =	sdelay $0x3  }
0x100: {  	[tilespmem:s7+$0xFFFFFFF0] =	vst v4  }
0x101: {  	v4 =	vld.idx.msk [tilespmem:v5+s28+$0x0], $0xffff;
	v5 =	vor.u32 s10, v3;
	s10 =	ssub.s32 s9, s8  }
0x102: {  	p0 =	sne.s32 s10, $0x1  }
.Ltmp11:
0x103: {  	_ = 	snop;
	(pc) =	sbr.rel @!p0 .LBB2_14-.Ltmp11, $3  }
0x104: {  	_ =	sdelay $0x1  }
0x105: {  	[tilespmem:s7+$0x0] =	vst v4  }
0x106: {  	s8 =	sadd.s32 $0xFFFFFFFF, s10;
	v4 =	vld.idx.msk [tilespmem:v5+s28+$0x0], $0xffff  }
.LBB2_13:
0x107: {  	_ =	sdelay $0x3  }
0x108: {  	p0 =	sne.s32 s8, $0x1;
	s20 =	sadd.s32 $0x1, s20;
	[tilespmem:s7+$0x10] =	vst v4;
	s7 =	sadd.s32 $0x80, s7  }
0x109: {  	s8 =	sadd.s32 $0xFFFFFFFF, s8;
	v4 =	vld [tilespmem:s20+$0x0];
	_ =	sdelay $0x4  }
0x10a: {  	(v2sf) =	vpush v4, $0x0;
	_ =	sdelay $0xe  }
0x10b: {  	s9 =	spop (v2sf)  }
0x10c: {  	s9 =	sand.u32 $0x7F, s9  }
0x10d: {  	v4 =	vor.u32 s9, v0;
	_ =	sdelay $0x4  }
0x10e: {  	v4 =	vld.idx.msk [tilespmem:v4+s28+$0x0], $0xffff;
	_ =	sdelay $0x1  }
0x10f: {  	v5 =	vor.u32 s9, v1;
	_ =	sdelay $0x3  }
0x110: {  	[tilespmem:s7+$0xFFFFFFE0] =	vst v4  }
0x111: {  	v4 =	vld.idx.msk [tilespmem:v5+s28+$0x0], $0xffff;
	_ =	sdelay $0x1  }
0x112: {  	v5 =	vor.u32 s9, v2;
	_ =	sdelay $0x3  }
0x113: {  	[tilespmem:s7+$0xFFFFFFF0] =	vst v4  }
0x114: {  	v4 =	vld.idx.msk [tilespmem:v5+s28+$0x0], $0xffff;
	_ =	sdelay $0x1  }
0x115: {  	v5 =	vor.u32 s9, v3  }
.Ltmp12:
0x116: {  	(pc) =	sbr.rel @p0 .LBB2_13-.Ltmp12, $3  }
0x117: {  	_ =	sdelay $0x1  }
0x118: {  	[tilespmem:s7+$0x0] =	vst v4  }
0x119: {  	v4 =	vld.idx.msk [tilespmem:v5+s28+$0x0], $0xffff  }
.LBB2_14:
0x11a: {  	_ =	sdelay $0x3  }
0x11b: {  	[tilespmem:s7+$0x10] =	vst v4  }
.LBB2_15:
0x11c: {  	s7 =	sadd.s32 $0x7, s19  }
0x11d: {  	p0 =	sge.u32 s7, s18  }
0x11e: {  	v4 =	vld @!p0 [tilespmem:s19+$0x7];
	_ =	sdelay $0x4  }
0x11f: {  	(v2sf) =	vpush @!p0 v4, $0x0;
	_ =	sdelay $0xe  }
0x120: {  	s7 =	spop @!p0 (v2sf)  }
0x121: {  	v4 =	vld @!p0 [tilespmem:s7+$0x300];
	_ =	sdelay $0x4  }
0x122: {  	(v2sf) =	vpush @!p0 v4, $0x0;
	_ =	sdelay $0xe  }
0x123: {  	s7 =	spop @!p0 (v2sf)  }
0x124: {  	s8 =	simm.s32 @!p0 $0x400;
	s7 =	sand.u32 @!p0 $0xFFFFF80, s7  }
0x125: {  	s9 =	simm.s32 @!p0 $0x7A1400;
	s10 =	simm.s32 @!p0 $0x12800;
	s7 =	sadd.s32 @!p0 s1, s7  }
0x126: {  	[tilespmem:s10], [sflag:$0x2] =	stream.strided.gather @!p0 [hbm4b:s7+s8], $0x2000, s9, s8, $0x38;
	[tilespmem:$0x1C800] =	vst v63  }
.LBB2_16:
0x127: {  	s7 =	sadd.s32 $0x2, s19  }
0x128: {  	p0 =	sge.s32 s7, s18  }
.Ltmp13:
0x129: {  	_ = 	snop;
	(pc) =	sbr.rel @p0 .LBB2_22-.Ltmp13, $1  }
0x12a: {  	_ =	sdelay $0x3  }
0x12b: {  	_ =	swait.ge [sflag:s29], $0x2000  }
0x12c: {  	[sflag:s29] =	ssyncset.done $0x0  }
0x12d: {  	[sflag:s29] =	ssyncadd.s32 $0xFFFFE000  }
0x12e: {  	v4 =	vld [tilespmem:s19+$0x2]  }
0x12f: {  	v5 =	vld [tilespmem:s19+$0x3];
	_ =	sdelay $0x3  }
0x130: {  	(v2sf) =	vpush v4, $0x0  }
0x131: {  	(v2sf) =	vpush v5, $0x0;
	_ =	sdelay $0xd  }
0x132: {  	s8 =	spop (v2sf)  }
0x133: {  	s9 =	spop (v2sf)  }
0x134: {  	p0 =	sle.s32 s9, s8  }
.Ltmp14:
0x135: {  	_ = 	snop;
	(pc) =	sbr.rel @p0 .LBB2_21-.Ltmp14, $1  }
0x136: {  	_ =	sdelay $0x3  }
0x137: {  	s7 =	sshll.u32 s8, $0x2  }
0x138: {  	s7 =	sshra.s32 s7, $0x2  }
0x139: {  	s20 =	sadd.s32 $0x300, s7  }
0x13a: {  	v4 =	vld [tilespmem:s20+$0x0];
	_ =	sdelay $0x4  }
0x13b: {  	(v2sf) =	vpush v4, $0x0;
	_ =	sdelay $0xe  }
0x13c: {  	s10 =	spop (v2sf)  }
0x13d: {  	s10 =	sand.u32 $0x7F, s10  }
0x13e: {  	v4 =	vor.u32 s10, v0;
	_ =	sdelay $0x4  }
0x13f: {  	v4 =	vld.idx.msk [tilespmem:v4+s23+$0x0], $0xffff  }
0x140: {  	v5 =	vor.u32 s10, v1  }
0x141: {  	s7 =	sshll.u32 s8, $0x9  }
0x142: {  	s7 =	sshra.s32 s7, $0x2  }
0x143: {  	s7 =	sadd.s32 $0x820, s7  }
0x144: {  	[tilespmem:s7+$0xFFFFFFE0] =	vst v4  }
0x145: {  	v4 =	vld.idx.msk [tilespmem:v5+s23+$0x0], $0xffff  }
0x146: {  	v5 =	vor.u32 s10, v2;
	_ =	sdelay $0x3  }
0x147: {  	[tilespmem:s7+$0xFFFFFFF0] =	vst v4  }
0x148: {  	v4 =	vld.idx.msk [tilespmem:v5+s23+$0x0], $0xffff;
	v5 =	vor.u32 s10, v3;
	s10 =	ssub.s32 s9, s8  }
0x149: {  	p0 =	sne.s32 s10, $0x1  }
.Ltmp15:
0x14a: {  	_ = 	snop;
	(pc) =	sbr.rel @!p0 .LBB2_20-.Ltmp15, $3  }
0x14b: {  	_ =	sdelay $0x1  }
0x14c: {  	[tilespmem:s7+$0x0] =	vst v4  }
0x14d: {  	s8 =	sadd.s32 $0xFFFFFFFF, s10;
	v4 =	vld.idx.msk [tilespmem:v5+s23+$0x0], $0xffff  }
.LBB2_19:
0x14e: {  	_ =	sdelay $0x3  }
0x14f: {  	p0 =	sne.s32 s8, $0x1;
	s20 =	sadd.s32 $0x1, s20;
	[tilespmem:s7+$0x10] =	vst v4;
	s7 =	sadd.s32 $0x80, s7  }
0x150: {  	s8 =	sadd.s32 $0xFFFFFFFF, s8;
	v4 =	vld [tilespmem:s20+$0x0];
	_ =	sdelay $0x4  }
0x151: {  	(v2sf) =	vpush v4, $0x0;
	_ =	sdelay $0xe  }
0x152: {  	s9 =	spop (v2sf)  }
0x153: {  	s9 =	sand.u32 $0x7F, s9  }
0x154: {  	v4 =	vor.u32 s9, v0;
	_ =	sdelay $0x4  }
0x155: {  	v4 =	vld.idx.msk [tilespmem:v4+s23+$0x0], $0xffff;
	_ =	sdelay $0x1  }
0x156: {  	v5 =	vor.u32 s9, v1;
	_ =	sdelay $0x3  }
0x157: {  	[tilespmem:s7+$0xFFFFFFE0] =	vst v4  }
0x158: {  	v4 =	vld.idx.msk [tilespmem:v5+s23+$0x0], $0xffff;
	_ =	sdelay $0x1  }
0x159: {  	v5 =	vor.u32 s9, v2;
	_ =	sdelay $0x3  }
0x15a: {  	[tilespmem:s7+$0xFFFFFFF0] =	vst v4  }
0x15b: {  	v4 =	vld.idx.msk [tilespmem:v5+s23+$0x0], $0xffff;
	_ =	sdelay $0x1  }
0x15c: {  	v5 =	vor.u32 s9, v3  }
.Ltmp16:
0x15d: {  	(pc) =	sbr.rel @p0 .LBB2_19-.Ltmp16, $3  }
0x15e: {  	_ =	sdelay $0x1  }
0x15f: {  	[tilespmem:s7+$0x0] =	vst v4  }
0x160: {  	v4 =	vld.idx.msk [tilespmem:v5+s23+$0x0], $0xffff  }
.LBB2_20:
0x161: {  	_ =	sdelay $0x3  }
0x162: {  	[tilespmem:s7+$0x10] =	vst v4  }
.LBB2_21:
0x163: {  	s7 =	sadd.s32 $0x8, s19  }
0x164: {  	p0 =	sge.u32 s7, s18  }
0x165: {  	v4 =	vld @!p0 [tilespmem:s19+$0x8];
	_ =	sdelay $0x4  }
0x166: {  	(v2sf) =	vpush @!p0 v4, $0x0;
	_ =	sdelay $0xe  }
0x167: {  	s7 =	spop @!p0 (v2sf)  }
0x168: {  	v4 =	vld @!p0 [tilespmem:s7+$0x300];
	_ =	sdelay $0x4  }
0x169: {  	(v2sf) =	vpush @!p0 v4, $0x0;
	_ =	sdelay $0xe  }
0x16a: {  	s7 =	spop @!p0 (v2sf)  }
0x16b: {  	s8 =	simm.s32 @!p0 $0x400;
	s7 =	sand.u32 @!p0 $0xFFFFF80, s7  }
0x16c: {  	s9 =	simm.s32 @!p0 $0x7A1400;
	s10 =	simm.s32 @!p0 $0x14800;
	s7 =	sadd.s32 @!p0 s1, s7  }
0x16d: {  	[tilespmem:s10], [sflag:$0x3] =	stream.strided.gather @!p0 [hbm4b:s7+s8], $0x2000, s9, s8, $0x38;
	[tilespmem:$0x1C800] =	vst v63  }
.LBB2_22:
0x16e: {  	s7 =	sadd.s32 $0x3, s19  }
0x16f: {  	p0 =	sge.s32 s7, s18  }
.Ltmp17:
0x170: {  	_ = 	snop;
	(pc) =	sbr.rel @p0 .LBB2_28-.Ltmp17, $1  }
0x171: {  	_ =	sdelay $0x3  }
0x172: {  	_ =	swait.ge [sflag:s30], $0x2000  }
0x173: {  	[sflag:s30] =	ssyncset.done $0x0  }
0x174: {  	[sflag:s30] =	ssyncadd.s32 $0xFFFFE000  }
0x175: {  	v4 =	vld [tilespmem:s19+$0x3]  }
0x176: {  	v5 =	vld [tilespmem:s19+$0x4];
	_ =	sdelay $0x3  }
0x177: {  	(v2sf) =	vpush v4, $0x0  }
0x178: {  	(v2sf) =	vpush v5, $0x0;
	_ =	sdelay $0xd  }
0x179: {  	s8 =	spop (v2sf)  }
0x17a: {  	s9 =	spop (v2sf)  }
0x17b: {  	p0 =	sle.s32 s9, s8  }
.Ltmp18:
0x17c: {  	_ = 	snop;
	(pc) =	sbr.rel @p0 .LBB2_27-.Ltmp18, $1  }
0x17d: {  	_ =	sdelay $0x3  }
0x17e: {  	s7 =	sshll.u32 s8, $0x2  }
0x17f: {  	s7 =	sshra.s32 s7, $0x2  }
0x180: {  	s20 =	sadd.s32 $0x300, s7  }
0x181: {  	v4 =	vld [tilespmem:s20+$0x0];
	_ =	sdelay $0x4  }
0x182: {  	(v2sf) =	vpush v4, $0x0;
	_ =	sdelay $0xe  }
0x183: {  	s10 =	spop (v2sf)  }
0x184: {  	s10 =	sand.u32 $0x7F, s10  }
0x185: {  	v4 =	vor.u32 s10, v0;
	_ =	sdelay $0x4  }
0x186: {  	v4 =	vld.idx.msk [tilespmem:v4+s31+$0x0], $0xffff  }
0x187: {  	v5 =	vor.u32 s10, v1  }
0x188: {  	s7 =	sshll.u32 s8, $0x9  }
0x189: {  	s7 =	sshra.s32 s7, $0x2  }
0x18a: {  	s7 =	sadd.s32 $0x820, s7  }
0x18b: {  	[tilespmem:s7+$0xFFFFFFE0] =	vst v4  }
0x18c: {  	v4 =	vld.idx.msk [tilespmem:v5+s31+$0x0], $0xffff  }
0x18d: {  	v5 =	vor.u32 s10, v2;
	_ =	sdelay $0x3  }
0x18e: {  	[tilespmem:s7+$0xFFFFFFF0] =	vst v4  }
0x18f: {  	v4 =	vld.idx.msk [tilespmem:v5+s31+$0x0], $0xffff;
	v5 =	vor.u32 s10, v3;
	s10 =	ssub.s32 s9, s8  }
0x190: {  	p0 =	sne.s32 s10, $0x1  }
.Ltmp19:
0x191: {  	_ = 	snop;
	(pc) =	sbr.rel @!p0 .LBB2_26-.Ltmp19, $3  }
0x192: {  	_ =	sdelay $0x1  }
0x193: {  	[tilespmem:s7+$0x0] =	vst v4  }
0x194: {  	s8 =	sadd.s32 $0xFFFFFFFF, s10;
	v4 =	vld.idx.msk [tilespmem:v5+s31+$0x0], $0xffff  }
.LBB2_25:
0x195: {  	_ =	sdelay $0x3  }
0x196: {  	p0 =	sne.s32 s8, $0x1;
	s20 =	sadd.s32 $0x1, s20;
	[tilespmem:s7+$0x10] =	vst v4;
	s7 =	sadd.s32 $0x80, s7  }
0x197: {  	s8 =	sadd.s32 $0xFFFFFFFF, s8;
	v4 =	vld [tilespmem:s20+$0x0];
	_ =	sdelay $0x4  }
0x198: {  	(v2sf) =	vpush v4, $0x0;
	_ =	sdelay $0xe  }
0x199: {  	s9 =	spop (v2sf)  }
0x19a: {  	s9 =	sand.u32 $0x7F, s9  }
0x19b: {  	v4 =	vor.u32 s9, v0;
	_ =	sdelay $0x4  }
0x19c: {  	v4 =	vld.idx.msk [tilespmem:v4+s31+$0x0], $0xffff;
	_ =	sdelay $0x1  }
0x19d: {  	v5 =	vor.u32 s9, v1;
	_ =	sdelay $0x3  }
0x19e: {  	[tilespmem:s7+$0xFFFFFFE0] =	vst v4  }
0x19f: {  	v4 =	vld.idx.msk [tilespmem:v5+s31+$0x0], $0xffff;
	_ =	sdelay $0x1  }
0x1a0: {  	v5 =	vor.u32 s9, v2;
	_ =	sdelay $0x3  }
0x1a1: {  	[tilespmem:s7+$0xFFFFFFF0] =	vst v4  }
0x1a2: {  	v4 =	vld.idx.msk [tilespmem:v5+s31+$0x0], $0xffff;
	_ =	sdelay $0x1  }
0x1a3: {  	v5 =	vor.u32 s9, v3  }
.Ltmp20:
0x1a4: {  	(pc) =	sbr.rel @p0 .LBB2_25-.Ltmp20, $3  }
0x1a5: {  	_ =	sdelay $0x1  }
0x1a6: {  	[tilespmem:s7+$0x0] =	vst v4  }
0x1a7: {  	v4 =	vld.idx.msk [tilespmem:v5+s31+$0x0], $0xffff  }
.LBB2_26:
0x1a8: {  	_ =	sdelay $0x3  }
0x1a9: {  	[tilespmem:s7+$0x10] =	vst v4  }
.LBB2_27:
0x1aa: {  	s7 =	sadd.s32 $0x9, s19  }
0x1ab: {  	p0 =	sge.u32 s7, s18  }
0x1ac: {  	v4 =	vld @!p0 [tilespmem:s19+$0x9];
	_ =	sdelay $0x4  }
0x1ad: {  	(v2sf) =	vpush @!p0 v4, $0x0;
	_ =	sdelay $0xe  }
0x1ae: {  	s7 =	spop @!p0 (v2sf)  }
0x1af: {  	v4 =	vld @!p0 [tilespmem:s7+$0x300];
	_ =	sdelay $0x4  }
0x1b0: {  	(v2sf) =	vpush @!p0 v4, $0x0;
	_ =	sdelay $0xe  }
0x1b1: {  	s7 =	spop @!p0 (v2sf)  }
0x1b2: {  	s8 =	simm.s32 @!p0 $0x400;
	s7 =	sand.u32 @!p0 $0xFFFFF80, s7  }
0x1b3: {  	s9 =	simm.s32 @!p0 $0x7A1400;
	s10 =	simm.s32 @!p0 $0x16800;
	s7 =	sadd.s32 @!p0 s1, s7  }
0x1b4: {  	[tilespmem:s10], [sflag:$0x4] =	stream.strided.gather @!p0 [hbm4b:s7+s8], $0x2000, s9, s8, $0x38;
	[tilespmem:$0x1C800] =	vst v63  }
.LBB2_28:
0x1b5: {  	s7 =	sadd.s32 $0x4, s19  }
0x1b6: {  	p0 =	sge.s32 s7, s18  }
.Ltmp21:
0x1b7: {  	_ = 	snop;
	(pc) =	sbr.rel @p0 .LBB2_34-.Ltmp21, $1  }
0x1b8: {  	_ =	sdelay $0x3  }
0x1b9: {  	_ =	swait.ge [sflag:s2], $0x2000  }
0x1ba: {  	[sflag:s2] =	ssyncset.done $0x0  }
0x1bb: {  	[sflag:s2] =	ssyncadd.s32 $0xFFFFE000  }
0x1bc: {  	v4 =	vld [tilespmem:s19+$0x4]  }
0x1bd: {  	v5 =	vld [tilespmem:s19+$0x5];
	_ =	sdelay $0x3  }
0x1be: {  	(v2sf) =	vpush v4, $0x0  }
0x1bf: {  	(v2sf) =	vpush v5, $0x0;
	_ =	sdelay $0xd  }
0x1c0: {  	s8 =	spop (v2sf)  }
0x1c1: {  	s9 =	spop (v2sf)  }
0x1c2: {  	p0 =	sle.s32 s9, s8  }
.Ltmp22:
0x1c3: {  	_ = 	snop;
	(pc) =	sbr.rel @p0 .LBB2_33-.Ltmp22, $1  }
0x1c4: {  	_ =	sdelay $0x3  }
0x1c5: {  	s7 =	sshll.u32 s8, $0x2  }
0x1c6: {  	s7 =	sshra.s32 s7, $0x2  }
0x1c7: {  	s20 =	sadd.s32 $0x300, s7  }
0x1c8: {  	v4 =	vld [tilespmem:s20+$0x0];
	_ =	sdelay $0x4  }
0x1c9: {  	(v2sf) =	vpush v4, $0x0;
	_ =	sdelay $0xe  }
0x1ca: {  	s10 =	spop (v2sf)  }
0x1cb: {  	s10 =	sand.u32 $0x7F, s10  }
0x1cc: {  	v4 =	vor.u32 s10, v0;
	_ =	sdelay $0x4  }
0x1cd: {  	v4 =	vld.idx.msk [tilespmem:v4+s0+$0x0], $0xffff  }
0x1ce: {  	v5 =	vor.u32 s10, v1  }
0x1cf: {  	s7 =	sshll.u32 s8, $0x9  }
0x1d0: {  	s7 =	sshra.s32 s7, $0x2  }
0x1d1: {  	s7 =	sadd.s32 $0x820, s7  }
0x1d2: {  	[tilespmem:s7+$0xFFFFFFE0] =	vst v4  }
0x1d3: {  	v4 =	vld.idx.msk [tilespmem:v5+s0+$0x0], $0xffff  }
0x1d4: {  	v5 =	vor.u32 s10, v2;
	_ =	sdelay $0x3  }
0x1d5: {  	[tilespmem:s7+$0xFFFFFFF0] =	vst v4  }
0x1d6: {  	v4 =	vld.idx.msk [tilespmem:v5+s0+$0x0], $0xffff;
	v5 =	vor.u32 s10, v3;
	s10 =	ssub.s32 s9, s8  }
0x1d7: {  	p0 =	sne.s32 s10, $0x1  }
.Ltmp23:
0x1d8: {  	_ = 	snop;
	(pc) =	sbr.rel @!p0 .LBB2_32-.Ltmp23, $3  }
0x1d9: {  	_ =	sdelay $0x1  }
0x1da: {  	[tilespmem:s7+$0x0] =	vst v4  }
0x1db: {  	s8 =	sadd.s32 $0xFFFFFFFF, s10;
	v4 =	vld.idx.msk [tilespmem:v5+s0+$0x0], $0xffff  }
.LBB2_31:
0x1dc: {  	_ =	sdelay $0x3  }
0x1dd: {  	p0 =	sne.s32 s8, $0x1;
	s20 =	sadd.s32 $0x1, s20;
	[tilespmem:s7+$0x10] =	vst v4;
	s7 =	sadd.s32 $0x80, s7  }
0x1de: {  	s8 =	sadd.s32 $0xFFFFFFFF, s8;
	v4 =	vld [tilespmem:s20+$0x0];
	_ =	sdelay $0x4  }
0x1df: {  	(v2sf) =	vpush v4, $0x0;
	_ =	sdelay $0xe  }
0x1e0: {  	s9 =	spop (v2sf)  }
0x1e1: {  	s9 =	sand.u32 $0x7F, s9  }
0x1e2: {  	v4 =	vor.u32 s9, v0;
	_ =	sdelay $0x4  }
0x1e3: {  	v4 =	vld.idx.msk [tilespmem:v4+s0+$0x0], $0xffff;
	_ =	sdelay $0x1  }
0x1e4: {  	v5 =	vor.u32 s9, v1;
	_ =	sdelay $0x3  }
0x1e5: {  	[tilespmem:s7+$0xFFFFFFE0] =	vst v4  }
0x1e6: {  	v4 =	vld.idx.msk [tilespmem:v5+s0+$0x0], $0xffff;
	_ =	sdelay $0x1  }
0x1e7: {  	v5 =	vor.u32 s9, v2;
	_ =	sdelay $0x3  }
0x1e8: {  	[tilespmem:s7+$0xFFFFFFF0] =	vst v4  }
0x1e9: {  	v4 =	vld.idx.msk [tilespmem:v5+s0+$0x0], $0xffff;
	_ =	sdelay $0x1  }
0x1ea: {  	v5 =	vor.u32 s9, v3  }
.Ltmp24:
0x1eb: {  	(pc) =	sbr.rel @p0 .LBB2_31-.Ltmp24, $3  }
0x1ec: {  	_ =	sdelay $0x1  }
0x1ed: {  	[tilespmem:s7+$0x0] =	vst v4  }
0x1ee: {  	v4 =	vld.idx.msk [tilespmem:v5+s0+$0x0], $0xffff  }
.LBB2_32:
0x1ef: {  	_ =	sdelay $0x3  }
0x1f0: {  	[tilespmem:s7+$0x10] =	vst v4  }
.LBB2_33:
0x1f1: {  	s7 =	sadd.s32 $0xA, s19  }
0x1f2: {  	p0 =	sge.u32 s7, s18  }
0x1f3: {  	v4 =	vld @!p0 [tilespmem:s19+$0xA];
	_ =	sdelay $0x4  }
0x1f4: {  	(v2sf) =	vpush @!p0 v4, $0x0;
	_ =	sdelay $0xe  }
0x1f5: {  	s7 =	spop @!p0 (v2sf)  }
0x1f6: {  	v4 =	vld @!p0 [tilespmem:s7+$0x300];
	_ =	sdelay $0x4  }
0x1f7: {  	(v2sf) =	vpush @!p0 v4, $0x0;
	_ =	sdelay $0xe  }
0x1f8: {  	s7 =	spop @!p0 (v2sf)  }
0x1f9: {  	s8 =	simm.s32 @!p0 $0x400;
	s7 =	sand.u32 @!p0 $0xFFFFF80, s7  }
0x1fa: {  	s9 =	simm.s32 @!p0 $0x7A1400;
	s10 =	simm.s32 @!p0 $0x18800;
	s7 =	sadd.s32 @!p0 s1, s7  }
0x1fb: {  	[tilespmem:s10], [sflag:$0x5] =	stream.strided.gather @!p0 [hbm4b:s7+s8], $0x2000, s9, s8, $0x38;
	[tilespmem:$0x1C800] =	vst v63  }
.LBB2_34:
0x1fc: {  	s7 =	sadd.s32 $0x5, s19  }
0x1fd: {  	p0 =	sge.s32 s7, s18  }
.Ltmp25:
0x1fe: {  	_ = 	snop;
	(pc) =	sbr.rel @p0 .LBB2_40-.Ltmp25, $1  }
0x1ff: {  	_ =	sdelay $0x3  }
0x200: {  	_ =	swait.ge [sflag:s21], $0x2000  }
0x201: {  	[sflag:s21] =	ssyncset.done $0x0  }
0x202: {  	[sflag:s21] =	ssyncadd.s32 $0xFFFFE000  }
0x203: {  	v4 =	vld [tilespmem:s19+$0x5]  }
0x204: {  	v5 =	vld [tilespmem:s19+$0x6];
	_ =	sdelay $0x3  }
0x205: {  	(v2sf) =	vpush v4, $0x0  }
0x206: {  	(v2sf) =	vpush v5, $0x0;
	_ =	sdelay $0xd  }
0x207: {  	s8 =	spop (v2sf)  }
0x208: {  	s9 =	spop (v2sf)  }
0x209: {  	p0 =	sle.s32 s9, s8  }
.Ltmp26:
0x20a: {  	_ = 	snop;
	(pc) =	sbr.rel @p0 .LBB2_39-.Ltmp26, $1  }
0x20b: {  	_ =	sdelay $0x3  }
0x20c: {  	s7 =	sshll.u32 s8, $0x2  }
0x20d: {  	s7 =	sshra.s32 s7, $0x2  }
0x20e: {  	s20 =	sadd.s32 $0x300, s7  }
0x20f: {  	v4 =	vld [tilespmem:s20+$0x0];
	_ =	sdelay $0x4  }
0x210: {  	(v2sf) =	vpush v4, $0x0;
	_ =	sdelay $0xe  }
0x211: {  	s10 =	spop (v2sf)  }
0x212: {  	s10 =	sand.u32 $0x7F, s10  }
0x213: {  	v4 =	vor.u32 s10, v0;
	_ =	sdelay $0x4  }
0x214: {  	v4 =	vld.idx.msk [tilespmem:v4+s22+$0x0], $0xffff  }
0x215: {  	v5 =	vor.u32 s10, v1  }
0x216: {  	s7 =	sshll.u32 s8, $0x9  }
0x217: {  	s7 =	sshra.s32 s7, $0x2  }
0x218: {  	s7 =	sadd.s32 $0x820, s7  }
0x219: {  	[tilespmem:s7+$0xFFFFFFE0] =	vst v4  }
0x21a: {  	v4 =	vld.idx.msk [tilespmem:v5+s22+$0x0], $0xffff  }
0x21b: {  	v5 =	vor.u32 s10, v2;
	_ =	sdelay $0x3  }
0x21c: {  	[tilespmem:s7+$0xFFFFFFF0] =	vst v4  }
0x21d: {  	v4 =	vld.idx.msk [tilespmem:v5+s22+$0x0], $0xffff  }
0x21e: {  	v5 =	vor.u32 s10, v3;
	_ =	sdelay $0x2  }
0x21f: {  	s10 =	ssub.s32 s9, s8  }
0x220: {  	p0 =	sne.s32 s10, $0x1;
	[tilespmem:s7+$0x0] =	vst v4  }
.Ltmp27:
0x221: {  	v4 =	vld.idx.msk [tilespmem:v5+s22+$0x0], $0xffff;
	(pc) =	sbr.rel @!p0 .LBB2_38-.Ltmp27, $2  }
0x222: {  	_ =	sdelay $0x2  }
0x223: {  	s8 =	sadd.s32 $0xFFFFFFFF, s10  }
.LBB2_37:
0x224: {  	p0 =	sne.s32 s8, $0x1;
	[tilespmem:s7+$0x10] =	vst v4;
	s20 =	sadd.s32 $0x1, s20;
	s7 =	sadd.s32 $0x80, s7  }
0x225: {  	s8 =	sadd.s32 $0xFFFFFFFF, s8;
	v4 =	vld [tilespmem:s20+$0x0];
	_ =	sdelay $0x4  }
0x226: {  	(v2sf) =	vpush v4, $0x0;
	_ =	sdelay $0xe  }
0x227: {  	s9 =	spop (v2sf)  }
0x228: {  	s9 =	sand.u32 $0x7F, s9  }
0x229: {  	v4 =	vor.u32 s9, v0;
	_ =	sdelay $0x4  }
0x22a: {  	v4 =	vld.idx.msk [tilespmem:v4+s22+$0x0], $0xffff;
	_ =	sdelay $0x1  }
0x22b: {  	v5 =	vor.u32 s9, v1;
	_ =	sdelay $0x3  }
0x22c: {  	[tilespmem:s7+$0xFFFFFFE0] =	vst v4  }
0x22d: {  	v4 =	vld.idx.msk [tilespmem:v5+s22+$0x0], $0xffff;
	_ =	sdelay $0x1  }
0x22e: {  	v5 =	vor.u32 s9, v2;
	_ =	sdelay $0x3  }
0x22f: {  	[tilespmem:s7+$0xFFFFFFF0] =	vst v4  }
0x230: {  	v4 =	vld.idx.msk [tilespmem:v5+s22+$0x0], $0xffff;
	_ =	sdelay $0x1  }
0x231: {  	v5 =	vor.u32 s9, v3  }
.Ltmp28:
0x232: {  	(pc) =	sbr.rel @p0 .LBB2_37-.Ltmp28, $3  }
0x233: {  	_ =	sdelay $0x1  }
0x234: {  	[tilespmem:s7+$0x0] =	vst v4  }
0x235: {  	v4 =	vld.idx.msk [tilespmem:v5+s22+$0x0], $0xffff  }
.Ltmp29:
0x236: {  	_ = 	snop;
	(pc) =	sbr.rel .LBB2_38-.Ltmp29, $1  }
0x237: {  	_ =	sdelay $0x3  }
.LBB2_42:
0x238: {  	_ =	sfence.sel $0x180000  }
0x239: {  	[bflag:$0x0] =	sbarrier.arrive $0xFFFF  }
0x23a: {  	_ =	strace $0x90000050  }
0x23b: {  	s0 =	stileid.u32;
	[bflag:$0x2] =	sbarrier.arrive $0xFFFF  }
0x23c: {  	p0 =	sne.s32 s0, $0x0;
	s0 =	rddreg [dreg:$0x3]  }
0x23d: {  	s0 =	sadd.s32 @!p0 $0x100000, s0  }
0x23e: {  	[sflag:s0] =	ssyncadd.tile.s32 @!p0 $0x1;
	_ =	shalt  }
.Lfunc_end2:
_tile_overlayer_lowered:
.L_overlay_start_2:
0x23f: {  	(tag) =	ssettag $0x2  }
0x240: {  	s0 =	rddreg [dreg:$0x0];
	s2 =	stileid.u32  }
0x241: {  	s1 =	rddreg [dreg:$0x1];
	p0 =	sne.s32 s2, $0x0  }
0x242: {  	s3 =	rddreg [dreg:$0x2];
	[bflag:$0x3] =	sbarrier.arrive $0xFFFF;
	s2 =	simm.s32 @!p0 $0x1C08  }
0x243: {  	[timem:s3], [sflag:s2] =	dma.local @!p0 [hbm:s0], s1  }
0x244: {  	s0 =	simm.s32 @!p0 $0x8  }
0x245: {  	_ =	swait.ge @!p0 [sflag:s0], s1  }
0x246: {  	s1 =	ssub.s32 @!p0 $0x0, s1;
	[sflag:s0] =	ssyncset.done @!p0 $0x0  }
0x247: {  	[sflag:s0] =	ssyncadd.s32 @!p0 s1  }
0x248: {  	[bflag:$0x3] =	sbarrier.arrive $0xFFFF  }
0x249: {  	_ =	shalt  }

// kernel: kernel.9.cloned.1.call-start
scs
__scs_entry_jumppad:
0x0: {  	(pc) =	sbr.rel $0x88, $3  }
0x1: {  	(tag) =	ssettag $0x0;
	lr =	simm.s32 $0x1  }
0x2: {  	[smem:$0x3F9C] =	sst lr;
	_ =	strace $0xD0000000  }
0x3: {  	_ = 	snop  }
0x4: {  	_ = 	snop  }
0x5: {  	_ = 	snop  }
0x6: {  	_ = 	snop  }
0x7: {  	_ = 	snop  }
__scs_overlays_trampoline_lowered:
0x8: {  	[smem:$0x3FAB] =	sst s0  }
0x9: {  	[smem:$0x3FAC] =	sst s1  }
0xa: {  	[smem:$0x3FAD] =	sst s2  }
0xb: {  	[smem:$0x3FAE] =	sst s3  }
0xc: {  	[smem:$0x3FAF] =	sst s4  }
0xd: {  	[smem:$0x3FB0] =	sst s5  }
0xe: {  	[smem:$0x3FB1] =	sst s6  }
0xf: {  	[smem:$0x3FB2] =	sst s7  }
0x10: {  	[smem:$0x3FB3] =	sst s8  }
0x11: {  	[smem:$0x3FB4] =	sst s9;
	s0 =	simm.s32 @!p0 $0x0  }
0x12: {  	s1 =	sld [smem:$0x3F9A];
	s0 =	simm.s32 @p0 $0x1  }
0x13: {  	[smem:$0x3FB5] =	sst s0;
	s0 =	simm.s32 @!p1 $0x0  }
0x14: {  	s2 =	sld [smem:$0x3F99];
	s0 =	simm.s32 @p1 $0x1  }
0x15: {  	[smem:$0x3FB6] =	sst s0;
	s0 =	simm.s32 @!p2 $0x0  }
0x16: {  	s3 =	sld [smem:$0x3FDB];
	s0 =	simm.s32 @p2 $0x1  }
0x17: {  	s4 =	simm.s32 $0x1BF5;
	[smem:$0x3FB8] =	sst s0  }
0x18: {  	s0 =	sld [smem:$0x3F9B];
	_ =	swait.ge [sflag:s4], $0x0  }
0x19: {  	s7 =	sld [smem:$0x3F9C]  }
0x1a: {  	s8 =	sadd.s32 $0xFFFFE003, lr  }
0x1b: {  	s9 =	sadd.s32 $0xFFFFFEF7, lr;
	s5 =	simm.s32 $0xFFFFFFFF;
	p2 =	slt.u32 s8, $0xFFFFF086  }
0x1c: {  	p1 =	slt.u32 s9, $0xF7A;
	s5 =	simm.s32 @!p2 $0x0  }
0x1d: {  	s5 =	simm.s32 @p1 $0x1;
	p0 =	seq.s32 s7, s2  }
0x1e: {  	s7 =	smul.u32 @!p0 $0xF7A, s2;
	p2 =	seq.s32 @!p0 s5, $0x0  }
0x1f: {  	s9 =	smul.u32 $0xF7A, s1;
	s8 =	simm.s32 @!p0 $0x1BF5;
	p2 =	por !p2, p0  }
0x20: {  	[sflag:s8] =	ssyncset.s32 @!p0 $0xFFFFF086;
	s6 =	sadd.s32 @!p0 s3, s7;
	s7 =	simm.s32 @!p0 $0x108  }
0x21: {  	s3 =	sadd.s32 s3, s9;
	s6 =	sadd.s32 @!p0 $0x88, s6;
	s7 =	simm.s32 @p2 $0x1082  }
0x22: {  	[simem:s7], [sflag:s8] =	dma.local @!p0 [hbm:s6], $0xF7A  }
0x23: {  	s9 =	sor.u32 $0xD0000000, s2;
	s6 =	simm.s32 $0x108;
	_ =	swait.ge @!p0 [sflag:s8], $0x0  }
0x24: {  	s3 =	sadd.s32 $0x88, s3;
	s6 =	simm.s32 @!p1 $0x1082;
	[sflag:s4] =	ssyncset.s32 $0xFFFFF086  }
0x25: {  	[simem:s6], [sflag:s4] =	dma.local [hbm:s3], $0xF7A  }
0x26: {  	[smem:$0x3F9C] =	sst s1;
	(tag) =	ssettag s2;
	_ =	strace s9  }
0x27: {  	s1 =	sld [smem:$0x3FAC]  }
0x28: {  	s2 =	sld [smem:$0x3FAD]  }
0x29: {  	s4 =	sld [smem:$0x3FAF]  }
0x2a: {  	p0 =	seq.s32 s5, $0x0;
	s5 =	sld [smem:$0x3FB0]  }
0x2b: {  	s6 =	sld [smem:$0x3FB1]  }
0x2c: {  	s7 =	sld [smem:$0x3FB2]  }
0x2d: {  	s3 =	simm.s32 $0x108;
	s8 =	sld [smem:$0x3FB3]  }
0x2e: {  	s3 =	simm.s32 @!p0 $0x1082;
	s9 =	sld [smem:$0x3FB4]  }
0x2f: {  	lr =	sadd.s32 s0, s3;
	s0 =	sld [smem:$0x3FAB]  }
0x30: {  	s3 =	sld [smem:$0x3FAE]  }
0x31: {  	[smem:$0x3FB7] =	sst s10  }
0x32: {  	s10 =	sld [smem:$0x3FB5];
	_ =	sdelay $0x3  }
0x33: {  	p0 =	seq.s32 s10, $0x1;
	s10 =	sld [smem:$0x3FB7];
	_ =	sdelay $0x3  }
0x34: {  	[smem:$0x3FB7] =	sst s10  }
0x35: {  	s10 =	sld [smem:$0x3FB6];
	_ =	sdelay $0x3  }
0x36: {  	p1 =	seq.s32 s10, $0x1;
	s10 =	sld [smem:$0x3FB7];
	_ =	sdelay $0x3  }
0x37: {  	[smem:$0x3FB7] =	sst s10  }
0x38: {  	s10 =	sld [smem:$0x3FB8]  }
0x39: {  	_ = 	snop;
	(pc) =	sbr.ind lr, $3  }
0x3a: {  	_ = 	snop  }
0x3b: {  	_ = 	snop  }
0x3c: {  	p2 =	seq.s32 s10, $0x1;
	s10 =	sld [smem:$0x3FB7]  }
0x3d: {  	_ =	shalt  }
0x3e: {  	_ =	shalt  }
0x3f: {  	_ =	shalt  }
0x40: {  	_ =	shalt  }
0x41: {  	_ =	shalt  }
0x42: {  	_ =	shalt  }
0x43: {  	_ =	shalt  }
0x44: {  	_ =	shalt  }
0x45: {  	_ =	shalt  }
0x46: {  	_ =	shalt  }
0x47: {  	_ =	shalt  }
0x48: {  	_ =	shalt  }
0x49: {  	_ =	shalt  }
0x4a: {  	_ =	shalt  }
0x4b: {  	_ =	shalt  }
0x4c: {  	_ =	shalt  }
0x4d: {  	_ =	shalt  }
0x4e: {  	_ =	shalt  }
0x4f: {  	_ =	shalt  }
0x50: {  	_ =	shalt  }
0x51: {  	_ =	shalt  }
0x52: {  	_ =	shalt  }
0x53: {  	_ =	shalt  }
0x54: {  	_ =	shalt  }
0x55: {  	_ =	shalt  }
0x56: {  	_ =	shalt  }
0x57: {  	_ =	shalt  }
0x58: {  	_ =	shalt  }
0x59: {  	_ =	shalt  }
0x5a: {  	_ =	shalt  }
0x5b: {  	_ =	shalt  }
0x5c: {  	_ =	shalt  }
0x5d: {  	_ =	shalt  }
0x5e: {  	_ =	shalt  }
0x5f: {  	_ =	shalt  }
0x60: {  	_ =	shalt  }
0x61: {  	_ =	shalt  }
0x62: {  	_ =	shalt  }
0x63: {  	_ =	shalt  }
0x64: {  	_ =	shalt  }
0x65: {  	_ =	shalt  }
0x66: {  	_ =	shalt  }
0x67: {  	_ =	shalt  }
0x68: {  	_ =	shalt  }
0x69: {  	_ =	shalt  }
0x6a: {  	_ =	shalt  }
0x6b: {  	_ =	shalt  }
0x6c: {  	_ =	shalt  }
0x6d: {  	_ =	shalt  }
0x6e: {  	_ =	shalt  }
0x6f: {  	_ =	shalt  }
0x70: {  	_ =	shalt  }
0x71: {  	_ =	shalt  }
0x72: {  	_ =	shalt  }
0x73: {  	_ =	shalt  }
0x74: {  	_ =	shalt  }
0x75: {  	_ =	shalt  }
0x76: {  	_ =	shalt  }
0x77: {  	_ =	shalt  }
0x78: {  	_ =	shalt  }
0x79: {  	_ =	shalt  }
0x7a: {  	_ =	shalt  }
0x7b: {  	_ =	shalt  }
0x7c: {  	_ =	shalt  }
0x7d: {  	_ =	shalt  }
0x7e: {  	_ =	shalt  }
0x7f: {  	_ =	shalt  }
0x80: {  	_ =	shalt  }
0x81: {  	_ =	shalt  }
0x82: {  	_ =	shalt  }
0x83: {  	_ =	shalt  }
0x84: {  	_ =	shalt  }
0x85: {  	_ =	shalt  }
0x86: {  	_ =	shalt  }
0x87: {  	_ =	shalt  }
.Lfunc_end0:
.L_simem_size_0:
called_computation.3_lowered:
.L_overlay_start_0:
0x88: {  	s2 =	sld [smem:$0x3FD9]  }
0x89: {  	s3 =	sld [smem:$0x3FFE];
	_ =	sdelay $0x1  }
0x8a: {  	s1 =	srdreg.scid  }
0x8b: {  	s0 =	sand.u32 $0x1, s1  }
0x8c: {  	s17 =	sshll.u32 s0, $0xA;
	s2 =	sadd.s32 s3, s2  }
0x8d: {  	s2 =	sadd.s32 s2, s17  }
0x8e: {  	[smem:$0x3FC3] =	sst s2  }
0x8f: {  	_ = 	snop  }
0x90: {  	s18 =	sld [smem:$0x3FC6];
	(tm) =	ssettm $0x1  }
0x91: {  	s19 =	sld [smem:$0x3FFB];
	_ =	sdelay $0x3  }
0x92: {  	_ =	strace s19  }
0x93: {  	s2 =	sld [smem:$0x3FFC];
	_ =	sdelay $0x3  }
0x94: {  	_ =	strace s2  }
0x95: {  	s2 =	sld [smem:$0x3FFD];
	_ =	sdelay $0x3  }
0x96: {  	_ =	strace s2  }
0x97: {  	_ =	strace $0x8FFFFFFF  }
0x98: {  	s20 =	sld [smem:$0x3FDB];
	_ =	sdelay $0x1  }
0x99: {  	s4 =	simm.s32 $_scs_section_size  }
0x9a: {  	s5 =	simm.s32 $_size__tile_overlayer_lowered;
	s6 =	simm.s32 $_tile_overlayer_lowered  }
0x9b: {  	s7 =	simm.s32 $0x1BFF;
	s21 =	sshll.u32 s6, $0x1;
	s4 =	sadd.s32 s4, s20  }
0x9c: {  	s22 =	simm.s32 $0x0;
	s5 =	sshll.u32 s5, $0x1;
	s6 =	sadd.s32 s21, s4  }
0x9d: {  	[timem:s22], [sflag:s7] =	dma.local [hbm:s6], s5  }
0x9e: {  	_ =	swait.ge [sflag:s7], s5  }
0x9f: {  	s5 =	ssub.s32 $0x0, s5;
	[sflag:s7] =	ssyncset.done $0x0  }
0xa0: {  	[sflag:s7] =	ssyncadd.s32 s5;
	_ =	sdelay $0x1  }
0xa1: {  	s23 =	simm.s32 $0x1B8B  }
0xa2: {  	_ =	swait.ge [sflag:s23], $0x1  }
0xa3: {  	[sflag:s23] =	ssyncset.done $0x0  }
0xa4: {  	[sflag:s23] =	ssyncadd.s32 $0xFFFFFFFF  }
0xa5: {  	s5 =	sld [smem:$0x0]  }
0xa6: {  	s6 =	sand.u32 $0xFFFFFFFE, s1  }
0xa7: {  	p0 =	sne.s32 s1, s6  }
0xa8: {  	s6 =	sshll.u32 @p0 s6, $0xE  }
0xa9: {  	s6 =	sadd.s32 @p0 $0x11B8D, s6;
	s7 =	sshll.u32 @p0 s5, $0x11  }
0xaa: {  	s6 =	sor.u32 @p0 s7, s6  }
0xab: {  	[sflag:s6] =	ssyncadd.remote.s32 @p0 $0x1;
	_ =	sdelay $0x1  }
0xac: {  	s6 =	simm.s32 @p0 $0x1B8D  }
0xad: {  	_ =	swait.eq @p0 [sflag:s6], $0x1  }
0xae: {  	[sflag:s6] =	ssyncadd.s32 @p0 $0xFFFFFFFF  }
0xaf: {  	s7 =	sshll.u32 @!p0 s1, $0xE  }
0xb0: {  	s7 =	sor.u32 @!p0 $0x4000, s7;
	s6 =	simm.s32 @!p0 $0x1B8D  }
0xb1: {  	s5 =	sshll.u32 @!p0 s5, $0x11;
	s7 =	sadd.s32 @!p0 $0x11B8D, s7;
	_ =	swait.eq @!p0 [sflag:s6], $0x1  }
0xb2: {  	s5 =	sor.u32 @!p0 s5, s7;
	[sflag:s6] =	ssyncadd.s32 @!p0 $0xFFFFFFFF  }
0xb3: {  	s25 =	simm.s32 $0x1B8E;
	s24 =	sld [smem:$0x3FFE];
	[sflag:s5] =	ssyncadd.remote.s32 @!p0 $0x1  }
0xb4: {  	s26 =	simm.s32 $execute0_lowered;
	[smem:$0x3FD2] =	sst s25  }
0xb5: {  	s6 =	sshll.u32 s26, $0x1;
	_ =	strace $0x8000004C;
	[dreg:$0x1] =	wrdreg $0xFFFFFFFF  }
0xb6: {  	s28 =	simm.s32 $_size_execute0_lowered;
	s4 =	sadd.s32 s4, s6;
	[dreg:$0x0] =	wrdreg $0x0  }
0xb7: {  	s6 =	sshll.u32 s28, $0x1;
	[dreg:$0x2] =	wrdreg s4  }
0xb8: {  	[dreg:$0x3] =	wrdreg s6  }
0xb9: {  	[dreg:$0x4] =	wrdreg $0xC0  }
0xba: {  	_ =	task [dreg:s22], $0x5FFFF  }
0xbb: {  	[dreg:$0x1] =	wrdreg $0xFFFFFFFF  }
0xbc: {  	[dreg:$0x0] =	wrdreg $0x60  }
0xbd: {  	[dreg:$0x2] =	wrdreg s18  }
0xbe: {  	[dreg:$0x3] =	wrdreg s24  }
0xbf: {  	[dreg:$0x4] =	wrdreg $0x9  }
0xc0: {  	_ =	task.clear_ibuf [dreg:s22], $0x5FFFF;
	_ =	strace $0x9000004C  }
0xc1: {  	s29 =	simm.s32 $0x9;
	_ =	strace $0x8000004E  }
0xc2: {  	_ =	swait.ge [sflag:s29], $0x1  }
0xc3: {  	[sflag:s29] =	ssyncadd.s32 $0xFFFFFFFF  }
0xc4: {  	_ =	strace $0x9000004E  }
0xc5: {  	_ =	sfence  }
0xc6: {  	s30 =	sld [smem:$0x0];
	_ =	sdelay $0x2  }
0xc7: {  	s31 =	sshll.u32 s1, $0xD;
	s1 =	sshrl.u32 s1, $0x2  }
0xc8: {  	s4 =	sand.u32 $0x4000, s31;
	s1 =	sadd.s32 s1, s30  }
0xc9: {  	s0 =	sor.u32 s4, s0;
	s1 =	sshll.u32 s1, $0x11  }
0xca: {  	s0 =	sor.u32 s1, s0  }
0xcb: {  	s0 =	sadd.s32 $0x8F2B, s0  }
0xcc: {  	[sflag:s0] =	ssyncadd.remote.s32 $0x1  }
0xcd: {  	_ =	sfence.sel $0xFFFF  }
0xce: {  	[dreg:$0x0] =	wrdreg $0xFFFFFFFF;
	(pc) =	sbr.abs _section_cstart, $3  }
0xcf: {  	[dreg:$0x1] =	wrdreg $0xFFFFFFFF  }
0xd0: {  	_ =	task.clear_ibuf [dreg:s22], $0x2FFFF;
	_ =	strace $0x9FFFFFFF  }
0xd1: {  	(tm) =	ssettm $0x7FFFFFFF  }
tec
execute0_lowered:
.L_overlay_start_1:
0x0: {  	(tag) =	ssettag $0x1  }
0x1: {  	s2 =	rddreg [dreg:$0x0];
	s0 =	srdreg.scid  }
0x2: {  	s3 =	stileid.u32;
	s1 =	rddreg [dreg:$0x1]  }
0x3: {  	s14 =	simm.s32 $0x8;
	s8 =	simm.s32 $0x600;
	s9 =	simm.s32 $0x680  }
0x4: {  	s10 =	simm.s32 $0x700;
	s18 =	simm.s32 $0x780;
	s28 =	simm.s32 $0x12800  }
0x5: {  	s29 =	simm.s32 $0x3;
	s30 =	simm.s32 $0x4;
	s31 =	simm.s32 $0x16800  }
0x6: {  	s15 =	simm.s32 $0x80;
	s16 =	simm.s32 $0x7;
	s17 =	simm.s32 $0x0  }
0x7: {  	s0 =	sand.u32 $0x1, s0;
	s4 =	sshll.u32 s3, $0x1;
	s3 =	simm.s32 $0x0  }
0x8: {  	s21 =	sadd.s32 $0x2800, s1;
	s4 =	sor.u32 s0, s4;
	[smem:$0x7FF] =	sst s3  }
0x9: {  	s0 =	ssub.s32 $0x2, s0;
	s5 =	smul.u32 $0x50, s4;
	_ =	strace $0x8000004D  }
0xa: {  	s6 =	sshll.u32 s4, $0x6;
	[dreg:$0x3] =	wrdreg s21;
	s22 =	sshrl.u32 s0, $0x1  }
0xb: {  	s21 =	simm.s32 $0x6;
	s7 =	sadd.s32 s6, s1;
	s6 =	sadd.s32 $0x3C00, s1  }
0xc: {  	s0 =	ssub.s32 s0, s22;
	s22 =	simm.s32 $0x1A800;
	s5 =	sadd.s32 s5, s1  }
0xd: {  	s24 =	sadd.s32 $0x1800, s7;
	s25 =	sadd.s32 $0x1000, s7;
	s26 =	sadd.s32 $0x1010, s7  }
.Ltmp0:
0xe: {  	s11 =	sadd.s32 $0x1020, s7;
	s12 =	sadd.s32 $0x1030, s7;
	(pc) =	sbr.rel .LBB2_1-.Ltmp0, $4  }
0xf: {  	v0 =	vlaneseq.u32;
	s13 =	smax.u32 s0, $0x1;
	s1 =	simm.s32 $0x5;
	[dreg:$0x5] =	wrdreg s24  }
0x10: {  	v0 =	vmul.u32 $0x80, v0;
	s0 =	simm.s32 $0x18800;
	s23 =	sadd.s32 $0x2A00, s5;
	[dreg:$0x6] =	wrdreg s25  }
0x11: {  	[dreg:$0x7] =	wrdreg s26;
	s24 =	simm.s32 $0x1;
	s25 =	simm.s32 $0x10800  }
0x12: {  	v1 =	vor.u32 $0x800, v0;
	v2 =	vor.u32 $0x1000, v0;
	v3 =	vor.u32 $0x1800, v0;
	s26 =	simm.s32 $0x2;
	[dreg:$0x4] =	wrdreg s23;
	s23 =	simm.s32 $0x14800  }
.LBB2_41:
0x13: {  	s8 =	simm.s32 $0x600;
	s5 =	simm.s32 $0x800  }
0x14: {  	[hbm4b:s6+s15] =	stream.indirect.scatter [tilespmem:s5], [sflag:$0x7], $0x80, s8, s15, $0xb8;
	[tilespmem:$0x1C800] =	vst v63  }
0x15: {  	s9 =	simm.s32 $0x680;
	s18 =	simm.s32 $0x4800  }
0x16: {  	[hbm4b:s6+s15] =	stream.indirect.scatter [tilespmem:s18], [sflag:$0x7], $0x80, s9, s15, $0xb8;
	[tilespmem:$0x1C800] =	vst v63  }
0x17: {  	s10 =	simm.s32 $0x700;
	s19 =	simm.s32 $0x8800  }
0x18: {  	[hbm4b:s6+s15] =	stream.indirect.scatter [tilespmem:s19], [sflag:$0x7], $0x80, s10, s15, $0xb8;
	[tilespmem:$0x1C800] =	vst v63  }
0x19: {  	s20 =	simm.s32 $0xC800;
	s18 =	simm.s32 $0x780  }
0x1a: {  	[hbm4b:s6+s15] =	stream.indirect.scatter [tilespmem:s20], [sflag:$0x7], $0x80, s18, s15, $0xb8;
	[tilespmem:$0x1C800] =	vst v63  }
0x1b: {  	_ =	swait.ge [sflag:s16], $0x4000  }
0x1c: {  	[sflag:s16] =	ssyncset.done $0x0  }
0x1d: {  	[sflag:s16] =	ssyncadd.s32 $0xFFFFC000  }
0x1e: {  	_ =	swait.ge [sflag:s16], $0x4000  }
0x1f: {  	[sflag:s16] =	ssyncset.done $0x0  }
0x20: {  	s17 =	sadd.s32 $0x1, s17;
	[sflag:s16] =	ssyncadd.s32 $0xFFFFC000  }
0x21: {  	p0 =	sne.s32 s17, s13;
	_ =	swait.ge [sflag:s16], $0x4000  }
.Ltmp1:
0x22: {  	[sflag:s16] =	ssyncset.done $0x0;
	(pc) =	sbr.rel @!p0 .LBB2_42-.Ltmp1, $4  }
0x23: {  	[sflag:s16] =	ssyncadd.s32 $0xFFFFC000  }
0x24: {  	_ =	swait.ge [sflag:s16], $0x4000  }
0x25: {  	[sflag:s16] =	ssyncset.done $0x0  }
0x26: {  	[sflag:s16] =	ssyncadd.s32 $0xFFFFC000  }
.LBB2_1:
0x27: {  	s5 =	rddreg [dreg:$0x4]  }
0x28: {  	[tilespmem:s3], [sflag:$0x8] =	stream.linear.gather [hbm4b:s5+s3], $0x280, $0x38;
	[tilespmem:$0x1C800] =	vst v63  }
0x29: {  	_ =	swait.ge [sflag:s14], $0x280  }
0x2a: {  	[sflag:s14] =	ssyncset.done $0x0  }
0x2b: {  	s7 =	simm.s32 $0x300;
	s20 =	rddreg [dreg:$0x5];
	[sflag:s14] =	ssyncadd.s32 $0xFFFFFD80  }
0x2c: {  	[tilespmem:s7], [sflag:$0x8] =	stream.linear.gather [hbm4b:s20+s3], $0x200, $0x38;
	[tilespmem:$0x1C800] =	vst v63  }
0x2d: {  	_ =	swait.ge [sflag:s14], $0x200  }
0x2e: {  	[sflag:s14] =	ssyncset.done $0x0  }
0x2f: {  	s20 =	simm.s32 $0x580;
	s19 =	rddreg [dreg:$0x3];
	[sflag:s14] =	ssyncadd.s32 $0xFFFFFE00  }
0x30: {  	[tilespmem:s20], [sflag:$0x8] =	stream.linear.gather [hbm4b:s19+s3], $0x20, $0x38;
	[tilespmem:$0x1C800] =	vst v63  }
0x31: {  	_ =	swait.ge [sflag:s14], $0x20  }
0x32: {  	[sflag:s14] =	ssyncset.done $0x0  }
0x33: {  	s19 =	rddreg [dreg:$0x6];
	[sflag:s14] =	ssyncadd.s32 $0xFFFFFFE0  }
0x34: {  	[tilespmem:s8], [sflag:$0x8] =	stream.linear.gather [hbm4b:s19+s3], $0x80, $0x38;
	[tilespmem:$0x1C800] =	vst v63  }
0x35: {  	_ =	swait.ge [sflag:s14], $0x80  }
0x36: {  	[sflag:s14] =	ssyncset.done $0x0  }
0x37: {  	s20 =	rddreg [dreg:$0x7];
	[sflag:s14] =	ssyncadd.s32 $0xFFFFFF80  }
0x38: {  	[tilespmem:s9], [sflag:$0x8] =	stream.linear.gather [hbm4b:s20+s3], $0x80, $0x38;
	[tilespmem:$0x1C800] =	vst v63  }
0x39: {  	_ =	swait.ge [sflag:s14], $0x80  }
0x3a: {  	[sflag:s14] =	ssyncset.done $0x0  }
0x3b: {  	[sflag:s14] =	ssyncadd.s32 $0xFFFFFF80  }
0x3c: {  	[tilespmem:s10], [sflag:$0x8] =	stream.linear.gather [hbm4b:s11+s3], $0x80, $0x38;
	[tilespmem:$0x1C800] =	vst v63  }
0x3d: {  	_ =	swait.ge [sflag:s14], $0x80  }
0x3e: {  	[sflag:s14] =	ssyncset.done $0x0  }
0x3f: {  	[sflag:s14] =	ssyncadd.s32 $0xFFFFFF80  }
0x40: {  	[tilespmem:s18], [sflag:$0x8] =	stream.linear.gather [hbm4b:s12+s3], $0x80, $0x38;
	[tilespmem:$0x1C800] =	vst v63  }
0x41: {  	_ =	swait.ge [sflag:s14], $0x80  }
0x42: {  	[sflag:s14] =	ssyncset.done $0x0  }
0x43: {  	[sflag:s14] =	ssyncadd.s32 $0xFFFFFF80  }
0x44: {  	v4 =	vld [tilespmem:s4+$0x580];
	_ =	sdelay $0x4  }
0x45: {  	(v2sf) =	vpush v4, $0x0;
	_ =	sdelay $0xe  }
0x46: {  	s18 =	spop (v2sf)  }
0x47: {  	p0 =	slt.s32 s18, $0x1  }
0x48: {  	v4 =	vld @!p0 [tilespmem:$0x0];
	_ =	sdelay $0x4  }
0x49: {  	(v2sf) =	vpush @!p0 v4, $0x0;
	_ =	sdelay $0xe  }
0x4a: {  	s5 =	spop @!p0 (v2sf)  }
0x4b: {  	v4 =	vld @!p0 [tilespmem:s5+$0x300];
	_ =	sdelay $0x4  }
0x4c: {  	(v2sf) =	vpush @!p0 v4, $0x0;
	_ =	sdelay $0xe  }
0x4d: {  	s7 =	simm.s32 @!p0 $0x400;
	s5 =	spop @!p0 (v2sf)  }
0x4e: {  	s8 =	simm.s32 @!p0 $0x7A1400;
	s5 =	sand.u32 @!p0 $0xFFFFF80, s5  }
0x4f: {  	s9 =	simm.s32 @!p0 $0x10800;
	p1 =	seq.s32 @!p0 s18, $0x1;
	s5 =	sadd.s32 @!p0 s2, s5  }
0x50: {  	[tilespmem:s9], [sflag:$0x1] =	stream.strided.gather @!p0 [hbm4b:s5+s7], $0x2000, s8, s7, $0x38;
	[tilespmem:$0x1C800] =	vst v63  }
0x51: {  	p0 =	por p0, p1  }
0x52: {  	v4 =	vld @!p0 [tilespmem:$0x1];
	_ =	sdelay $0x4  }
0x53: {  	(v2sf) =	vpush @!p0 v4, $0x0;
	_ =	sdelay $0xe  }
0x54: {  	s5 =	spop @!p0 (v2sf)  }
0x55: {  	v4 =	vld @!p0 [tilespmem:s5+$0x300];
	_ =	sdelay $0x4  }
0x56: {  	(v2sf) =	vpush @!p0 v4, $0x0;
	_ =	sdelay $0xe  }
0x57: {  	s7 =	simm.s32 @!p0 $0x400;
	s5 =	spop @!p0 (v2sf)  }
0x58: {  	s8 =	simm.s32 @!p0 $0x7A1400;
	s5 =	sand.u32 @!p0 $0xFFFFF80, s5  }
0x59: {  	s9 =	simm.s32 @!p0 $0x12800;
	p1 =	slt.u32 @!p0 s18, $0x3;
	s5 =	sadd.s32 @!p0 s2, s5  }
0x5a: {  	[tilespmem:s9], [sflag:$0x2] =	stream.strided.gather @!p0 [hbm4b:s5+s7], $0x2000, s8, s7, $0x38;
	[tilespmem:$0x1C800] =	vst v63  }
0x5b: {  	p0 =	por p0, p1  }
.Ltmp2:
0x5c: {  	_ = 	snop;
	(pc) =	sbr.rel @p0 .LBB2_3-.Ltmp2, $1  }
0x5d: {  	_ =	sdelay $0x3  }
0x5e: {  	v4 =	vld [tilespmem:$0x2];
	_ =	sdelay $0x4  }
0x5f: {  	(v2sf) =	vpush v4, $0x0;
	_ =	sdelay $0xe  }
0x60: {  	s5 =	spop (v2sf)  }
0x61: {  	v4 =	vld [tilespmem:s5+$0x300];
	_ =	sdelay $0x4  }
0x62: {  	(v2sf) =	vpush v4, $0x0;
	_ =	sdelay $0xe  }
0x63: {  	s20 =	spop (v2sf)  }
0x64: {  	s7 =	simm.s32 $0x400;
	s5 =	sand.u32 $0xFFFFF80, s20  }
0x65: {  	s8 =	simm.s32 $0x7A1400;
	p0 =	seq.s32 s18, $0x3;
	s5 =	sadd.s32 s2, s5  }
0x66: {  	[tilespmem:s23], [sflag:$0x3] =	stream.strided.gather [hbm4b:s5+s7], $0x2000, s8, s7, $0x38;
	[tilespmem:$0x1C800] =	vst v63  }
0x67: {  	v4 =	vld @!p0 [tilespmem:$0x3];
	_ =	sdelay $0x4  }
0x68: {  	(v2sf) =	vpush @!p0 v4, $0x0;
	_ =	sdelay $0xe  }
0x69: {  	s5 =	spop @!p0 (v2sf)  }
0x6a: {  	v4 =	vld @!p0 [tilespmem:s5+$0x300];
	_ =	sdelay $0x4  }
0x6b: {  	(v2sf) =	vpush @!p0 v4, $0x0;
	_ =	sdelay $0xe  }
0x6c: {  	p1 =	slt.u32 @!p0 s18, $0x5;
	s5 =	spop @!p0 (v2sf)  }
0x6d: {  	s9 =	simm.s32 @!p0 $0x16800;
	p2 =	por p1, p0;
	s5 =	sand.u32 @!p0 $0xFFFFF80, s5  }
0x6e: {  	s7 =	simm.s32 @!p0 $0x400;
	s8 =	simm.s32 @!p0 $0x7A1400;
	s5 =	sadd.s32 @!p0 s2, s5  }
0x6f: {  	[tilespmem:s9], [sflag:$0x4] =	stream.strided.gather @!p0 [hbm4b:s5+s7], $0x2000, s8, s7, $0x38;
	[tilespmem:$0x1C800] =	vst v63  }
0x70: {  	v4 =	vld @!p2 [tilespmem:$0x4];
	_ =	sdelay $0x4  }
0x71: {  	(v2sf) =	vpush @!p2 v4, $0x0;
	_ =	sdelay $0xe  }
0x72: {  	s5 =	spop @!p2 (v2sf)  }
0x73: {  	v4 =	vld @!p2 [tilespmem:s5+$0x300];
	_ =	sdelay $0x4  }
0x74: {  	(v2sf) =	vpush @!p2 v4, $0x0;
	_ =	sdelay $0xe  }
0x75: {  	s5 =	spop @!p2 (v2sf)  }
0x76: {  	s7 =	simm.s32 @!p2 $0x400;
	s5 =	sand.u32 @!p2 $0xFFFFF80, s5  }
0x77: {  	s8 =	simm.s32 @!p2 $0x7A1400;
	s9 =	simm.s32 @!p2 $0x18800;
	s5 =	sadd.s32 @!p2 s2, s5  }
0x78: {  	[tilespmem:s9], [sflag:$0x5] =	stream.strided.gather @!p2 [hbm4b:s5+s7], $0x2000, s8, s7, $0x38;
	[tilespmem:$0x1C800] =	vst v63  }
0x79: {  	p2 =	seq.s32 @!p2 s18, $0x5  }
0x7a: {  	p1 =	por @!p0 p2, p1  }
0x7b: {  	p0 =	por p1, p0  }
0x7c: {  	v4 =	vld @!p0 [tilespmem:$0x5];
	_ =	sdelay $0x4  }
0x7d: {  	(v2sf) =	vpush @!p0 v4, $0x0;
	_ =	sdelay $0xe  }
0x7e: {  	s5 =	spop @!p0 (v2sf)  }
0x7f: {  	v4 =	vld @!p0 [tilespmem:s5+$0x300];
	_ =	sdelay $0x4  }
0x80: {  	(v2sf) =	vpush @!p0 v4, $0x0;
	_ =	sdelay $0xe  }
0x81: {  	s5 =	spop @!p0 (v2sf)  }
0x82: {  	s7 =	simm.s32 @!p0 $0x400;
	s5 =	sand.u32 @!p0 $0xFFFFF80, s5  }
0x83: {  	s8 =	simm.s32 @!p0 $0x7A1400;
	s9 =	simm.s32 @!p0 $0x1A800;
	s5 =	sadd.s32 @!p0 s2, s5  }
0x84: {  	[tilespmem:s9], [sflag:$0x6] =	stream.strided.gather @!p0 [hbm4b:s5+s7], $0x2000, s8, s7, $0x38;
	[tilespmem:$0x1C800] =	vst v63  }
.LBB2_3:
.Ltmp3:
0x85: {  	(pc) =	sbr.rel .LBB2_4-.Ltmp3, $2  }
0x86: {  	_ =	sdelay $0x2  }
0x87: {  	s5 =	simm.s32 $0x0  }
.LBB2_38:
0x88: {  	[tilespmem:s7+$0x10] =	vst v4  }
.LBB2_39:
0x89: {  	s7 =	sadd.s32 $0xB, s19  }
0x8a: {  	p0 =	sge.u32 s7, s18  }
0x8b: {  	v4 =	vld @!p0 [tilespmem:s19+$0xB];
	_ =	sdelay $0x4  }
0x8c: {  	(v2sf) =	vpush @!p0 v4, $0x0;
	_ =	sdelay $0xe  }
0x8d: {  	s7 =	spop @!p0 (v2sf)  }
0x8e: {  	v4 =	vld @!p0 [tilespmem:s7+$0x300];
	_ =	sdelay $0x4  }
0x8f: {  	(v2sf) =	vpush @!p0 v4, $0x0;
	_ =	sdelay $0xe  }
0x90: {  	s7 =	spop @!p0 (v2sf)  }
0x91: {  	s8 =	simm.s32 @!p0 $0x400;
	s7 =	sand.u32 @!p0 $0xFFFFF80, s7  }
0x92: {  	s9 =	simm.s32 @!p0 $0x7A1400;
	s10 =	simm.s32 @!p0 $0x1A800;
	s7 =	sadd.s32 @!p0 s2, s7  }
0x93: {  	[tilespmem:s10], [sflag:$0x6] =	stream.strided.gather @!p0 [hbm4b:s7+s8], $0x2000, s9, s8, $0x38;
	[tilespmem:$0x1C800] =	vst v63  }
.LBB2_40:
0x94: {  	s5 =	sadd.s32 $0x1, s5  }
0x95: {  	p0 =	sne.s32 s5, $0x6A  }
.Ltmp4:
0x96: {  	_ = 	snop;
	(pc) =	sbr.rel @!p0 .LBB2_41-.Ltmp4, $1  }
0x97: {  	_ =	sdelay $0x3  }
.LBB2_4:
0x98: {  	s19 =	smul.u32 $0x6, s5;
	_ =	sdelay $0x1  }
0x99: {  	p0 =	sge.s32 s19, s18  }
.Ltmp5:
0x9a: {  	_ = 	snop;
	(pc) =	sbr.rel @p0 .LBB2_10-.Ltmp5, $1  }
0x9b: {  	_ =	sdelay $0x3  }
0x9c: {  	_ =	swait.ge [sflag:s24], $0x2000  }
0x9d: {  	[sflag:s24] =	ssyncset.done $0x0  }
0x9e: {  	[sflag:s24] =	ssyncadd.s32 $0xFFFFE000  }
0x9f: {  	v4 =	vld [tilespmem:s19+$0x0]  }
0xa0: {  	v5 =	vld [tilespmem:s19+$0x1];
	_ =	sdelay $0x3  }
0xa1: {  	(v2sf) =	vpush v4, $0x0  }
0xa2: {  	(v2sf) =	vpush v5, $0x0;
	_ =	sdelay $0xd  }
0xa3: {  	s8 =	spop (v2sf)  }
0xa4: {  	s9 =	spop (v2sf)  }
0xa5: {  	p0 =	sle.s32 s9, s8  }
.Ltmp6:
0xa6: {  	_ = 	snop;
	(pc) =	sbr.rel @p0 .LBB2_9-.Ltmp6, $1  }
0xa7: {  	_ =	sdelay $0x3  }
0xa8: {  	s7 =	sshll.u32 s8, $0x2  }
0xa9: {  	s7 =	sshra.s32 s7, $0x2  }
0xaa: {  	s20 =	sadd.s32 $0x300, s7  }
0xab: {  	v4 =	vld [tilespmem:s20+$0x0];
	_ =	sdelay $0x4  }
0xac: {  	(v2sf) =	vpush v4, $0x0;
	_ =	sdelay $0xe  }
0xad: {  	s10 =	spop (v2sf)  }
0xae: {  	s10 =	sand.u32 $0x7F, s10  }
0xaf: {  	v4 =	vor.u32 s10, v0;
	_ =	sdelay $0x4  }
0xb0: {  	v4 =	vld.idx.msk [tilespmem:v4+s25+$0x0], $0xffff  }
0xb1: {  	v5 =	vor.u32 s10, v1  }
0xb2: {  	s7 =	sshll.u32 s8, $0x9  }
0xb3: {  	s7 =	sshra.s32 s7, $0x2  }
0xb4: {  	s7 =	sadd.s32 $0x820, s7  }
0xb5: {  	[tilespmem:s7+$0xFFFFFFE0] =	vst v4  }
0xb6: {  	v4 =	vld.idx.msk [tilespmem:v5+s25+$0x0], $0xffff  }
0xb7: {  	v5 =	vor.u32 s10, v2;
	_ =	sdelay $0x3  }
0xb8: {  	[tilespmem:s7+$0xFFFFFFF0] =	vst v4  }
0xb9: {  	v4 =	vld.idx.msk [tilespmem:v5+s25+$0x0], $0xffff;
	v5 =	vor.u32 s10, v3;
	s10 =	ssub.s32 s9, s8  }
0xba: {  	p0 =	sne.s32 s10, $0x1  }
.Ltmp7:
0xbb: {  	_ = 	snop;
	(pc) =	sbr.rel @!p0 .LBB2_8-.Ltmp7, $3  }
0xbc: {  	_ =	sdelay $0x1  }
0xbd: {  	[tilespmem:s7+$0x0] =	vst v4  }
0xbe: {  	s8 =	sadd.s32 $0xFFFFFFFF, s10;
	v4 =	vld.idx.msk [tilespmem:v5+s25+$0x0], $0xffff  }
.LBB2_7:
0xbf: {  	_ =	sdelay $0x3  }
0xc0: {  	p0 =	sne.s32 s8, $0x1;
	s20 =	sadd.s32 $0x1, s20;
	[tilespmem:s7+$0x10] =	vst v4;
	s7 =	sadd.s32 $0x80, s7  }
0xc1: {  	s8 =	sadd.s32 $0xFFFFFFFF, s8;
	v4 =	vld [tilespmem:s20+$0x0];
	_ =	sdelay $0x4  }
0xc2: {  	(v2sf) =	vpush v4, $0x0;
	_ =	sdelay $0xe  }
0xc3: {  	s9 =	spop (v2sf)  }
0xc4: {  	s9 =	sand.u32 $0x7F, s9  }
0xc5: {  	v4 =	vor.u32 s9, v0;
	_ =	sdelay $0x4  }
0xc6: {  	v4 =	vld.idx.msk [tilespmem:v4+s25+$0x0], $0xffff;
	_ =	sdelay $0x1  }
0xc7: {  	v5 =	vor.u32 s9, v1;
	_ =	sdelay $0x3  }
0xc8: {  	[tilespmem:s7+$0xFFFFFFE0] =	vst v4  }
0xc9: {  	v4 =	vld.idx.msk [tilespmem:v5+s25+$0x0], $0xffff;
	_ =	sdelay $0x1  }
0xca: {  	v5 =	vor.u32 s9, v2;
	_ =	sdelay $0x3  }
0xcb: {  	[tilespmem:s7+$0xFFFFFFF0] =	vst v4  }
0xcc: {  	v4 =	vld.idx.msk [tilespmem:v5+s25+$0x0], $0xffff;
	_ =	sdelay $0x1  }
0xcd: {  	v5 =	vor.u32 s9, v3  }
.Ltmp8:
0xce: {  	(pc) =	sbr.rel @p0 .LBB2_7-.Ltmp8, $3  }
0xcf: {  	_ =	sdelay $0x1  }
0xd0: {  	[tilespmem:s7+$0x0] =	vst v4  }
0xd1: {  	v4 =	vld.idx.msk [tilespmem:v5+s25+$0x0], $0xffff  }
.LBB2_8:
0xd2: {  	_ =	sdelay $0x3  }
0xd3: {  	[tilespmem:s7+$0x10] =	vst v4  }
.LBB2_9:
0xd4: {  	s7 =	sadd.s32 $0x6, s19  }
0xd5: {  	p0 =	sge.u32 s7, s18  }
0xd6: {  	v4 =	vld @!p0 [tilespmem:s19+$0x6];
	_ =	sdelay $0x4  }
0xd7: {  	(v2sf) =	vpush @!p0 v4, $0x0;
	_ =	sdelay $0xe  }
0xd8: {  	s7 =	spop @!p0 (v2sf)  }
0xd9: {  	v4 =	vld @!p0 [tilespmem:s7+$0x300];
	_ =	sdelay $0x4  }
0xda: {  	(v2sf) =	vpush @!p0 v4, $0x0;
	_ =	sdelay $0xe  }
0xdb: {  	s7 =	spop @!p0 (v2sf)  }
0xdc: {  	s8 =	simm.s32 @!p0 $0x400;
	s7 =	sand.u32 @!p0 $0xFFFFF80, s7  }
0xdd: {  	s9 =	simm.s32 @!p0 $0x7A1400;
	s10 =	simm.s32 @!p0 $0x10800;
	s7 =	sadd.s32 @!p0 s2, s7  }
0xde: {  	[tilespmem:s10], [sflag:$0x1] =	stream.strided.gather @!p0 [hbm4b:s7+s8], $0x2000, s9, s8, $0x38;
	[tilespmem:$0x1C800] =	vst v63  }
.LBB2_10:
0xdf: {  	s7 =	sor.u32 $0x1, s19  }
0xe0: {  	p0 =	sge.s32 s7, s18  }
.Ltmp9:
0xe1: {  	_ = 	snop;
	(pc) =	sbr.rel @p0 .LBB2_16-.Ltmp9, $1  }
0xe2: {  	_ =	sdelay $0x3  }
0xe3: {  	_ =	swait.ge [sflag:s26], $0x2000  }
0xe4: {  	[sflag:s26] =	ssyncset.done $0x0  }
0xe5: {  	[sflag:s26] =	ssyncadd.s32 $0xFFFFE000  }
0xe6: {  	v4 =	vld [tilespmem:s19+$0x1]  }
0xe7: {  	v5 =	vld [tilespmem:s19+$0x2];
	_ =	sdelay $0x3  }
0xe8: {  	(v2sf) =	vpush v4, $0x0  }
0xe9: {  	(v2sf) =	vpush v5, $0x0;
	_ =	sdelay $0xd  }
0xea: {  	s8 =	spop (v2sf)  }
0xeb: {  	s9 =	spop (v2sf)  }
0xec: {  	p0 =	sle.s32 s9, s8  }
.Ltmp10:
0xed: {  	_ = 	snop;
	(pc) =	sbr.rel @p0 .LBB2_15-.Ltmp10, $1  }
0xee: {  	_ =	sdelay $0x3  }
0xef: {  	s7 =	sshll.u32 s8, $0x2  }
0xf0: {  	s7 =	sshra.s32 s7, $0x2  }
0xf1: {  	s20 =	sadd.s32 $0x300, s7  }
0xf2: {  	v4 =	vld [tilespmem:s20+$0x0];
	_ =	sdelay $0x4  }
0xf3: {  	(v2sf) =	vpush v4, $0x0;
	_ =	sdelay $0xe  }
0xf4: {  	s10 =	spop (v2sf)  }
0xf5: {  	s10 =	sand.u32 $0x7F, s10  }
0xf6: {  	v4 =	vor.u32 s10, v0;
	_ =	sdelay $0x4  }
0xf7: {  	v4 =	vld.idx.msk [tilespmem:v4+s28+$0x0], $0xffff  }
0xf8: {  	v5 =	vor.u32 s10, v1  }
0xf9: {  	s7 =	sshll.u32 s8, $0x9  }
0xfa: {  	s7 =	sshra.s32 s7, $0x2  }
0xfb: {  	s7 =	sadd.s32 $0x820, s7  }
0xfc: {  	[tilespmem:s7+$0xFFFFFFE0] =	vst v4  }
0xfd: {  	v4 =	vld.idx.msk [tilespmem:v5+s28+$0x0], $0xffff  }
0xfe: {  	v5 =	vor.u32 s10, v2;
	_ =	sdelay $0x3  }
0xff: {  	[tilespmem:s7+$0xFFFFFFF0] =	vst v4  }
0x100: {  	v4 =	vld.idx.msk [tilespmem:v5+s28+$0x0], $0xffff;
	v5 =	vor.u32 s10, v3;
	s10 =	ssub.s32 s9, s8  }
0x101: {  	p0 =	sne.s32 s10, $0x1  }
.Ltmp11:
0x102: {  	_ = 	snop;
	(pc) =	sbr.rel @!p0 .LBB2_14-.Ltmp11, $3  }
0x103: {  	_ =	sdelay $0x1  }
0x104: {  	[tilespmem:s7+$0x0] =	vst v4  }
0x105: {  	s8 =	sadd.s32 $0xFFFFFFFF, s10;
	v4 =	vld.idx.msk [tilespmem:v5+s28+$0x0], $0xffff  }
.LBB2_13:
0x106: {  	_ =	sdelay $0x3  }
0x107: {  	p0 =	sne.s32 s8, $0x1;
	s20 =	sadd.s32 $0x1, s20;
	[tilespmem:s7+$0x10] =	vst v4;
	s7 =	sadd.s32 $0x80, s7  }
0x108: {  	s8 =	sadd.s32 $0xFFFFFFFF, s8;
	v4 =	vld [tilespmem:s20+$0x0];
	_ =	sdelay $0x4  }
0x109: {  	(v2sf) =	vpush v4, $0x0;
	_ =	sdelay $0xe  }
0x10a: {  	s9 =	spop (v2sf)  }
0x10b: {  	s9 =	sand.u32 $0x7F, s9  }
0x10c: {  	v4 =	vor.u32 s9, v0;
	_ =	sdelay $0x4  }
0x10d: {  	v4 =	vld.idx.msk [tilespmem:v4+s28+$0x0], $0xffff;
	_ =	sdelay $0x1  }
0x10e: {  	v5 =	vor.u32 s9, v1;
	_ =	sdelay $0x3  }
0x10f: {  	[tilespmem:s7+$0xFFFFFFE0] =	vst v4  }
0x110: {  	v4 =	vld.idx.msk [tilespmem:v5+s28+$0x0], $0xffff;
	_ =	sdelay $0x1  }
0x111: {  	v5 =	vor.u32 s9, v2;
	_ =	sdelay $0x3  }
0x112: {  	[tilespmem:s7+$0xFFFFFFF0] =	vst v4  }
0x113: {  	v4 =	vld.idx.msk [tilespmem:v5+s28+$0x0], $0xffff;
	_ =	sdelay $0x1  }
0x114: {  	v5 =	vor.u32 s9, v3  }
.Ltmp12:
0x115: {  	(pc) =	sbr.rel @p0 .LBB2_13-.Ltmp12, $3  }
0x116: {  	_ =	sdelay $0x1  }
0x117: {  	[tilespmem:s7+$0x0] =	vst v4  }
0x118: {  	v4 =	vld.idx.msk [tilespmem:v5+s28+$0x0], $0xffff  }
.LBB2_14:
0x119: {  	_ =	sdelay $0x3  }
0x11a: {  	[tilespmem:s7+$0x10] =	vst v4  }
.LBB2_15:
0x11b: {  	s7 =	sadd.s32 $0x7, s19  }
0x11c: {  	p0 =	sge.u32 s7, s18  }
0x11d: {  	v4 =	vld @!p0 [tilespmem:s19+$0x7];
	_ =	sdelay $0x4  }
0x11e: {  	(v2sf) =	vpush @!p0 v4, $0x0;
	_ =	sdelay $0xe  }
0x11f: {  	s7 =	spop @!p0 (v2sf)  }
0x120: {  	v4 =	vld @!p0 [tilespmem:s7+$0x300];
	_ =	sdelay $0x4  }
0x121: {  	(v2sf) =	vpush @!p0 v4, $0x0;
	_ =	sdelay $0xe  }
0x122: {  	s7 =	spop @!p0 (v2sf)  }
0x123: {  	s8 =	simm.s32 @!p0 $0x400;
	s7 =	sand.u32 @!p0 $0xFFFFF80, s7  }
0x124: {  	s9 =	simm.s32 @!p0 $0x7A1400;
	s10 =	simm.s32 @!p0 $0x12800;
	s7 =	sadd.s32 @!p0 s2, s7  }
0x125: {  	[tilespmem:s10], [sflag:$0x2] =	stream.strided.gather @!p0 [hbm4b:s7+s8], $0x2000, s9, s8, $0x38;
	[tilespmem:$0x1C800] =	vst v63  }
.LBB2_16:
0x126: {  	s7 =	sadd.s32 $0x2, s19  }
0x127: {  	p0 =	sge.s32 s7, s18  }
.Ltmp13:
0x128: {  	_ = 	snop;
	(pc) =	sbr.rel @p0 .LBB2_22-.Ltmp13, $1  }
0x129: {  	_ =	sdelay $0x3  }
0x12a: {  	_ =	swait.ge [sflag:s29], $0x2000  }
0x12b: {  	[sflag:s29] =	ssyncset.done $0x0  }
0x12c: {  	[sflag:s29] =	ssyncadd.s32 $0xFFFFE000  }
0x12d: {  	v4 =	vld [tilespmem:s19+$0x2]  }
0x12e: {  	v5 =	vld [tilespmem:s19+$0x3];
	_ =	sdelay $0x3  }
0x12f: {  	(v2sf) =	vpush v4, $0x0  }
0x130: {  	(v2sf) =	vpush v5, $0x0;
	_ =	sdelay $0xd  }
0x131: {  	s8 =	spop (v2sf)  }
0x132: {  	s9 =	spop (v2sf)  }
0x133: {  	p0 =	sle.s32 s9, s8  }
.Ltmp14:
0x134: {  	_ = 	snop;
	(pc) =	sbr.rel @p0 .LBB2_21-.Ltmp14, $1  }
0x135: {  	_ =	sdelay $0x3  }
0x136: {  	s7 =	sshll.u32 s8, $0x2  }
0x137: {  	s7 =	sshra.s32 s7, $0x2  }
0x138: {  	s20 =	sadd.s32 $0x300, s7  }
0x139: {  	v4 =	vld [tilespmem:s20+$0x0];
	_ =	sdelay $0x4  }
0x13a: {  	(v2sf) =	vpush v4, $0x0;
	_ =	sdelay $0xe  }
0x13b: {  	s10 =	spop (v2sf)  }
0x13c: {  	s10 =	sand.u32 $0x7F, s10  }
0x13d: {  	v4 =	vor.u32 s10, v0;
	_ =	sdelay $0x4  }
0x13e: {  	v4 =	vld.idx.msk [tilespmem:v4+s23+$0x0], $0xffff  }
0x13f: {  	v5 =	vor.u32 s10, v1  }
0x140: {  	s7 =	sshll.u32 s8, $0x9  }
0x141: {  	s7 =	sshra.s32 s7, $0x2  }
0x142: {  	s7 =	sadd.s32 $0x820, s7  }
0x143: {  	[tilespmem:s7+$0xFFFFFFE0] =	vst v4  }
0x144: {  	v4 =	vld.idx.msk [tilespmem:v5+s23+$0x0], $0xffff  }
0x145: {  	v5 =	vor.u32 s10, v2;
	_ =	sdelay $0x3  }
0x146: {  	[tilespmem:s7+$0xFFFFFFF0] =	vst v4  }
0x147: {  	v4 =	vld.idx.msk [tilespmem:v5+s23+$0x0], $0xffff;
	v5 =	vor.u32 s10, v3;
	s10 =	ssub.s32 s9, s8  }
0x148: {  	p0 =	sne.s32 s10, $0x1  }
.Ltmp15:
0x149: {  	_ = 	snop;
	(pc) =	sbr.rel @!p0 .LBB2_20-.Ltmp15, $3  }
0x14a: {  	_ =	sdelay $0x1  }
0x14b: {  	[tilespmem:s7+$0x0] =	vst v4  }
0x14c: {  	s8 =	sadd.s32 $0xFFFFFFFF, s10;
	v4 =	vld.idx.msk [tilespmem:v5+s23+$0x0], $0xffff  }
.LBB2_19:
0x14d: {  	_ =	sdelay $0x3  }
0x14e: {  	p0 =	sne.s32 s8, $0x1;
	s20 =	sadd.s32 $0x1, s20;
	[tilespmem:s7+$0x10] =	vst v4;
	s7 =	sadd.s32 $0x80, s7  }
0x14f: {  	s8 =	sadd.s32 $0xFFFFFFFF, s8;
	v4 =	vld [tilespmem:s20+$0x0];
	_ =	sdelay $0x4  }
0x150: {  	(v2sf) =	vpush v4, $0x0;
	_ =	sdelay $0xe  }
0x151: {  	s9 =	spop (v2sf)  }
0x152: {  	s9 =	sand.u32 $0x7F, s9  }
0x153: {  	v4 =	vor.u32 s9, v0;
	_ =	sdelay $0x4  }
0x154: {  	v4 =	vld.idx.msk [tilespmem:v4+s23+$0x0], $0xffff;
	_ =	sdelay $0x1  }
0x155: {  	v5 =	vor.u32 s9, v1;
	_ =	sdelay $0x3  }
0x156: {  	[tilespmem:s7+$0xFFFFFFE0] =	vst v4  }
0x157: {  	v4 =	vld.idx.msk [tilespmem:v5+s23+$0x0], $0xffff;
	_ =	sdelay $0x1  }
0x158: {  	v5 =	vor.u32 s9, v2;
	_ =	sdelay $0x3  }
0x159: {  	[tilespmem:s7+$0xFFFFFFF0] =	vst v4  }
0x15a: {  	v4 =	vld.idx.msk [tilespmem:v5+s23+$0x0], $0xffff;
	_ =	sdelay $0x1  }
0x15b: {  	v5 =	vor.u32 s9, v3  }
.Ltmp16:
0x15c: {  	(pc) =	sbr.rel @p0 .LBB2_19-.Ltmp16, $3  }
0x15d: {  	_ =	sdelay $0x1  }
0x15e: {  	[tilespmem:s7+$0x0] =	vst v4  }
0x15f: {  	v4 =	vld.idx.msk [tilespmem:v5+s23+$0x0], $0xffff  }
.LBB2_20:
0x160: {  	_ =	sdelay $0x3  }
0x161: {  	[tilespmem:s7+$0x10] =	vst v4  }
.LBB2_21:
0x162: {  	s7 =	sadd.s32 $0x8, s19  }
0x163: {  	p0 =	sge.u32 s7, s18  }
0x164: {  	v4 =	vld @!p0 [tilespmem:s19+$0x8];
	_ =	sdelay $0x4  }
0x165: {  	(v2sf) =	vpush @!p0 v4, $0x0;
	_ =	sdelay $0xe  }
0x166: {  	s7 =	spop @!p0 (v2sf)  }
0x167: {  	v4 =	vld @!p0 [tilespmem:s7+$0x300];
	_ =	sdelay $0x4  }
0x168: {  	(v2sf) =	vpush @!p0 v4, $0x0;
	_ =	sdelay $0xe  }
0x169: {  	s7 =	spop @!p0 (v2sf)  }
0x16a: {  	s8 =	simm.s32 @!p0 $0x400;
	s7 =	sand.u32 @!p0 $0xFFFFF80, s7  }
0x16b: {  	s9 =	simm.s32 @!p0 $0x7A1400;
	s10 =	simm.s32 @!p0 $0x14800;
	s7 =	sadd.s32 @!p0 s2, s7  }
0x16c: {  	[tilespmem:s10], [sflag:$0x3] =	stream.strided.gather @!p0 [hbm4b:s7+s8], $0x2000, s9, s8, $0x38;
	[tilespmem:$0x1C800] =	vst v63  }
.LBB2_22:
0x16d: {  	s7 =	sadd.s32 $0x3, s19  }
0x16e: {  	p0 =	sge.s32 s7, s18  }
.Ltmp17:
0x16f: {  	_ = 	snop;
	(pc) =	sbr.rel @p0 .LBB2_28-.Ltmp17, $1  }
0x170: {  	_ =	sdelay $0x3  }
0x171: {  	_ =	swait.ge [sflag:s30], $0x2000  }
0x172: {  	[sflag:s30] =	ssyncset.done $0x0  }
0x173: {  	[sflag:s30] =	ssyncadd.s32 $0xFFFFE000  }
0x174: {  	v4 =	vld [tilespmem:s19+$0x3]  }
0x175: {  	v5 =	vld [tilespmem:s19+$0x4];
	_ =	sdelay $0x3  }
0x176: {  	(v2sf) =	vpush v4, $0x0  }
0x177: {  	(v2sf) =	vpush v5, $0x0;
	_ =	sdelay $0xd  }
0x178: {  	s8 =	spop (v2sf)  }
0x179: {  	s9 =	spop (v2sf)  }
0x17a: {  	p0 =	sle.s32 s9, s8  }
.Ltmp18:
0x17b: {  	_ = 	snop;
	(pc) =	sbr.rel @p0 .LBB2_27-.Ltmp18, $1  }
0x17c: {  	_ =	sdelay $0x3  }
0x17d: {  	s7 =	sshll.u32 s8, $0x2  }
0x17e: {  	s7 =	sshra.s32 s7, $0x2  }
0x17f: {  	s20 =	sadd.s32 $0x300, s7  }
0x180: {  	v4 =	vld [tilespmem:s20+$0x0];
	_ =	sdelay $0x4  }
0x181: {  	(v2sf) =	vpush v4, $0x0;
	_ =	sdelay $0xe  }
0x182: {  	s10 =	spop (v2sf)  }
0x183: {  	s10 =	sand.u32 $0x7F, s10  }
0x184: {  	v4 =	vor.u32 s10, v0;
	_ =	sdelay $0x4  }
0x185: {  	v4 =	vld.idx.msk [tilespmem:v4+s31+$0x0], $0xffff  }
0x186: {  	v5 =	vor.u32 s10, v1  }
0x187: {  	s7 =	sshll.u32 s8, $0x9  }
0x188: {  	s7 =	sshra.s32 s7, $0x2  }
0x189: {  	s7 =	sadd.s32 $0x820, s7  }
0x18a: {  	[tilespmem:s7+$0xFFFFFFE0] =	vst v4  }
0x18b: {  	v4 =	vld.idx.msk [tilespmem:v5+s31+$0x0], $0xffff  }
0x18c: {  	v5 =	vor.u32 s10, v2;
	_ =	sdelay $0x3  }
0x18d: {  	[tilespmem:s7+$0xFFFFFFF0] =	vst v4  }
0x18e: {  	v4 =	vld.idx.msk [tilespmem:v5+s31+$0x0], $0xffff;
	v5 =	vor.u32 s10, v3;
	s10 =	ssub.s32 s9, s8  }
0x18f: {  	p0 =	sne.s32 s10, $0x1  }
.Ltmp19:
0x190: {  	_ = 	snop;
	(pc) =	sbr.rel @!p0 .LBB2_26-.Ltmp19, $3  }
0x191: {  	_ =	sdelay $0x1  }
0x192: {  	[tilespmem:s7+$0x0] =	vst v4  }
0x193: {  	s8 =	sadd.s32 $0xFFFFFFFF, s10;
	v4 =	vld.idx.msk [tilespmem:v5+s31+$0x0], $0xffff  }
.LBB2_25:
0x194: {  	_ =	sdelay $0x3  }
0x195: {  	p0 =	sne.s32 s8, $0x1;
	s20 =	sadd.s32 $0x1, s20;
	[tilespmem:s7+$0x10] =	vst v4;
	s7 =	sadd.s32 $0x80, s7  }
0x196: {  	s8 =	sadd.s32 $0xFFFFFFFF, s8;
	v4 =	vld [tilespmem:s20+$0x0];
	_ =	sdelay $0x4  }
0x197: {  	(v2sf) =	vpush v4, $0x0;
	_ =	sdelay $0xe  }
0x198: {  	s9 =	spop (v2sf)  }
0x199: {  	s9 =	sand.u32 $0x7F, s9  }
0x19a: {  	v4 =	vor.u32 s9, v0;
	_ =	sdelay $0x4  }
0x19b: {  	v4 =	vld.idx.msk [tilespmem:v4+s31+$0x0], $0xffff;
	_ =	sdelay $0x1  }
0x19c: {  	v5 =	vor.u32 s9, v1;
	_ =	sdelay $0x3  }
0x19d: {  	[tilespmem:s7+$0xFFFFFFE0] =	vst v4  }
0x19e: {  	v4 =	vld.idx.msk [tilespmem:v5+s31+$0x0], $0xffff;
	_ =	sdelay $0x1  }
0x19f: {  	v5 =	vor.u32 s9, v2;
	_ =	sdelay $0x3  }
0x1a0: {  	[tilespmem:s7+$0xFFFFFFF0] =	vst v4  }
0x1a1: {  	v4 =	vld.idx.msk [tilespmem:v5+s31+$0x0], $0xffff;
	_ =	sdelay $0x1  }
0x1a2: {  	v5 =	vor.u32 s9, v3  }
.Ltmp20:
0x1a3: {  	(pc) =	sbr.rel @p0 .LBB2_25-.Ltmp20, $3  }
0x1a4: {  	_ =	sdelay $0x1  }
0x1a5: {  	[tilespmem:s7+$0x0] =	vst v4  }
0x1a6: {  	v4 =	vld.idx.msk [tilespmem:v5+s31+$0x0], $0xffff  }
.LBB2_26:
0x1a7: {  	_ =	sdelay $0x3  }
0x1a8: {  	[tilespmem:s7+$0x10] =	vst v4  }
.LBB2_27:
0x1a9: {  	s7 =	sadd.s32 $0x9, s19  }
0x1aa: {  	p0 =	sge.u32 s7, s18  }
0x1ab: {  	v4 =	vld @!p0 [tilespmem:s19+$0x9];
	_ =	sdelay $0x4  }
0x1ac: {  	(v2sf) =	vpush @!p0 v4, $0x0;
	_ =	sdelay $0xe  }
0x1ad: {  	s7 =	spop @!p0 (v2sf)  }
0x1ae: {  	v4 =	vld @!p0 [tilespmem:s7+$0x300];
	_ =	sdelay $0x4  }
0x1af: {  	(v2sf) =	vpush @!p0 v4, $0x0;
	_ =	sdelay $0xe  }
0x1b0: {  	s7 =	spop @!p0 (v2sf)  }
0x1b1: {  	s8 =	simm.s32 @!p0 $0x400;
	s7 =	sand.u32 @!p0 $0xFFFFF80, s7  }
0x1b2: {  	s9 =	simm.s32 @!p0 $0x7A1400;
	s10 =	simm.s32 @!p0 $0x16800;
	s7 =	sadd.s32 @!p0 s2, s7  }
0x1b3: {  	[tilespmem:s10], [sflag:$0x4] =	stream.strided.gather @!p0 [hbm4b:s7+s8], $0x2000, s9, s8, $0x38;
	[tilespmem:$0x1C800] =	vst v63  }
.LBB2_28:
0x1b4: {  	s7 =	sadd.s32 $0x4, s19  }
0x1b5: {  	p0 =	sge.s32 s7, s18  }
.Ltmp21:
0x1b6: {  	_ = 	snop;
	(pc) =	sbr.rel @p0 .LBB2_34-.Ltmp21, $1  }
0x1b7: {  	_ =	sdelay $0x3  }
0x1b8: {  	_ =	swait.ge [sflag:s1], $0x2000  }
0x1b9: {  	[sflag:s1] =	ssyncset.done $0x0  }
0x1ba: {  	[sflag:s1] =	ssyncadd.s32 $0xFFFFE000  }
0x1bb: {  	v4 =	vld [tilespmem:s19+$0x4]  }
0x1bc: {  	v5 =	vld [tilespmem:s19+$0x5];
	_ =	sdelay $0x3  }
0x1bd: {  	(v2sf) =	vpush v4, $0x0  }
0x1be: {  	(v2sf) =	vpush v5, $0x0;
	_ =	sdelay $0xd  }
0x1bf: {  	s8 =	spop (v2sf)  }
0x1c0: {  	s9 =	spop (v2sf)  }
0x1c1: {  	p0 =	sle.s32 s9, s8  }
.Ltmp22:
0x1c2: {  	_ = 	snop;
	(pc) =	sbr.rel @p0 .LBB2_33-.Ltmp22, $1  }
0x1c3: {  	_ =	sdelay $0x3  }
0x1c4: {  	s7 =	sshll.u32 s8, $0x2  }
0x1c5: {  	s7 =	sshra.s32 s7, $0x2  }
0x1c6: {  	s20 =	sadd.s32 $0x300, s7  }
0x1c7: {  	v4 =	vld [tilespmem:s20+$0x0];
	_ =	sdelay $0x4  }
0x1c8: {  	(v2sf) =	vpush v4, $0x0;
	_ =	sdelay $0xe  }
0x1c9: {  	s10 =	spop (v2sf)  }
0x1ca: {  	s10 =	sand.u32 $0x7F, s10  }
0x1cb: {  	v4 =	vor.u32 s10, v0;
	_ =	sdelay $0x4  }
0x1cc: {  	v4 =	vld.idx.msk [tilespmem:v4+s0+$0x0], $0xffff  }
0x1cd: {  	v5 =	vor.u32 s10, v1  }
0x1ce: {  	s7 =	sshll.u32 s8, $0x9  }
0x1cf: {  	s7 =	sshra.s32 s7, $0x2  }
0x1d0: {  	s7 =	sadd.s32 $0x820, s7  }
0x1d1: {  	[tilespmem:s7+$0xFFFFFFE0] =	vst v4  }
0x1d2: {  	v4 =	vld.idx.msk [tilespmem:v5+s0+$0x0], $0xffff  }
0x1d3: {  	v5 =	vor.u32 s10, v2;
	_ =	sdelay $0x3  }
0x1d4: {  	[tilespmem:s7+$0xFFFFFFF0] =	vst v4  }
0x1d5: {  	v4 =	vld.idx.msk [tilespmem:v5+s0+$0x0], $0xffff;
	v5 =	vor.u32 s10, v3;
	s10 =	ssub.s32 s9, s8  }
0x1d6: {  	p0 =	sne.s32 s10, $0x1  }
.Ltmp23:
0x1d7: {  	_ = 	snop;
	(pc) =	sbr.rel @!p0 .LBB2_32-.Ltmp23, $3  }
0x1d8: {  	_ =	sdelay $0x1  }
0x1d9: {  	[tilespmem:s7+$0x0] =	vst v4  }
0x1da: {  	s8 =	sadd.s32 $0xFFFFFFFF, s10;
	v4 =	vld.idx.msk [tilespmem:v5+s0+$0x0], $0xffff  }
.LBB2_31:
0x1db: {  	_ =	sdelay $0x3  }
0x1dc: {  	p0 =	sne.s32 s8, $0x1;
	s20 =	sadd.s32 $0x1, s20;
	[tilespmem:s7+$0x10] =	vst v4;
	s7 =	sadd.s32 $0x80, s7  }
0x1dd: {  	s8 =	sadd.s32 $0xFFFFFFFF, s8;
	v4 =	vld [tilespmem:s20+$0x0];
	_ =	sdelay $0x4  }
0x1de: {  	(v2sf) =	vpush v4, $0x0;
	_ =	sdelay $0xe  }
0x1df: {  	s9 =	spop (v2sf)  }
0x1e0: {  	s9 =	sand.u32 $0x7F, s9  }
0x1e1: {  	v4 =	vor.u32 s9, v0;
	_ =	sdelay $0x4  }
0x1e2: {  	v4 =	vld.idx.msk [tilespmem:v4+s0+$0x0], $0xffff;
	_ =	sdelay $0x1  }
0x1e3: {  	v5 =	vor.u32 s9, v1;
	_ =	sdelay $0x3  }
0x1e4: {  	[tilespmem:s7+$0xFFFFFFE0] =	vst v4  }
0x1e5: {  	v4 =	vld.idx.msk [tilespmem:v5+s0+$0x0], $0xffff;
	_ =	sdelay $0x1  }
0x1e6: {  	v5 =	vor.u32 s9, v2;
	_ =	sdelay $0x3  }
0x1e7: {  	[tilespmem:s7+$0xFFFFFFF0] =	vst v4  }
0x1e8: {  	v4 =	vld.idx.msk [tilespmem:v5+s0+$0x0], $0xffff;
	_ =	sdelay $0x1  }
0x1e9: {  	v5 =	vor.u32 s9, v3  }
.Ltmp24:
0x1ea: {  	(pc) =	sbr.rel @p0 .LBB2_31-.Ltmp24, $3  }
0x1eb: {  	_ =	sdelay $0x1  }
0x1ec: {  	[tilespmem:s7+$0x0] =	vst v4  }
0x1ed: {  	v4 =	vld.idx.msk [tilespmem:v5+s0+$0x0], $0xffff  }
.LBB2_32:
0x1ee: {  	_ =	sdelay $0x3  }
0x1ef: {  	[tilespmem:s7+$0x10] =	vst v4  }
.LBB2_33:
0x1f0: {  	s7 =	sadd.s32 $0xA, s19  }
0x1f1: {  	p0 =	sge.u32 s7, s18  }
0x1f2: {  	v4 =	vld @!p0 [tilespmem:s19+$0xA];
	_ =	sdelay $0x4  }
0x1f3: {  	(v2sf) =	vpush @!p0 v4, $0x0;
	_ =	sdelay $0xe  }
0x1f4: {  	s7 =	spop @!p0 (v2sf)  }
0x1f5: {  	v4 =	vld @!p0 [tilespmem:s7+$0x300];
	_ =	sdelay $0x4  }
0x1f6: {  	(v2sf) =	vpush @!p0 v4, $0x0;
	_ =	sdelay $0xe  }
0x1f7: {  	s7 =	spop @!p0 (v2sf)  }
0x1f8: {  	s8 =	simm.s32 @!p0 $0x400;
	s7 =	sand.u32 @!p0 $0xFFFFF80, s7  }
0x1f9: {  	s9 =	simm.s32 @!p0 $0x7A1400;
	s10 =	simm.s32 @!p0 $0x18800;
	s7 =	sadd.s32 @!p0 s2, s7  }
0x1fa: {  	[tilespmem:s10], [sflag:$0x5] =	stream.strided.gather @!p0 [hbm4b:s7+s8], $0x2000, s9, s8, $0x38;
	[tilespmem:$0x1C800] =	vst v63  }
.LBB2_34:
0x1fb: {  	s7 =	sadd.s32 $0x5, s19  }
0x1fc: {  	p0 =	sge.s32 s7, s18  }
.Ltmp25:
0x1fd: {  	_ = 	snop;
	(pc) =	sbr.rel @p0 .LBB2_40-.Ltmp25, $1  }
0x1fe: {  	_ =	sdelay $0x3  }
0x1ff: {  	_ =	swait.ge [sflag:s21], $0x2000  }
0x200: {  	[sflag:s21] =	ssyncset.done $0x0  }
0x201: {  	[sflag:s21] =	ssyncadd.s32 $0xFFFFE000  }
0x202: {  	v4 =	vld [tilespmem:s19+$0x5]  }
0x203: {  	v5 =	vld [tilespmem:s19+$0x6];
	_ =	sdelay $0x3  }
0x204: {  	(v2sf) =	vpush v4, $0x0  }
0x205: {  	(v2sf) =	vpush v5, $0x0;
	_ =	sdelay $0xd  }
0x206: {  	s8 =	spop (v2sf)  }
0x207: {  	s9 =	spop (v2sf)  }
0x208: {  	p0 =	sle.s32 s9, s8  }
.Ltmp26:
0x209: {  	_ = 	snop;
	(pc) =	sbr.rel @p0 .LBB2_39-.Ltmp26, $1  }
0x20a: {  	_ =	sdelay $0x3  }
0x20b: {  	s7 =	sshll.u32 s8, $0x2  }
0x20c: {  	s7 =	sshra.s32 s7, $0x2  }
0x20d: {  	s20 =	sadd.s32 $0x300, s7  }
0x20e: {  	v4 =	vld [tilespmem:s20+$0x0];
	_ =	sdelay $0x4  }
0x20f: {  	(v2sf) =	vpush v4, $0x0;
	_ =	sdelay $0xe  }
0x210: {  	s10 =	spop (v2sf)  }
0x211: {  	s10 =	sand.u32 $0x7F, s10  }
0x212: {  	v4 =	vor.u32 s10, v0;
	_ =	sdelay $0x4  }
0x213: {  	v4 =	vld.idx.msk [tilespmem:v4+s22+$0x0], $0xffff  }
0x214: {  	v5 =	vor.u32 s10, v1  }
0x215: {  	s7 =	sshll.u32 s8, $0x9  }
0x216: {  	s7 =	sshra.s32 s7, $0x2  }
0x217: {  	s7 =	sadd.s32 $0x820, s7  }
0x218: {  	[tilespmem:s7+$0xFFFFFFE0] =	vst v4  }
0x219: {  	v4 =	vld.idx.msk [tilespmem:v5+s22+$0x0], $0xffff  }
0x21a: {  	v5 =	vor.u32 s10, v2;
	_ =	sdelay $0x3  }
0x21b: {  	[tilespmem:s7+$0xFFFFFFF0] =	vst v4  }
0x21c: {  	v4 =	vld.idx.msk [tilespmem:v5+s22+$0x0], $0xffff  }
0x21d: {  	v5 =	vor.u32 s10, v3;
	_ =	sdelay $0x2  }
0x21e: {  	s10 =	ssub.s32 s9, s8  }
0x21f: {  	p0 =	sne.s32 s10, $0x1;
	[tilespmem:s7+$0x0] =	vst v4  }
.Ltmp27:
0x220: {  	v4 =	vld.idx.msk [tilespmem:v5+s22+$0x0], $0xffff;
	(pc) =	sbr.rel @!p0 .LBB2_38-.Ltmp27, $2  }
0x221: {  	_ =	sdelay $0x2  }
0x222: {  	s8 =	sadd.s32 $0xFFFFFFFF, s10  }
.LBB2_37:
0x223: {  	p0 =	sne.s32 s8, $0x1;
	[tilespmem:s7+$0x10] =	vst v4;
	s20 =	sadd.s32 $0x1, s20;
	s7 =	sadd.s32 $0x80, s7  }
0x224: {  	s8 =	sadd.s32 $0xFFFFFFFF, s8;
	v4 =	vld [tilespmem:s20+$0x0];
	_ =	sdelay $0x4  }
0x225: {  	(v2sf) =	vpush v4, $0x0;
	_ =	sdelay $0xe  }
0x226: {  	s9 =	spop (v2sf)  }
0x227: {  	s9 =	sand.u32 $0x7F, s9  }
0x228: {  	v4 =	vor.u32 s9, v0;
	_ =	sdelay $0x4  }
0x229: {  	v4 =	vld.idx.msk [tilespmem:v4+s22+$0x0], $0xffff;
	_ =	sdelay $0x1  }
0x22a: {  	v5 =	vor.u32 s9, v1;
	_ =	sdelay $0x3  }
0x22b: {  	[tilespmem:s7+$0xFFFFFFE0] =	vst v4  }
0x22c: {  	v4 =	vld.idx.msk [tilespmem:v5+s22+$0x0], $0xffff;
	_ =	sdelay $0x1  }
0x22d: {  	v5 =	vor.u32 s9, v2;
	_ =	sdelay $0x3  }
0x22e: {  	[tilespmem:s7+$0xFFFFFFF0] =	vst v4  }
0x22f: {  	v4 =	vld.idx.msk [tilespmem:v5+s22+$0x0], $0xffff;
	_ =	sdelay $0x1  }
0x230: {  	v5 =	vor.u32 s9, v3  }
.Ltmp28:
0x231: {  	(pc) =	sbr.rel @p0 .LBB2_37-.Ltmp28, $3  }
0x232: {  	_ =	sdelay $0x1  }
0x233: {  	[tilespmem:s7+$0x0] =	vst v4  }
0x234: {  	v4 =	vld.idx.msk [tilespmem:v5+s22+$0x0], $0xffff  }
.Ltmp29:
0x235: {  	_ = 	snop;
	(pc) =	sbr.rel .LBB2_38-.Ltmp29, $1  }
0x236: {  	_ =	sdelay $0x3  }
.LBB2_42:
0x237: {  	_ =	sfence.sel $0x180000  }
0x238: {  	[bflag:$0x0] =	sbarrier.arrive $0xFFFF  }
0x239: {  	_ =	strace $0x9000004D  }
0x23a: {  	s0 =	stileid.u32;
	[bflag:$0x2] =	sbarrier.arrive $0xFFFF  }
0x23b: {  	p0 =	sne.s32 s0, $0x0;
	s0 =	rddreg [dreg:$0x2]  }
0x23c: {  	s0 =	sadd.s32 @!p0 $0x100000, s0  }
0x23d: {  	[sflag:s0] =	ssyncadd.tile.s32 @!p0 $0x1;
	_ =	shalt  }
.Lfunc_end2:
_tile_overlayer_lowered:
.L_overlay_start_2:
0x23e: {  	(tag) =	ssettag $0x2  }
0x23f: {  	s0 =	rddreg [dreg:$0x0];
	s2 =	stileid.u32  }
0x240: {  	s1 =	rddreg [dreg:$0x1];
	p0 =	sne.s32 s2, $0x0  }
0x241: {  	s3 =	rddreg [dreg:$0x2];
	[bflag:$0x3] =	sbarrier.arrive $0xFFFF;
	s2 =	simm.s32 @!p0 $0x1C08  }
0x242: {  	[timem:s3], [sflag:s2] =	dma.local @!p0 [hbm:s0], s1  }
0x243: {  	s0 =	simm.s32 @!p0 $0x8  }
0x244: {  	_ =	swait.ge @!p0 [sflag:s0], s1  }
0x245: {  	s1 =	ssub.s32 @!p0 $0x0, s1;
	[sflag:s0] =	ssyncset.done @!p0 $0x0  }
0x246: {  	[sflag:s0] =	ssyncadd.s32 @!p0 s1  }
0x247: {  	[bflag:$0x3] =	sbarrier.arrive $0xFFFF  }
0x248: {  	_ =	shalt  }

</sc_bundles>
